<compile_context>
chip_gen: v7x
topology: tpu7x:2x2x1
jax: 0.10.2.dev20260603
libtpu: 0.0.44.dev20260713+nightly
codegen_flags: <defaults>
</compile_context>

<pallas_src>
import functools

import jax
import jax.numpy as jnp
from jax import lax
from jax.experimental import pallas as pl
from jax.experimental.pallas import tpu as pltpu
from jax.experimental.pallas import tpu_sc as plsc

D = 64
ID_DIM = 56
NC = 2
NS = 16
LANES = 16
NW = NC * NS
CH = 256


def _prep_body(emb_ref, wc_ref, bc_ref, wf_ref, bf_ref, t_ref, u_ref):
    emb = emb_ref[...]
    wf_id = wf_ref[:, :ID_DIM]
    wf_c = wf_ref[:, ID_DIM:]
    dot = functools.partial(
        lax.dot_general,
        precision=lax.Precision.HIGHEST,
        preferred_element_type=jnp.float32,
    )
    t = dot(emb, wf_id, (((1,), (1,)), ((), ())))
    v0 = dot(bc_ref[...], wf_c, (((1,), (1,)), ((), ())))
    t_ref[...] = t + v0 + bf_ref[...]
    u_ref[...] = dot(wc_ref[...], wf_c, (((0,), (1,)), ((), ())))


def _prep(emb_table, Wc, bc, Wf, bf):
    vocab = emb_table.shape[0]
    return pl.pallas_call(
        _prep_body,
        out_shape=(
            jax.ShapeDtypeStruct((vocab, D), jnp.float32),
            jax.ShapeDtypeStruct((1, D), jnp.float32),
        ),
    )(emb_table, Wc, bc.reshape(1, -1), Wf, bf.reshape(1, -1))


def _bcast_lane(vec, lane):
    idx = jnp.full((LANES, 1), lane, jnp.int32)
    dnums = lax.GatherDimensionNumbers(
        offset_dims=(), collapsed_slice_dims=(0,), start_index_map=(0,))
    return lax.gather(vec, idx, dnums, (1,),
                      mode=lax.GatherScatterMode.PROMISE_IN_BOUNDS)


def _sc_body(t_hbm, ids_hbm, cnt_hbm, u_hbm, out_hbm,
             table_v, ids_v0, ids_v1, cnt_v0, cnt_v1, out_v0, out_v1, u_v,
             sin0, sin1, sout0, sout1, *, n_chunks):
    wid = lax.axis_index("s") * NC + lax.axis_index("c")
    pltpu.sync_copy(t_hbm, table_v)
    pltpu.sync_copy(u_hbm, u_v)
    u_regs = [u_v[pl.ds(LANES * j, LANES)] for j in range(D // LANES)]
    iota = lax.iota(jnp.int32, LANES)
    offs = [iota + LANES * j for j in range(D // LANES)]
    base_w = wid * (n_chunks * CH)
    ids_b, cnt_b, out_b = [ids_v0, ids_v1], [cnt_v0, cnt_v1], [out_v0, out_v1]
    sin, sout = [sin0, sin1], [sout0, sout1]

    def issue_in(ci, b):
        start = base_w + ci * CH
        pltpu.async_copy(ids_hbm.at[pl.ds(start, CH)], ids_b[b], sin[b])
        pltpu.async_copy(cnt_hbm.at[pl.ds(start, CH)], cnt_b[b], sin[b])

    def wait_in(b):
        pltpu.make_async_copy(ids_hbm.at[pl.ds(0, CH)], ids_b[b], sin[b]).wait()
        pltpu.make_async_copy(cnt_hbm.at[pl.ds(0, CH)], cnt_b[b], sin[b]).wait()

    def wait_out(b):
        pltpu.make_async_copy(out_b[b], out_hbm.at[pl.ds(0, CH)], sout[b]).wait()

    issue_in(0, 0)
    issue_in(1, 1)
    n2 = n_chunks // 2

    def outer(cj, carry):
        for b in range(2):
            ci = 2 * cj + b
            ids_v, cnt_v, out_v = ids_b[b], cnt_b[b], out_b[b]
            wait_in(b)

            @pl.when(cj >= 1)
            def _():
                wait_out(b)

            @plsc.parallel_loop(0, CH // LANES, unroll=1)
            def group_body(g):
                b16 = g * LANES
                idv = ids_v[pl.ds(b16, LANES)] * D
                cv = cnt_v[pl.ds(b16, LANES)]
                for e in range(LANES):
                    ide = _bcast_lane(idv, e)
                    ce = _bcast_lane(cv, e)
                    row = b16 + e
                    for j in range(D // LANES):
                        val = plsc.load_gather(table_v, [ide + offs[j]])
                        out_v[row, pl.ds(LANES * j, LANES)] = val + ce * u_regs[j]

            start = base_w + ci * CH
            pltpu.async_copy(out_v, out_hbm.at[pl.ds(start, CH)], sout[b])

            @pl.when(cj < n2 - 1)
            def _():
                issue_in(ci + 2, b)
        return carry

    lax.fori_loop(0, n2, outer, 0)
    wait_out(0)
    wait_out(1)


def _sc_lookup(t_flat, ids_flat, cnt_flat, u_flat):
    n = ids_flat.shape[0]
    assert n % (NW * CH) == 0
    n_chunks = n // (NW * CH)
    vocab_d = t_flat.shape[0]
    mesh = plsc.VectorSubcoreMesh(core_axis_name="c", subcore_axis_name="s",
                                  num_cores=NC, num_subcores=NS)
    return pl.kernel(
        functools.partial(_sc_body, n_chunks=n_chunks),
        out_type=jax.ShapeDtypeStruct((n, D), jnp.float32),
        mesh=mesh,
        compiler_params=pltpu.CompilerParams(needs_layout_passes=False),
        scratch_types=[
            pltpu.VMEM((vocab_d,), jnp.float32),
            pltpu.VMEM((CH,), jnp.int32),
            pltpu.VMEM((CH,), jnp.int32),
            pltpu.VMEM((CH,), jnp.float32),
            pltpu.VMEM((CH,), jnp.float32),
            pltpu.VMEM((CH, D), jnp.float32),
            pltpu.VMEM((CH, D), jnp.float32),
            pltpu.VMEM((D,), jnp.float32),
            pltpu.SemaphoreType.DMA,
            pltpu.SemaphoreType.DMA,
            pltpu.SemaphoreType.DMA,
            pltpu.SemaphoreType.DMA,
        ],
    )(t_flat, ids_flat, cnt_flat, u_flat)


def kernel(relic_ids, counters, emb_table, Wc, bc, Wf, bf):
    b, l = relic_ids.shape
    t, u = _prep(emb_table, Wc, bc, Wf, bf)
    out2d = _sc_lookup(
        t.reshape(-1),
        relic_ids.reshape(-1).astype(jnp.int32),
        counters.reshape(-1).astype(jnp.float32),
        u.reshape(-1),
    )
    return out2d.reshape(b, l, D)

# --- scband reference (transcript-rebuilt; emitter-appended) ---
"""Pipeline reference for scband-relic-embedding-24352464570231 (READ-ONLY COPY).

The authoritative reference and input builder live on the scoring server;
editing this copy changes nothing except your own understanding.
"""

import jax, jax.numpy as jnp
import numpy as np

B, L = 4096, 200
VOCAB = 201  # max_relics + 1
EMB = 64
ID_DIM = EMB - 8  # 56

def setup_inputs(seed: int = 0) -> dict:
    key = jax.random.key(seed)
    k1, k2, k3, k4, k5 = jax.random.split(key, 5)
    relic_ids = jax.random.randint(k1, (B, L), 0, VOCAB, dtype=jnp.int64 if jax.config.jax_enable_x64 else jnp.int32)
    counters = jax.random.uniform(k2, (B, L), dtype=jnp.float32)
    emb_table = jax.random.normal(k3, (VOCAB, ID_DIM), dtype=jnp.float32) * 0.02
    Wc = jax.random.normal(k4, (8, 1), dtype=jnp.float32) * 0.1
    bc = jnp.zeros((8,), dtype=jnp.float32)
    Wf = jax.random.normal(k5, (EMB, EMB), dtype=jnp.float32) * 0.05
    bf = jnp.zeros((EMB,), dtype=jnp.float32)
    return {"relic_ids": relic_ids, "counters": counters, "emb_table": emb_table,
            "Wc": Wc, "bc": bc, "Wf": Wf, "bf": bf}

def reference(relic_ids, counters, emb_table, Wc, bc, Wf, bf):
    # id_emb = nn.Embedding(max_relics+1, embedding_dim-8)(relic_ids)
    id_emb = jnp.take(emb_table, relic_ids, axis=0)  # [B, L, 56]
    # counter_emb = nn.Linear(1, 8)(counters.unsqueeze(-1).float())
    c = counters[..., None].astype(jnp.float32)       # [B, L, 1]
    counter_emb = c @ Wc.T + bc                       # [B, L, 8]
    # features = cat([id_emb, counter_emb], dim=-1)
    features = jnp.concatenate([id_emb, counter_emb], axis=-1)  # [B, L, 64]
    # return nn.Linear(embedding_dim, embedding_dim)(features)
    return features @ Wf.T + bf                       # [B, L, 64]

if __name__ == "__main__":
    import jax
    _d = setup_inputs()
    print(jax.jit(kernel)(*tuple(_d.values())))

</pallas_src>

<mosaic_0001>
#map = affine_map<(d0, d1) -> (0)>
#map1 = affine_map<(d0, d1) -> (0, 0)>
module attributes {stable_mosaic.version = 14 : i64} {
  func.func @_sc_body(%arg0: i32, %arg1: i32, %arg2: memref<12864xf32, #tpu.memory_space<hbm>>, %arg3: memref<819200xi32, #tpu.memory_space<hbm>>, %arg4: memref<819200xf32, #tpu.memory_space<hbm>>, %arg5: memref<64xf32, #tpu.memory_space<hbm>>, %arg6: memref<819200x64xf32, #tpu.memory_space<hbm>>, %arg7: memref<12864xf32, #tpu.memory_space<vmem>>, %arg8: memref<256xi32, #tpu.memory_space<vmem>>, %arg9: memref<256xi32, #tpu.memory_space<vmem>>, %arg10: memref<256xf32, #tpu.memory_space<vmem>>, %arg11: memref<256xf32, #tpu.memory_space<vmem>>, %arg12: memref<256x64xf32, #tpu.memory_space<vmem>>, %arg13: memref<256x64xf32, #tpu.memory_space<vmem>>, %arg14: memref<64xf32, #tpu.memory_space<vmem>>, %arg15: memref<!tpu.dma_semaphore, #tpu.memory_space<semaphore_mem>>, %arg16: memref<!tpu.dma_semaphore, #tpu.memory_space<semaphore_mem>>, %arg17: memref<!tpu.dma_semaphore, #tpu.memory_space<semaphore_mem>>, %arg18: memref<!tpu.dma_semaphore, #tpu.memory_space<semaphore_mem>>) attributes {dimension_semantics = [#tpu.dimension_semantics<core_parallel>, #tpu.dimension_semantics<subcore_parallel>], iteration_bounds = array<i64: 2, 16>, scalar_prefetch = 0 : i64, scratch_operands = 12 : i64, tpu.core_type = #tpu.core_type<sc_vector_subcore>, window_params = [{transform_indices = #map}, {transform_indices = #map}, {transform_indices = #map}, {transform_indices = #map}, {transform_indices = #map1}]} {
    %mul3A = arith.constant 2 : i32
    %mul3A_0 = arith.muli %arg1, %mul3A : i32
    %add3A = arith.addi %mul3A_0, %arg0 : i32
    "tpu.region"() ({
      %run_scoped3A = tpu.sem_alloc : memref<!tpu.dma_semaphore, #tpu.memory_space<semaphore_mem>>
      tpu.enqueue_dma source(%arg2 : memref<12864xf32, #tpu.memory_space<hbm>>) target(%arg7 : memref<12864xf32, #tpu.memory_space<vmem>>) target_semaphore(%run_scoped3A : memref<!tpu.dma_semaphore, #tpu.memory_space<semaphore_mem>>)
      tpu.wait_dma2 semaphore(%run_scoped3A : memref<!tpu.dma_semaphore, #tpu.memory_space<semaphore_mem>>) src(%arg2 : memref<12864xf32, #tpu.memory_space<hbm>>) dst(%arg7 : memref<12864xf32, #tpu.memory_space<vmem>>)
      tpu.yield
    }) : () -> ()
    "tpu.region"() ({
      %run_scoped3A = tpu.sem_alloc : memref<!tpu.dma_semaphore, #tpu.memory_space<semaphore_mem>>
      tpu.enqueue_dma source(%arg5 : memref<64xf32, #tpu.memory_space<hbm>>) target(%arg14 : memref<64xf32, #tpu.memory_space<vmem>>) target_semaphore(%run_scoped3A : memref<!tpu.dma_semaphore, #tpu.memory_space<semaphore_mem>>)
      tpu.wait_dma2 semaphore(%run_scoped3A : memref<!tpu.dma_semaphore, #tpu.memory_space<semaphore_mem>>) src(%arg5 : memref<64xf32, #tpu.memory_space<hbm>>) dst(%arg14 : memref<64xf32, #tpu.memory_space<vmem>>)
      tpu.yield
    }) : () -> ()
    %get3A = arith.constant 0 : index
    %get3A_1 = tpu.vector_load %arg14[%get3A] {strides = array<i32>} : memref<64xf32, #tpu.memory_space<vmem>>, vector<16xf32>,
    %get3A_2 = arith.constant 16 : index
    %get3A_3 = tpu.vector_load %arg14[%get3A_2] {strides = array<i32>} : memref<64xf32, #tpu.memory_space<vmem>>, vector<16xf32>,
    %get3A_4 = arith.constant 32 : index
    %get3A_5 = tpu.vector_load %arg14[%get3A_4] {strides = array<i32>} : memref<64xf32, #tpu.memory_space<vmem>>, vector<16xf32>,
    %get3A_6 = arith.constant 48 : index
    %get3A_7 = tpu.vector_load %arg14[%get3A_6] {strides = array<i32>} : memref<64xf32, #tpu.memory_space<vmem>>, vector<16xf32>,
    %iota3A = tpu.iota {dimensions = array<i32: 0>} : vector<16xi32>
    %add3A_8 = arith.constant 0 : i32
    %add3A_9 = vector.broadcast %add3A_8 : i32 to vector<16xi32>
    %add3A_10 = arith.addi %iota3A, %add3A_9 : vector<16xi32>
    %add3A_11 = arith.constant 16 : i32
    %add3A_12 = vector.broadcast %add3A_11 : i32 to vector<16xi32>
    %add3A_13 = arith.addi %iota3A, %add3A_12 : vector<16xi32>
    %add3A_14 = arith.constant 32 : i32
    %add3A_15 = vector.broadcast %add3A_14 : i32 to vector<16xi32>
    %add3A_16 = arith.addi %iota3A, %add3A_15 : vector<16xi32>
    %add3A_17 = arith.constant 48 : i32
    %add3A_18 = vector.broadcast %add3A_17 : i32 to vector<16xi32>
    %add3A_19 = arith.addi %iota3A, %add3A_18 : vector<16xi32>
    %mul3A_20 = arith.constant 25600 : i32
    %mul3A_21 = arith.muli %add3A, %mul3A_20 : i32
    %add3A_22 = arith.constant 0 : i32
    %add3A_23 = arith.addi %mul3A_21, %add3A_22 : i32
    %dma_start3A = tpu.memref_slice %arg3[%add3A_23] : memref<819200xi32, #tpu.memory_space<hbm>> -> memref<256xi32, #tpu.memory_space<hbm>>
    %dma_start3A_24 = tpu.memref_slice %arg3[%add3A_23] : memref<819200xi32, #tpu.memory_space<hbm>> -> memref<256xi32, #tpu.memory_space<hbm>>
    tpu.enqueue_dma source(%dma_start3A_24 : memref<256xi32, #tpu.memory_space<hbm>>) target(%arg8 : memref<256xi32, #tpu.memory_space<vmem>>) target_semaphore(%arg15 : memref<!tpu.dma_semaphore, #tpu.memory_space<semaphore_mem>>)
    %dma_start3A_25 = tpu.memref_slice %arg4[%add3A_23] : memref<819200xf32, #tpu.memory_space<hbm>> -> memref<256xf32, #tpu.memory_space<hbm>>
    %dma_start3A_26 = tpu.memref_slice %arg4[%add3A_23] : memref<819200xf32, #tpu.memory_space<hbm>> -> memref<256xf32, #tpu.memory_space<hbm>>
    tpu.enqueue_dma source(%dma_start3A_26 : memref<256xf32, #tpu.memory_space<hbm>>) target(%arg10 : memref<256xf32, #tpu.memory_space<vmem>>) target_semaphore(%arg15 : memref<!tpu.dma_semaphore, #tpu.memory_space<semaphore_mem>>)
    %add3A_27 = arith.constant 256 : i32
    %add3A_28 = arith.addi %mul3A_21, %add3A_27 : i32
    %dma_start3A_29 = tpu.memref_slice %arg3[%add3A_28] : memref<819200xi32, #tpu.memory_space<hbm>> -> memref<256xi32, #tpu.memory_space<hbm>>
    %dma_start3A_30 = tpu.memref_slice %arg3[%add3A_28] : memref<819200xi32, #tpu.memory_space<hbm>> -> memref<256xi32, #tpu.memory_space<hbm>>
    tpu.enqueue_dma source(%dma_start3A_30 : memref<256xi32, #tpu.memory_space<hbm>>) target(%arg9 : memref<256xi32, #tpu.memory_space<vmem>>) target_semaphore(%arg16 : memref<!tpu.dma_semaphore, #tpu.memory_space<semaphore_mem>>)
    %dma_start3A_31 = tpu.memref_slice %arg4[%add3A_28] : memref<819200xf32, #tpu.memory_space<hbm>> -> memref<256xf32, #tpu.memory_space<hbm>>
    %dma_start3A_32 = tpu.memref_slice %arg4[%add3A_28] : memref<819200xf32, #tpu.memory_space<hbm>> -> memref<256xf32, #tpu.memory_space<hbm>>
    tpu.enqueue_dma source(%dma_start3A_32 : memref<256xf32, #tpu.memory_space<hbm>>) target(%arg11 : memref<256xf32, #tpu.memory_space<vmem>>) target_semaphore(%arg16 : memref<!tpu.dma_semaphore, #tpu.memory_space<semaphore_mem>>)
    %scan3A = arith.constant 0 : i32
    %scan3A_33 = arith.constant 0 : i32
    %scan3A_34 = arith.constant 50 : i32
    %scan3A_35 = arith.addi %scan3A_33, %scan3A_34 : i32
    %scan3A_36 = arith.constant 1 : i32
    scf.for %scan3A_49 = %scan3A_33 to %scan3A_35 step %scan3A_36  : i32 {
      %mul3A_50 = arith.constant 2 : i32
      %mul3A_51 = arith.muli %mul3A_50, %scan3A_49 : i32
      %add3A_52 = arith.constant 0 : i32
      %add3A_53 = arith.addi %mul3A_51, %add3A_52 : i32
      %dma_wait3A_54 = arith.constant 0 : i32
      %dma_wait3A_55 = tpu.memref_slice %arg3[%dma_wait3A_54] : memref<819200xi32, #tpu.memory_space<hbm>> -> memref<256xi32, #tpu.memory_space<hbm>>
      %dma_wait3A_56 = arith.constant 0 : i32
      %dma_wait3A_57 = tpu.memref_slice %arg3[%dma_wait3A_56] : memref<819200xi32, #tpu.memory_space<hbm>> -> memref<256xi32, #tpu.memory_space<hbm>>
      tpu.wait_dma2 semaphore(%arg15 : memref<!tpu.dma_semaphore, #tpu.memory_space<semaphore_mem>>) src(%dma_wait3A_57 : memref<256xi32, #tpu.memory_space<hbm>>) dst(%arg8 : memref<256xi32, #tpu.memory_space<vmem>>)
      %dma_wait3A_58 = arith.constant 0 : i32
      %dma_wait3A_59 = tpu.memref_slice %arg4[%dma_wait3A_58] : memref<819200xf32, #tpu.memory_space<hbm>> -> memref<256xf32, #tpu.memory_space<hbm>>
      %dma_wait3A_60 = arith.constant 0 : i32
      %dma_wait3A_61 = tpu.memref_slice %arg4[%dma_wait3A_60] : memref<819200xf32, #tpu.memory_space<hbm>> -> memref<256xf32, #tpu.memory_space<hbm>>
      tpu.wait_dma2 semaphore(%arg15 : memref<!tpu.dma_semaphore, #tpu.memory_space<semaphore_mem>>) src(%dma_wait3A_61 : memref<256xf32, #tpu.memory_space<hbm>>) dst(%arg10 : memref<256xf32, #tpu.memory_space<vmem>>)
      %ge3A = arith.constant 1 : i32
      %ge3A_62 = arith.cmpi sge, %scan3A_49, %ge3A : i32
      %convert_element_type3A = arith.extui %ge3A_62 : i1 to i32
      %cond3A = arith.constant 0 : i32
      %cond3A_63 = arith.cmpi ne, %convert_element_type3A, %cond3A : i32
      scf.if %cond3A_63 {
        %dma_wait3A_109 = arith.constant 0 : i32
        %dma_wait3A_110 = arith.constant 0 : i32
        %dma_wait3A_111 = tpu.memref_slice %arg6[%dma_wait3A_109, %dma_wait3A_110] : memref<819200x64xf32, #tpu.memory_space<hbm>> -> memref<256x64xf32, #tpu.memory_space<hbm>>
        %dma_wait3A_112 = arith.constant 0 : i32
        %dma_wait3A_113 = arith.constant 0 : i32
        %dma_wait3A_114 = tpu.memref_slice %arg6[%dma_wait3A_112, %dma_wait3A_113] : memref<819200x64xf32, #tpu.memory_space<hbm>> -> memref<256x64xf32, #tpu.memory_space<hbm>>
        tpu.wait_dma2 semaphore(%arg17 : memref<!tpu.dma_semaphore, #tpu.memory_space<semaphore_mem>>) src(%arg12 : memref<256x64xf32, #tpu.memory_space<vmem>>) dst(%dma_wait3A_114 : memref<256x64xf32, #tpu.memory_space<hbm>>)
      } else {
      }
      %parallel_loop3A = arith.constant 0 : i32
      %parallel_loop3A_64 = arith.constant 16 : i32
      %parallel_loop3A_65 = arith.constant 1 : i32
      scf.for %parallel_loop3A_109 = %parallel_loop3A to %parallel_loop3A_64 step %parallel_loop3A_65  : i32 {
        %parallel_loop3A_110 = arith.constant 16 : i32
        %parallel_loop3A_111 = arith.muli %parallel_loop3A_109, %parallel_loop3A_110 : i32
        %parallel_loop3A_112 = arith.index_cast %parallel_loop3A_111 : i32 to index
        %parallel_loop3A_113 = tpu.vector_load %arg8[%parallel_loop3A_112] {strides = array<i32>} : memref<256xi32, #tpu.memory_space<vmem>>, vector<16xi32>,
        %parallel_loop3A_114 = arith.constant 64 : i32
        %parallel_loop3A_115 = vector.broadcast %parallel_loop3A_114 : i32 to vector<16xi32>
        %parallel_loop3A_116 = arith.muli %parallel_loop3A_113, %parallel_loop3A_115 : vector<16xi32>
        %parallel_loop3A_117 = arith.index_cast %parallel_loop3A_111 : i32 to index
        %parallel_loop3A_118 = tpu.vector_load %arg10[%parallel_loop3A_117] {strides = array<i32>} : memref<256xf32, #tpu.memory_space<vmem>>, vector<16xf32>,
        %parallel_loop3A_119 = arith.constant 0 : i32
        %parallel_loop3A_120 = vector.broadcast %parallel_loop3A_119 : i32 to vector<16x1xi32>
        %parallel_loop3A_121 = vector.shape_cast %parallel_loop3A_120 : vector<16x1xi32> to vector<16xi32>
        %parallel_loop3A_122 = tpu.dynamic_gather %parallel_loop3A_116[%parallel_loop3A_121] in [0] : vector<16xi32>, vector<16xi32> -> vector<16xi32>
        %parallel_loop3A_123 = arith.constant 0 : i32
        %parallel_loop3A_124 = vector.broadcast %parallel_loop3A_123 : i32 to vector<16x1xi32>
        %parallel_loop3A_125 = vector.shape_cast %parallel_loop3A_124 : vector<16x1xi32> to vector<16xi32>
        %parallel_loop3A_126 = tpu.dynamic_gather %parallel_loop3A_118[%parallel_loop3A_125] in [0] : vector<16xf32>, vector<16xi32> -> vector<16xf32>
        %parallel_loop3A_127 = arith.constant 0 : i32
        %parallel_loop3A_128 = arith.addi %parallel_loop3A_111, %parallel_loop3A_127 : i32
        %parallel_loop3A_129 = arith.addi %parallel_loop3A_122, %add3A_10 : vector<16xi32>
        %parallel_loop3A_130 = tpu.vector_load_idx %arg7[%parallel_loop3A_129] : memref<12864xf32, #tpu.memory_space<vmem>>[vector<16xi32>], vector<16xf32>,
        %parallel_loop3A_131 = arith.mulf %parallel_loop3A_126, %get3A_1 : vector<16xf32>
        %parallel_loop3A_132 = arith.addf %parallel_loop3A_130, %parallel_loop3A_131 : vector<16xf32>
        %parallel_loop3A_133 = arith.index_cast %parallel_loop3A_128 : i32 to index
        %parallel_loop3A_134 = arith.constant 0 : index
        %parallel_loop3A_135 = tpu.vector_load %arg12[%parallel_loop3A_133, %parallel_loop3A_134] {strides = array<i32>} : memref<256x64xf32, #tpu.memory_space<vmem>>, vector<16xf32>,
        tpu.vector_store %arg12[%parallel_loop3A_133, %parallel_loop3A_134], %parallel_loop3A_132 {strides = array<i32>} : memref<256x64xf32, #tpu.memory_space<vmem>>, vector<16xf32>,
        %parallel_loop3A_136 = arith.addi %parallel_loop3A_122, %add3A_13 : vector<16xi32>
        %parallel_loop3A_137 = tpu.vector_load_idx %arg7[%parallel_loop3A_136] : memref<12864xf32, #tpu.memory_space<vmem>>[vector<16xi32>], vector<16xf32>,
        %parallel_loop3A_138 = arith.mulf %parallel_loop3A_126, %get3A_3 : vector<16xf32>
        %parallel_loop3A_139 = arith.addf %parallel_loop3A_137, %parallel_loop3A_138 : vector<16xf32>
        %parallel_loop3A_140 = arith.index_cast %parallel_loop3A_128 : i32 to index
        %parallel_loop3A_141 = arith.constant 16 : index
        %parallel_loop3A_142 = tpu.vector_load %arg12[%parallel_loop3A_140, %parallel_loop3A_141] {strides = array<i32>} : memref<256x64xf32, #tpu.memory_space<vmem>>, vector<16xf32>,
        tpu.vector_store %arg12[%parallel_loop3A_140, %parallel_loop3A_141], %parallel_loop3A_139 {strides = array<i32>} : memref<256x64xf32, #tpu.memory_space<vmem>>, vector<16xf32>,
        %parallel_loop3A_143 = arith.addi %parallel_loop3A_122, %add3A_16 : vector<16xi32>
        %parallel_loop3A_144 = tpu.vector_load_idx %arg7[%parallel_loop3A_143] : memref<12864xf32, #tpu.memory_space<vmem>>[vector<16xi32>], vector<16xf32>,
        %parallel_loop3A_145 = arith.mulf %parallel_loop3A_126, %get3A_5 : vector<16xf32>
        %parallel_loop3A_146 = arith.addf %parallel_loop3A_144, %parallel_loop3A_145 : vector<16xf32>
        %parallel_loop3A_147 = arith.index_cast %parallel_loop3A_128 : i32 to index
        %parallel_loop3A_148 = arith.constant 32 : index
        %parallel_loop3A_149 = tpu.vector_load %arg12[%parallel_loop3A_147, %parallel_loop3A_148] {strides = array<i32>} : memref<256x64xf32, #tpu.memory_space<vmem>>, vector<16xf32>,
        tpu.vector_store %arg12[%parallel_loop3A_147, %parallel_loop3A_148], %parallel_loop3A_146 {strides = array<i32>} : memref<256x64xf32, #tpu.memory_space<vmem>>, vector<16xf32>,
        %parallel_loop3A_150 = arith.addi %parallel_loop3A_122, %add3A_19 : vector<16xi32>
        %parallel_loop3A_151 = tpu.vector_load_idx %arg7[%parallel_loop3A_150] : memref<12864xf32, #tpu.memory_space<vmem>>[vector<16xi32>], vector<16xf32>,
        %parallel_loop3A_152 = arith.mulf %parallel_loop3A_126, %get3A_7 : vector<16xf32>
        %parallel_loop3A_153 = arith.addf %parallel_loop3A_151, %parallel_loop3A_152 : vector<16xf32>
        %parallel_loop3A_154 = arith.index_cast %parallel_loop3A_128 : i32 to index
        %parallel_loop3A_155 = arith.constant 48 : index
        %parallel_loop3A_156 = tpu.vector_load %arg12[%parallel_loop3A_154, %parallel_loop3A_155] {strides = array<i32>} : memref<256x64xf32, #tpu.memory_space<vmem>>, vector<16xf32>,
        tpu.vector_store %arg12[%parallel_loop3A_154, %parallel_loop3A_155], %parallel_loop3A_153 {strides = array<i32>} : memref<256x64xf32, #tpu.memory_space<vmem>>, vector<16xf32>,
        %parallel_loop3A_157 = arith.constant 1 : i32
        %parallel_loop3A_158 = vector.broadcast %parallel_loop3A_157 : i32 to vector<16x1xi32>
        %parallel_loop3A_159 = vector.shape_cast %parallel_loop3A_158 : vector<16x1xi32> to vector<16xi32>
        %parallel_loop3A_160 = tpu.dynamic_gather %parallel_loop3A_116[%parallel_loop3A_159] in [0] : vector<16xi32>, vector<16xi32> -> vector<16xi32>
        %parallel_loop3A_161 = arith.constant 1 : i32
        %parallel_loop3A_162 = vector.broadcast %parallel_loop3A_161 : i32 to vector<16x1xi32>
        %parallel_loop3A_163 = vector.shape_cast %parallel_loop3A_162 : vector<16x1xi32> to vector<16xi32>
        %parallel_loop3A_164 = tpu.dynamic_gather %parallel_loop3A_118[%parallel_loop3A_163] in [0] : vector<16xf32>, vector<16xi32> -> vector<16xf32>
        %parallel_loop3A_165 = arith.constant 1 : i32
        %parallel_loop3A_166 = arith.addi %parallel_loop3A_111, %parallel_loop3A_165 : i32
        %parallel_loop3A_167 = arith.addi %parallel_loop3A_160, %add3A_10 : vector<16xi32>
        %parallel_loop3A_168 = tpu.vector_load_idx %arg7[%parallel_loop3A_167] : memref<12864xf32, #tpu.memory_space<vmem>>[vector<16xi32>], vector<16xf32>,
        %parallel_loop3A_169 = arith.mulf %parallel_loop3A_164, %get3A_1 : vector<16xf32>
        %parallel_loop3A_170 = arith.addf %parallel_loop3A_168, %parallel_loop3A_169 : vector<16xf32>
        %parallel_loop3A_171 = arith.index_cast %parallel_loop3A_166 : i32 to index
        %parallel_loop3A_172 = arith.constant 0 : index
        %parallel_loop3A_173 = tpu.vector_load %arg12[%parallel_loop3A_171, %parallel_loop3A_172] {strides = array<i32>} : memref<256x64xf32, #tpu.memory_space<vmem>>, vector<16xf32>,
        tpu.vector_store %arg12[%parallel_loop3A_171, %parallel_loop3A_172], %parallel_loop3A_170 {strides = array<i32>} : memref<256x64xf32, #tpu.memory_space<vmem>>, vector<16xf32>,
        %parallel_loop3A_174 = arith.addi %parallel_loop3A_160, %add3A_13 : vector<16xi32>
        %parallel_loop3A_175 = tpu.vector_load_idx %arg7[%parallel_loop3A_174] : memref<12864xf32, #tpu.memory_space<vmem>>[vector<16xi32>], vector<16xf32>,
        %parallel_loop3A_176 = arith.mulf %parallel_loop3A_164, %get3A_3 : vector<16xf32>
        %parallel_loop3A_177 = arith.addf %parallel_loop3A_175, %parallel_loop3A_176 : vector<16xf32>
        %parallel_loop3A_178 = arith.index_cast %parallel_loop3A_166 : i32 to index
        %parallel_loop3A_179 = arith.constant 16 : index
        %parallel_loop3A_180 = tpu.vector_load %arg12[%parallel_loop3A_178, %parallel_loop3A_179] {strides = array<i32>} : memref<256x64xf32, #tpu.memory_space<vmem>>, vector<16xf32>,
        tpu.vector_store %arg12[%parallel_loop3A_178, %parallel_loop3A_179], %parallel_loop3A_177 {strides = array<i32>} : memref<256x64xf32, #tpu.memory_space<vmem>>, vector<16xf32>,
        %parallel_loop3A_181 = arith.addi %parallel_loop3A_160, %add3A_16 : vector<16xi32>
        %parallel_loop3A_182 = tpu.vector_load_idx %arg7[%parallel_loop3A_181] : memref<12864xf32, #tpu.memory_space<vmem>>[vector<16xi32>], vector<16xf32>,
        %parallel_loop3A_183 = arith.mulf %parallel_loop3A_164, %get3A_5 : vector<16xf32>
        %parallel_loop3A_184 = arith.addf %parallel_loop3A_182, %parallel_loop3A_183 : vector<16xf32>
        %parallel_loop3A_185 = arith.index_cast %parallel_loop3A_166 : i32 to index
        %parallel_loop3A_186 = arith.constant 32 : index
        %parallel_loop3A_187 = tpu.vector_load %arg12[%parallel_loop3A_185, %parallel_loop3A_186] {strides = array<i32>} : memref<256x64xf32, #tpu.memory_space<vmem>>, vector<16xf32>,
        tpu.vector_store %arg12[%parallel_loop3A_185, %parallel_loop3A_186], %parallel_loop3A_184 {strides = array<i32>} : memref<256x64xf32, #tpu.memory_space<vmem>>, vector<16xf32>,
        %parallel_loop3A_188 = arith.addi %parallel_loop3A_160, %add3A_19 : vector<16xi32>
        %parallel_loop3A_189 = tpu.vector_load_idx %arg7[%parallel_loop3A_188] : memref<12864xf32, #tpu.memory_space<vmem>>[vector<16xi32>], vector<16xf32>,
        %parallel_loop3A_190 = arith.mulf %parallel_loop3A_164, %get3A_7 : vector<16xf32>
        %parallel_loop3A_191 = arith.addf %parallel_loop3A_189, %parallel_loop3A_190 : vector<16xf32>
        %parallel_loop3A_192 = arith.index_cast %parallel_loop3A_166 : i32 to index
        %parallel_loop3A_193 = arith.constant 48 : index
        %parallel_loop3A_194 = tpu.vector_load %arg12[%parallel_loop3A_192, %parallel_loop3A_193] {strides = array<i32>} : memref<256x64xf32, #tpu.memory_space<vmem>>, vector<16xf32>,
        tpu.vector_store %arg12[%parallel_loop3A_192, %parallel_loop3A_193], %parallel_loop3A_191 {strides = array<i32>} : memref<256x64xf32, #tpu.memory_space<vmem>>, vector<16xf32>,
        %parallel_loop3A_195 = arith.constant 2 : i32
        %parallel_loop3A_196 = vector.broadcast %parallel_loop3A_195 : i32 to vector<16x1xi32>
        %parallel_loop3A_197 = vector.shape_cast %parallel_loop3A_196 : vector<16x1xi32> to vector<16xi32>
        %parallel_loop3A_198 = tpu.dynamic_gather %parallel_loop3A_116[%parallel_loop3A_197] in [0] : vector<16xi32>, vector<16xi32> -> vector<16xi32>
        %parallel_loop3A_199 = arith.constant 2 : i32
        %parallel_loop3A_200 = vector.broadcast %parallel_loop3A_199 : i32 to vector<16x1xi32>
        %parallel_loop3A_201 = vector.shape_cast %parallel_loop3A_200 : vector<16x1xi32> to vector<16xi32>
        %parallel_loop3A_202 = tpu.dynamic_gather %parallel_loop3A_118[%parallel_loop3A_201] in [0] : vector<16xf32>, vector<16xi32> -> vector<16xf32>
        %parallel_loop3A_203 = arith.constant 2 : i32
        %parallel_loop3A_204 = arith.addi %parallel_loop3A_111, %parallel_loop3A_203 : i32
        %parallel_loop3A_205 = arith.addi %parallel_loop3A_198, %add3A_10 : vector<16xi32>
        %parallel_loop3A_206 = tpu.vector_load_idx %arg7[%parallel_loop3A_205] : memref<12864xf32, #tpu.memory_space<vmem>>[vector<16xi32>], vector<16xf32>,
        %parallel_loop3A_207 = arith.mulf %parallel_loop3A_202, %get3A_1 : vector<16xf32>
        %parallel_loop3A_208 = arith.addf %parallel_loop3A_206, %parallel_loop3A_207 : vector<16xf32>
        %parallel_loop3A_209 = arith.index_cast %parallel_loop3A_204 : i32 to index
        %parallel_loop3A_210 = arith.constant 0 : index
        %parallel_loop3A_211 = tpu.vector_load %arg12[%parallel_loop3A_209, %parallel_loop3A_210] {strides = array<i32>} : memref<256x64xf32, #tpu.memory_space<vmem>>, vector<16xf32>,
        tpu.vector_store %arg12[%parallel_loop3A_209, %parallel_loop3A_210], %parallel_loop3A_208 {strides = array<i32>} : memref<256x64xf32, #tpu.memory_space<vmem>>, vector<16xf32>,
        %parallel_loop3A_212 = arith.addi %parallel_loop3A_198, %add3A_13 : vector<16xi32>
        %parallel_loop3A_213 = tpu.vector_load_idx %arg7[%parallel_loop3A_212] : memref<12864xf32, #tpu.memory_space<vmem>>[vector<16xi32>], vector<16xf32>,
        %parallel_loop3A_214 = arith.mulf %parallel_loop3A_202, %get3A_3 : vector<16xf32>
        %parallel_loop3A_215 = arith.addf %parallel_loop3A_213, %parallel_loop3A_214 : vector<16xf32>
        %parallel_loop3A_216 = arith.index_cast %parallel_loop3A_204 : i32 to index
        %parallel_loop3A_217 = arith.constant 16 : index
        %parallel_loop3A_218 = tpu.vector_load %arg12[%parallel_loop3A_216, %parallel_loop3A_217] {strides = array<i32>} : memref<256x64xf32, #tpu.memory_space<vmem>>, vector<16xf32>,
        tpu.vector_store %arg12[%parallel_loop3A_216, %parallel_loop3A_217], %parallel_loop3A_215 {strides = array<i32>} : memref<256x64xf32, #tpu.memory_space<vmem>>, vector<16xf32>,
        %parallel_loop3A_219 = arith.addi %parallel_loop3A_198, %add3A_16 : vector<16xi32>
        %parallel_loop3A_220 = tpu.vector_load_idx %arg7[%parallel_loop3A_219] : memref<12864xf32, #tpu.memory_space<vmem>>[vector<16xi32>], vector<16xf32>,
        %parallel_loop3A_221 = arith.mulf %parallel_loop3A_202, %get3A_5 : vector<16xf32>
        %parallel_loop3A_222 = arith.addf %parallel_loop3A_220, %parallel_loop3A_221 : vector<16xf32>
        %parallel_loop3A_223 = arith.index_cast %parallel_loop3A_204 : i32 to index
        %parallel_loop3A_224 = arith.constant 32 : index
        %parallel_loop3A_225 = tpu.vector_load %arg12[%parallel_loop3A_223, %parallel_loop3A_224] {strides = array<i32>} : memref<256x64xf32, #tpu.memory_space<vmem>>, vector<16xf32>,
        tpu.vector_store %arg12[%parallel_loop3A_223, %parallel_loop3A_224], %parallel_loop3A_222 {strides = array<i32>} : memref<256x64xf32, #tpu.memory_space<vmem>>, vector<16xf32>,
        %parallel_loop3A_226 = arith.addi %parallel_loop3A_198, %add3A_19 : vector<16xi32>
        %parallel_loop3A_227 = tpu.vector_load_idx %arg7[%parallel_loop3A_226] : memref<12864xf32, #tpu.memory_space<vmem>>[vector<16xi32>], vector<16xf32>,
        %parallel_loop3A_228 = arith.mulf %parallel_loop3A_202, %get3A_7 : vector<16xf32>
        %parallel_loop3A_229 = arith.addf %parallel_loop3A_227, %parallel_loop3A_228 : vector<16xf32>
        %parallel_loop3A_230 = arith.index_cast %parallel_loop3A_204 : i32 to index
        %parallel_loop3A_231 = arith.constant 48 : index
        %parallel_loop3A_232 = tpu.vector_load %arg12[%parallel_loop3A_230, %parallel_loop3A_231] {strides = array<i32>} : memref<256x64xf32, #tpu.memory_space<vmem>>, vector<16xf32>,
        tpu.vector_store %arg12[%parallel_loop3A_230, %parallel_loop3A_231], %parallel_loop3A_229 {strides = array<i32>} : memref<256x64xf32, #tpu.memory_space<vmem>>, vector<16xf32>,
        %parallel_loop3A_233 = arith.constant 3 : i32
        %parallel_loop3A_234 = vector.broadcast %parallel_loop3A_233 : i32 to vector<16x1xi32>
        %parallel_loop3A_235 = vector.shape_cast %parallel_loop3A_234 : vector<16x1xi32> to vector<16xi32>
        %parallel_loop3A_236 = tpu.dynamic_gather %parallel_loop3A_116[%parallel_loop3A_235] in [0] : vector<16xi32>, vector<16xi32> -> vector<16xi32>
        %parallel_loop3A_237 = arith.constant 3 : i32
        %parallel_loop3A_238 = vector.broadcast %parallel_loop3A_237 : i32 to vector<16x1xi32>
        %parallel_loop3A_239 = vector.shape_cast %parallel_loop3A_238 : vector<16x1xi32> to vector<16xi32>
        %parallel_loop3A_240 = tpu.dynamic_gather %parallel_loop3A_118[%parallel_loop3A_239] in [0] : vector<16xf32>, vector<16xi32> -> vector<16xf32>
        %parallel_loop3A_241 = arith.constant 3 : i32
        %parallel_loop3A_242 = arith.addi %parallel_loop3A_111, %parallel_loop3A_241 : i32
        %parallel_loop3A_243 = arith.addi %parallel_loop3A_236, %add3A_10 : vector<16xi32>
        %parallel_loop3A_244 = tpu.vector_load_idx %arg7[%parallel_loop3A_243] : memref<12864xf32, #tpu.memory_space<vmem>>[vector<16xi32>], vector<16xf32>,
        %parallel_loop3A_245 = arith.mulf %parallel_loop3A_240, %get3A_1 : vector<16xf32>
        %parallel_loop3A_246 = arith.addf %parallel_loop3A_244, %parallel_loop3A_245 : vector<16xf32>
        %parallel_loop3A_247 = arith.index_cast %parallel_loop3A_242 : i32 to index
        %parallel_loop3A_248 = arith.constant 0 : index
        %parallel_loop3A_249 = tpu.vector_load %arg12[%parallel_loop3A_247, %parallel_loop3A_248] {strides = array<i32>} : memref<256x64xf32, #tpu.memory_space<vmem>>, vector<16xf32>,
        tpu.vector_store %arg12[%parallel_loop3A_247, %parallel_loop3A_248], %parallel_loop3A_246 {strides = array<i32>} : memref<256x64xf32, #tpu.memory_space<vmem>>, vector<16xf32>,
        %parallel_loop3A_250 = arith.addi %parallel_loop3A_236, %add3A_13 : vector<16xi32>
        %parallel_loop3A_251 = tpu.vector_load_idx %arg7[%parallel_loop3A_250] : memref<12864xf32, #tpu.memory_space<vmem>>[vector<16xi32>], vector<16xf32>,
        %parallel_loop3A_252 = arith.mulf %parallel_loop3A_240, %get3A_3 : vector<16xf32>
        %parallel_loop3A_253 = arith.addf %parallel_loop3A_251, %parallel_loop3A_252 : vector<16xf32>
        %parallel_loop3A_254 = arith.index_cast %parallel_loop3A_242 : i32 to index
        %parallel_loop3A_255 = arith.constant 16 : index
        %parallel_loop3A_256 = tpu.vector_load %arg12[%parallel_loop3A_254, %parallel_loop3A_255] {strides = array<i32>} : memref<256x64xf32, #tpu.memory_space<vmem>>, vector<16xf32>,
        tpu.vector_store %arg12[%parallel_loop3A_254, %parallel_loop3A_255], %parallel_loop3A_253 {strides = array<i32>} : memref<256x64xf32, #tpu.memory_space<vmem>>, vector<16xf32>,
        %parallel_loop3A_257 = arith.addi %parallel_loop3A_236, %add3A_16 : vector<16xi32>
        %parallel_loop3A_258 = tpu.vector_load_idx %arg7[%parallel_loop3A_257] : memref<12864xf32, #tpu.memory_space<vmem>>[vector<16xi32>], vector<16xf32>,
        %parallel_loop3A_259 = arith.mulf %parallel_loop3A_240, %get3A_5 : vector<16xf32>
        %parallel_loop3A_260 = arith.addf %parallel_loop3A_258, %parallel_loop3A_259 : vector<16xf32>
        %parallel_loop3A_261 = arith.index_cast %parallel_loop3A_242 : i32 to index
        %parallel_loop3A_262 = arith.constant 32 : index
        %parallel_loop3A_263 = tpu.vector_load %arg12[%parallel_loop3A_261, %parallel_loop3A_262] {strides = array<i32>} : memref<256x64xf32, #tpu.memory_space<vmem>>, vector<16xf32>,
        tpu.vector_store %arg12[%parallel_loop3A_261, %parallel_loop3A_262], %parallel_loop3A_260 {strides = array<i32>} : memref<256x64xf32, #tpu.memory_space<vmem>>, vector<16xf32>,
        %parallel_loop3A_264 = arith.addi %parallel_loop3A_236, %add3A_19 : vector<16xi32>
        %parallel_loop3A_265 = tpu.vector_load_idx %arg7[%parallel_loop3A_264] : memref<12864xf32, #tpu.memory_space<vmem>>[vector<16xi32>], vector<16xf32>,
        %parallel_loop3A_266 = arith.mulf %parallel_loop3A_240, %get3A_7 : vector<16xf32>
        %parallel_loop3A_267 = arith.addf %parallel_loop3A_265, %parallel_loop3A_266 : vector<16xf32>
        %parallel_loop3A_268 = arith.index_cast %parallel_loop3A_242 : i32 to index
        %parallel_loop3A_269 = arith.constant 48 : index
        %parallel_loop3A_270 = tpu.vector_load %arg12[%parallel_loop3A_268, %parallel_loop3A_269] {strides = array<i32>} : memref<256x64xf32, #tpu.memory_space<vmem>>, vector<16xf32>,
        tpu.vector_store %arg12[%parallel_loop3A_268, %parallel_loop3A_269], %parallel_loop3A_267 {strides = array<i32>} : memref<256x64xf32, #tpu.memory_space<vmem>>, vector<16xf32>,
        %parallel_loop3A_271 = arith.constant 4 : i32
        %parallel_loop3A_272 = vector.broadcast %parallel_loop3A_271 : i32 to vector<16x1xi32>
        %parallel_loop3A_273 = vector.shape_cast %parallel_loop3A_272 : vector<16x1xi32> to vector<16xi32>
        %parallel_loop3A_274 = tpu.dynamic_gather %parallel_loop3A_116[%parallel_loop3A_273] in [0] : vector<16xi32>, vector<16xi32> -> vector<16xi32>
        %parallel_loop3A_275 = arith.constant 4 : i32
        %parallel_loop3A_276 = vector.broadcast %parallel_loop3A_275 : i32 to vector<16x1xi32>
        %parallel_loop3A_277 = vector.shape_cast %parallel_loop3A_276 : vector<16x1xi32> to vector<16xi32>
        %parallel_loop3A_278 = tpu.dynamic_gather %parallel_loop3A_118[%parallel_loop3A_277] in [0] : vector<16xf32>, vector<16xi32> -> vector<16xf32>
        %parallel_loop3A_279 = arith.constant 4 : i32
        %parallel_loop3A_280 = arith.addi %parallel_loop3A_111, %parallel_loop3A_279 : i32
        %parallel_loop3A_281 = arith.addi %parallel_loop3A_274, %add3A_10 : vector<16xi32>
        %parallel_loop3A_282 = tpu.vector_load_idx %arg7[%parallel_loop3A_281] : memref<12864xf32, #tpu.memory_space<vmem>>[vector<16xi32>], vector<16xf32>,
        %parallel_loop3A_283 = arith.mulf %parallel_loop3A_278, %get3A_1 : vector<16xf32>
        %parallel_loop3A_284 = arith.addf %parallel_loop3A_282, %parallel_loop3A_283 : vector<16xf32>
        %parallel_loop3A_285 = arith.index_cast %parallel_loop3A_280 : i32 to index
        %parallel_loop3A_286 = arith.constant 0 : index
        %parallel_loop3A_287 = tpu.vector_load %arg12[%parallel_loop3A_285, %parallel_loop3A_286] {strides = array<i32>} : memref<256x64xf32, #tpu.memory_space<vmem>>, vector<16xf32>,
        tpu.vector_store %arg12[%parallel_loop3A_285, %parallel_loop3A_286], %parallel_loop3A_284 {strides = array<i32>} : memref<256x64xf32, #tpu.memory_space<vmem>>, vector<16xf32>,
        %parallel_loop3A_288 = arith.addi %parallel_loop3A_274, %add3A_13 : vector<16xi32>
        %parallel_loop3A_289 = tpu.vector_load_idx %arg7[%parallel_loop3A_288] : memref<12864xf32, #tpu.memory_space<vmem>>[vector<16xi32>], vector<16xf32>,
        %parallel_loop3A_290 = arith.mulf %parallel_loop3A_278, %get3A_3 : vector<16xf32>
        %parallel_loop3A_291 = arith.addf %parallel_loop3A_289, %parallel_loop3A_290 : vector<16xf32>
        %parallel_loop3A_292 = arith.index_cast %parallel_loop3A_280 : i32 to index
        %parallel_loop3A_293 = arith.constant 16 : index
        %parallel_loop3A_294 = tpu.vector_load %arg12[%parallel_loop3A_292, %parallel_loop3A_293] {strides = array<i32>} : memref<256x64xf32, #tpu.memory_space<vmem>>, vector<16xf32>,
        tpu.vector_store %arg12[%parallel_loop3A_292, %parallel_loop3A_293], %parallel_loop3A_291 {strides = array<i32>} : memref<256x64xf32, #tpu.memory_space<vmem>>, vector<16xf32>,
        %parallel_loop3A_295 = arith.addi %parallel_loop3A_274, %add3A_16 : vector<16xi32>
        %parallel_loop3A_296 = tpu.vector_load_idx %arg7[%parallel_loop3A_295] : memref<12864xf32, #tpu.memory_space<vmem>>[vector<16xi32>], vector<16xf32>,
        %parallel_loop3A_297 = arith.mulf %parallel_loop3A_278, %get3A_5 : vector<16xf32>
        %parallel_loop3A_298 = arith.addf %parallel_loop3A_296, %parallel_loop3A_297 : vector<16xf32>
        %parallel_loop3A_299 = arith.index_cast %parallel_loop3A_280 : i32 to index
        %parallel_loop3A_300 = arith.constant 32 : index
        %parallel_loop3A_301 = tpu.vector_load %arg12[%parallel_loop3A_299, %parallel_loop3A_300] {strides = array<i32>} : memref<256x64xf32, #tpu.memory_space<vmem>>, vector<16xf32>,
        tpu.vector_store %arg12[%parallel_loop3A_299, %parallel_loop3A_300], %parallel_loop3A_298 {strides = array<i32>} : memref<256x64xf32, #tpu.memory_space<vmem>>, vector<16xf32>,
        %parallel_loop3A_302 = arith.addi %parallel_loop3A_274, %add3A_19 : vector<16xi32>
        %parallel_loop3A_303 = tpu.vector_load_idx %arg7[%parallel_loop3A_302] : memref<12864xf32, #tpu.memory_space<vmem>>[vector<16xi32>], vector<16xf32>,
        %parallel_loop3A_304 = arith.mulf %parallel_loop3A_278, %get3A_7 : vector<16xf32>
        %parallel_loop3A_305 = arith.addf %parallel_loop3A_303, %parallel_loop3A_304 : vector<16xf32>
        %parallel_loop3A_306 = arith.index_cast %parallel_loop3A_280 : i32 to index
        %parallel_loop3A_307 = arith.constant 48 : index
        %parallel_loop3A_308 = tpu.vector_load %arg12[%parallel_loop3A_306, %parallel_loop3A_307] {strides = array<i32>} : memref<256x64xf32, #tpu.memory_space<vmem>>, vector<16xf32>,
        tpu.vector_store %arg12[%parallel_loop3A_306, %parallel_loop3A_307], %parallel_loop3A_305 {strides = array<i32>} : memref<256x64xf32, #tpu.memory_space<vmem>>, vector<16xf32>,
        %parallel_loop3A_309 = arith.constant 5 : i32
        %parallel_loop3A_310 = vector.broadcast %parallel_loop3A_309 : i32 to vector<16x1xi32>
        %parallel_loop3A_311 = vector.shape_cast %parallel_loop3A_310 : vector<16x1xi32> to vector<16xi32>
        %parallel_loop3A_312 = tpu.dynamic_gather %parallel_loop3A_116[%parallel_loop3A_311] in [0] : vector<16xi32>, vector<16xi32> -> vector<16xi32>
        %parallel_loop3A_313 = arith.constant 5 : i32
        %parallel_loop3A_314 = vector.broadcast %parallel_loop3A_313 : i32 to vector<16x1xi32>
        %parallel_loop3A_315 = vector.shape_cast %parallel_loop3A_314 : vector<16x1xi32> to vector<16xi32>
        %parallel_loop3A_316 = tpu.dynamic_gather %parallel_loop3A_118[%parallel_loop3A_315] in [0] : vector<16xf32>, vector<16xi32> -> vector<16xf32>
        %parallel_loop3A_317 = arith.constant 5 : i32
        %parallel_loop3A_318 = arith.addi %parallel_loop3A_111, %parallel_loop3A_317 : i32
        %parallel_loop3A_319 = arith.addi %parallel_loop3A_312, %add3A_10 : vector<16xi32>
        %parallel_loop3A_320 = tpu.vector_load_idx %arg7[%parallel_loop3A_319] : memref<12864xf32, #tpu.memory_space<vmem>>[vector<16xi32>], vector<16xf32>,
        %parallel_loop3A_321 = arith.mulf %parallel_loop3A_316, %get3A_1 : vector<16xf32>
        %parallel_loop3A_322 = arith.addf %parallel_loop3A_320, %parallel_loop3A_321 : vector<16xf32>
        %parallel_loop3A_323 = arith.index_cast %parallel_loop3A_318 : i32 to index
        %parallel_loop3A_324 = arith.constant 0 : index
        %parallel_loop3A_325 = tpu.vector_load %arg12[%parallel_loop3A_323, %parallel_loop3A_324] {strides = array<i32>} : memref<256x64xf32, #tpu.memory_space<vmem>>, vector<16xf32>,
        tpu.vector_store %arg12[%parallel_loop3A_323, %parallel_loop3A_324], %parallel_loop3A_322 {strides = array<i32>} : memref<256x64xf32, #tpu.memory_space<vmem>>, vector<16xf32>,
        %parallel_loop3A_326 = arith.addi %parallel_loop3A_312, %add3A_13 : vector<16xi32>
        %parallel_loop3A_327 = tpu.vector_load_idx %arg7[%parallel_loop3A_326] : memref<12864xf32, #tpu.memory_space<vmem>>[vector<16xi32>], vector<16xf32>,
        %parallel_loop3A_328 = arith.mulf %parallel_loop3A_316, %get3A_3 : vector<16xf32>
        %parallel_loop3A_329 = arith.addf %parallel_loop3A_327, %parallel_loop3A_328 : vector<16xf32>
        %parallel_loop3A_330 = arith.index_cast %parallel_loop3A_318 : i32 to index
        %parallel_loop3A_331 = arith.constant 16 : index
        %parallel_loop3A_332 = tpu.vector_load %arg12[%parallel_loop3A_330, %parallel_loop3A_331] {strides = array<i32>} : memref<256x64xf32, #tpu.memory_space<vmem>>, vector<16xf32>,
        tpu.vector_store %arg12[%parallel_loop3A_330, %parallel_loop3A_331], %parallel_loop3A_329 {strides = array<i32>} : memref<256x64xf32, #tpu.memory_space<vmem>>, vector<16xf32>,
        %parallel_loop3A_333 = arith.addi %parallel_loop3A_312, %add3A_16 : vector<16xi32>
        %parallel_loop3A_334 = tpu.vector_load_idx %arg7[%parallel_loop3A_333] : memref<12864xf32, #tpu.memory_space<vmem>>[vector<16xi32>], vector<16xf32>,
        %parallel_loop3A_335 = arith.mulf %parallel_loop3A_316, %get3A_5 : vector<16xf32>
        %parallel_loop3A_336 = arith.addf %parallel_loop3A_334, %parallel_loop3A_335 : vector<16xf32>
        %parallel_loop3A_337 = arith.index_cast %parallel_loop3A_318 : i32 to index
        %parallel_loop3A_338 = arith.constant 32 : index
        %parallel_loop3A_339 = tpu.vector_load %arg12[%parallel_loop3A_337, %parallel_loop3A_338] {strides = array<i32>} : memref<256x64xf32, #tpu.memory_space<vmem>>, vector<16xf32>,
        tpu.vector_store %arg12[%parallel_loop3A_337, %parallel_loop3A_338], %parallel_loop3A_336 {strides = array<i32>} : memref<256x64xf32, #tpu.memory_space<vmem>>, vector<16xf32>,
        %parallel_loop3A_340 = arith.addi %parallel_loop3A_312, %add3A_19 : vector<16xi32>
        %parallel_loop3A_341 = tpu.vector_load_idx %arg7[%parallel_loop3A_340] : memref<12864xf32, #tpu.memory_space<vmem>>[vector<16xi32>], vector<16xf32>,
        %parallel_loop3A_342 = arith.mulf %parallel_loop3A_316, %get3A_7 : vector<16xf32>
        %parallel_loop3A_343 = arith.addf %parallel_loop3A_341, %parallel_loop3A_342 : vector<16xf32>
        %parallel_loop3A_344 = arith.index_cast %parallel_loop3A_318 : i32 to index
        %parallel_loop3A_345 = arith.constant 48 : index
        %parallel_loop3A_346 = tpu.vector_load %arg12[%parallel_loop3A_344, %parallel_loop3A_345] {strides = array<i32>} : memref<256x64xf32, #tpu.memory_space<vmem>>, vector<16xf32>,
        tpu.vector_store %arg12[%parallel_loop3A_344, %parallel_loop3A_345], %parallel_loop3A_343 {strides = array<i32>} : memref<256x64xf32, #tpu.memory_space<vmem>>, vector<16xf32>,
        %parallel_loop3A_347 = arith.constant 6 : i32
        %parallel_loop3A_348 = vector.broadcast %parallel_loop3A_347 : i32 to vector<16x1xi32>
        %parallel_loop3A_349 = vector.shape_cast %parallel_loop3A_348 : vector<16x1xi32> to vector<16xi32>
        %parallel_loop3A_350 = tpu.dynamic_gather %parallel_loop3A_116[%parallel_loop3A_349] in [0] : vector<16xi32>, vector<16xi32> -> vector<16xi32>
        %parallel_loop3A_351 = arith.constant 6 : i32
        %parallel_loop3A_352 = vector.broadcast %parallel_loop3A_351 : i32 to vector<16x1xi32>
        %parallel_loop3A_353 = vector.shape_cast %parallel_loop3A_352 : vector<16x1xi32> to vector<16xi32>
        %parallel_loop3A_354 = tpu.dynamic_gather %parallel_loop3A_118[%parallel_loop3A_353] in [0] : vector<16xf32>, vector<16xi32> -> vector<16xf32>
        %parallel_loop3A_355 = arith.constant 6 : i32
        %parallel_loop3A_356 = arith.addi %parallel_loop3A_111, %parallel_loop3A_355 : i32
        %parallel_loop3A_357 = arith.addi %parallel_loop3A_350, %add3A_10 : vector<16xi32>
        %parallel_loop3A_358 = tpu.vector_load_idx %arg7[%parallel_loop3A_357] : memref<12864xf32, #tpu.memory_space<vmem>>[vector<16xi32>], vector<16xf32>,
        %parallel_loop3A_359 = arith.mulf %parallel_loop3A_354, %get3A_1 : vector<16xf32>
        %parallel_loop3A_360 = arith.addf %parallel_loop3A_358, %parallel_loop3A_359 : vector<16xf32>
        %parallel_loop3A_361 = arith.index_cast %parallel_loop3A_356 : i32 to index
        %parallel_loop3A_362 = arith.constant 0 : index
        %parallel_loop3A_363 = tpu.vector_load %arg12[%parallel_loop3A_361, %parallel_loop3A_362] {strides = array<i32>} : memref<256x64xf32, #tpu.memory_space<vmem>>, vector<16xf32>,
        tpu.vector_store %arg12[%parallel_loop3A_361, %parallel_loop3A_362], %parallel_loop3A_360 {strides = array<i32>} : memref<256x64xf32, #tpu.memory_space<vmem>>, vector<16xf32>,
        %parallel_loop3A_364 = arith.addi %parallel_loop3A_350, %add3A_13 : vector<16xi32>
        %parallel_loop3A_365 = tpu.vector_load_idx %arg7[%parallel_loop3A_364] : memref<12864xf32, #tpu.memory_space<vmem>>[vector<16xi32>], vector<16xf32>,
        %parallel_loop3A_366 = arith.mulf %parallel_loop3A_354, %get3A_3 : vector<16xf32>
        %parallel_loop3A_367 = arith.addf %parallel_loop3A_365, %parallel_loop3A_366 : vector<16xf32>
        %parallel_loop3A_368 = arith.index_cast %parallel_loop3A_356 : i32 to index
        %parallel_loop3A_369 = arith.constant 16 : index
        %parallel_loop3A_370 = tpu.vector_load %arg12[%parallel_loop3A_368, %parallel_loop3A_369] {strides = array<i32>} : memref<256x64xf32, #tpu.memory_space<vmem>>, vector<16xf32>,
        tpu.vector_store %arg12[%parallel_loop3A_368, %parallel_loop3A_369], %parallel_loop3A_367 {strides = array<i32>} : memref<256x64xf32, #tpu.memory_space<vmem>>, vector<16xf32>,
        %parallel_loop3A_371 = arith.addi %parallel_loop3A_350, %add3A_16 : vector<16xi32>
        %parallel_loop3A_372 = tpu.vector_load_idx %arg7[%parallel_loop3A_371] : memref<12864xf32, #tpu.memory_space<vmem>>[vector<16xi32>], vector<16xf32>,
        %parallel_loop3A_373 = arith.mulf %parallel_loop3A_354, %get3A_5 : vector<16xf32>
        %parallel_loop3A_374 = arith.addf %parallel_loop3A_372, %parallel_loop3A_373 : vector<16xf32>
        %parallel_loop3A_375 = arith.index_cast %parallel_loop3A_356 : i32 to index
        %parallel_loop3A_376 = arith.constant 32 : index
        %parallel_loop3A_377 = tpu.vector_load %arg12[%parallel_loop3A_375, %parallel_loop3A_376] {strides = array<i32>} : memref<256x64xf32, #tpu.memory_space<vmem>>, vector<16xf32>,
        tpu.vector_store %arg12[%parallel_loop3A_375, %parallel_loop3A_376], %parallel_loop3A_374 {strides = array<i32>} : memref<256x64xf32, #tpu.memory_space<vmem>>, vector<16xf32>,
        %parallel_loop3A_378 = arith.addi %parallel_loop3A_350, %add3A_19 : vector<16xi32>
        %parallel_loop3A_379 = tpu.vector_load_idx %arg7[%parallel_loop3A_378] : memref<12864xf32, #tpu.memory_space<vmem>>[vector<16xi32>], vector<16xf32>,
        %parallel_loop3A_380 = arith.mulf %parallel_loop3A_354, %get3A_7 : vector<16xf32>
        %parallel_loop3A_381 = arith.addf %parallel_loop3A_379, %parallel_loop3A_380 : vector<16xf32>
        %parallel_loop3A_382 = arith.index_cast %parallel_loop3A_356 : i32 to index
        %parallel_loop3A_383 = arith.constant 48 : index
        %parallel_loop3A_384 = tpu.vector_load %arg12[%parallel_loop3A_382, %parallel_loop3A_383] {strides = array<i32>} : memref<256x64xf32, #tpu.memory_space<vmem>>, vector<16xf32>,
        tpu.vector_store %arg12[%parallel_loop3A_382, %parallel_loop3A_383], %parallel_loop3A_381 {strides = array<i32>} : memref<256x64xf32, #tpu.memory_space<vmem>>, vector<16xf32>,
        %parallel_loop3A_385 = arith.constant 7 : i32
        %parallel_loop3A_386 = vector.broadcast %parallel_loop3A_385 : i32 to vector<16x1xi32>
        %parallel_loop3A_387 = vector.shape_cast %parallel_loop3A_386 : vector<16x1xi32> to vector<16xi32>
        %parallel_loop3A_388 = tpu.dynamic_gather %parallel_loop3A_116[%parallel_loop3A_387] in [0] : vector<16xi32>, vector<16xi32> -> vector<16xi32>
        %parallel_loop3A_389 = arith.constant 7 : i32
        %parallel_loop3A_390 = vector.broadcast %parallel_loop3A_389 : i32 to vector<16x1xi32>
        %parallel_loop3A_391 = vector.shape_cast %parallel_loop3A_390 : vector<16x1xi32> to vector<16xi32>
        %parallel_loop3A_392 = tpu.dynamic_gather %parallel_loop3A_118[%parallel_loop3A_391] in [0] : vector<16xf32>, vector<16xi32> -> vector<16xf32>
        %parallel_loop3A_393 = arith.constant 7 : i32
        %parallel_loop3A_394 = arith.addi %parallel_loop3A_111, %parallel_loop3A_393 : i32
        %parallel_loop3A_395 = arith.addi %parallel_loop3A_388, %add3A_10 : vector<16xi32>
        %parallel_loop3A_396 = tpu.vector_load_idx %arg7[%parallel_loop3A_395] : memref<12864xf32, #tpu.memory_space<vmem>>[vector<16xi32>], vector<16xf32>,
        %parallel_loop3A_397 = arith.mulf %parallel_loop3A_392, %get3A_1 : vector<16xf32>
        %parallel_loop3A_398 = arith.addf %parallel_loop3A_396, %parallel_loop3A_397 : vector<16xf32>
        %parallel_loop3A_399 = arith.index_cast %parallel_loop3A_394 : i32 to index
        %parallel_loop3A_400 = arith.constant 0 : index
        %parallel_loop3A_401 = tpu.vector_load %arg12[%parallel_loop3A_399, %parallel_loop3A_400] {strides = array<i32>} : memref<256x64xf32, #tpu.memory_space<vmem>>, vector<16xf32>,
        tpu.vector_store %arg12[%parallel_loop3A_399, %parallel_loop3A_400], %parallel_loop3A_398 {strides = array<i32>} : memref<256x64xf32, #tpu.memory_space<vmem>>, vector<16xf32>,
        %parallel_loop3A_402 = arith.addi %parallel_loop3A_388, %add3A_13 : vector<16xi32>
        %parallel_loop3A_403 = tpu.vector_load_idx %arg7[%parallel_loop3A_402] : memref<12864xf32, #tpu.memory_space<vmem>>[vector<16xi32>], vector<16xf32>,
        %parallel_loop3A_404 = arith.mulf %parallel_loop3A_392, %get3A_3 : vector<16xf32>
        %parallel_loop3A_405 = arith.addf %parallel_loop3A_403, %parallel_loop3A_404 : vector<16xf32>
        %parallel_loop3A_406 = arith.index_cast %parallel_loop3A_394 : i32 to index
        %parallel_loop3A_407 = arith.constant 16 : index
        %parallel_loop3A_408 = tpu.vector_load %arg12[%parallel_loop3A_406, %parallel_loop3A_407] {strides = array<i32>} : memref<256x64xf32, #tpu.memory_space<vmem>>, vector<16xf32>,
        tpu.vector_store %arg12[%parallel_loop3A_406, %parallel_loop3A_407], %parallel_loop3A_405 {strides = array<i32>} : memref<256x64xf32, #tpu.memory_space<vmem>>, vector<16xf32>,
        %parallel_loop3A_409 = arith.addi %parallel_loop3A_388, %add3A_16 : vector<16xi32>
        %parallel_loop3A_410 = tpu.vector_load_idx %arg7[%parallel_loop3A_409] : memref<12864xf32, #tpu.memory_space<vmem>>[vector<16xi32>], vector<16xf32>,
        %parallel_loop3A_411 = arith.mulf %parallel_loop3A_392, %get3A_5 : vector<16xf32>
        %parallel_loop3A_412 = arith.addf %parallel_loop3A_410, %parallel_loop3A_411 : vector<16xf32>
        %parallel_loop3A_413 = arith.index_cast %parallel_loop3A_394 : i32 to index
        %parallel_loop3A_414 = arith.constant 32 : index
        %parallel_loop3A_415 = tpu.vector_load %arg12[%parallel_loop3A_413, %parallel_loop3A_414] {strides = array<i32>} : memref<256x64xf32, #tpu.memory_space<vmem>>, vector<16xf32>,
        tpu.vector_store %arg12[%parallel_loop3A_413, %parallel_loop3A_414], %parallel_loop3A_412 {strides = array<i32>} : memref<256x64xf32, #tpu.memory_space<vmem>>, vector<16xf32>,
        %parallel_loop3A_416 = arith.addi %parallel_loop3A_388, %add3A_19 : vector<16xi32>
        %parallel_loop3A_417 = tpu.vector_load_idx %arg7[%parallel_loop3A_416] : memref<12864xf32, #tpu.memory_space<vmem>>[vector<16xi32>], vector<16xf32>,
        %parallel_loop3A_418 = arith.mulf %parallel_loop3A_392, %get3A_7 : vector<16xf32>
        %parallel_loop3A_419 = arith.addf %parallel_loop3A_417, %parallel_loop3A_418 : vector<16xf32>
        %parallel_loop3A_420 = arith.index_cast %parallel_loop3A_394 : i32 to index
        %parallel_loop3A_421 = arith.constant 48 : index
        %parallel_loop3A_422 = tpu.vector_load %arg12[%parallel_loop3A_420, %parallel_loop3A_421] {strides = array<i32>} : memref<256x64xf32, #tpu.memory_space<vmem>>, vector<16xf32>,
        tpu.vector_store %arg12[%parallel_loop3A_420, %parallel_loop3A_421], %parallel_loop3A_419 {strides = array<i32>} : memref<256x64xf32, #tpu.memory_space<vmem>>, vector<16xf32>,
        %parallel_loop3A_423 = arith.constant 8 : i32
        %parallel_loop3A_424 = vector.broadcast %parallel_loop3A_423 : i32 to vector<16x1xi32>
        %parallel_loop3A_425 = vector.shape_cast %parallel_loop3A_424 : vector<16x1xi32> to vector<16xi32>
        %parallel_loop3A_426 = tpu.dynamic_gather %parallel_loop3A_116[%parallel_loop3A_425] in [0] : vector<16xi32>, vector<16xi32> -> vector<16xi32>
        %parallel_loop3A_427 = arith.constant 8 : i32
        %parallel_loop3A_428 = vector.broadcast %parallel_loop3A_427 : i32 to vector<16x1xi32>
        %parallel_loop3A_429 = vector.shape_cast %parallel_loop3A_428 : vector<16x1xi32> to vector<16xi32>
        %parallel_loop3A_430 = tpu.dynamic_gather %parallel_loop3A_118[%parallel_loop3A_429] in [0] : vector<16xf32>, vector<16xi32> -> vector<16xf32>
        %parallel_loop3A_431 = arith.constant 8 : i32
        %parallel_loop3A_432 = arith.addi %parallel_loop3A_111, %parallel_loop3A_431 : i32
        %parallel_loop3A_433 = arith.addi %parallel_loop3A_426, %add3A_10 : vector<16xi32>
        %parallel_loop3A_434 = tpu.vector_load_idx %arg7[%parallel_loop3A_433] : memref<12864xf32, #tpu.memory_space<vmem>>[vector<16xi32>], vector<16xf32>,
        %parallel_loop3A_435 = arith.mulf %parallel_loop3A_430, %get3A_1 : vector<16xf32>
        %parallel_loop3A_436 = arith.addf %parallel_loop3A_434, %parallel_loop3A_435 : vector<16xf32>
        %parallel_loop3A_437 = arith.index_cast %parallel_loop3A_432 : i32 to index
        %parallel_loop3A_438 = arith.constant 0 : index
        %parallel_loop3A_439 = tpu.vector_load %arg12[%parallel_loop3A_437, %parallel_loop3A_438] {strides = array<i32>} : memref<256x64xf32, #tpu.memory_space<vmem>>, vector<16xf32>,
        tpu.vector_store %arg12[%parallel_loop3A_437, %parallel_loop3A_438], %parallel_loop3A_436 {strides = array<i32>} : memref<256x64xf32, #tpu.memory_space<vmem>>, vector<16xf32>,
        %parallel_loop3A_440 = arith.addi %parallel_loop3A_426, %add3A_13 : vector<16xi32>
        %parallel_loop3A_441 = tpu.vector_load_idx %arg7[%parallel_loop3A_440] : memref<12864xf32, #tpu.memory_space<vmem>>[vector<16xi32>], vector<16xf32>,
        %parallel_loop3A_442 = arith.mulf %parallel_loop3A_430, %get3A_3 : vector<16xf32>
        %parallel_loop3A_443 = arith.addf %parallel_loop3A_441, %parallel_loop3A_442 : vector<16xf32>
        %parallel_loop3A_444 = arith.index_cast %parallel_loop3A_432 : i32 to index
        %parallel_loop3A_445 = arith.constant 16 : index
        %parallel_loop3A_446 = tpu.vector_load %arg12[%parallel_loop3A_444, %parallel_loop3A_445] {strides = array<i32>} : memref<256x64xf32, #tpu.memory_space<vmem>>, vector<16xf32>,
        tpu.vector_store %arg12[%parallel_loop3A_444, %parallel_loop3A_445], %parallel_loop3A_443 {strides = array<i32>} : memref<256x64xf32, #tpu.memory_space<vmem>>, vector<16xf32>,
        %parallel_loop3A_447 = arith.addi %parallel_loop3A_426, %add3A_16 : vector<16xi32>
        %parallel_loop3A_448 = tpu.vector_load_idx %arg7[%parallel_loop3A_447] : memref<12864xf32, #tpu.memory_space<vmem>>[vector<16xi32>], vector<16xf32>,
        %parallel_loop3A_449 = arith.mulf %parallel_loop3A_430, %get3A_5 : vector<16xf32>
        %parallel_loop3A_450 = arith.addf %parallel_loop3A_448, %parallel_loop3A_449 : vector<16xf32>
        %parallel_loop3A_451 = arith.index_cast %parallel_loop3A_432 : i32 to index
        %parallel_loop3A_452 = arith.constant 32 : index
        %parallel_loop3A_453 = tpu.vector_load %arg12[%parallel_loop3A_451, %parallel_loop3A_452] {strides = array<i32>} : memref<256x64xf32, #tpu.memory_space<vmem>>, vector<16xf32>,
        tpu.vector_store %arg12[%parallel_loop3A_451, %parallel_loop3A_452], %parallel_loop3A_450 {strides = array<i32>} : memref<256x64xf32, #tpu.memory_space<vmem>>, vector<16xf32>,
        %parallel_loop3A_454 = arith.addi %parallel_loop3A_426, %add3A_19 : vector<16xi32>
        %parallel_loop3A_455 = tpu.vector_load_idx %arg7[%parallel_loop3A_454] : memref<12864xf32, #tpu.memory_space<vmem>>[vector<16xi32>], vector<16xf32>,
        %parallel_loop3A_456 = arith.mulf %parallel_loop3A_430, %get3A_7 : vector<16xf32>
        %parallel_loop3A_457 = arith.addf %parallel_loop3A_455, %parallel_loop3A_456 : vector<16xf32>
        %parallel_loop3A_458 = arith.index_cast %parallel_loop3A_432 : i32 to index
        %parallel_loop3A_459 = arith.constant 48 : index
        %parallel_loop3A_460 = tpu.vector_load %arg12[%parallel_loop3A_458, %parallel_loop3A_459] {strides = array<i32>} : memref<256x64xf32, #tpu.memory_space<vmem>>, vector<16xf32>,
        tpu.vector_store %arg12[%parallel_loop3A_458, %parallel_loop3A_459], %parallel_loop3A_457 {strides = array<i32>} : memref<256x64xf32, #tpu.memory_space<vmem>>, vector<16xf32>,
        %parallel_loop3A_461 = arith.constant 9 : i32
        %parallel_loop3A_462 = vector.broadcast %parallel_loop3A_461 : i32 to vector<16x1xi32>
        %parallel_loop3A_463 = vector.shape_cast %parallel_loop3A_462 : vector<16x1xi32> to vector<16xi32>
        %parallel_loop3A_464 = tpu.dynamic_gather %parallel_loop3A_116[%parallel_loop3A_463] in [0] : vector<16xi32>, vector<16xi32> -> vector<16xi32>
        %parallel_loop3A_465 = arith.constant 9 : i32
        %parallel_loop3A_466 = vector.broadcast %parallel_loop3A_465 : i32 to vector<16x1xi32>
        %parallel_loop3A_467 = vector.shape_cast %parallel_loop3A_466 : vector<16x1xi32> to vector<16xi32>
        %parallel_loop3A_468 = tpu.dynamic_gather %parallel_loop3A_118[%parallel_loop3A_467] in [0] : vector<16xf32>, vector<16xi32> -> vector<16xf32>
        %parallel_loop3A_469 = arith.constant 9 : i32
        %parallel_loop3A_470 = arith.addi %parallel_loop3A_111, %parallel_loop3A_469 : i32
        %parallel_loop3A_471 = arith.addi %parallel_loop3A_464, %add3A_10 : vector<16xi32>
        %parallel_loop3A_472 = tpu.vector_load_idx %arg7[%parallel_loop3A_471] : memref<12864xf32, #tpu.memory_space<vmem>>[vector<16xi32>], vector<16xf32>,
        %parallel_loop3A_473 = arith.mulf %parallel_loop3A_468, %get3A_1 : vector<16xf32>
        %parallel_loop3A_474 = arith.addf %parallel_loop3A_472, %parallel_loop3A_473 : vector<16xf32>
        %parallel_loop3A_475 = arith.index_cast %parallel_loop3A_470 : i32 to index
        %parallel_loop3A_476 = arith.constant 0 : index
        %parallel_loop3A_477 = tpu.vector_load %arg12[%parallel_loop3A_475, %parallel_loop3A_476] {strides = array<i32>} : memref<256x64xf32, #tpu.memory_space<vmem>>, vector<16xf32>,
        tpu.vector_store %arg12[%parallel_loop3A_475, %parallel_loop3A_476], %parallel_loop3A_474 {strides = array<i32>} : memref<256x64xf32, #tpu.memory_space<vmem>>, vector<16xf32>,
        %parallel_loop3A_478 = arith.addi %parallel_loop3A_464, %add3A_13 : vector<16xi32>
        %parallel_loop3A_479 = tpu.vector_load_idx %arg7[%parallel_loop3A_478] : memref<12864xf32, #tpu.memory_space<vmem>>[vector<16xi32>], vector<16xf32>,
        %parallel_loop3A_480 = arith.mulf %parallel_loop3A_468, %get3A_3 : vector<16xf32>
        %parallel_loop3A_481 = arith.addf %parallel_loop3A_479, %parallel_loop3A_480 : vector<16xf32>
        %parallel_loop3A_482 = arith.index_cast %parallel_loop3A_470 : i32 to index
        %parallel_loop3A_483 = arith.constant 16 : index
        %parallel_loop3A_484 = tpu.vector_load %arg12[%parallel_loop3A_482, %parallel_loop3A_483] {strides = array<i32>} : memref<256x64xf32, #tpu.memory_space<vmem>>, vector<16xf32>,
        tpu.vector_store %arg12[%parallel_loop3A_482, %parallel_loop3A_483], %parallel_loop3A_481 {strides = array<i32>} : memref<256x64xf32, #tpu.memory_space<vmem>>, vector<16xf32>,
        %parallel_loop3A_485 = arith.addi %parallel_loop3A_464, %add3A_16 : vector<16xi32>
        %parallel_loop3A_486 = tpu.vector_load_idx %arg7[%parallel_loop3A_485] : memref<12864xf32, #tpu.memory_space<vmem>>[vector<16xi32>], vector<16xf32>,
        %parallel_loop3A_487 = arith.mulf %parallel_loop3A_468, %get3A_5 : vector<16xf32>
        %parallel_loop3A_488 = arith.addf %parallel_loop3A_486, %parallel_loop3A_487 : vector<16xf32>
        %parallel_loop3A_489 = arith.index_cast %parallel_loop3A_470 : i32 to index
        %parallel_loop3A_490 = arith.constant 32 : index
        %parallel_loop3A_491 = tpu.vector_load %arg12[%parallel_loop3A_489, %parallel_loop3A_490] {strides = array<i32>} : memref<256x64xf32, #tpu.memory_space<vmem>>, vector<16xf32>,
        tpu.vector_store %arg12[%parallel_loop3A_489, %parallel_loop3A_490], %parallel_loop3A_488 {strides = array<i32>} : memref<256x64xf32, #tpu.memory_space<vmem>>, vector<16xf32>,
        %parallel_loop3A_492 = arith.addi %parallel_loop3A_464, %add3A_19 : vector<16xi32>
        %parallel_loop3A_493 = tpu.vector_load_idx %arg7[%parallel_loop3A_492] : memref<12864xf32, #tpu.memory_space<vmem>>[vector<16xi32>], vector<16xf32>,
        %parallel_loop3A_494 = arith.mulf %parallel_loop3A_468, %get3A_7 : vector<16xf32>
        %parallel_loop3A_495 = arith.addf %parallel_loop3A_493, %parallel_loop3A_494 : vector<16xf32>
        %parallel_loop3A_496 = arith.index_cast %parallel_loop3A_470 : i32 to index
        %parallel_loop3A_497 = arith.constant 48 : index
        %parallel_loop3A_498 = tpu.vector_load %arg12[%parallel_loop3A_496, %parallel_loop3A_497] {strides = array<i32>} : memref<256x64xf32, #tpu.memory_space<vmem>>, vector<16xf32>,
        tpu.vector_store %arg12[%parallel_loop3A_496, %parallel_loop3A_497], %parallel_loop3A_495 {strides = array<i32>} : memref<256x64xf32, #tpu.memory_space<vmem>>, vector<16xf32>,
        %parallel_loop3A_499 = arith.constant 10 : i32
        %parallel_loop3A_500 = vector.broadcast %parallel_loop3A_499 : i32 to vector<16x1xi32>
        %parallel_loop3A_501 = vector.shape_cast %parallel_loop3A_500 : vector<16x1xi32> to vector<16xi32>
        %parallel_loop3A_502 = tpu.dynamic_gather %parallel_loop3A_116[%parallel_loop3A_501] in [0] : vector<16xi32>, vector<16xi32> -> vector<16xi32>
        %parallel_loop3A_503 = arith.constant 10 : i32
        %parallel_loop3A_504 = vector.broadcast %parallel_loop3A_503 : i32 to vector<16x1xi32>
        %parallel_loop3A_505 = vector.shape_cast %parallel_loop3A_504 : vector<16x1xi32> to vector<16xi32>
        %parallel_loop3A_506 = tpu.dynamic_gather %parallel_loop3A_118[%parallel_loop3A_505] in [0] : vector<16xf32>, vector<16xi32> -> vector<16xf32>
        %parallel_loop3A_507 = arith.constant 10 : i32
        %parallel_loop3A_508 = arith.addi %parallel_loop3A_111, %parallel_loop3A_507 : i32
        %parallel_loop3A_509 = arith.addi %parallel_loop3A_502, %add3A_10 : vector<16xi32>
        %parallel_loop3A_510 = tpu.vector_load_idx %arg7[%parallel_loop3A_509] : memref<12864xf32, #tpu.memory_space<vmem>>[vector<16xi32>], vector<16xf32>,
        %parallel_loop3A_511 = arith.mulf %parallel_loop3A_506, %get3A_1 : vector<16xf32>
        %parallel_loop3A_512 = arith.addf %parallel_loop3A_510, %parallel_loop3A_511 : vector<16xf32>
        %parallel_loop3A_513 = arith.index_cast %parallel_loop3A_508 : i32 to index
        %parallel_loop3A_514 = arith.constant 0 : index
        %parallel_loop3A_515 = tpu.vector_load %arg12[%parallel_loop3A_513, %parallel_loop3A_514] {strides = array<i32>} : memref<256x64xf32, #tpu.memory_space<vmem>>, vector<16xf32>,
        tpu.vector_store %arg12[%parallel_loop3A_513, %parallel_loop3A_514], %parallel_loop3A_512 {strides = array<i32>} : memref<256x64xf32, #tpu.memory_space<vmem>>, vector<16xf32>,
        %parallel_loop3A_516 = arith.addi %parallel_loop3A_502, %add3A_13 : vector<16xi32>
        %parallel_loop3A_517 = tpu.vector_load_idx %arg7[%parallel_loop3A_516] : memref<12864xf32, #tpu.memory_space<vmem>>[vector<16xi32>], vector<16xf32>,
        %parallel_loop3A_518 = arith.mulf %parallel_loop3A_506, %get3A_3 : vector<16xf32>
        %parallel_loop3A_519 = arith.addf %parallel_loop3A_517, %parallel_loop3A_518 : vector<16xf32>
        %parallel_loop3A_520 = arith.index_cast %parallel_loop3A_508 : i32 to index
        %parallel_loop3A_521 = arith.constant 16 : index
        %parallel_loop3A_522 = tpu.vector_load %arg12[%parallel_loop3A_520, %parallel_loop3A_521] {strides = array<i32>} : memref<256x64xf32, #tpu.memory_space<vmem>>, vector<16xf32>,
        tpu.vector_store %arg12[%parallel_loop3A_520, %parallel_loop3A_521], %parallel_loop3A_519 {strides = array<i32>} : memref<256x64xf32, #tpu.memory_space<vmem>>, vector<16xf32>,
        %parallel_loop3A_523 = arith.addi %parallel_loop3A_502, %add3A_16 : vector<16xi32>
        %parallel_loop3A_524 = tpu.vector_load_idx %arg7[%parallel_loop3A_523] : memref<12864xf32, #tpu.memory_space<vmem>>[vector<16xi32>], vector<16xf32>,
        %parallel_loop3A_525 = arith.mulf %parallel_loop3A_506, %get3A_5 : vector<16xf32>
        %parallel_loop3A_526 = arith.addf %parallel_loop3A_524, %parallel_loop3A_525 : vector<16xf32>
        %parallel_loop3A_527 = arith.index_cast %parallel_loop3A_508 : i32 to index
        %parallel_loop3A_528 = arith.constant 32 : index
        %parallel_loop3A_529 = tpu.vector_load %arg12[%parallel_loop3A_527, %parallel_loop3A_528] {strides = array<i32>} : memref<256x64xf32, #tpu.memory_space<vmem>>, vector<16xf32>,
        tpu.vector_store %arg12[%parallel_loop3A_527, %parallel_loop3A_528], %parallel_loop3A_526 {strides = array<i32>} : memref<256x64xf32, #tpu.memory_space<vmem>>, vector<16xf32>,
        %parallel_loop3A_530 = arith.addi %parallel_loop3A_502, %add3A_19 : vector<16xi32>
        %parallel_loop3A_531 = tpu.vector_load_idx %arg7[%parallel_loop3A_530] : memref<12864xf32, #tpu.memory_space<vmem>>[vector<16xi32>], vector<16xf32>,
        %parallel_loop3A_532 = arith.mulf %parallel_loop3A_506, %get3A_7 : vector<16xf32>
        %parallel_loop3A_533 = arith.addf %parallel_loop3A_531, %parallel_loop3A_532 : vector<16xf32>
        %parallel_loop3A_534 = arith.index_cast %parallel_loop3A_508 : i32 to index
        %parallel_loop3A_535 = arith.constant 48 : index
        %parallel_loop3A_536 = tpu.vector_load %arg12[%parallel_loop3A_534, %parallel_loop3A_535] {strides = array<i32>} : memref<256x64xf32, #tpu.memory_space<vmem>>, vector<16xf32>,
        tpu.vector_store %arg12[%parallel_loop3A_534, %parallel_loop3A_535], %parallel_loop3A_533 {strides = array<i32>} : memref<256x64xf32, #tpu.memory_space<vmem>>, vector<16xf32>,
        %parallel_loop3A_537 = arith.constant 11 : i32
        %parallel_loop3A_538 = vector.broadcast %parallel_loop3A_537 : i32 to vector<16x1xi32>
        %parallel_loop3A_539 = vector.shape_cast %parallel_loop3A_538 : vector<16x1xi32> to vector<16xi32>
        %parallel_loop3A_540 = tpu.dynamic_gather %parallel_loop3A_116[%parallel_loop3A_539] in [0] : vector<16xi32>, vector<16xi32> -> vector<16xi32>
        %parallel_loop3A_541 = arith.constant 11 : i32
        %parallel_loop3A_542 = vector.broadcast %parallel_loop3A_541 : i32 to vector<16x1xi32>
        %parallel_loop3A_543 = vector.shape_cast %parallel_loop3A_542 : vector<16x1xi32> to vector<16xi32>
        %parallel_loop3A_544 = tpu.dynamic_gather %parallel_loop3A_118[%parallel_loop3A_543] in [0] : vector<16xf32>, vector<16xi32> -> vector<16xf32>
        %parallel_loop3A_545 = arith.constant 11 : i32
        %parallel_loop3A_546 = arith.addi %parallel_loop3A_111, %parallel_loop3A_545 : i32
        %parallel_loop3A_547 = arith.addi %parallel_loop3A_540, %add3A_10 : vector<16xi32>
        %parallel_loop3A_548 = tpu.vector_load_idx %arg7[%parallel_loop3A_547] : memref<12864xf32, #tpu.memory_space<vmem>>[vector<16xi32>], vector<16xf32>,
        %parallel_loop3A_549 = arith.mulf %parallel_loop3A_544, %get3A_1 : vector<16xf32>
        %parallel_loop3A_550 = arith.addf %parallel_loop3A_548, %parallel_loop3A_549 : vector<16xf32>
        %parallel_loop3A_551 = arith.index_cast %parallel_loop3A_546 : i32 to index
        %parallel_loop3A_552 = arith.constant 0 : index
        %parallel_loop3A_553 = tpu.vector_load %arg12[%parallel_loop3A_551, %parallel_loop3A_552] {strides = array<i32>} : memref<256x64xf32, #tpu.memory_space<vmem>>, vector<16xf32>,
        tpu.vector_store %arg12[%parallel_loop3A_551, %parallel_loop3A_552], %parallel_loop3A_550 {strides = array<i32>} : memref<256x64xf32, #tpu.memory_space<vmem>>, vector<16xf32>,
        %parallel_loop3A_554 = arith.addi %parallel_loop3A_540, %add3A_13 : vector<16xi32>
        %parallel_loop3A_555 = tpu.vector_load_idx %arg7[%parallel_loop3A_554] : memref<12864xf32, #tpu.memory_space<vmem>>[vector<16xi32>], vector<16xf32>,
        %parallel_loop3A_556 = arith.mulf %parallel_loop3A_544, %get3A_3 : vector<16xf32>
        %parallel_loop3A_557 = arith.addf %parallel_loop3A_555, %parallel_loop3A_556 : vector<16xf32>
        %parallel_loop3A_558 = arith.index_cast %parallel_loop3A_546 : i32 to index
        %parallel_loop3A_559 = arith.constant 16 : index
        %parallel_loop3A_560 = tpu.vector_load %arg12[%parallel_loop3A_558, %parallel_loop3A_559] {strides = array<i32>} : memref<256x64xf32, #tpu.memory_space<vmem>>, vector<16xf32>,
        tpu.vector_store %arg12[%parallel_loop3A_558, %parallel_loop3A_559], %parallel_loop3A_557 {strides = array<i32>} : memref<256x64xf32, #tpu.memory_space<vmem>>, vector<16xf32>,
        %parallel_loop3A_561 = arith.addi %parallel_loop3A_540, %add3A_16 : vector<16xi32>
        %parallel_loop3A_562 = tpu.vector_load_idx %arg7[%parallel_loop3A_561] : memref<12864xf32, #tpu.memory_space<vmem>>[vector<16xi32>], vector<16xf32>,
        %parallel_loop3A_563 = arith.mulf %parallel_loop3A_544, %get3A_5 : vector<16xf32>
        %parallel_loop3A_564 = arith.addf %parallel_loop3A_562, %parallel_loop3A_563 : vector<16xf32>
        %parallel_loop3A_565 = arith.index_cast %parallel_loop3A_546 : i32 to index
        %parallel_loop3A_566 = arith.constant 32 : index
        %parallel_loop3A_567 = tpu.vector_load %arg12[%parallel_loop3A_565, %parallel_loop3A_566] {strides = array<i32>} : memref<256x64xf32, #tpu.memory_space<vmem>>, vector<16xf32>,
        tpu.vector_store %arg12[%parallel_loop3A_565, %parallel_loop3A_566], %parallel_loop3A_564 {strides = array<i32>} : memref<256x64xf32, #tpu.memory_space<vmem>>, vector<16xf32>,
        %parallel_loop3A_568 = arith.addi %parallel_loop3A_540, %add3A_19 : vector<16xi32>
        %parallel_loop3A_569 = tpu.vector_load_idx %arg7[%parallel_loop3A_568] : memref<12864xf32, #tpu.memory_space<vmem>>[vector<16xi32>], vector<16xf32>,
        %parallel_loop3A_570 = arith.mulf %parallel_loop3A_544, %get3A_7 : vector<16xf32>
        %parallel_loop3A_571 = arith.addf %parallel_loop3A_569, %parallel_loop3A_570 : vector<16xf32>
        %parallel_loop3A_572 = arith.index_cast %parallel_loop3A_546 : i32 to index
        %parallel_loop3A_573 = arith.constant 48 : index
        %parallel_loop3A_574 = tpu.vector_load %arg12[%parallel_loop3A_572, %parallel_loop3A_573] {strides = array<i32>} : memref<256x64xf32, #tpu.memory_space<vmem>>, vector<16xf32>,
        tpu.vector_store %arg12[%parallel_loop3A_572, %parallel_loop3A_573], %parallel_loop3A_571 {strides = array<i32>} : memref<256x64xf32, #tpu.memory_space<vmem>>, vector<16xf32>,
        %parallel_loop3A_575 = arith.constant 12 : i32
        %parallel_loop3A_576 = vector.broadcast %parallel_loop3A_575 : i32 to vector<16x1xi32>
        %parallel_loop3A_577 = vector.shape_cast %parallel_loop3A_576 : vector<16x1xi32> to vector<16xi32>
        %parallel_loop3A_578 = tpu.dynamic_gather %parallel_loop3A_116[%parallel_loop3A_577] in [0] : vector<16xi32>, vector<16xi32> -> vector<16xi32>
        %parallel_loop3A_579 = arith.constant 12 : i32
        %parallel_loop3A_580 = vector.broadcast %parallel_loop3A_579 : i32 to vector<16x1xi32>
        %parallel_loop3A_581 = vector.shape_cast %parallel_loop3A_580 : vector<16x1xi32> to vector<16xi32>
        %parallel_loop3A_582 = tpu.dynamic_gather %parallel_loop3A_118[%parallel_loop3A_581] in [0] : vector<16xf32>, vector<16xi32> -> vector<16xf32>
        %parallel_loop3A_583 = arith.constant 12 : i32
        %parallel_loop3A_584 = arith.addi %parallel_loop3A_111, %parallel_loop3A_583 : i32
        %parallel_loop3A_585 = arith.addi %parallel_loop3A_578, %add3A_10 : vector<16xi32>
        %parallel_loop3A_586 = tpu.vector_load_idx %arg7[%parallel_loop3A_585] : memref<12864xf32, #tpu.memory_space<vmem>>[vector<16xi32>], vector<16xf32>,
        %parallel_loop3A_587 = arith.mulf %parallel_loop3A_582, %get3A_1 : vector<16xf32>
        %parallel_loop3A_588 = arith.addf %parallel_loop3A_586, %parallel_loop3A_587 : vector<16xf32>
        %parallel_loop3A_589 = arith.index_cast %parallel_loop3A_584 : i32 to index
        %parallel_loop3A_590 = arith.constant 0 : index
        %parallel_loop3A_591 = tpu.vector_load %arg12[%parallel_loop3A_589, %parallel_loop3A_590] {strides = array<i32>} : memref<256x64xf32, #tpu.memory_space<vmem>>, vector<16xf32>,
        tpu.vector_store %arg12[%parallel_loop3A_589, %parallel_loop3A_590], %parallel_loop3A_588 {strides = array<i32>} : memref<256x64xf32, #tpu.memory_space<vmem>>, vector<16xf32>,
        %parallel_loop3A_592 = arith.addi %parallel_loop3A_578, %add3A_13 : vector<16xi32>
        %parallel_loop3A_593 = tpu.vector_load_idx %arg7[%parallel_loop3A_592] : memref<12864xf32, #tpu.memory_space<vmem>>[vector<16xi32>], vector<16xf32>,
        %parallel_loop3A_594 = arith.mulf %parallel_loop3A_582, %get3A_3 : vector<16xf32>
        %parallel_loop3A_595 = arith.addf %parallel_loop3A_593, %parallel_loop3A_594 : vector<16xf32>
        %parallel_loop3A_596 = arith.index_cast %parallel_loop3A_584 : i32 to index
        %parallel_loop3A_597 = arith.constant 16 : index
        %parallel_loop3A_598 = tpu.vector_load %arg12[%parallel_loop3A_596, %parallel_loop3A_597] {strides = array<i32>} : memref<256x64xf32, #tpu.memory_space<vmem>>, vector<16xf32>,
        tpu.vector_store %arg12[%parallel_loop3A_596, %parallel_loop3A_597], %parallel_loop3A_595 {strides = array<i32>} : memref<256x64xf32, #tpu.memory_space<vmem>>, vector<16xf32>,
        %parallel_loop3A_599 = arith.addi %parallel_loop3A_578, %add3A_16 : vector<16xi32>
        %parallel_loop3A_600 = tpu.vector_load_idx %arg7[%parallel_loop3A_599] : memref<12864xf32, #tpu.memory_space<vmem>>[vector<16xi32>], vector<16xf32>,
        %parallel_loop3A_601 = arith.mulf %parallel_loop3A_582, %get3A_5 : vector<16xf32>
        %parallel_loop3A_602 = arith.addf %parallel_loop3A_600, %parallel_loop3A_601 : vector<16xf32>
        %parallel_loop3A_603 = arith.index_cast %parallel_loop3A_584 : i32 to index
        %parallel_loop3A_604 = arith.constant 32 : index
        %parallel_loop3A_605 = tpu.vector_load %arg12[%parallel_loop3A_603, %parallel_loop3A_604] {strides = array<i32>} : memref<256x64xf32, #tpu.memory_space<vmem>>, vector<16xf32>,
        tpu.vector_store %arg12[%parallel_loop3A_603, %parallel_loop3A_604], %parallel_loop3A_602 {strides = array<i32>} : memref<256x64xf32, #tpu.memory_space<vmem>>, vector<16xf32>,
        %parallel_loop3A_606 = arith.addi %parallel_loop3A_578, %add3A_19 : vector<16xi32>
        %parallel_loop3A_607 = tpu.vector_load_idx %arg7[%parallel_loop3A_606] : memref<12864xf32, #tpu.memory_space<vmem>>[vector<16xi32>], vector<16xf32>,
        %parallel_loop3A_608 = arith.mulf %parallel_loop3A_582, %get3A_7 : vector<16xf32>
        %parallel_loop3A_609 = arith.addf %parallel_loop3A_607, %parallel_loop3A_608 : vector<16xf32>
        %parallel_loop3A_610 = arith.index_cast %parallel_loop3A_584 : i32 to index
        %parallel_loop3A_611 = arith.constant 48 : index
        %parallel_loop3A_612 = tpu.vector_load %arg12[%parallel_loop3A_610, %parallel_loop3A_611] {strides = array<i32>} : memref<256x64xf32, #tpu.memory_space<vmem>>, vector<16xf32>,
        tpu.vector_store %arg12[%parallel_loop3A_610, %parallel_loop3A_611], %parallel_loop3A_609 {strides = array<i32>} : memref<256x64xf32, #tpu.memory_space<vmem>>, vector<16xf32>,
        %parallel_loop3A_613 = arith.constant 13 : i32
        %parallel_loop3A_614 = vector.broadcast %parallel_loop3A_613 : i32 to vector<16x1xi32>
        %parallel_loop3A_615 = vector.shape_cast %parallel_loop3A_614 : vector<16x1xi32> to vector<16xi32>
        %parallel_loop3A_616 = tpu.dynamic_gather %parallel_loop3A_116[%parallel_loop3A_615] in [0] : vector<16xi32>, vector<16xi32> -> vector<16xi32>
        %parallel_loop3A_617 = arith.constant 13 : i32
        %parallel_loop3A_618 = vector.broadcast %parallel_loop3A_617 : i32 to vector<16x1xi32>
        %parallel_loop3A_619 = vector.shape_cast %parallel_loop3A_618 : vector<16x1xi32> to vector<16xi32>
        %parallel_loop3A_620 = tpu.dynamic_gather %parallel_loop3A_118[%parallel_loop3A_619] in [0] : vector<16xf32>, vector<16xi32> -> vector<16xf32>
        %parallel_loop3A_621 = arith.constant 13 : i32
        %parallel_loop3A_622 = arith.addi %parallel_loop3A_111, %parallel_loop3A_621 : i32
        %parallel_loop3A_623 = arith.addi %parallel_loop3A_616, %add3A_10 : vector<16xi32>
        %parallel_loop3A_624 = tpu.vector_load_idx %arg7[%parallel_loop3A_623] : memref<12864xf32, #tpu.memory_space<vmem>>[vector<16xi32>], vector<16xf32>,
        %parallel_loop3A_625 = arith.mulf %parallel_loop3A_620, %get3A_1 : vector<16xf32>
        %parallel_loop3A_626 = arith.addf %parallel_loop3A_624, %parallel_loop3A_625 : vector<16xf32>
        %parallel_loop3A_627 = arith.index_cast %parallel_loop3A_622 : i32 to index
        %parallel_loop3A_628 = arith.constant 0 : index
        %parallel_loop3A_629 = tpu.vector_load %arg12[%parallel_loop3A_627, %parallel_loop3A_628] {strides = array<i32>} : memref<256x64xf32, #tpu.memory_space<vmem>>, vector<16xf32>,
        tpu.vector_store %arg12[%parallel_loop3A_627, %parallel_loop3A_628], %parallel_loop3A_626 {strides = array<i32>} : memref<256x64xf32, #tpu.memory_space<vmem>>, vector<16xf32>,
        %parallel_loop3A_630 = arith.addi %parallel_loop3A_616, %add3A_13 : vector<16xi32>
        %parallel_loop3A_631 = tpu.vector_load_idx %arg7[%parallel_loop3A_630] : memref<12864xf32, #tpu.memory_space<vmem>>[vector<16xi32>], vector<16xf32>,
        %parallel_loop3A_632 = arith.mulf %parallel_loop3A_620, %get3A_3 : vector<16xf32>
        %parallel_loop3A_633 = arith.addf %parallel_loop3A_631, %parallel_loop3A_632 : vector<16xf32>
        %parallel_loop3A_634 = arith.index_cast %parallel_loop3A_622 : i32 to index
        %parallel_loop3A_635 = arith.constant 16 : index
        %parallel_loop3A_636 = tpu.vector_load %arg12[%parallel_loop3A_634, %parallel_loop3A_635] {strides = array<i32>} : memref<256x64xf32, #tpu.memory_space<vmem>>, vector<16xf32>,
        tpu.vector_store %arg12[%parallel_loop3A_634, %parallel_loop3A_635], %parallel_loop3A_633 {strides = array<i32>} : memref<256x64xf32, #tpu.memory_space<vmem>>, vector<16xf32>,
        %parallel_loop3A_637 = arith.addi %parallel_loop3A_616, %add3A_16 : vector<16xi32>
        %parallel_loop3A_638 = tpu.vector_load_idx %arg7[%parallel_loop3A_637] : memref<12864xf32, #tpu.memory_space<vmem>>[vector<16xi32>], vector<16xf32>,
        %parallel_loop3A_639 = arith.mulf %parallel_loop3A_620, %get3A_5 : vector<16xf32>
        %parallel_loop3A_640 = arith.addf %parallel_loop3A_638, %parallel_loop3A_639 : vector<16xf32>
        %parallel_loop3A_641 = arith.index_cast %parallel_loop3A_622 : i32 to index
        %parallel_loop3A_642 = arith.constant 32 : index
        %parallel_loop3A_643 = tpu.vector_load %arg12[%parallel_loop3A_641, %parallel_loop3A_642] {strides = array<i32>} : memref<256x64xf32, #tpu.memory_space<vmem>>, vector<16xf32>,
        tpu.vector_store %arg12[%parallel_loop3A_641, %parallel_loop3A_642], %parallel_loop3A_640 {strides = array<i32>} : memref<256x64xf32, #tpu.memory_space<vmem>>, vector<16xf32>,
        %parallel_loop3A_644 = arith.addi %parallel_loop3A_616, %add3A_19 : vector<16xi32>
        %parallel_loop3A_645 = tpu.vector_load_idx %arg7[%parallel_loop3A_644] : memref<12864xf32, #tpu.memory_space<vmem>>[vector<16xi32>], vector<16xf32>,
        %parallel_loop3A_646 = arith.mulf %parallel_loop3A_620, %get3A_7 : vector<16xf32>
        %parallel_loop3A_647 = arith.addf %parallel_loop3A_645, %parallel_loop3A_646 : vector<16xf32>
        %parallel_loop3A_648 = arith.index_cast %parallel_loop3A_622 : i32 to index
        %parallel_loop3A_649 = arith.constant 48 : index
        %parallel_loop3A_650 = tpu.vector_load %arg12[%parallel_loop3A_648, %parallel_loop3A_649] {strides = array<i32>} : memref<256x64xf32, #tpu.memory_space<vmem>>, vector<16xf32>,
        tpu.vector_store %arg12[%parallel_loop3A_648, %parallel_loop3A_649], %parallel_loop3A_647 {strides = array<i32>} : memref<256x64xf32, #tpu.memory_space<vmem>>, vector<16xf32>,
        %parallel_loop3A_651 = arith.constant 14 : i32
        %parallel_loop3A_652 = vector.broadcast %parallel_loop3A_651 : i32 to vector<16x1xi32>
        %parallel_loop3A_653 = vector.shape_cast %parallel_loop3A_652 : vector<16x1xi32> to vector<16xi32>
        %parallel_loop3A_654 = tpu.dynamic_gather %parallel_loop3A_116[%parallel_loop3A_653] in [0] : vector<16xi32>, vector<16xi32> -> vector<16xi32>
        %parallel_loop3A_655 = arith.constant 14 : i32
        %parallel_loop3A_656 = vector.broadcast %parallel_loop3A_655 : i32 to vector<16x1xi32>
        %parallel_loop3A_657 = vector.shape_cast %parallel_loop3A_656 : vector<16x1xi32> to vector<16xi32>
        %parallel_loop3A_658 = tpu.dynamic_gather %parallel_loop3A_118[%parallel_loop3A_657] in [0] : vector<16xf32>, vector<16xi32> -> vector<16xf32>
        %parallel_loop3A_659 = arith.constant 14 : i32
        %parallel_loop3A_660 = arith.addi %parallel_loop3A_111, %parallel_loop3A_659 : i32
        %parallel_loop3A_661 = arith.addi %parallel_loop3A_654, %add3A_10 : vector<16xi32>
        %parallel_loop3A_662 = tpu.vector_load_idx %arg7[%parallel_loop3A_661] : memref<12864xf32, #tpu.memory_space<vmem>>[vector<16xi32>], vector<16xf32>,
        %parallel_loop3A_663 = arith.mulf %parallel_loop3A_658, %get3A_1 : vector<16xf32>
        %parallel_loop3A_664 = arith.addf %parallel_loop3A_662, %parallel_loop3A_663 : vector<16xf32>
        %parallel_loop3A_665 = arith.index_cast %parallel_loop3A_660 : i32 to index
        %parallel_loop3A_666 = arith.constant 0 : index
        %parallel_loop3A_667 = tpu.vector_load %arg12[%parallel_loop3A_665, %parallel_loop3A_666] {strides = array<i32>} : memref<256x64xf32, #tpu.memory_space<vmem>>, vector<16xf32>,
        tpu.vector_store %arg12[%parallel_loop3A_665, %parallel_loop3A_666], %parallel_loop3A_664 {strides = array<i32>} : memref<256x64xf32, #tpu.memory_space<vmem>>, vector<16xf32>,
        %parallel_loop3A_668 = arith.addi %parallel_loop3A_654, %add3A_13 : vector<16xi32>
        %parallel_loop3A_669 = tpu.vector_load_idx %arg7[%parallel_loop3A_668] : memref<12864xf32, #tpu.memory_space<vmem>>[vector<16xi32>], vector<16xf32>,
        %parallel_loop3A_670 = arith.mulf %parallel_loop3A_658, %get3A_3 : vector<16xf32>
        %parallel_loop3A_671 = arith.addf %parallel_loop3A_669, %parallel_loop3A_670 : vector<16xf32>
        %parallel_loop3A_672 = arith.index_cast %parallel_loop3A_660 : i32 to index
        %parallel_loop3A_673 = arith.constant 16 : index
        %parallel_loop3A_674 = tpu.vector_load %arg12[%parallel_loop3A_672, %parallel_loop3A_673] {strides = array<i32>} : memref<256x64xf32, #tpu.memory_space<vmem>>, vector<16xf32>,
        tpu.vector_store %arg12[%parallel_loop3A_672, %parallel_loop3A_673], %parallel_loop3A_671 {strides = array<i32>} : memref<256x64xf32, #tpu.memory_space<vmem>>, vector<16xf32>,
        %parallel_loop3A_675 = arith.addi %parallel_loop3A_654, %add3A_16 : vector<16xi32>
        %parallel_loop3A_676 = tpu.vector_load_idx %arg7[%parallel_loop3A_675] : memref<12864xf32, #tpu.memory_space<vmem>>[vector<16xi32>], vector<16xf32>,
        %parallel_loop3A_677 = arith.mulf %parallel_loop3A_658, %get3A_5 : vector<16xf32>
        %parallel_loop3A_678 = arith.addf %parallel_loop3A_676, %parallel_loop3A_677 : vector<16xf32>
        %parallel_loop3A_679 = arith.index_cast %parallel_loop3A_660 : i32 to index
        %parallel_loop3A_680 = arith.constant 32 : index
        %parallel_loop3A_681 = tpu.vector_load %arg12[%parallel_loop3A_679, %parallel_loop3A_680] {strides = array<i32>} : memref<256x64xf32, #tpu.memory_space<vmem>>, vector<16xf32>,
        tpu.vector_store %arg12[%parallel_loop3A_679, %parallel_loop3A_680], %parallel_loop3A_678 {strides = array<i32>} : memref<256x64xf32, #tpu.memory_space<vmem>>, vector<16xf32>,
        %parallel_loop3A_682 = arith.addi %parallel_loop3A_654, %add3A_19 : vector<16xi32>
        %parallel_loop3A_683 = tpu.vector_load_idx %arg7[%parallel_loop3A_682] : memref<12864xf32, #tpu.memory_space<vmem>>[vector<16xi32>], vector<16xf32>,
        %parallel_loop3A_684 = arith.mulf %parallel_loop3A_658, %get3A_7 : vector<16xf32>
        %parallel_loop3A_685 = arith.addf %parallel_loop3A_683, %parallel_loop3A_684 : vector<16xf32>
        %parallel_loop3A_686 = arith.index_cast %parallel_loop3A_660 : i32 to index
        %parallel_loop3A_687 = arith.constant 48 : index
        %parallel_loop3A_688 = tpu.vector_load %arg12[%parallel_loop3A_686, %parallel_loop3A_687] {strides = array<i32>} : memref<256x64xf32, #tpu.memory_space<vmem>>, vector<16xf32>,
        tpu.vector_store %arg12[%parallel_loop3A_686, %parallel_loop3A_687], %parallel_loop3A_685 {strides = array<i32>} : memref<256x64xf32, #tpu.memory_space<vmem>>, vector<16xf32>,
        %parallel_loop3A_689 = arith.constant 15 : i32
        %parallel_loop3A_690 = vector.broadcast %parallel_loop3A_689 : i32 to vector<16x1xi32>
        %parallel_loop3A_691 = vector.shape_cast %parallel_loop3A_690 : vector<16x1xi32> to vector<16xi32>
        %parallel_loop3A_692 = tpu.dynamic_gather %parallel_loop3A_116[%parallel_loop3A_691] in [0] : vector<16xi32>, vector<16xi32> -> vector<16xi32>
        %parallel_loop3A_693 = arith.constant 15 : i32
        %parallel_loop3A_694 = vector.broadcast %parallel_loop3A_693 : i32 to vector<16x1xi32>
        %parallel_loop3A_695 = vector.shape_cast %parallel_loop3A_694 : vector<16x1xi32> to vector<16xi32>
        %parallel_loop3A_696 = tpu.dynamic_gather %parallel_loop3A_118[%parallel_loop3A_695] in [0] : vector<16xf32>, vector<16xi32> -> vector<16xf32>
        %parallel_loop3A_697 = arith.constant 15 : i32
        %parallel_loop3A_698 = arith.addi %parallel_loop3A_111, %parallel_loop3A_697 : i32
        %parallel_loop3A_699 = arith.addi %parallel_loop3A_692, %add3A_10 : vector<16xi32>
        %parallel_loop3A_700 = tpu.vector_load_idx %arg7[%parallel_loop3A_699] : memref<12864xf32, #tpu.memory_space<vmem>>[vector<16xi32>], vector<16xf32>,
        %parallel_loop3A_701 = arith.mulf %parallel_loop3A_696, %get3A_1 : vector<16xf32>
        %parallel_loop3A_702 = arith.addf %parallel_loop3A_700, %parallel_loop3A_701 : vector<16xf32>
        %parallel_loop3A_703 = arith.index_cast %parallel_loop3A_698 : i32 to index
        %parallel_loop3A_704 = arith.constant 0 : index
        %parallel_loop3A_705 = tpu.vector_load %arg12[%parallel_loop3A_703, %parallel_loop3A_704] {strides = array<i32>} : memref<256x64xf32, #tpu.memory_space<vmem>>, vector<16xf32>,
        tpu.vector_store %arg12[%parallel_loop3A_703, %parallel_loop3A_704], %parallel_loop3A_702 {strides = array<i32>} : memref<256x64xf32, #tpu.memory_space<vmem>>, vector<16xf32>,
        %parallel_loop3A_706 = arith.addi %parallel_loop3A_692, %add3A_13 : vector<16xi32>
        %parallel_loop3A_707 = tpu.vector_load_idx %arg7[%parallel_loop3A_706] : memref<12864xf32, #tpu.memory_space<vmem>>[vector<16xi32>], vector<16xf32>,
        %parallel_loop3A_708 = arith.mulf %parallel_loop3A_696, %get3A_3 : vector<16xf32>
        %parallel_loop3A_709 = arith.addf %parallel_loop3A_707, %parallel_loop3A_708 : vector<16xf32>
        %parallel_loop3A_710 = arith.index_cast %parallel_loop3A_698 : i32 to index
        %parallel_loop3A_711 = arith.constant 16 : index
        %parallel_loop3A_712 = tpu.vector_load %arg12[%parallel_loop3A_710, %parallel_loop3A_711] {strides = array<i32>} : memref<256x64xf32, #tpu.memory_space<vmem>>, vector<16xf32>,
        tpu.vector_store %arg12[%parallel_loop3A_710, %parallel_loop3A_711], %parallel_loop3A_709 {strides = array<i32>} : memref<256x64xf32, #tpu.memory_space<vmem>>, vector<16xf32>,
        %parallel_loop3A_713 = arith.addi %parallel_loop3A_692, %add3A_16 : vector<16xi32>
        %parallel_loop3A_714 = tpu.vector_load_idx %arg7[%parallel_loop3A_713] : memref<12864xf32, #tpu.memory_space<vmem>>[vector<16xi32>], vector<16xf32>,
        %parallel_loop3A_715 = arith.mulf %parallel_loop3A_696, %get3A_5 : vector<16xf32>
        %parallel_loop3A_716 = arith.addf %parallel_loop3A_714, %parallel_loop3A_715 : vector<16xf32>
        %parallel_loop3A_717 = arith.index_cast %parallel_loop3A_698 : i32 to index
        %parallel_loop3A_718 = arith.constant 32 : index
        %parallel_loop3A_719 = tpu.vector_load %arg12[%parallel_loop3A_717, %parallel_loop3A_718] {strides = array<i32>} : memref<256x64xf32, #tpu.memory_space<vmem>>, vector<16xf32>,
        tpu.vector_store %arg12[%parallel_loop3A_717, %parallel_loop3A_718], %parallel_loop3A_716 {strides = array<i32>} : memref<256x64xf32, #tpu.memory_space<vmem>>, vector<16xf32>,
        %parallel_loop3A_720 = arith.addi %parallel_loop3A_692, %add3A_19 : vector<16xi32>
        %parallel_loop3A_721 = tpu.vector_load_idx %arg7[%parallel_loop3A_720] : memref<12864xf32, #tpu.memory_space<vmem>>[vector<16xi32>], vector<16xf32>,
        %parallel_loop3A_722 = arith.mulf %parallel_loop3A_696, %get3A_7 : vector<16xf32>
        %parallel_loop3A_723 = arith.addf %parallel_loop3A_721, %parallel_loop3A_722 : vector<16xf32>
        %parallel_loop3A_724 = arith.index_cast %parallel_loop3A_698 : i32 to index
        %parallel_loop3A_725 = arith.constant 48 : index
        %parallel_loop3A_726 = tpu.vector_load %arg12[%parallel_loop3A_724, %parallel_loop3A_725] {strides = array<i32>} : memref<256x64xf32, #tpu.memory_space<vmem>>, vector<16xf32>,
        tpu.vector_store %arg12[%parallel_loop3A_724, %parallel_loop3A_725], %parallel_loop3A_723 {strides = array<i32>} : memref<256x64xf32, #tpu.memory_space<vmem>>, vector<16xf32>,
      } {sc.loop_unroll_factor = 1 : i64, sc.parallel_access}
      %mul3A_66 = arith.constant 256 : i32
      %mul3A_67 = arith.muli %add3A_53, %mul3A_66 : i32
      %add3A_68 = arith.addi %mul3A_21, %mul3A_67 : i32
      %dma_start3A_69 = arith.constant 0 : i32
      %dma_start3A_70 = tpu.memref_slice %arg6[%add3A_68, %dma_start3A_69] : memref<819200x64xf32, #tpu.memory_space<hbm>> -> memref<256x64xf32, #tpu.memory_space<hbm>>
      %dma_start3A_71 = arith.constant 0 : i32
      %dma_start3A_72 = tpu.memref_slice %arg6[%add3A_68, %dma_start3A_71] : memref<819200x64xf32, #tpu.memory_space<hbm>> -> memref<256x64xf32, #tpu.memory_space<hbm>>
      tpu.enqueue_dma source(%arg12 : memref<256x64xf32, #tpu.memory_space<vmem>>) target(%dma_start3A_72 : memref<256x64xf32, #tpu.memory_space<hbm>>) target_semaphore(%arg17 : memref<!tpu.dma_semaphore, #tpu.memory_space<semaphore_mem>>)
      %lt3A = arith.constant 49 : i32
      %lt3A_73 = arith.cmpi slt, %scan3A_49, %lt3A : i32
      %convert_element_type3A_74 = arith.extui %lt3A_73 : i1 to i32
      %cond3A_75 = arith.constant 0 : i32
      %cond3A_76 = arith.cmpi ne, %convert_element_type3A_74, %cond3A_75 : i32
      scf.if %cond3A_76 {
        %add3A_109 = arith.constant 2 : i32
        %add3A_110 = arith.addi %add3A_53, %add3A_109 : i32
        %mul3A_111 = arith.constant 256 : i32
        %mul3A_112 = arith.muli %add3A_110, %mul3A_111 : i32
        %add3A_113 = arith.addi %mul3A_21, %mul3A_112 : i32
        %dma_start3A_114 = tpu.memref_slice %arg3[%add3A_113] : memref<819200xi32, #tpu.memory_space<hbm>> -> memref<256xi32, #tpu.memory_space<hbm>>
        %dma_start3A_115 = tpu.memref_slice %arg3[%add3A_113] : memref<819200xi32, #tpu.memory_space<hbm>> -> memref<256xi32, #tpu.memory_space<hbm>>
        tpu.enqueue_dma source(%dma_start3A_115 : memref<256xi32, #tpu.memory_space<hbm>>) target(%arg8 : memref<256xi32, #tpu.memory_space<vmem>>) target_semaphore(%arg15 : memref<!tpu.dma_semaphore, #tpu.memory_space<semaphore_mem>>)
        %dma_start3A_116 = tpu.memref_slice %arg4[%add3A_113] : memref<819200xf32, #tpu.memory_space<hbm>> -> memref<256xf32, #tpu.memory_space<hbm>>
        %dma_start3A_117 = tpu.memref_slice %arg4[%add3A_113] : memref<819200xf32, #tpu.memory_space<hbm>> -> memref<256xf32, #tpu.memory_space<hbm>>
        tpu.enqueue_dma source(%dma_start3A_117 : memref<256xf32, #tpu.memory_space<hbm>>) target(%arg10 : memref<256xf32, #tpu.memory_space<vmem>>) target_semaphore(%arg15 : memref<!tpu.dma_semaphore, #tpu.memory_space<semaphore_mem>>)
      } else {
      }
      %mul3A_77 = arith.constant 2 : i32
      %mul3A_78 = arith.muli %mul3A_77, %scan3A_49 : i32
      %add3A_79 = arith.constant 1 : i32
      %add3A_80 = arith.addi %mul3A_78, %add3A_79 : i32
      %dma_wait3A_81 = arith.constant 0 : i32
      %dma_wait3A_82 = tpu.memref_slice %arg3[%dma_wait3A_81] : memref<819200xi32, #tpu.memory_space<hbm>> -> memref<256xi32, #tpu.memory_space<hbm>>
      %dma_wait3A_83 = arith.constant 0 : i32
      %dma_wait3A_84 = tpu.memref_slice %arg3[%dma_wait3A_83] : memref<819200xi32, #tpu.memory_space<hbm>> -> memref<256xi32, #tpu.memory_space<hbm>>
      tpu.wait_dma2 semaphore(%arg16 : memref<!tpu.dma_semaphore, #tpu.memory_space<semaphore_mem>>) src(%dma_wait3A_84 : memref<256xi32, #tpu.memory_space<hbm>>) dst(%arg9 : memref<256xi32, #tpu.memory_space<vmem>>)
      %dma_wait3A_85 = arith.constant 0 : i32
      %dma_wait3A_86 = tpu.memref_slice %arg4[%dma_wait3A_85] : memref<819200xf32, #tpu.memory_space<hbm>> -> memref<256xf32, #tpu.memory_space<hbm>>
      %dma_wait3A_87 = arith.constant 0 : i32
      %dma_wait3A_88 = tpu.memref_slice %arg4[%dma_wait3A_87] : memref<819200xf32, #tpu.memory_space<hbm>> -> memref<256xf32, #tpu.memory_space<hbm>>
      tpu.wait_dma2 semaphore(%arg16 : memref<!tpu.dma_semaphore, #tpu.memory_space<semaphore_mem>>) src(%dma_wait3A_88 : memref<256xf32, #tpu.memory_space<hbm>>) dst(%arg11 : memref<256xf32, #tpu.memory_space<vmem>>)
      %ge3A_89 = arith.constant 1 : i32
      %ge3A_90 = arith.cmpi sge, %scan3A_49, %ge3A_89 : i32
      %convert_element_type3A_91 = arith.extui %ge3A_90 : i1 to i32
      %cond3A_92 = arith.constant 0 : i32
      %cond3A_93 = arith.cmpi ne, %convert_element_type3A_91, %cond3A_92 : i32
      scf.if %cond3A_93 {
        %dma_wait3A_109 = arith.constant 0 : i32
        %dma_wait3A_110 = arith.constant 0 : i32
        %dma_wait3A_111 = tpu.memref_slice %arg6[%dma_wait3A_109, %dma_wait3A_110] : memref<819200x64xf32, #tpu.memory_space<hbm>> -> memref<256x64xf32, #tpu.memory_space<hbm>>
        %dma_wait3A_112 = arith.constant 0 : i32
        %dma_wait3A_113 = arith.constant 0 : i32
        %dma_wait3A_114 = tpu.memref_slice %arg6[%dma_wait3A_112, %dma_wait3A_113] : memref<819200x64xf32, #tpu.memory_space<hbm>> -> memref<256x64xf32, #tpu.memory_space<hbm>>
        tpu.wait_dma2 semaphore(%arg18 : memref<!tpu.dma_semaphore, #tpu.memory_space<semaphore_mem>>) src(%arg13 : memref<256x64xf32, #tpu.memory_space<vmem>>) dst(%dma_wait3A_114 : memref<256x64xf32, #tpu.memory_space<hbm>>)
      } else {
      }
      %parallel_loop3A_94 = arith.constant 0 : i32
      %parallel_loop3A_95 = arith.constant 16 : i32
      %parallel_loop3A_96 = arith.constant 1 : i32
      scf.for %parallel_loop3A_109 = %parallel_loop3A_94 to %parallel_loop3A_95 step %parallel_loop3A_96  : i32 {
        %parallel_loop3A_110 = arith.constant 16 : i32
        %parallel_loop3A_111 = arith.muli %parallel_loop3A_109, %parallel_loop3A_110 : i32
        %parallel_loop3A_112 = arith.index_cast %parallel_loop3A_111 : i32 to index
        %parallel_loop3A_113 = tpu.vector_load %arg9[%parallel_loop3A_112] {strides = array<i32>} : memref<256xi32, #tpu.memory_space<vmem>>, vector<16xi32>,
        %parallel_loop3A_114 = arith.constant 64 : i32
        %parallel_loop3A_115 = vector.broadcast %parallel_loop3A_114 : i32 to vector<16xi32>
        %parallel_loop3A_116 = arith.muli %parallel_loop3A_113, %parallel_loop3A_115 : vector<16xi32>
        %parallel_loop3A_117 = arith.index_cast %parallel_loop3A_111 : i32 to index
        %parallel_loop3A_118 = tpu.vector_load %arg11[%parallel_loop3A_117] {strides = array<i32>} : memref<256xf32, #tpu.memory_space<vmem>>, vector<16xf32>,
        %parallel_loop3A_119 = arith.constant 0 : i32
        %parallel_loop3A_120 = vector.broadcast %parallel_loop3A_119 : i32 to vector<16x1xi32>
        %parallel_loop3A_121 = vector.shape_cast %parallel_loop3A_120 : vector<16x1xi32> to vector<16xi32>
        %parallel_loop3A_122 = tpu.dynamic_gather %parallel_loop3A_116[%parallel_loop3A_121] in [0] : vector<16xi32>, vector<16xi32> -> vector<16xi32>
        %parallel_loop3A_123 = arith.constant 0 : i32
        %parallel_loop3A_124 = vector.broadcast %parallel_loop3A_123 : i32 to vector<16x1xi32>
        %parallel_loop3A_125 = vector.shape_cast %parallel_loop3A_124 : vector<16x1xi32> to vector<16xi32>
        %parallel_loop3A_126 = tpu.dynamic_gather %parallel_loop3A_118[%parallel_loop3A_125] in [0] : vector<16xf32>, vector<16xi32> -> vector<16xf32>
        %parallel_loop3A_127 = arith.constant 0 : i32
        %parallel_loop3A_128 = arith.addi %parallel_loop3A_111, %parallel_loop3A_127 : i32
        %parallel_loop3A_129 = arith.addi %parallel_loop3A_122, %add3A_10 : vector<16xi32>
        %parallel_loop3A_130 = tpu.vector_load_idx %arg7[%parallel_loop3A_129] : memref<12864xf32, #tpu.memory_space<vmem>>[vector<16xi32>], vector<16xf32>,
        %parallel_loop3A_131 = arith.mulf %parallel_loop3A_126, %get3A_1 : vector<16xf32>
        %parallel_loop3A_132 = arith.addf %parallel_loop3A_130, %parallel_loop3A_131 : vector<16xf32>
        %parallel_loop3A_133 = arith.index_cast %parallel_loop3A_128 : i32 to index
        %parallel_loop3A_134 = arith.constant 0 : index
        %parallel_loop3A_135 = tpu.vector_load %arg13[%parallel_loop3A_133, %parallel_loop3A_134] {strides = array<i32>} : memref<256x64xf32, #tpu.memory_space<vmem>>, vector<16xf32>,
        tpu.vector_store %arg13[%parallel_loop3A_133, %parallel_loop3A_134], %parallel_loop3A_132 {strides = array<i32>} : memref<256x64xf32, #tpu.memory_space<vmem>>, vector<16xf32>,
        %parallel_loop3A_136 = arith.addi %parallel_loop3A_122, %add3A_13 : vector<16xi32>
        %parallel_loop3A_137 = tpu.vector_load_idx %arg7[%parallel_loop3A_136] : memref<12864xf32, #tpu.memory_space<vmem>>[vector<16xi32>], vector<16xf32>,
        %parallel_loop3A_138 = arith.mulf %parallel_loop3A_126, %get3A_3 : vector<16xf32>
        %parallel_loop3A_139 = arith.addf %parallel_loop3A_137, %parallel_loop3A_138 : vector<16xf32>
        %parallel_loop3A_140 = arith.index_cast %parallel_loop3A_128 : i32 to index
        %parallel_loop3A_141 = arith.constant 16 : index
        %parallel_loop3A_142 = tpu.vector_load %arg13[%parallel_loop3A_140, %parallel_loop3A_141] {strides = array<i32>} : memref<256x64xf32, #tpu.memory_space<vmem>>, vector<16xf32>,
        tpu.vector_store %arg13[%parallel_loop3A_140, %parallel_loop3A_141], %parallel_loop3A_139 {strides = array<i32>} : memref<256x64xf32, #tpu.memory_space<vmem>>, vector<16xf32>,
        %parallel_loop3A_143 = arith.addi %parallel_loop3A_122, %add3A_16 : vector<16xi32>
        %parallel_loop3A_144 = tpu.vector_load_idx %arg7[%parallel_loop3A_143] : memref<12864xf32, #tpu.memory_space<vmem>>[vector<16xi32>], vector<16xf32>,
        %parallel_loop3A_145 = arith.mulf %parallel_loop3A_126, %get3A_5 : vector<16xf32>
        %parallel_loop3A_146 = arith.addf %parallel_loop3A_144, %parallel_loop3A_145 : vector<16xf32>
        %parallel_loop3A_147 = arith.index_cast %parallel_loop3A_128 : i32 to index
        %parallel_loop3A_148 = arith.constant 32 : index
        %parallel_loop3A_149 = tpu.vector_load %arg13[%parallel_loop3A_147, %parallel_loop3A_148] {strides = array<i32>} : memref<256x64xf32, #tpu.memory_space<vmem>>, vector<16xf32>,
        tpu.vector_store %arg13[%parallel_loop3A_147, %parallel_loop3A_148], %parallel_loop3A_146 {strides = array<i32>} : memref<256x64xf32, #tpu.memory_space<vmem>>, vector<16xf32>,
        %parallel_loop3A_150 = arith.addi %parallel_loop3A_122, %add3A_19 : vector<16xi32>
        %parallel_loop3A_151 = tpu.vector_load_idx %arg7[%parallel_loop3A_150] : memref<12864xf32, #tpu.memory_space<vmem>>[vector<16xi32>], vector<16xf32>,
        %parallel_loop3A_152 = arith.mulf %parallel_loop3A_126, %get3A_7 : vector<16xf32>
        %parallel_loop3A_153 = arith.addf %parallel_loop3A_151, %parallel_loop3A_152 : vector<16xf32>
        %parallel_loop3A_154 = arith.index_cast %parallel_loop3A_128 : i32 to index
        %parallel_loop3A_155 = arith.constant 48 : index
        %parallel_loop3A_156 = tpu.vector_load %arg13[%parallel_loop3A_154, %parallel_loop3A_155] {strides = array<i32>} : memref<256x64xf32, #tpu.memory_space<vmem>>, vector<16xf32>,
        tpu.vector_store %arg13[%parallel_loop3A_154, %parallel_loop3A_155], %parallel_loop3A_153 {strides = array<i32>} : memref<256x64xf32, #tpu.memory_space<vmem>>, vector<16xf32>,
        %parallel_loop3A_157 = arith.constant 1 : i32
        %parallel_loop3A_158 = vector.broadcast %parallel_loop3A_157 : i32 to vector<16x1xi32>
        %parallel_loop3A_159 = vector.shape_cast %parallel_loop3A_158 : vector<16x1xi32> to vector<16xi32>
        %parallel_loop3A_160 = tpu.dynamic_gather %parallel_loop3A_116[%parallel_loop3A_159] in [0] : vector<16xi32>, vector<16xi32> -> vector<16xi32>
        %parallel_loop3A_161 = arith.constant 1 : i32
        %parallel_loop3A_162 = vector.broadcast %parallel_loop3A_161 : i32 to vector<16x1xi32>
        %parallel_loop3A_163 = vector.shape_cast %parallel_loop3A_162 : vector<16x1xi32> to vector<16xi32>
        %parallel_loop3A_164 = tpu.dynamic_gather %parallel_loop3A_118[%parallel_loop3A_163] in [0] : vector<16xf32>, vector<16xi32> -> vector<16xf32>
        %parallel_loop3A_165 = arith.constant 1 : i32
        %parallel_loop3A_166 = arith.addi %parallel_loop3A_111, %parallel_loop3A_165 : i32
        %parallel_loop3A_167 = arith.addi %parallel_loop3A_160, %add3A_10 : vector<16xi32>
        %parallel_loop3A_168 = tpu.vector_load_idx %arg7[%parallel_loop3A_167] : memref<12864xf32, #tpu.memory_space<vmem>>[vector<16xi32>], vector<16xf32>,
        %parallel_loop3A_169 = arith.mulf %parallel_loop3A_164, %get3A_1 : vector<16xf32>
        %parallel_loop3A_170 = arith.addf %parallel_loop3A_168, %parallel_loop3A_169 : vector<16xf32>
        %parallel_loop3A_171 = arith.index_cast %parallel_loop3A_166 : i32 to index
        %parallel_loop3A_172 = arith.constant 0 : index
        %parallel_loop3A_173 = tpu.vector_load %arg13[%parallel_loop3A_171, %parallel_loop3A_172] {strides = array<i32>} : memref<256x64xf32, #tpu.memory_space<vmem>>, vector<16xf32>,
        tpu.vector_store %arg13[%parallel_loop3A_171, %parallel_loop3A_172], %parallel_loop3A_170 {strides = array<i32>} : memref<256x64xf32, #tpu.memory_space<vmem>>, vector<16xf32>,
        %parallel_loop3A_174 = arith.addi %parallel_loop3A_160, %add3A_13 : vector<16xi32>
        %parallel_loop3A_175 = tpu.vector_load_idx %arg7[%parallel_loop3A_174] : memref<12864xf32, #tpu.memory_space<vmem>>[vector<16xi32>], vector<16xf32>,
        %parallel_loop3A_176 = arith.mulf %parallel_loop3A_164, %get3A_3 : vector<16xf32>
        %parallel_loop3A_177 = arith.addf %parallel_loop3A_175, %parallel_loop3A_176 : vector<16xf32>
        %parallel_loop3A_178 = arith.index_cast %parallel_loop3A_166 : i32 to index
        %parallel_loop3A_179 = arith.constant 16 : index
        %parallel_loop3A_180 = tpu.vector_load %arg13[%parallel_loop3A_178, %parallel_loop3A_179] {strides = array<i32>} : memref<256x64xf32, #tpu.memory_space<vmem>>, vector<16xf32>,
        tpu.vector_store %arg13[%parallel_loop3A_178, %parallel_loop3A_179], %parallel_loop3A_177 {strides = array<i32>} : memref<256x64xf32, #tpu.memory_space<vmem>>, vector<16xf32>,
        %parallel_loop3A_181 = arith.addi %parallel_loop3A_160, %add3A_16 : vector<16xi32>
        %parallel_loop3A_182 = tpu.vector_load_idx %arg7[%parallel_loop3A_181] : memref<12864xf32, #tpu.memory_space<vmem>>[vector<16xi32>], vector<16xf32>,
        %parallel_loop3A_183 = arith.mulf %parallel_loop3A_164, %get3A_5 : vector<16xf32>
        %parallel_loop3A_184 = arith.addf %parallel_loop3A_182, %parallel_loop3A_183 : vector<16xf32>
        %parallel_loop3A_185 = arith.index_cast %parallel_loop3A_166 : i32 to index
        %parallel_loop3A_186 = arith.constant 32 : index
        %parallel_loop3A_187 = tpu.vector_load %arg13[%parallel_loop3A_185, %parallel_loop3A_186] {strides = array<i32>} : memref<256x64xf32, #tpu.memory_space<vmem>>, vector<16xf32>,
        tpu.vector_store %arg13[%parallel_loop3A_185, %parallel_loop3A_186], %parallel_loop3A_184 {strides = array<i32>} : memref<256x64xf32, #tpu.memory_space<vmem>>, vector<16xf32>,
        %parallel_loop3A_188 = arith.addi %parallel_loop3A_160, %add3A_19 : vector<16xi32>
        %parallel_loop3A_189 = tpu.vector_load_idx %arg7[%parallel_loop3A_188] : memref<12864xf32, #tpu.memory_space<vmem>>[vector<16xi32>], vector<16xf32>,
        %parallel_loop3A_190 = arith.mulf %parallel_loop3A_164, %get3A_7 : vector<16xf32>
        %parallel_loop3A_191 = arith.addf %parallel_loop3A_189, %parallel_loop3A_190 : vector<16xf32>
        %parallel_loop3A_192 = arith.index_cast %parallel_loop3A_166 : i32 to index
        %parallel_loop3A_193 = arith.constant 48 : index
        %parallel_loop3A_194 = tpu.vector_load %arg13[%parallel_loop3A_192, %parallel_loop3A_193] {strides = array<i32>} : memref<256x64xf32, #tpu.memory_space<vmem>>, vector<16xf32>,
        tpu.vector_store %arg13[%parallel_loop3A_192, %parallel_loop3A_193], %parallel_loop3A_191 {strides = array<i32>} : memref<256x64xf32, #tpu.memory_space<vmem>>, vector<16xf32>,
        %parallel_loop3A_195 = arith.constant 2 : i32
        %parallel_loop3A_196 = vector.broadcast %parallel_loop3A_195 : i32 to vector<16x1xi32>
        %parallel_loop3A_197 = vector.shape_cast %parallel_loop3A_196 : vector<16x1xi32> to vector<16xi32>
        %parallel_loop3A_198 = tpu.dynamic_gather %parallel_loop3A_116[%parallel_loop3A_197] in [0] : vector<16xi32>, vector<16xi32> -> vector<16xi32>
        %parallel_loop3A_199 = arith.constant 2 : i32
        %parallel_loop3A_200 = vector.broadcast %parallel_loop3A_199 : i32 to vector<16x1xi32>
        %parallel_loop3A_201 = vector.shape_cast %parallel_loop3A_200 : vector<16x1xi32> to vector<16xi32>
        %parallel_loop3A_202 = tpu.dynamic_gather %parallel_loop3A_118[%parallel_loop3A_201] in [0] : vector<16xf32>, vector<16xi32> -> vector<16xf32>
        %parallel_loop3A_203 = arith.constant 2 : i32
        %parallel_loop3A_204 = arith.addi %parallel_loop3A_111, %parallel_loop3A_203 : i32
        %parallel_loop3A_205 = arith.addi %parallel_loop3A_198, %add3A_10 : vector<16xi32>
        %parallel_loop3A_206 = tpu.vector_load_idx %arg7[%parallel_loop3A_205] : memref<12864xf32, #tpu.memory_space<vmem>>[vector<16xi32>], vector<16xf32>,
        %parallel_loop3A_207 = arith.mulf %parallel_loop3A_202, %get3A_1 : vector<16xf32>
        %parallel_loop3A_208 = arith.addf %parallel_loop3A_206, %parallel_loop3A_207 : vector<16xf32>
        %parallel_loop3A_209 = arith.index_cast %parallel_loop3A_204 : i32 to index
        %parallel_loop3A_210 = arith.constant 0 : index
        %parallel_loop3A_211 = tpu.vector_load %arg13[%parallel_loop3A_209, %parallel_loop3A_210] {strides = array<i32>} : memref<256x64xf32, #tpu.memory_space<vmem>>, vector<16xf32>,
        tpu.vector_store %arg13[%parallel_loop3A_209, %parallel_loop3A_210], %parallel_loop3A_208 {strides = array<i32>} : memref<256x64xf32, #tpu.memory_space<vmem>>, vector<16xf32>,
        %parallel_loop3A_212 = arith.addi %parallel_loop3A_198, %add3A_13 : vector<16xi32>
        %parallel_loop3A_213 = tpu.vector_load_idx %arg7[%parallel_loop3A_212] : memref<12864xf32, #tpu.memory_space<vmem>>[vector<16xi32>], vector<16xf32>,
        %parallel_loop3A_214 = arith.mulf %parallel_loop3A_202, %get3A_3 : vector<16xf32>
        %parallel_loop3A_215 = arith.addf %parallel_loop3A_213, %parallel_loop3A_214 : vector<16xf32>
        %parallel_loop3A_216 = arith.index_cast %parallel_loop3A_204 : i32 to index
        %parallel_loop3A_217 = arith.constant 16 : index
        %parallel_loop3A_218 = tpu.vector_load %arg13[%parallel_loop3A_216, %parallel_loop3A_217] {strides = array<i32>} : memref<256x64xf32, #tpu.memory_space<vmem>>, vector<16xf32>,
        tpu.vector_store %arg13[%parallel_loop3A_216, %parallel_loop3A_217], %parallel_loop3A_215 {strides = array<i32>} : memref<256x64xf32, #tpu.memory_space<vmem>>, vector<16xf32>,
        %parallel_loop3A_219 = arith.addi %parallel_loop3A_198, %add3A_16 : vector<16xi32>
        %parallel_loop3A_220 = tpu.vector_load_idx %arg7[%parallel_loop3A_219] : memref<12864xf32, #tpu.memory_space<vmem>>[vector<16xi32>], vector<16xf32>,
        %parallel_loop3A_221 = arith.mulf %parallel_loop3A_202, %get3A_5 : vector<16xf32>
        %parallel_loop3A_222 = arith.addf %parallel_loop3A_220, %parallel_loop3A_221 : vector<16xf32>
        %parallel_loop3A_223 = arith.index_cast %parallel_loop3A_204 : i32 to index
        %parallel_loop3A_224 = arith.constant 32 : index
        %parallel_loop3A_225 = tpu.vector_load %arg13[%parallel_loop3A_223, %parallel_loop3A_224] {strides = array<i32>} : memref<256x64xf32, #tpu.memory_space<vmem>>, vector<16xf32>,
        tpu.vector_store %arg13[%parallel_loop3A_223, %parallel_loop3A_224], %parallel_loop3A_222 {strides = array<i32>} : memref<256x64xf32, #tpu.memory_space<vmem>>, vector<16xf32>,
        %parallel_loop3A_226 = arith.addi %parallel_loop3A_198, %add3A_19 : vector<16xi32>
        %parallel_loop3A_227 = tpu.vector_load_idx %arg7[%parallel_loop3A_226] : memref<12864xf32, #tpu.memory_space<vmem>>[vector<16xi32>], vector<16xf32>,
        %parallel_loop3A_228 = arith.mulf %parallel_loop3A_202, %get3A_7 : vector<16xf32>
        %parallel_loop3A_229 = arith.addf %parallel_loop3A_227, %parallel_loop3A_228 : vector<16xf32>
        %parallel_loop3A_230 = arith.index_cast %parallel_loop3A_204 : i32 to index
        %parallel_loop3A_231 = arith.constant 48 : index
        %parallel_loop3A_232 = tpu.vector_load %arg13[%parallel_loop3A_230, %parallel_loop3A_231] {strides = array<i32>} : memref<256x64xf32, #tpu.memory_space<vmem>>, vector<16xf32>,
        tpu.vector_store %arg13[%parallel_loop3A_230, %parallel_loop3A_231], %parallel_loop3A_229 {strides = array<i32>} : memref<256x64xf32, #tpu.memory_space<vmem>>, vector<16xf32>,
        %parallel_loop3A_233 = arith.constant 3 : i32
        %parallel_loop3A_234 = vector.broadcast %parallel_loop3A_233 : i32 to vector<16x1xi32>
        %parallel_loop3A_235 = vector.shape_cast %parallel_loop3A_234 : vector<16x1xi32> to vector<16xi32>
        %parallel_loop3A_236 = tpu.dynamic_gather %parallel_loop3A_116[%parallel_loop3A_235] in [0] : vector<16xi32>, vector<16xi32> -> vector<16xi32>
        %parallel_loop3A_237 = arith.constant 3 : i32
        %parallel_loop3A_238 = vector.broadcast %parallel_loop3A_237 : i32 to vector<16x1xi32>
        %parallel_loop3A_239 = vector.shape_cast %parallel_loop3A_238 : vector<16x1xi32> to vector<16xi32>
        %parallel_loop3A_240 = tpu.dynamic_gather %parallel_loop3A_118[%parallel_loop3A_239] in [0] : vector<16xf32>, vector<16xi32> -> vector<16xf32>
        %parallel_loop3A_241 = arith.constant 3 : i32
        %parallel_loop3A_242 = arith.addi %parallel_loop3A_111, %parallel_loop3A_241 : i32
        %parallel_loop3A_243 = arith.addi %parallel_loop3A_236, %add3A_10 : vector<16xi32>
        %parallel_loop3A_244 = tpu.vector_load_idx %arg7[%parallel_loop3A_243] : memref<12864xf32, #tpu.memory_space<vmem>>[vector<16xi32>], vector<16xf32>,
        %parallel_loop3A_245 = arith.mulf %parallel_loop3A_240, %get3A_1 : vector<16xf32>
        %parallel_loop3A_246 = arith.addf %parallel_loop3A_244, %parallel_loop3A_245 : vector<16xf32>
        %parallel_loop3A_247 = arith.index_cast %parallel_loop3A_242 : i32 to index
        %parallel_loop3A_248 = arith.constant 0 : index
        %parallel_loop3A_249 = tpu.vector_load %arg13[%parallel_loop3A_247, %parallel_loop3A_248] {strides = array<i32>} : memref<256x64xf32, #tpu.memory_space<vmem>>, vector<16xf32>,
        tpu.vector_store %arg13[%parallel_loop3A_247, %parallel_loop3A_248], %parallel_loop3A_246 {strides = array<i32>} : memref<256x64xf32, #tpu.memory_space<vmem>>, vector<16xf32>,
        %parallel_loop3A_250 = arith.addi %parallel_loop3A_236, %add3A_13 : vector<16xi32>
        %parallel_loop3A_251 = tpu.vector_load_idx %arg7[%parallel_loop3A_250] : memref<12864xf32, #tpu.memory_space<vmem>>[vector<16xi32>], vector<16xf32>,
        %parallel_loop3A_252 = arith.mulf %parallel_loop3A_240, %get3A_3 : vector<16xf32>
        %parallel_loop3A_253 = arith.addf %parallel_loop3A_251, %parallel_loop3A_252 : vector<16xf32>
        %parallel_loop3A_254 = arith.index_cast %parallel_loop3A_242 : i32 to index
        %parallel_loop3A_255 = arith.constant 16 : index
        %parallel_loop3A_256 = tpu.vector_load %arg13[%parallel_loop3A_254, %parallel_loop3A_255] {strides = array<i32>} : memref<256x64xf32, #tpu.memory_space<vmem>>, vector<16xf32>,
        tpu.vector_store %arg13[%parallel_loop3A_254, %parallel_loop3A_255], %parallel_loop3A_253 {strides = array<i32>} : memref<256x64xf32, #tpu.memory_space<vmem>>, vector<16xf32>,
        %parallel_loop3A_257 = arith.addi %parallel_loop3A_236, %add3A_16 : vector<16xi32>
        %parallel_loop3A_258 = tpu.vector_load_idx %arg7[%parallel_loop3A_257] : memref<12864xf32, #tpu.memory_space<vmem>>[vector<16xi32>], vector<16xf32>,
        %parallel_loop3A_259 = arith.mulf %parallel_loop3A_240, %get3A_5 : vector<16xf32>
        %parallel_loop3A_260 = arith.addf %parallel_loop3A_258, %parallel_loop3A_259 : vector<16xf32>
        %parallel_loop3A_261 = arith.index_cast %parallel_loop3A_242 : i32 to index
        %parallel_loop3A_262 = arith.constant 32 : index
        %parallel_loop3A_263 = tpu.vector_load %arg13[%parallel_loop3A_261, %parallel_loop3A_262] {strides = array<i32>} : memref<256x64xf32, #tpu.memory_space<vmem>>, vector<16xf32>,
        tpu.vector_store %arg13[%parallel_loop3A_261, %parallel_loop3A_262], %parallel_loop3A_260 {strides = array<i32>} : memref<256x64xf32, #tpu.memory_space<vmem>>, vector<16xf32>,
        %parallel_loop3A_264 = arith.addi %parallel_loop3A_236, %add3A_19 : vector<16xi32>
        %parallel_loop3A_265 = tpu.vector_load_idx %arg7[%parallel_loop3A_264] : memref<12864xf32, #tpu.memory_space<vmem>>[vector<16xi32>], vector<16xf32>,
        %parallel_loop3A_266 = arith.mulf %parallel_loop3A_240, %get3A_7 : vector<16xf32>
        %parallel_loop3A_267 = arith.addf %parallel_loop3A_265, %parallel_loop3A_266 : vector<16xf32>
        %parallel_loop3A_268 = arith.index_cast %parallel_loop3A_242 : i32 to index
        %parallel_loop3A_269 = arith.constant 48 : index
        %parallel_loop3A_270 = tpu.vector_load %arg13[%parallel_loop3A_268, %parallel_loop3A_269] {strides = array<i32>} : memref<256x64xf32, #tpu.memory_space<vmem>>, vector<16xf32>,
        tpu.vector_store %arg13[%parallel_loop3A_268, %parallel_loop3A_269], %parallel_loop3A_267 {strides = array<i32>} : memref<256x64xf32, #tpu.memory_space<vmem>>, vector<16xf32>,
        %parallel_loop3A_271 = arith.constant 4 : i32
        %parallel_loop3A_272 = vector.broadcast %parallel_loop3A_271 : i32 to vector<16x1xi32>
        %parallel_loop3A_273 = vector.shape_cast %parallel_loop3A_272 : vector<16x1xi32> to vector<16xi32>
        %parallel_loop3A_274 = tpu.dynamic_gather %parallel_loop3A_116[%parallel_loop3A_273] in [0] : vector<16xi32>, vector<16xi32> -> vector<16xi32>
        %parallel_loop3A_275 = arith.constant 4 : i32
        %parallel_loop3A_276 = vector.broadcast %parallel_loop3A_275 : i32 to vector<16x1xi32>
        %parallel_loop3A_277 = vector.shape_cast %parallel_loop3A_276 : vector<16x1xi32> to vector<16xi32>
        %parallel_loop3A_278 = tpu.dynamic_gather %parallel_loop3A_118[%parallel_loop3A_277] in [0] : vector<16xf32>, vector<16xi32> -> vector<16xf32>
        %parallel_loop3A_279 = arith.constant 4 : i32
        %parallel_loop3A_280 = arith.addi %parallel_loop3A_111, %parallel_loop3A_279 : i32
        %parallel_loop3A_281 = arith.addi %parallel_loop3A_274, %add3A_10 : vector<16xi32>
        %parallel_loop3A_282 = tpu.vector_load_idx %arg7[%parallel_loop3A_281] : memref<12864xf32, #tpu.memory_space<vmem>>[vector<16xi32>], vector<16xf32>,
        %parallel_loop3A_283 = arith.mulf %parallel_loop3A_278, %get3A_1 : vector<16xf32>
        %parallel_loop3A_284 = arith.addf %parallel_loop3A_282, %parallel_loop3A_283 : vector<16xf32>
        %parallel_loop3A_285 = arith.index_cast %parallel_loop3A_280 : i32 to index
        %parallel_loop3A_286 = arith.constant 0 : index
        %parallel_loop3A_287 = tpu.vector_load %arg13[%parallel_loop3A_285, %parallel_loop3A_286] {strides = array<i32>} : memref<256x64xf32, #tpu.memory_space<vmem>>, vector<16xf32>,
        tpu.vector_store %arg13[%parallel_loop3A_285, %parallel_loop3A_286], %parallel_loop3A_284 {strides = array<i32>} : memref<256x64xf32, #tpu.memory_space<vmem>>, vector<16xf32>,
        %parallel_loop3A_288 = arith.addi %parallel_loop3A_274, %add3A_13 : vector<16xi32>
        %parallel_loop3A_289 = tpu.vector_load_idx %arg7[%parallel_loop3A_288] : memref<12864xf32, #tpu.memory_space<vmem>>[vector<16xi32>], vector<16xf32>,
        %parallel_loop3A_290 = arith.mulf %parallel_loop3A_278, %get3A_3 : vector<16xf32>
        %parallel_loop3A_291 = arith.addf %parallel_loop3A_289, %parallel_loop3A_290 : vector<16xf32>
        %parallel_loop3A_292 = arith.index_cast %parallel_loop3A_280 : i32 to index
        %parallel_loop3A_293 = arith.constant 16 : index
        %parallel_loop3A_294 = tpu.vector_load %arg13[%parallel_loop3A_292, %parallel_loop3A_293] {strides = array<i32>} : memref<256x64xf32, #tpu.memory_space<vmem>>, vector<16xf32>,
        tpu.vector_store %arg13[%parallel_loop3A_292, %parallel_loop3A_293], %parallel_loop3A_291 {strides = array<i32>} : memref<256x64xf32, #tpu.memory_space<vmem>>, vector<16xf32>,
        %parallel_loop3A_295 = arith.addi %parallel_loop3A_274, %add3A_16 : vector<16xi32>
        %parallel_loop3A_296 = tpu.vector_load_idx %arg7[%parallel_loop3A_295] : memref<12864xf32, #tpu.memory_space<vmem>>[vector<16xi32>], vector<16xf32>,
        %parallel_loop3A_297 = arith.mulf %parallel_loop3A_278, %get3A_5 : vector<16xf32>
        %parallel_loop3A_298 = arith.addf %parallel_loop3A_296, %parallel_loop3A_297 : vector<16xf32>
        %parallel_loop3A_299 = arith.index_cast %parallel_loop3A_280 : i32 to index
        %parallel_loop3A_300 = arith.constant 32 : index
        %parallel_loop3A_301 = tpu.vector_load %arg13[%parallel_loop3A_299, %parallel_loop3A_300] {strides = array<i32>} : memref<256x64xf32, #tpu.memory_space<vmem>>, vector<16xf32>,
        tpu.vector_store %arg13[%parallel_loop3A_299, %parallel_loop3A_300], %parallel_loop3A_298 {strides = array<i32>} : memref<256x64xf32, #tpu.memory_space<vmem>>, vector<16xf32>,
        %parallel_loop3A_302 = arith.addi %parallel_loop3A_274, %add3A_19 : vector<16xi32>
        %parallel_loop3A_303 = tpu.vector_load_idx %arg7[%parallel_loop3A_302] : memref<12864xf32, #tpu.memory_space<vmem>>[vector<16xi32>], vector<16xf32>,
        %parallel_loop3A_304 = arith.mulf %parallel_loop3A_278, %get3A_7 : vector<16xf32>
        %parallel_loop3A_305 = arith.addf %parallel_loop3A_303, %parallel_loop3A_304 : vector<16xf32>
        %parallel_loop3A_306 = arith.index_cast %parallel_loop3A_280 : i32 to index
        %parallel_loop3A_307 = arith.constant 48 : index
        %parallel_loop3A_308 = tpu.vector_load %arg13[%parallel_loop3A_306, %parallel_loop3A_307] {strides = array<i32>} : memref<256x64xf32, #tpu.memory_space<vmem>>, vector<16xf32>,
        tpu.vector_store %arg13[%parallel_loop3A_306, %parallel_loop3A_307], %parallel_loop3A_305 {strides = array<i32>} : memref<256x64xf32, #tpu.memory_space<vmem>>, vector<16xf32>,
        %parallel_loop3A_309 = arith.constant 5 : i32
        %parallel_loop3A_310 = vector.broadcast %parallel_loop3A_309 : i32 to vector<16x1xi32>
        %parallel_loop3A_311 = vector.shape_cast %parallel_loop3A_310 : vector<16x1xi32> to vector<16xi32>
        %parallel_loop3A_312 = tpu.dynamic_gather %parallel_loop3A_116[%parallel_loop3A_311] in [0] : vector<16xi32>, vector<16xi32> -> vector<16xi32>
        %parallel_loop3A_313 = arith.constant 5 : i32
        %parallel_loop3A_314 = vector.broadcast %parallel_loop3A_313 : i32 to vector<16x1xi32>
        %parallel_loop3A_315 = vector.shape_cast %parallel_loop3A_314 : vector<16x1xi32> to vector<16xi32>
        %parallel_loop3A_316 = tpu.dynamic_gather %parallel_loop3A_118[%parallel_loop3A_315] in [0] : vector<16xf32>, vector<16xi32> -> vector<16xf32>
        %parallel_loop3A_317 = arith.constant 5 : i32
        %parallel_loop3A_318 = arith.addi %parallel_loop3A_111, %parallel_loop3A_317 : i32
        %parallel_loop3A_319 = arith.addi %parallel_loop3A_312, %add3A_10 : vector<16xi32>
        %parallel_loop3A_320 = tpu.vector_load_idx %arg7[%parallel_loop3A_319] : memref<12864xf32, #tpu.memory_space<vmem>>[vector<16xi32>], vector<16xf32>,
        %parallel_loop3A_321 = arith.mulf %parallel_loop3A_316, %get3A_1 : vector<16xf32>
        %parallel_loop3A_322 = arith.addf %parallel_loop3A_320, %parallel_loop3A_321 : vector<16xf32>
        %parallel_loop3A_323 = arith.index_cast %parallel_loop3A_318 : i32 to index
        %parallel_loop3A_324 = arith.constant 0 : index
        %parallel_loop3A_325 = tpu.vector_load %arg13[%parallel_loop3A_323, %parallel_loop3A_324] {strides = array<i32>} : memref<256x64xf32, #tpu.memory_space<vmem>>, vector<16xf32>,
        tpu.vector_store %arg13[%parallel_loop3A_323, %parallel_loop3A_324], %parallel_loop3A_322 {strides = array<i32>} : memref<256x64xf32, #tpu.memory_space<vmem>>, vector<16xf32>,
        %parallel_loop3A_326 = arith.addi %parallel_loop3A_312, %add3A_13 : vector<16xi32>
        %parallel_loop3A_327 = tpu.vector_load_idx %arg7[%parallel_loop3A_326] : memref<12864xf32, #tpu.memory_space<vmem>>[vector<16xi32>], vector<16xf32>,
        %parallel_loop3A_328 = arith.mulf %parallel_loop3A_316, %get3A_3 : vector<16xf32>
        %parallel_loop3A_329 = arith.addf %parallel_loop3A_327, %parallel_loop3A_328 : vector<16xf32>
        %parallel_loop3A_330 = arith.index_cast %parallel_loop3A_318 : i32 to index
        %parallel_loop3A_331 = arith.constant 16 : index
        %parallel_loop3A_332 = tpu.vector_load %arg13[%parallel_loop3A_330, %parallel_loop3A_331] {strides = array<i32>} : memref<256x64xf32, #tpu.memory_space<vmem>>, vector<16xf32>,
        tpu.vector_store %arg13[%parallel_loop3A_330, %parallel_loop3A_331], %parallel_loop3A_329 {strides = array<i32>} : memref<256x64xf32, #tpu.memory_space<vmem>>, vector<16xf32>,
        %parallel_loop3A_333 = arith.addi %parallel_loop3A_312, %add3A_16 : vector<16xi32>
        %parallel_loop3A_334 = tpu.vector_load_idx %arg7[%parallel_loop3A_333] : memref<12864xf32, #tpu.memory_space<vmem>>[vector<16xi32>], vector<16xf32>,
        %parallel_loop3A_335 = arith.mulf %parallel_loop3A_316, %get3A_5 : vector<16xf32>
        %parallel_loop3A_336 = arith.addf %parallel_loop3A_334, %parallel_loop3A_335 : vector<16xf32>
        %parallel_loop3A_337 = arith.index_cast %parallel_loop3A_318 : i32 to index
        %parallel_loop3A_338 = arith.constant 32 : index
        %parallel_loop3A_339 = tpu.vector_load %arg13[%parallel_loop3A_337, %parallel_loop3A_338] {strides = array<i32>} : memref<256x64xf32, #tpu.memory_space<vmem>>, vector<16xf32>,
        tpu.vector_store %arg13[%parallel_loop3A_337, %parallel_loop3A_338], %parallel_loop3A_336 {strides = array<i32>} : memref<256x64xf32, #tpu.memory_space<vmem>>, vector<16xf32>,
        %parallel_loop3A_340 = arith.addi %parallel_loop3A_312, %add3A_19 : vector<16xi32>
        %parallel_loop3A_341 = tpu.vector_load_idx %arg7[%parallel_loop3A_340] : memref<12864xf32, #tpu.memory_space<vmem>>[vector<16xi32>], vector<16xf32>,
        %parallel_loop3A_342 = arith.mulf %parallel_loop3A_316, %get3A_7 : vector<16xf32>
        %parallel_loop3A_343 = arith.addf %parallel_loop3A_341, %parallel_loop3A_342 : vector<16xf32>
        %parallel_loop3A_344 = arith.index_cast %parallel_loop3A_318 : i32 to index
        %parallel_loop3A_345 = arith.constant 48 : index
        %parallel_loop3A_346 = tpu.vector_load %arg13[%parallel_loop3A_344, %parallel_loop3A_345] {strides = array<i32>} : memref<256x64xf32, #tpu.memory_space<vmem>>, vector<16xf32>,
        tpu.vector_store %arg13[%parallel_loop3A_344, %parallel_loop3A_345], %parallel_loop3A_343 {strides = array<i32>} : memref<256x64xf32, #tpu.memory_space<vmem>>, vector<16xf32>,
        %parallel_loop3A_347 = arith.constant 6 : i32
        %parallel_loop3A_348 = vector.broadcast %parallel_loop3A_347 : i32 to vector<16x1xi32>
        %parallel_loop3A_349 = vector.shape_cast %parallel_loop3A_348 : vector<16x1xi32> to vector<16xi32>
        %parallel_loop3A_350 = tpu.dynamic_gather %parallel_loop3A_116[%parallel_loop3A_349] in [0] : vector<16xi32>, vector<16xi32> -> vector<16xi32>
        %parallel_loop3A_351 = arith.constant 6 : i32
        %parallel_loop3A_352 = vector.broadcast %parallel_loop3A_351 : i32 to vector<16x1xi32>
        %parallel_loop3A_353 = vector.shape_cast %parallel_loop3A_352 : vector<16x1xi32> to vector<16xi32>
        %parallel_loop3A_354 = tpu.dynamic_gather %parallel_loop3A_118[%parallel_loop3A_353] in [0] : vector<16xf32>, vector<16xi32> -> vector<16xf32>
        %parallel_loop3A_355 = arith.constant 6 : i32
        %parallel_loop3A_356 = arith.addi %parallel_loop3A_111, %parallel_loop3A_355 : i32
        %parallel_loop3A_357 = arith.addi %parallel_loop3A_350, %add3A_10 : vector<16xi32>
        %parallel_loop3A_358 = tpu.vector_load_idx %arg7[%parallel_loop3A_357] : memref<12864xf32, #tpu.memory_space<vmem>>[vector<16xi32>], vector<16xf32>,
        %parallel_loop3A_359 = arith.mulf %parallel_loop3A_354, %get3A_1 : vector<16xf32>
        %parallel_loop3A_360 = arith.addf %parallel_loop3A_358, %parallel_loop3A_359 : vector<16xf32>
        %parallel_loop3A_361 = arith.index_cast %parallel_loop3A_356 : i32 to index
        %parallel_loop3A_362 = arith.constant 0 : index
        %parallel_loop3A_363 = tpu.vector_load %arg13[%parallel_loop3A_361, %parallel_loop3A_362] {strides = array<i32>} : memref<256x64xf32, #tpu.memory_space<vmem>>, vector<16xf32>,
        tpu.vector_store %arg13[%parallel_loop3A_361, %parallel_loop3A_362], %parallel_loop3A_360 {strides = array<i32>} : memref<256x64xf32, #tpu.memory_space<vmem>>, vector<16xf32>,
        %parallel_loop3A_364 = arith.addi %parallel_loop3A_350, %add3A_13 : vector<16xi32>
        %parallel_loop3A_365 = tpu.vector_load_idx %arg7[%parallel_loop3A_364] : memref<12864xf32, #tpu.memory_space<vmem>>[vector<16xi32>], vector<16xf32>,
        %parallel_loop3A_366 = arith.mulf %parallel_loop3A_354, %get3A_3 : vector<16xf32>
        %parallel_loop3A_367 = arith.addf %parallel_loop3A_365, %parallel_loop3A_366 : vector<16xf32>
        %parallel_loop3A_368 = arith.index_cast %parallel_loop3A_356 : i32 to index
        %parallel_loop3A_369 = arith.constant 16 : index
        %parallel_loop3A_370 = tpu.vector_load %arg13[%parallel_loop3A_368, %parallel_loop3A_369] {strides = array<i32>} : memref<256x64xf32, #tpu.memory_space<vmem>>, vector<16xf32>,
        tpu.vector_store %arg13[%parallel_loop3A_368, %parallel_loop3A_369], %parallel_loop3A_367 {strides = array<i32>} : memref<256x64xf32, #tpu.memory_space<vmem>>, vector<16xf32>,
        %parallel_loop3A_371 = arith.addi %parallel_loop3A_350, %add3A_16 : vector<16xi32>
        %parallel_loop3A_372 = tpu.vector_load_idx %arg7[%parallel_loop3A_371] : memref<12864xf32, #tpu.memory_space<vmem>>[vector<16xi32>], vector<16xf32>,
        %parallel_loop3A_373 = arith.mulf %parallel_loop3A_354, %get3A_5 : vector<16xf32>
        %parallel_loop3A_374 = arith.addf %parallel_loop3A_372, %parallel_loop3A_373 : vector<16xf32>
        %parallel_loop3A_375 = arith.index_cast %parallel_loop3A_356 : i32 to index
        %parallel_loop3A_376 = arith.constant 32 : index
        %parallel_loop3A_377 = tpu.vector_load %arg13[%parallel_loop3A_375, %parallel_loop3A_376] {strides = array<i32>} : memref<256x64xf32, #tpu.memory_space<vmem>>, vector<16xf32>,
        tpu.vector_store %arg13[%parallel_loop3A_375, %parallel_loop3A_376], %parallel_loop3A_374 {strides = array<i32>} : memref<256x64xf32, #tpu.memory_space<vmem>>, vector<16xf32>,
        %parallel_loop3A_378 = arith.addi %parallel_loop3A_350, %add3A_19 : vector<16xi32>
        %parallel_loop3A_379 = tpu.vector_load_idx %arg7[%parallel_loop3A_378] : memref<12864xf32, #tpu.memory_space<vmem>>[vector<16xi32>], vector<16xf32>,
        %parallel_loop3A_380 = arith.mulf %parallel_loop3A_354, %get3A_7 : vector<16xf32>
        %parallel_loop3A_381 = arith.addf %parallel_loop3A_379, %parallel_loop3A_380 : vector<16xf32>
        %parallel_loop3A_382 = arith.index_cast %parallel_loop3A_356 : i32 to index
        %parallel_loop3A_383 = arith.constant 48 : index
        %parallel_loop3A_384 = tpu.vector_load %arg13[%parallel_loop3A_382, %parallel_loop3A_383] {strides = array<i32>} : memref<256x64xf32, #tpu.memory_space<vmem>>, vector<16xf32>,
        tpu.vector_store %arg13[%parallel_loop3A_382, %parallel_loop3A_383], %parallel_loop3A_381 {strides = array<i32>} : memref<256x64xf32, #tpu.memory_space<vmem>>, vector<16xf32>,
        %parallel_loop3A_385 = arith.constant 7 : i32
        %parallel_loop3A_386 = vector.broadcast %parallel_loop3A_385 : i32 to vector<16x1xi32>
        %parallel_loop3A_387 = vector.shape_cast %parallel_loop3A_386 : vector<16x1xi32> to vector<16xi32>
        %parallel_loop3A_388 = tpu.dynamic_gather %parallel_loop3A_116[%parallel_loop3A_387] in [0] : vector<16xi32>, vector<16xi32> -> vector<16xi32>
        %parallel_loop3A_389 = arith.constant 7 : i32
        %parallel_loop3A_390 = vector.broadcast %parallel_loop3A_389 : i32 to vector<16x1xi32>
        %parallel_loop3A_391 = vector.shape_cast %parallel_loop3A_390 : vector<16x1xi32> to vector<16xi32>
        %parallel_loop3A_392 = tpu.dynamic_gather %parallel_loop3A_118[%parallel_loop3A_391] in [0] : vector<16xf32>, vector<16xi32> -> vector<16xf32>
        %parallel_loop3A_393 = arith.constant 7 : i32
        %parallel_loop3A_394 = arith.addi %parallel_loop3A_111, %parallel_loop3A_393 : i32
        %parallel_loop3A_395 = arith.addi %parallel_loop3A_388, %add3A_10 : vector<16xi32>
        %parallel_loop3A_396 = tpu.vector_load_idx %arg7[%parallel_loop3A_395] : memref<12864xf32, #tpu.memory_space<vmem>>[vector<16xi32>], vector<16xf32>,
        %parallel_loop3A_397 = arith.mulf %parallel_loop3A_392, %get3A_1 : vector<16xf32>
        %parallel_loop3A_398 = arith.addf %parallel_loop3A_396, %parallel_loop3A_397 : vector<16xf32>
        %parallel_loop3A_399 = arith.index_cast %parallel_loop3A_394 : i32 to index
        %parallel_loop3A_400 = arith.constant 0 : index
        %parallel_loop3A_401 = tpu.vector_load %arg13[%parallel_loop3A_399, %parallel_loop3A_400] {strides = array<i32>} : memref<256x64xf32, #tpu.memory_space<vmem>>, vector<16xf32>,
        tpu.vector_store %arg13[%parallel_loop3A_399, %parallel_loop3A_400], %parallel_loop3A_398 {strides = array<i32>} : memref<256x64xf32, #tpu.memory_space<vmem>>, vector<16xf32>,
        %parallel_loop3A_402 = arith.addi %parallel_loop3A_388, %add3A_13 : vector<16xi32>
        %parallel_loop3A_403 = tpu.vector_load_idx %arg7[%parallel_loop3A_402] : memref<12864xf32, #tpu.memory_space<vmem>>[vector<16xi32>], vector<16xf32>,
        %parallel_loop3A_404 = arith.mulf %parallel_loop3A_392, %get3A_3 : vector<16xf32>
        %parallel_loop3A_405 = arith.addf %parallel_loop3A_403, %parallel_loop3A_404 : vector<16xf32>
        %parallel_loop3A_406 = arith.index_cast %parallel_loop3A_394 : i32 to index
        %parallel_loop3A_407 = arith.constant 16 : index
        %parallel_loop3A_408 = tpu.vector_load %arg13[%parallel_loop3A_406, %parallel_loop3A_407] {strides = array<i32>} : memref<256x64xf32, #tpu.memory_space<vmem>>, vector<16xf32>,
        tpu.vector_store %arg13[%parallel_loop3A_406, %parallel_loop3A_407], %parallel_loop3A_405 {strides = array<i32>} : memref<256x64xf32, #tpu.memory_space<vmem>>, vector<16xf32>,
        %parallel_loop3A_409 = arith.addi %parallel_loop3A_388, %add3A_16 : vector<16xi32>
        %parallel_loop3A_410 = tpu.vector_load_idx %arg7[%parallel_loop3A_409] : memref<12864xf32, #tpu.memory_space<vmem>>[vector<16xi32>], vector<16xf32>,
        %parallel_loop3A_411 = arith.mulf %parallel_loop3A_392, %get3A_5 : vector<16xf32>
        %parallel_loop3A_412 = arith.addf %parallel_loop3A_410, %parallel_loop3A_411 : vector<16xf32>
        %parallel_loop3A_413 = arith.index_cast %parallel_loop3A_394 : i32 to index
        %parallel_loop3A_414 = arith.constant 32 : index
        %parallel_loop3A_415 = tpu.vector_load %arg13[%parallel_loop3A_413, %parallel_loop3A_414] {strides = array<i32>} : memref<256x64xf32, #tpu.memory_space<vmem>>, vector<16xf32>,
        tpu.vector_store %arg13[%parallel_loop3A_413, %parallel_loop3A_414], %parallel_loop3A_412 {strides = array<i32>} : memref<256x64xf32, #tpu.memory_space<vmem>>, vector<16xf32>,
        %parallel_loop3A_416 = arith.addi %parallel_loop3A_388, %add3A_19 : vector<16xi32>
        %parallel_loop3A_417 = tpu.vector_load_idx %arg7[%parallel_loop3A_416] : memref<12864xf32, #tpu.memory_space<vmem>>[vector<16xi32>], vector<16xf32>,
        %parallel_loop3A_418 = arith.mulf %parallel_loop3A_392, %get3A_7 : vector<16xf32>
        %parallel_loop3A_419 = arith.addf %parallel_loop3A_417, %parallel_loop3A_418 : vector<16xf32>
        %parallel_loop3A_420 = arith.index_cast %parallel_loop3A_394 : i32 to index
        %parallel_loop3A_421 = arith.constant 48 : index
        %parallel_loop3A_422 = tpu.vector_load %arg13[%parallel_loop3A_420, %parallel_loop3A_421] {strides = array<i32>} : memref<256x64xf32, #tpu.memory_space<vmem>>, vector<16xf32>,
        tpu.vector_store %arg13[%parallel_loop3A_420, %parallel_loop3A_421], %parallel_loop3A_419 {strides = array<i32>} : memref<256x64xf32, #tpu.memory_space<vmem>>, vector<16xf32>,
        %parallel_loop3A_423 = arith.constant 8 : i32
        %parallel_loop3A_424 = vector.broadcast %parallel_loop3A_423 : i32 to vector<16x1xi32>
        %parallel_loop3A_425 = vector.shape_cast %parallel_loop3A_424 : vector<16x1xi32> to vector<16xi32>
        %parallel_loop3A_426 = tpu.dynamic_gather %parallel_loop3A_116[%parallel_loop3A_425] in [0] : vector<16xi32>, vector<16xi32> -> vector<16xi32>
        %parallel_loop3A_427 = arith.constant 8 : i32
        %parallel_loop3A_428 = vector.broadcast %parallel_loop3A_427 : i32 to vector<16x1xi32>
        %parallel_loop3A_429 = vector.shape_cast %parallel_loop3A_428 : vector<16x1xi32> to vector<16xi32>
        %parallel_loop3A_430 = tpu.dynamic_gather %parallel_loop3A_118[%parallel_loop3A_429] in [0] : vector<16xf32>, vector<16xi32> -> vector<16xf32>
        %parallel_loop3A_431 = arith.constant 8 : i32
        %parallel_loop3A_432 = arith.addi %parallel_loop3A_111, %parallel_loop3A_431 : i32
        %parallel_loop3A_433 = arith.addi %parallel_loop3A_426, %add3A_10 : vector<16xi32>
        %parallel_loop3A_434 = tpu.vector_load_idx %arg7[%parallel_loop3A_433] : memref<12864xf32, #tpu.memory_space<vmem>>[vector<16xi32>], vector<16xf32>,
        %parallel_loop3A_435 = arith.mulf %parallel_loop3A_430, %get3A_1 : vector<16xf32>
        %parallel_loop3A_436 = arith.addf %parallel_loop3A_434, %parallel_loop3A_435 : vector<16xf32>
        %parallel_loop3A_437 = arith.index_cast %parallel_loop3A_432 : i32 to index
        %parallel_loop3A_438 = arith.constant 0 : index
        %parallel_loop3A_439 = tpu.vector_load %arg13[%parallel_loop3A_437, %parallel_loop3A_438] {strides = array<i32>} : memref<256x64xf32, #tpu.memory_space<vmem>>, vector<16xf32>,
        tpu.vector_store %arg13[%parallel_loop3A_437, %parallel_loop3A_438], %parallel_loop3A_436 {strides = array<i32>} : memref<256x64xf32, #tpu.memory_space<vmem>>, vector<16xf32>,
        %parallel_loop3A_440 = arith.addi %parallel_loop3A_426, %add3A_13 : vector<16xi32>
        %parallel_loop3A_441 = tpu.vector_load_idx %arg7[%parallel_loop3A_440] : memref<12864xf32, #tpu.memory_space<vmem>>[vector<16xi32>], vector<16xf32>,
        %parallel_loop3A_442 = arith.mulf %parallel_loop3A_430, %get3A_3 : vector<16xf32>
        %parallel_loop3A_443 = arith.addf %parallel_loop3A_441, %parallel_loop3A_442 : vector<16xf32>
        %parallel_loop3A_444 = arith.index_cast %parallel_loop3A_432 : i32 to index
        %parallel_loop3A_445 = arith.constant 16 : index
        %parallel_loop3A_446 = tpu.vector_load %arg13[%parallel_loop3A_444, %parallel_loop3A_445] {strides = array<i32>} : memref<256x64xf32, #tpu.memory_space<vmem>>, vector<16xf32>,
        tpu.vector_store %arg13[%parallel_loop3A_444, %parallel_loop3A_445], %parallel_loop3A_443 {strides = array<i32>} : memref<256x64xf32, #tpu.memory_space<vmem>>, vector<16xf32>,
        %parallel_loop3A_447 = arith.addi %parallel_loop3A_426, %add3A_16 : vector<16xi32>
        %parallel_loop3A_448 = tpu.vector_load_idx %arg7[%parallel_loop3A_447] : memref<12864xf32, #tpu.memory_space<vmem>>[vector<16xi32>], vector<16xf32>,
        %parallel_loop3A_449 = arith.mulf %parallel_loop3A_430, %get3A_5 : vector<16xf32>
        %parallel_loop3A_450 = arith.addf %parallel_loop3A_448, %parallel_loop3A_449 : vector<16xf32>
        %parallel_loop3A_451 = arith.index_cast %parallel_loop3A_432 : i32 to index
        %parallel_loop3A_452 = arith.constant 32 : index
        %parallel_loop3A_453 = tpu.vector_load %arg13[%parallel_loop3A_451, %parallel_loop3A_452] {strides = array<i32>} : memref<256x64xf32, #tpu.memory_space<vmem>>, vector<16xf32>,
        tpu.vector_store %arg13[%parallel_loop3A_451, %parallel_loop3A_452], %parallel_loop3A_450 {strides = array<i32>} : memref<256x64xf32, #tpu.memory_space<vmem>>, vector<16xf32>,
        %parallel_loop3A_454 = arith.addi %parallel_loop3A_426, %add3A_19 : vector<16xi32>
        %parallel_loop3A_455 = tpu.vector_load_idx %arg7[%parallel_loop3A_454] : memref<12864xf32, #tpu.memory_space<vmem>>[vector<16xi32>], vector<16xf32>,
        %parallel_loop3A_456 = arith.mulf %parallel_loop3A_430, %get3A_7 : vector<16xf32>
        %parallel_loop3A_457 = arith.addf %parallel_loop3A_455, %parallel_loop3A_456 : vector<16xf32>
        %parallel_loop3A_458 = arith.index_cast %parallel_loop3A_432 : i32 to index
        %parallel_loop3A_459 = arith.constant 48 : index
        %parallel_loop3A_460 = tpu.vector_load %arg13[%parallel_loop3A_458, %parallel_loop3A_459] {strides = array<i32>} : memref<256x64xf32, #tpu.memory_space<vmem>>, vector<16xf32>,
        tpu.vector_store %arg13[%parallel_loop3A_458, %parallel_loop3A_459], %parallel_loop3A_457 {strides = array<i32>} : memref<256x64xf32, #tpu.memory_space<vmem>>, vector<16xf32>,
        %parallel_loop3A_461 = arith.constant 9 : i32
        %parallel_loop3A_462 = vector.broadcast %parallel_loop3A_461 : i32 to vector<16x1xi32>
        %parallel_loop3A_463 = vector.shape_cast %parallel_loop3A_462 : vector<16x1xi32> to vector<16xi32>
        %parallel_loop3A_464 = tpu.dynamic_gather %parallel_loop3A_116[%parallel_loop3A_463] in [0] : vector<16xi32>, vector<16xi32> -> vector<16xi32>
        %parallel_loop3A_465 = arith.constant 9 : i32
        %parallel_loop3A_466 = vector.broadcast %parallel_loop3A_465 : i32 to vector<16x1xi32>
        %parallel_loop3A_467 = vector.shape_cast %parallel_loop3A_466 : vector<16x1xi32> to vector<16xi32>
        %parallel_loop3A_468 = tpu.dynamic_gather %parallel_loop3A_118[%parallel_loop3A_467] in [0] : vector<16xf32>, vector<16xi32> -> vector<16xf32>
        %parallel_loop3A_469 = arith.constant 9 : i32
        %parallel_loop3A_470 = arith.addi %parallel_loop3A_111, %parallel_loop3A_469 : i32
        %parallel_loop3A_471 = arith.addi %parallel_loop3A_464, %add3A_10 : vector<16xi32>
        %parallel_loop3A_472 = tpu.vector_load_idx %arg7[%parallel_loop3A_471] : memref<12864xf32, #tpu.memory_space<vmem>>[vector<16xi32>], vector<16xf32>,
        %parallel_loop3A_473 = arith.mulf %parallel_loop3A_468, %get3A_1 : vector<16xf32>
        %parallel_loop3A_474 = arith.addf %parallel_loop3A_472, %parallel_loop3A_473 : vector<16xf32>
        %parallel_loop3A_475 = arith.index_cast %parallel_loop3A_470 : i32 to index
        %parallel_loop3A_476 = arith.constant 0 : index
        %parallel_loop3A_477 = tpu.vector_load %arg13[%parallel_loop3A_475, %parallel_loop3A_476] {strides = array<i32>} : memref<256x64xf32, #tpu.memory_space<vmem>>, vector<16xf32>,
        tpu.vector_store %arg13[%parallel_loop3A_475, %parallel_loop3A_476], %parallel_loop3A_474 {strides = array<i32>} : memref<256x64xf32, #tpu.memory_space<vmem>>, vector<16xf32>,
        %parallel_loop3A_478 = arith.addi %parallel_loop3A_464, %add3A_13 : vector<16xi32>
        %parallel_loop3A_479 = tpu.vector_load_idx %arg7[%parallel_loop3A_478] : memref<12864xf32, #tpu.memory_space<vmem>>[vector<16xi32>], vector<16xf32>,
        %parallel_loop3A_480 = arith.mulf %parallel_loop3A_468, %get3A_3 : vector<16xf32>
        %parallel_loop3A_481 = arith.addf %parallel_loop3A_479, %parallel_loop3A_480 : vector<16xf32>
        %parallel_loop3A_482 = arith.index_cast %parallel_loop3A_470 : i32 to index
        %parallel_loop3A_483 = arith.constant 16 : index
        %parallel_loop3A_484 = tpu.vector_load %arg13[%parallel_loop3A_482, %parallel_loop3A_483] {strides = array<i32>} : memref<256x64xf32, #tpu.memory_space<vmem>>, vector<16xf32>,
        tpu.vector_store %arg13[%parallel_loop3A_482, %parallel_loop3A_483], %parallel_loop3A_481 {strides = array<i32>} : memref<256x64xf32, #tpu.memory_space<vmem>>, vector<16xf32>,
        %parallel_loop3A_485 = arith.addi %parallel_loop3A_464, %add3A_16 : vector<16xi32>
        %parallel_loop3A_486 = tpu.vector_load_idx %arg7[%parallel_loop3A_485] : memref<12864xf32, #tpu.memory_space<vmem>>[vector<16xi32>], vector<16xf32>,
        %parallel_loop3A_487 = arith.mulf %parallel_loop3A_468, %get3A_5 : vector<16xf32>
        %parallel_loop3A_488 = arith.addf %parallel_loop3A_486, %parallel_loop3A_487 : vector<16xf32>
        %parallel_loop3A_489 = arith.index_cast %parallel_loop3A_470 : i32 to index
        %parallel_loop3A_490 = arith.constant 32 : index
        %parallel_loop3A_491 = tpu.vector_load %arg13[%parallel_loop3A_489, %parallel_loop3A_490] {strides = array<i32>} : memref<256x64xf32, #tpu.memory_space<vmem>>, vector<16xf32>,
        tpu.vector_store %arg13[%parallel_loop3A_489, %parallel_loop3A_490], %parallel_loop3A_488 {strides = array<i32>} : memref<256x64xf32, #tpu.memory_space<vmem>>, vector<16xf32>,
        %parallel_loop3A_492 = arith.addi %parallel_loop3A_464, %add3A_19 : vector<16xi32>
        %parallel_loop3A_493 = tpu.vector_load_idx %arg7[%parallel_loop3A_492] : memref<12864xf32, #tpu.memory_space<vmem>>[vector<16xi32>], vector<16xf32>,
        %parallel_loop3A_494 = arith.mulf %parallel_loop3A_468, %get3A_7 : vector<16xf32>
        %parallel_loop3A_495 = arith.addf %parallel_loop3A_493, %parallel_loop3A_494 : vector<16xf32>
        %parallel_loop3A_496 = arith.index_cast %parallel_loop3A_470 : i32 to index
        %parallel_loop3A_497 = arith.constant 48 : index
        %parallel_loop3A_498 = tpu.vector_load %arg13[%parallel_loop3A_496, %parallel_loop3A_497] {strides = array<i32>} : memref<256x64xf32, #tpu.memory_space<vmem>>, vector<16xf32>,
        tpu.vector_store %arg13[%parallel_loop3A_496, %parallel_loop3A_497], %parallel_loop3A_495 {strides = array<i32>} : memref<256x64xf32, #tpu.memory_space<vmem>>, vector<16xf32>,
        %parallel_loop3A_499 = arith.constant 10 : i32
        %parallel_loop3A_500 = vector.broadcast %parallel_loop3A_499 : i32 to vector<16x1xi32>
        %parallel_loop3A_501 = vector.shape_cast %parallel_loop3A_500 : vector<16x1xi32> to vector<16xi32>
        %parallel_loop3A_502 = tpu.dynamic_gather %parallel_loop3A_116[%parallel_loop3A_501] in [0] : vector<16xi32>, vector<16xi32> -> vector<16xi32>
        %parallel_loop3A_503 = arith.constant 10 : i32
        %parallel_loop3A_504 = vector.broadcast %parallel_loop3A_503 : i32 to vector<16x1xi32>
        %parallel_loop3A_505 = vector.shape_cast %parallel_loop3A_504 : vector<16x1xi32> to vector<16xi32>
        %parallel_loop3A_506 = tpu.dynamic_gather %parallel_loop3A_118[%parallel_loop3A_505] in [0] : vector<16xf32>, vector<16xi32> -> vector<16xf32>
        %parallel_loop3A_507 = arith.constant 10 : i32
        %parallel_loop3A_508 = arith.addi %parallel_loop3A_111, %parallel_loop3A_507 : i32
        %parallel_loop3A_509 = arith.addi %parallel_loop3A_502, %add3A_10 : vector<16xi32>
        %parallel_loop3A_510 = tpu.vector_load_idx %arg7[%parallel_loop3A_509] : memref<12864xf32, #tpu.memory_space<vmem>>[vector<16xi32>], vector<16xf32>,
        %parallel_loop3A_511 = arith.mulf %parallel_loop3A_506, %get3A_1 : vector<16xf32>
        %parallel_loop3A_512 = arith.addf %parallel_loop3A_510, %parallel_loop3A_511 : vector<16xf32>
        %parallel_loop3A_513 = arith.index_cast %parallel_loop3A_508 : i32 to index
        %parallel_loop3A_514 = arith.constant 0 : index
        %parallel_loop3A_515 = tpu.vector_load %arg13[%parallel_loop3A_513, %parallel_loop3A_514] {strides = array<i32>} : memref<256x64xf32, #tpu.memory_space<vmem>>, vector<16xf32>,
        tpu.vector_store %arg13[%parallel_loop3A_513, %parallel_loop3A_514], %parallel_loop3A_512 {strides = array<i32>} : memref<256x64xf32, #tpu.memory_space<vmem>>, vector<16xf32>,
        %parallel_loop3A_516 = arith.addi %parallel_loop3A_502, %add3A_13 : vector<16xi32>
        %parallel_loop3A_517 = tpu.vector_load_idx %arg7[%parallel_loop3A_516] : memref<12864xf32, #tpu.memory_space<vmem>>[vector<16xi32>], vector<16xf32>,
        %parallel_loop3A_518 = arith.mulf %parallel_loop3A_506, %get3A_3 : vector<16xf32>
        %parallel_loop3A_519 = arith.addf %parallel_loop3A_517, %parallel_loop3A_518 : vector<16xf32>
        %parallel_loop3A_520 = arith.index_cast %parallel_loop3A_508 : i32 to index
        %parallel_loop3A_521 = arith.constant 16 : index
        %parallel_loop3A_522 = tpu.vector_load %arg13[%parallel_loop3A_520, %parallel_loop3A_521] {strides = array<i32>} : memref<256x64xf32, #tpu.memory_space<vmem>>, vector<16xf32>,
        tpu.vector_store %arg13[%parallel_loop3A_520, %parallel_loop3A_521], %parallel_loop3A_519 {strides = array<i32>} : memref<256x64xf32, #tpu.memory_space<vmem>>, vector<16xf32>,
        %parallel_loop3A_523 = arith.addi %parallel_loop3A_502, %add3A_16 : vector<16xi32>
        %parallel_loop3A_524 = tpu.vector_load_idx %arg7[%parallel_loop3A_523] : memref<12864xf32, #tpu.memory_space<vmem>>[vector<16xi32>], vector<16xf32>,
        %parallel_loop3A_525 = arith.mulf %parallel_loop3A_506, %get3A_5 : vector<16xf32>
        %parallel_loop3A_526 = arith.addf %parallel_loop3A_524, %parallel_loop3A_525 : vector<16xf32>
        %parallel_loop3A_527 = arith.index_cast %parallel_loop3A_508 : i32 to index
        %parallel_loop3A_528 = arith.constant 32 : index
        %parallel_loop3A_529 = tpu.vector_load %arg13[%parallel_loop3A_527, %parallel_loop3A_528] {strides = array<i32>} : memref<256x64xf32, #tpu.memory_space<vmem>>, vector<16xf32>,
        tpu.vector_store %arg13[%parallel_loop3A_527, %parallel_loop3A_528], %parallel_loop3A_526 {strides = array<i32>} : memref<256x64xf32, #tpu.memory_space<vmem>>, vector<16xf32>,
        %parallel_loop3A_530 = arith.addi %parallel_loop3A_502, %add3A_19 : vector<16xi32>
        %parallel_loop3A_531 = tpu.vector_load_idx %arg7[%parallel_loop3A_530] : memref<12864xf32, #tpu.memory_space<vmem>>[vector<16xi32>], vector<16xf32>,
        %parallel_loop3A_532 = arith.mulf %parallel_loop3A_506, %get3A_7 : vector<16xf32>
        %parallel_loop3A_533 = arith.addf %parallel_loop3A_531, %parallel_loop3A_532 : vector<16xf32>
        %parallel_loop3A_534 = arith.index_cast %parallel_loop3A_508 : i32 to index
        %parallel_loop3A_535 = arith.constant 48 : index
        %parallel_loop3A_536 = tpu.vector_load %arg13[%parallel_loop3A_534, %parallel_loop3A_535] {strides = array<i32>} : memref<256x64xf32, #tpu.memory_space<vmem>>, vector<16xf32>,
        tpu.vector_store %arg13[%parallel_loop3A_534, %parallel_loop3A_535], %parallel_loop3A_533 {strides = array<i32>} : memref<256x64xf32, #tpu.memory_space<vmem>>, vector<16xf32>,
        %parallel_loop3A_537 = arith.constant 11 : i32
        %parallel_loop3A_538 = vector.broadcast %parallel_loop3A_537 : i32 to vector<16x1xi32>
        %parallel_loop3A_539 = vector.shape_cast %parallel_loop3A_538 : vector<16x1xi32> to vector<16xi32>
        %parallel_loop3A_540 = tpu.dynamic_gather %parallel_loop3A_116[%parallel_loop3A_539] in [0] : vector<16xi32>, vector<16xi32> -> vector<16xi32>
        %parallel_loop3A_541 = arith.constant 11 : i32
        %parallel_loop3A_542 = vector.broadcast %parallel_loop3A_541 : i32 to vector<16x1xi32>
        %parallel_loop3A_543 = vector.shape_cast %parallel_loop3A_542 : vector<16x1xi32> to vector<16xi32>
        %parallel_loop3A_544 = tpu.dynamic_gather %parallel_loop3A_118[%parallel_loop3A_543] in [0] : vector<16xf32>, vector<16xi32> -> vector<16xf32>
        %parallel_loop3A_545 = arith.constant 11 : i32
        %parallel_loop3A_546 = arith.addi %parallel_loop3A_111, %parallel_loop3A_545 : i32
        %parallel_loop3A_547 = arith.addi %parallel_loop3A_540, %add3A_10 : vector<16xi32>
        %parallel_loop3A_548 = tpu.vector_load_idx %arg7[%parallel_loop3A_547] : memref<12864xf32, #tpu.memory_space<vmem>>[vector<16xi32>], vector<16xf32>,
        %parallel_loop3A_549 = arith.mulf %parallel_loop3A_544, %get3A_1 : vector<16xf32>
        %parallel_loop3A_550 = arith.addf %parallel_loop3A_548, %parallel_loop3A_549 : vector<16xf32>
        %parallel_loop3A_551 = arith.index_cast %parallel_loop3A_546 : i32 to index
        %parallel_loop3A_552 = arith.constant 0 : index
        %parallel_loop3A_553 = tpu.vector_load %arg13[%parallel_loop3A_551, %parallel_loop3A_552] {strides = array<i32>} : memref<256x64xf32, #tpu.memory_space<vmem>>, vector<16xf32>,
        tpu.vector_store %arg13[%parallel_loop3A_551, %parallel_loop3A_552], %parallel_loop3A_550 {strides = array<i32>} : memref<256x64xf32, #tpu.memory_space<vmem>>, vector<16xf32>,
        %parallel_loop3A_554 = arith.addi %parallel_loop3A_540, %add3A_13 : vector<16xi32>
        %parallel_loop3A_555 = tpu.vector_load_idx %arg7[%parallel_loop3A_554] : memref<12864xf32, #tpu.memory_space<vmem>>[vector<16xi32>], vector<16xf32>,
        %parallel_loop3A_556 = arith.mulf %parallel_loop3A_544, %get3A_3 : vector<16xf32>
        %parallel_loop3A_557 = arith.addf %parallel_loop3A_555, %parallel_loop3A_556 : vector<16xf32>
        %parallel_loop3A_558 = arith.index_cast %parallel_loop3A_546 : i32 to index
        %parallel_loop3A_559 = arith.constant 16 : index
        %parallel_loop3A_560 = tpu.vector_load %arg13[%parallel_loop3A_558, %parallel_loop3A_559] {strides = array<i32>} : memref<256x64xf32, #tpu.memory_space<vmem>>, vector<16xf32>,
        tpu.vector_store %arg13[%parallel_loop3A_558, %parallel_loop3A_559], %parallel_loop3A_557 {strides = array<i32>} : memref<256x64xf32, #tpu.memory_space<vmem>>, vector<16xf32>,
        %parallel_loop3A_561 = arith.addi %parallel_loop3A_540, %add3A_16 : vector<16xi32>
        %parallel_loop3A_562 = tpu.vector_load_idx %arg7[%parallel_loop3A_561] : memref<12864xf32, #tpu.memory_space<vmem>>[vector<16xi32>], vector<16xf32>,
        %parallel_loop3A_563 = arith.mulf %parallel_loop3A_544, %get3A_5 : vector<16xf32>
        %parallel_loop3A_564 = arith.addf %parallel_loop3A_562, %parallel_loop3A_563 : vector<16xf32>
        %parallel_loop3A_565 = arith.index_cast %parallel_loop3A_546 : i32 to index
        %parallel_loop3A_566 = arith.constant 32 : index
        %parallel_loop3A_567 = tpu.vector_load %arg13[%parallel_loop3A_565, %parallel_loop3A_566] {strides = array<i32>} : memref<256x64xf32, #tpu.memory_space<vmem>>, vector<16xf32>,
        tpu.vector_store %arg13[%parallel_loop3A_565, %parallel_loop3A_566], %parallel_loop3A_564 {strides = array<i32>} : memref<256x64xf32, #tpu.memory_space<vmem>>, vector<16xf32>,
        %parallel_loop3A_568 = arith.addi %parallel_loop3A_540, %add3A_19 : vector<16xi32>
        %parallel_loop3A_569 = tpu.vector_load_idx %arg7[%parallel_loop3A_568] : memref<12864xf32, #tpu.memory_space<vmem>>[vector<16xi32>], vector<16xf32>,
        %parallel_loop3A_570 = arith.mulf %parallel_loop3A_544, %get3A_7 : vector<16xf32>
        %parallel_loop3A_571 = arith.addf %parallel_loop3A_569, %parallel_loop3A_570 : vector<16xf32>
        %parallel_loop3A_572 = arith.index_cast %parallel_loop3A_546 : i32 to index
        %parallel_loop3A_573 = arith.constant 48 : index
        %parallel_loop3A_574 = tpu.vector_load %arg13[%parallel_loop3A_572, %parallel_loop3A_573] {strides = array<i32>} : memref<256x64xf32, #tpu.memory_space<vmem>>, vector<16xf32>,
        tpu.vector_store %arg13[%parallel_loop3A_572, %parallel_loop3A_573], %parallel_loop3A_571 {strides = array<i32>} : memref<256x64xf32, #tpu.memory_space<vmem>>, vector<16xf32>,
        %parallel_loop3A_575 = arith.constant 12 : i32
        %parallel_loop3A_576 = vector.broadcast %parallel_loop3A_575 : i32 to vector<16x1xi32>
        %parallel_loop3A_577 = vector.shape_cast %parallel_loop3A_576 : vector<16x1xi32> to vector<16xi32>
        %parallel_loop3A_578 = tpu.dynamic_gather %parallel_loop3A_116[%parallel_loop3A_577] in [0] : vector<16xi32>, vector<16xi32> -> vector<16xi32>
        %parallel_loop3A_579 = arith.constant 12 : i32
        %parallel_loop3A_580 = vector.broadcast %parallel_loop3A_579 : i32 to vector<16x1xi32>
        %parallel_loop3A_581 = vector.shape_cast %parallel_loop3A_580 : vector<16x1xi32> to vector<16xi32>
        %parallel_loop3A_582 = tpu.dynamic_gather %parallel_loop3A_118[%parallel_loop3A_581] in [0] : vector<16xf32>, vector<16xi32> -> vector<16xf32>
        %parallel_loop3A_583 = arith.constant 12 : i32
        %parallel_loop3A_584 = arith.addi %parallel_loop3A_111, %parallel_loop3A_583 : i32
        %parallel_loop3A_585 = arith.addi %parallel_loop3A_578, %add3A_10 : vector<16xi32>
        %parallel_loop3A_586 = tpu.vector_load_idx %arg7[%parallel_loop3A_585] : memref<12864xf32, #tpu.memory_space<vmem>>[vector<16xi32>], vector<16xf32>,
        %parallel_loop3A_587 = arith.mulf %parallel_loop3A_582, %get3A_1 : vector<16xf32>
        %parallel_loop3A_588 = arith.addf %parallel_loop3A_586, %parallel_loop3A_587 : vector<16xf32>
        %parallel_loop3A_589 = arith.index_cast %parallel_loop3A_584 : i32 to index
        %parallel_loop3A_590 = arith.constant 0 : index
        %parallel_loop3A_591 = tpu.vector_load %arg13[%parallel_loop3A_589, %parallel_loop3A_590] {strides = array<i32>} : memref<256x64xf32, #tpu.memory_space<vmem>>, vector<16xf32>,
        tpu.vector_store %arg13[%parallel_loop3A_589, %parallel_loop3A_590], %parallel_loop3A_588 {strides = array<i32>} : memref<256x64xf32, #tpu.memory_space<vmem>>, vector<16xf32>,
        %parallel_loop3A_592 = arith.addi %parallel_loop3A_578, %add3A_13 : vector<16xi32>
        %parallel_loop3A_593 = tpu.vector_load_idx %arg7[%parallel_loop3A_592] : memref<12864xf32, #tpu.memory_space<vmem>>[vector<16xi32>], vector<16xf32>,
        %parallel_loop3A_594 = arith.mulf %parallel_loop3A_582, %get3A_3 : vector<16xf32>
        %parallel_loop3A_595 = arith.addf %parallel_loop3A_593, %parallel_loop3A_594 : vector<16xf32>
        %parallel_loop3A_596 = arith.index_cast %parallel_loop3A_584 : i32 to index
        %parallel_loop3A_597 = arith.constant 16 : index
        %parallel_loop3A_598 = tpu.vector_load %arg13[%parallel_loop3A_596, %parallel_loop3A_597] {strides = array<i32>} : memref<256x64xf32, #tpu.memory_space<vmem>>, vector<16xf32>,
        tpu.vector_store %arg13[%parallel_loop3A_596, %parallel_loop3A_597], %parallel_loop3A_595 {strides = array<i32>} : memref<256x64xf32, #tpu.memory_space<vmem>>, vector<16xf32>,
        %parallel_loop3A_599 = arith.addi %parallel_loop3A_578, %add3A_16 : vector<16xi32>
        %parallel_loop3A_600 = tpu.vector_load_idx %arg7[%parallel_loop3A_599] : memref<12864xf32, #tpu.memory_space<vmem>>[vector<16xi32>], vector<16xf32>,
        %parallel_loop3A_601 = arith.mulf %parallel_loop3A_582, %get3A_5 : vector<16xf32>
        %parallel_loop3A_602 = arith.addf %parallel_loop3A_600, %parallel_loop3A_601 : vector<16xf32>
        %parallel_loop3A_603 = arith.index_cast %parallel_loop3A_584 : i32 to index
        %parallel_loop3A_604 = arith.constant 32 : index
        %parallel_loop3A_605 = tpu.vector_load %arg13[%parallel_loop3A_603, %parallel_loop3A_604] {strides = array<i32>} : memref<256x64xf32, #tpu.memory_space<vmem>>, vector<16xf32>,
        tpu.vector_store %arg13[%parallel_loop3A_603, %parallel_loop3A_604], %parallel_loop3A_602 {strides = array<i32>} : memref<256x64xf32, #tpu.memory_space<vmem>>, vector<16xf32>,
        %parallel_loop3A_606 = arith.addi %parallel_loop3A_578, %add3A_19 : vector<16xi32>
        %parallel_loop3A_607 = tpu.vector_load_idx %arg7[%parallel_loop3A_606] : memref<12864xf32, #tpu.memory_space<vmem>>[vector<16xi32>], vector<16xf32>,
        %parallel_loop3A_608 = arith.mulf %parallel_loop3A_582, %get3A_7 : vector<16xf32>
        %parallel_loop3A_609 = arith.addf %parallel_loop3A_607, %parallel_loop3A_608 : vector<16xf32>
        %parallel_loop3A_610 = arith.index_cast %parallel_loop3A_584 : i32 to index
        %parallel_loop3A_611 = arith.constant 48 : index
        %parallel_loop3A_612 = tpu.vector_load %arg13[%parallel_loop3A_610, %parallel_loop3A_611] {strides = array<i32>} : memref<256x64xf32, #tpu.memory_space<vmem>>, vector<16xf32>,
        tpu.vector_store %arg13[%parallel_loop3A_610, %parallel_loop3A_611], %parallel_loop3A_609 {strides = array<i32>} : memref<256x64xf32, #tpu.memory_space<vmem>>, vector<16xf32>,
        %parallel_loop3A_613 = arith.constant 13 : i32
        %parallel_loop3A_614 = vector.broadcast %parallel_loop3A_613 : i32 to vector<16x1xi32>
        %parallel_loop3A_615 = vector.shape_cast %parallel_loop3A_614 : vector<16x1xi32> to vector<16xi32>
        %parallel_loop3A_616 = tpu.dynamic_gather %parallel_loop3A_116[%parallel_loop3A_615] in [0] : vector<16xi32>, vector<16xi32> -> vector<16xi32>
        %parallel_loop3A_617 = arith.constant 13 : i32
        %parallel_loop3A_618 = vector.broadcast %parallel_loop3A_617 : i32 to vector<16x1xi32>
        %parallel_loop3A_619 = vector.shape_cast %parallel_loop3A_618 : vector<16x1xi32> to vector<16xi32>
        %parallel_loop3A_620 = tpu.dynamic_gather %parallel_loop3A_118[%parallel_loop3A_619] in [0] : vector<16xf32>, vector<16xi32> -> vector<16xf32>
        %parallel_loop3A_621 = arith.constant 13 : i32
        %parallel_loop3A_622 = arith.addi %parallel_loop3A_111, %parallel_loop3A_621 : i32
        %parallel_loop3A_623 = arith.addi %parallel_loop3A_616, %add3A_10 : vector<16xi32>
        %parallel_loop3A_624 = tpu.vector_load_idx %arg7[%parallel_loop3A_623] : memref<12864xf32, #tpu.memory_space<vmem>>[vector<16xi32>], vector<16xf32>,
        %parallel_loop3A_625 = arith.mulf %parallel_loop3A_620, %get3A_1 : vector<16xf32>
        %parallel_loop3A_626 = arith.addf %parallel_loop3A_624, %parallel_loop3A_625 : vector<16xf32>
        %parallel_loop3A_627 = arith.index_cast %parallel_loop3A_622 : i32 to index
        %parallel_loop3A_628 = arith.constant 0 : index
        %parallel_loop3A_629 = tpu.vector_load %arg13[%parallel_loop3A_627, %parallel_loop3A_628] {strides = array<i32>} : memref<256x64xf32, #tpu.memory_space<vmem>>, vector<16xf32>,
        tpu.vector_store %arg13[%parallel_loop3A_627, %parallel_loop3A_628], %parallel_loop3A_626 {strides = array<i32>} : memref<256x64xf32, #tpu.memory_space<vmem>>, vector<16xf32>,
        %parallel_loop3A_630 = arith.addi %parallel_loop3A_616, %add3A_13 : vector<16xi32>
        %parallel_loop3A_631 = tpu.vector_load_idx %arg7[%parallel_loop3A_630] : memref<12864xf32, #tpu.memory_space<vmem>>[vector<16xi32>], vector<16xf32>,
        %parallel_loop3A_632 = arith.mulf %parallel_loop3A_620, %get3A_3 : vector<16xf32>
        %parallel_loop3A_633 = arith.addf %parallel_loop3A_631, %parallel_loop3A_632 : vector<16xf32>
        %parallel_loop3A_634 = arith.index_cast %parallel_loop3A_622 : i32 to index
        %parallel_loop3A_635 = arith.constant 16 : index
        %parallel_loop3A_636 = tpu.vector_load %arg13[%parallel_loop3A_634, %parallel_loop3A_635] {strides = array<i32>} : memref<256x64xf32, #tpu.memory_space<vmem>>, vector<16xf32>,
        tpu.vector_store %arg13[%parallel_loop3A_634, %parallel_loop3A_635], %parallel_loop3A_633 {strides = array<i32>} : memref<256x64xf32, #tpu.memory_space<vmem>>, vector<16xf32>,
        %parallel_loop3A_637 = arith.addi %parallel_loop3A_616, %add3A_16 : vector<16xi32>
        %parallel_loop3A_638 = tpu.vector_load_idx %arg7[%parallel_loop3A_637] : memref<12864xf32, #tpu.memory_space<vmem>>[vector<16xi32>], vector<16xf32>,
        %parallel_loop3A_639 = arith.mulf %parallel_loop3A_620, %get3A_5 : vector<16xf32>
        %parallel_loop3A_640 = arith.addf %parallel_loop3A_638, %parallel_loop3A_639 : vector<16xf32>
        %parallel_loop3A_641 = arith.index_cast %parallel_loop3A_622 : i32 to index
        %parallel_loop3A_642 = arith.constant 32 : index
        %parallel_loop3A_643 = tpu.vector_load %arg13[%parallel_loop3A_641, %parallel_loop3A_642] {strides = array<i32>} : memref<256x64xf32, #tpu.memory_space<vmem>>, vector<16xf32>,
        tpu.vector_store %arg13[%parallel_loop3A_641, %parallel_loop3A_642], %parallel_loop3A_640 {strides = array<i32>} : memref<256x64xf32, #tpu.memory_space<vmem>>, vector<16xf32>,
        %parallel_loop3A_644 = arith.addi %parallel_loop3A_616, %add3A_19 : vector<16xi32>
        %parallel_loop3A_645 = tpu.vector_load_idx %arg7[%parallel_loop3A_644] : memref<12864xf32, #tpu.memory_space<vmem>>[vector<16xi32>], vector<16xf32>,
        %parallel_loop3A_646 = arith.mulf %parallel_loop3A_620, %get3A_7 : vector<16xf32>
        %parallel_loop3A_647 = arith.addf %parallel_loop3A_645, %parallel_loop3A_646 : vector<16xf32>
        %parallel_loop3A_648 = arith.index_cast %parallel_loop3A_622 : i32 to index
        %parallel_loop3A_649 = arith.constant 48 : index
        %parallel_loop3A_650 = tpu.vector_load %arg13[%parallel_loop3A_648, %parallel_loop3A_649] {strides = array<i32>} : memref<256x64xf32, #tpu.memory_space<vmem>>, vector<16xf32>,
        tpu.vector_store %arg13[%parallel_loop3A_648, %parallel_loop3A_649], %parallel_loop3A_647 {strides = array<i32>} : memref<256x64xf32, #tpu.memory_space<vmem>>, vector<16xf32>,
        %parallel_loop3A_651 = arith.constant 14 : i32
        %parallel_loop3A_652 = vector.broadcast %parallel_loop3A_651 : i32 to vector<16x1xi32>
        %parallel_loop3A_653 = vector.shape_cast %parallel_loop3A_652 : vector<16x1xi32> to vector<16xi32>
        %parallel_loop3A_654 = tpu.dynamic_gather %parallel_loop3A_116[%parallel_loop3A_653] in [0] : vector<16xi32>, vector<16xi32> -> vector<16xi32>
        %parallel_loop3A_655 = arith.constant 14 : i32
        %parallel_loop3A_656 = vector.broadcast %parallel_loop3A_655 : i32 to vector<16x1xi32>
        %parallel_loop3A_657 = vector.shape_cast %parallel_loop3A_656 : vector<16x1xi32> to vector<16xi32>
        %parallel_loop3A_658 = tpu.dynamic_gather %parallel_loop3A_118[%parallel_loop3A_657] in [0] : vector<16xf32>, vector<16xi32> -> vector<16xf32>
        %parallel_loop3A_659 = arith.constant 14 : i32
        %parallel_loop3A_660 = arith.addi %parallel_loop3A_111, %parallel_loop3A_659 : i32
        %parallel_loop3A_661 = arith.addi %parallel_loop3A_654, %add3A_10 : vector<16xi32>
        %parallel_loop3A_662 = tpu.vector_load_idx %arg7[%parallel_loop3A_661] : memref<12864xf32, #tpu.memory_space<vmem>>[vector<16xi32>], vector<16xf32>,
        %parallel_loop3A_663 = arith.mulf %parallel_loop3A_658, %get3A_1 : vector<16xf32>
        %parallel_loop3A_664 = arith.addf %parallel_loop3A_662, %parallel_loop3A_663 : vector<16xf32>
        %parallel_loop3A_665 = arith.index_cast %parallel_loop3A_660 : i32 to index
        %parallel_loop3A_666 = arith.constant 0 : index
        %parallel_loop3A_667 = tpu.vector_load %arg13[%parallel_loop3A_665, %parallel_loop3A_666] {strides = array<i32>} : memref<256x64xf32, #tpu.memory_space<vmem>>, vector<16xf32>,
        tpu.vector_store %arg13[%parallel_loop3A_665, %parallel_loop3A_666], %parallel_loop3A_664 {strides = array<i32>} : memref<256x64xf32, #tpu.memory_space<vmem>>, vector<16xf32>,
        %parallel_loop3A_668 = arith.addi %parallel_loop3A_654, %add3A_13 : vector<16xi32>
        %parallel_loop3A_669 = tpu.vector_load_idx %arg7[%parallel_loop3A_668] : memref<12864xf32, #tpu.memory_space<vmem>>[vector<16xi32>], vector<16xf32>,
        %parallel_loop3A_670 = arith.mulf %parallel_loop3A_658, %get3A_3 : vector<16xf32>
        %parallel_loop3A_671 = arith.addf %parallel_loop3A_669, %parallel_loop3A_670 : vector<16xf32>
        %parallel_loop3A_672 = arith.index_cast %parallel_loop3A_660 : i32 to index
        %parallel_loop3A_673 = arith.constant 16 : index
        %parallel_loop3A_674 = tpu.vector_load %arg13[%parallel_loop3A_672, %parallel_loop3A_673] {strides = array<i32>} : memref<256x64xf32, #tpu.memory_space<vmem>>, vector<16xf32>,
        tpu.vector_store %arg13[%parallel_loop3A_672, %parallel_loop3A_673], %parallel_loop3A_671 {strides = array<i32>} : memref<256x64xf32, #tpu.memory_space<vmem>>, vector<16xf32>,
        %parallel_loop3A_675 = arith.addi %parallel_loop3A_654, %add3A_16 : vector<16xi32>
        %parallel_loop3A_676 = tpu.vector_load_idx %arg7[%parallel_loop3A_675] : memref<12864xf32, #tpu.memory_space<vmem>>[vector<16xi32>], vector<16xf32>,
        %parallel_loop3A_677 = arith.mulf %parallel_loop3A_658, %get3A_5 : vector<16xf32>
        %parallel_loop3A_678 = arith.addf %parallel_loop3A_676, %parallel_loop3A_677 : vector<16xf32>
        %parallel_loop3A_679 = arith.index_cast %parallel_loop3A_660 : i32 to index
        %parallel_loop3A_680 = arith.constant 32 : index
        %parallel_loop3A_681 = tpu.vector_load %arg13[%parallel_loop3A_679, %parallel_loop3A_680] {strides = array<i32>} : memref<256x64xf32, #tpu.memory_space<vmem>>, vector<16xf32>,
        tpu.vector_store %arg13[%parallel_loop3A_679, %parallel_loop3A_680], %parallel_loop3A_678 {strides = array<i32>} : memref<256x64xf32, #tpu.memory_space<vmem>>, vector<16xf32>,
        %parallel_loop3A_682 = arith.addi %parallel_loop3A_654, %add3A_19 : vector<16xi32>
        %parallel_loop3A_683 = tpu.vector_load_idx %arg7[%parallel_loop3A_682] : memref<12864xf32, #tpu.memory_space<vmem>>[vector<16xi32>], vector<16xf32>,
        %parallel_loop3A_684 = arith.mulf %parallel_loop3A_658, %get3A_7 : vector<16xf32>
        %parallel_loop3A_685 = arith.addf %parallel_loop3A_683, %parallel_loop3A_684 : vector<16xf32>
        %parallel_loop3A_686 = arith.index_cast %parallel_loop3A_660 : i32 to index
        %parallel_loop3A_687 = arith.constant 48 : index
        %parallel_loop3A_688 = tpu.vector_load %arg13[%parallel_loop3A_686, %parallel_loop3A_687] {strides = array<i32>} : memref<256x64xf32, #tpu.memory_space<vmem>>, vector<16xf32>,
        tpu.vector_store %arg13[%parallel_loop3A_686, %parallel_loop3A_687], %parallel_loop3A_685 {strides = array<i32>} : memref<256x64xf32, #tpu.memory_space<vmem>>, vector<16xf32>,
        %parallel_loop3A_689 = arith.constant 15 : i32
        %parallel_loop3A_690 = vector.broadcast %parallel_loop3A_689 : i32 to vector<16x1xi32>
        %parallel_loop3A_691 = vector.shape_cast %parallel_loop3A_690 : vector<16x1xi32> to vector<16xi32>
        %parallel_loop3A_692 = tpu.dynamic_gather %parallel_loop3A_116[%parallel_loop3A_691] in [0] : vector<16xi32>, vector<16xi32> -> vector<16xi32>
        %parallel_loop3A_693 = arith.constant 15 : i32
        %parallel_loop3A_694 = vector.broadcast %parallel_loop3A_693 : i32 to vector<16x1xi32>
        %parallel_loop3A_695 = vector.shape_cast %parallel_loop3A_694 : vector<16x1xi32> to vector<16xi32>
        %parallel_loop3A_696 = tpu.dynamic_gather %parallel_loop3A_118[%parallel_loop3A_695] in [0] : vector<16xf32>, vector<16xi32> -> vector<16xf32>
        %parallel_loop3A_697 = arith.constant 15 : i32
        %parallel_loop3A_698 = arith.addi %parallel_loop3A_111, %parallel_loop3A_697 : i32
        %parallel_loop3A_699 = arith.addi %parallel_loop3A_692, %add3A_10 : vector<16xi32>
        %parallel_loop3A_700 = tpu.vector_load_idx %arg7[%parallel_loop3A_699] : memref<12864xf32, #tpu.memory_space<vmem>>[vector<16xi32>], vector<16xf32>,
        %parallel_loop3A_701 = arith.mulf %parallel_loop3A_696, %get3A_1 : vector<16xf32>
        %parallel_loop3A_702 = arith.addf %parallel_loop3A_700, %parallel_loop3A_701 : vector<16xf32>
        %parallel_loop3A_703 = arith.index_cast %parallel_loop3A_698 : i32 to index
        %parallel_loop3A_704 = arith.constant 0 : index
        %parallel_loop3A_705 = tpu.vector_load %arg13[%parallel_loop3A_703, %parallel_loop3A_704] {strides = array<i32>} : memref<256x64xf32, #tpu.memory_space<vmem>>, vector<16xf32>,
        tpu.vector_store %arg13[%parallel_loop3A_703, %parallel_loop3A_704], %parallel_loop3A_702 {strides = array<i32>} : memref<256x64xf32, #tpu.memory_space<vmem>>, vector<16xf32>,
        %parallel_loop3A_706 = arith.addi %parallel_loop3A_692, %add3A_13 : vector<16xi32>
        %parallel_loop3A_707 = tpu.vector_load_idx %arg7[%parallel_loop3A_706] : memref<12864xf32, #tpu.memory_space<vmem>>[vector<16xi32>], vector<16xf32>,
        %parallel_loop3A_708 = arith.mulf %parallel_loop3A_696, %get3A_3 : vector<16xf32>
        %parallel_loop3A_709 = arith.addf %parallel_loop3A_707, %parallel_loop3A_708 : vector<16xf32>
        %parallel_loop3A_710 = arith.index_cast %parallel_loop3A_698 : i32 to index
        %parallel_loop3A_711 = arith.constant 16 : index
        %parallel_loop3A_712 = tpu.vector_load %arg13[%parallel_loop3A_710, %parallel_loop3A_711] {strides = array<i32>} : memref<256x64xf32, #tpu.memory_space<vmem>>, vector<16xf32>,
        tpu.vector_store %arg13[%parallel_loop3A_710, %parallel_loop3A_711], %parallel_loop3A_709 {strides = array<i32>} : memref<256x64xf32, #tpu.memory_space<vmem>>, vector<16xf32>,
        %parallel_loop3A_713 = arith.addi %parallel_loop3A_692, %add3A_16 : vector<16xi32>
        %parallel_loop3A_714 = tpu.vector_load_idx %arg7[%parallel_loop3A_713] : memref<12864xf32, #tpu.memory_space<vmem>>[vector<16xi32>], vector<16xf32>,
        %parallel_loop3A_715 = arith.mulf %parallel_loop3A_696, %get3A_5 : vector<16xf32>
        %parallel_loop3A_716 = arith.addf %parallel_loop3A_714, %parallel_loop3A_715 : vector<16xf32>
        %parallel_loop3A_717 = arith.index_cast %parallel_loop3A_698 : i32 to index
        %parallel_loop3A_718 = arith.constant 32 : index
        %parallel_loop3A_719 = tpu.vector_load %arg13[%parallel_loop3A_717, %parallel_loop3A_718] {strides = array<i32>} : memref<256x64xf32, #tpu.memory_space<vmem>>, vector<16xf32>,
        tpu.vector_store %arg13[%parallel_loop3A_717, %parallel_loop3A_718], %parallel_loop3A_716 {strides = array<i32>} : memref<256x64xf32, #tpu.memory_space<vmem>>, vector<16xf32>,
        %parallel_loop3A_720 = arith.addi %parallel_loop3A_692, %add3A_19 : vector<16xi32>
        %parallel_loop3A_721 = tpu.vector_load_idx %arg7[%parallel_loop3A_720] : memref<12864xf32, #tpu.memory_space<vmem>>[vector<16xi32>], vector<16xf32>,
        %parallel_loop3A_722 = arith.mulf %parallel_loop3A_696, %get3A_7 : vector<16xf32>
        %parallel_loop3A_723 = arith.addf %parallel_loop3A_721, %parallel_loop3A_722 : vector<16xf32>
        %parallel_loop3A_724 = arith.index_cast %parallel_loop3A_698 : i32 to index
        %parallel_loop3A_725 = arith.constant 48 : index
        %parallel_loop3A_726 = tpu.vector_load %arg13[%parallel_loop3A_724, %parallel_loop3A_725] {strides = array<i32>} : memref<256x64xf32, #tpu.memory_space<vmem>>, vector<16xf32>,
        tpu.vector_store %arg13[%parallel_loop3A_724, %parallel_loop3A_725], %parallel_loop3A_723 {strides = array<i32>} : memref<256x64xf32, #tpu.memory_space<vmem>>, vector<16xf32>,
      } {sc.loop_unroll_factor = 1 : i64, sc.parallel_access}
      %mul3A_97 = arith.constant 256 : i32
      %mul3A_98 = arith.muli %add3A_80, %mul3A_97 : i32
      %add3A_99 = arith.addi %mul3A_21, %mul3A_98 : i32
      %dma_start3A_100 = arith.constant 0 : i32
      %dma_start3A_101 = tpu.memref_slice %arg6[%add3A_99, %dma_start3A_100] : memref<819200x64xf32, #tpu.memory_space<hbm>> -> memref<256x64xf32, #tpu.memory_space<hbm>>
      %dma_start3A_102 = arith.constant 0 : i32
      %dma_start3A_103 = tpu.memref_slice %arg6[%add3A_99, %dma_start3A_102] : memref<819200x64xf32, #tpu.memory_space<hbm>> -> memref<256x64xf32, #tpu.memory_space<hbm>>
      tpu.enqueue_dma source(%arg13 : memref<256x64xf32, #tpu.memory_space<vmem>>) target(%dma_start3A_103 : memref<256x64xf32, #tpu.memory_space<hbm>>) target_semaphore(%arg18 : memref<!tpu.dma_semaphore, #tpu.memory_space<semaphore_mem>>)
      %lt3A_104 = arith.constant 49 : i32
      %lt3A_105 = arith.cmpi slt, %scan3A_49, %lt3A_104 : i32
      %convert_element_type3A_106 = arith.extui %lt3A_105 : i1 to i32
      %cond3A_107 = arith.constant 0 : i32
      %cond3A_108 = arith.cmpi ne, %convert_element_type3A_106, %cond3A_107 : i32
      scf.if %cond3A_108 {
        %add3A_109 = arith.constant 2 : i32
        %add3A_110 = arith.addi %add3A_80, %add3A_109 : i32
        %mul3A_111 = arith.constant 256 : i32
        %mul3A_112 = arith.muli %add3A_110, %mul3A_111 : i32
        %add3A_113 = arith.addi %mul3A_21, %mul3A_112 : i32
        %dma_start3A_114 = tpu.memref_slice %arg3[%add3A_113] : memref<819200xi32, #tpu.memory_space<hbm>> -> memref<256xi32, #tpu.memory_space<hbm>>
        %dma_start3A_115 = tpu.memref_slice %arg3[%add3A_113] : memref<819200xi32, #tpu.memory_space<hbm>> -> memref<256xi32, #tpu.memory_space<hbm>>
        tpu.enqueue_dma source(%dma_start3A_115 : memref<256xi32, #tpu.memory_space<hbm>>) target(%arg9 : memref<256xi32, #tpu.memory_space<vmem>>) target_semaphore(%arg16 : memref<!tpu.dma_semaphore, #tpu.memory_space<semaphore_mem>>)
        %dma_start3A_116 = tpu.memref_slice %arg4[%add3A_113] : memref<819200xf32, #tpu.memory_space<hbm>> -> memref<256xf32, #tpu.memory_space<hbm>>
        %dma_start3A_117 = tpu.memref_slice %arg4[%add3A_113] : memref<819200xf32, #tpu.memory_space<hbm>> -> memref<256xf32, #tpu.memory_space<hbm>>
        tpu.enqueue_dma source(%dma_start3A_117 : memref<256xf32, #tpu.memory_space<hbm>>) target(%arg11 : memref<256xf32, #tpu.memory_space<vmem>>) target_semaphore(%arg16 : memref<!tpu.dma_semaphore, #tpu.memory_space<semaphore_mem>>)
      } else {
      }
    }
    %scan3A_37 = arith.constant 50 : i32
    %dma_wait3A = arith.constant 0 : i32
    %dma_wait3A_38 = arith.constant 0 : i32
    %dma_wait3A_39 = tpu.memref_slice %arg6[%dma_wait3A, %dma_wait3A_38] : memref<819200x64xf32, #tpu.memory_space<hbm>> -> memref<256x64xf32, #tpu.memory_space<hbm>>
    %dma_wait3A_40 = arith.constant 0 : i32
    %dma_wait3A_41 = arith.constant 0 : i32
    %dma_wait3A_42 = tpu.memref_slice %arg6[%dma_wait3A_40, %dma_wait3A_41] : memref<819200x64xf32, #tpu.memory_space<hbm>> -> memref<256x64xf32, #tpu.memory_space<hbm>>
    tpu.wait_dma2 semaphore(%arg17 : memref<!tpu.dma_semaphore, #tpu.memory_space<semaphore_mem>>) src(%arg12 : memref<256x64xf32, #tpu.memory_space<vmem>>) dst(%dma_wait3A_42 : memref<256x64xf32, #tpu.memory_space<hbm>>)
    %dma_wait3A_43 = arith.constant 0 : i32
    %dma_wait3A_44 = arith.constant 0 : i32
    %dma_wait3A_45 = tpu.memref_slice %arg6[%dma_wait3A_43, %dma_wait3A_44] : memref<819200x64xf32, #tpu.memory_space<hbm>> -> memref<256x64xf32, #tpu.memory_space<hbm>>
    %dma_wait3A_46 = arith.constant 0 : i32
    %dma_wait3A_47 = arith.constant 0 : i32
    %dma_wait3A_48 = tpu.memref_slice %arg6[%dma_wait3A_46, %dma_wait3A_47] : memref<819200x64xf32, #tpu.memory_space<hbm>> -> memref<256x64xf32, #tpu.memory_space<hbm>>
    tpu.wait_dma2 semaphore(%arg18 : memref<!tpu.dma_semaphore, #tpu.memory_space<semaphore_mem>>) src(%arg13 : memref<256x64xf32, #tpu.memory_space<vmem>>) dst(%dma_wait3A_48 : memref<256x64xf32, #tpu.memory_space<hbm>>)
    return
  }
}

module attributes {stable_mosaic.version = 14 : i64} {
  func.func @_prep_body(%arg0: memref<201x56xf32, #tpu.memory_space<vmem>>, %arg1: memref<8x1xf32, #tpu.memory_space<vmem>>, %arg2: memref<1x8xf32, #tpu.memory_space<vmem>>, %arg3: memref<64x64xf32, #tpu.memory_space<vmem>>, %arg4: memref<1x64xf32, #tpu.memory_space<vmem>>, %arg5: memref<201x64xf32, #tpu.memory_space<vmem>>, %arg6: memref<1x64xf32, #tpu.memory_space<vmem>>) attributes {dimension_semantics = [], scalar_prefetch = 0 : i64, scratch_operands = 0 : i64, tpu.core_type = #tpu.core_type<tc>} {
    %get3A = arith.constant 0 : index
    %get3A_0 = arith.constant 0 : index
    %get3A_1 = vector.load %arg0[%get3A, %get3A_0] : memref<201x56xf32, #tpu.memory_space<vmem>>, vector<201x56xf32>
    %get3A_2 = arith.constant 0 : index
    %get3A_3 = arith.constant 0 : index
    %get3A_4 = vector.load %arg3[%get3A_2, %get3A_3] : memref<64x64xf32, #tpu.memory_space<vmem>>, vector<64x56xf32>
    %get3A_5 = arith.constant 0 : index
    %get3A_6 = arith.constant 56 : index
    %get3A_7 = vector.load %arg3[%get3A_5, %get3A_6] : memref<64x64xf32, #tpu.memory_space<vmem>>, vector<64x8xf32>
    %dot_general3A = arith.constant dense<0.000000e+00> : vector<201x64xf32>
    %dot_general3A_8 = tpu.matmul %get3A_1, %get3A_4, %dot_general3A {dimension_numbers = #tpu.dot_dimension_numbers<[1], [1], [0], [0], [0, 0, 1, 0], [], []>, precision = #tpu.contract_precision<fp32>, transpose_lhs_hint = false} : vector<201x56xf32>, vector<64x56xf32>, vector<201x64xf32> -> vector<201x64xf32>
    %get3A_9 = arith.constant 0 : index
    %get3A_10 = arith.constant 0 : index
    %get3A_11 = vector.load %arg2[%get3A_9, %get3A_10] : memref<1x8xf32, #tpu.memory_space<vmem>>, vector<1x8xf32>
    %dot_general3A_12 = arith.constant dense<0.000000e+00> : vector<1x64xf32>
    %dot_general3A_13 = tpu.matmul %get3A_11, %get3A_7, %dot_general3A_12 {dimension_numbers = #tpu.dot_dimension_numbers<[1], [1], [0], [0], [0, 0, 1, 0], [], []>, precision = #tpu.contract_precision<fp32>, transpose_lhs_hint = false} : vector<1x8xf32>, vector<64x8xf32>, vector<1x64xf32> -> vector<1x64xf32>
    %add3A = vector.broadcast %dot_general3A_13 : vector<1x64xf32> to vector<201x64xf32>
    %add3A_14 = arith.addf %dot_general3A_8, %add3A : vector<201x64xf32>
    %get3A_15 = arith.constant 0 : index
    %get3A_16 = arith.constant 0 : index
    %get3A_17 = vector.load %arg4[%get3A_15, %get3A_16] : memref<1x64xf32, #tpu.memory_space<vmem>>, vector<1x64xf32>
    %add3A_18 = vector.broadcast %get3A_17 : vector<1x64xf32> to vector<201x64xf32>
    %add3A_19 = arith.addf %add3A_14, %add3A_18 : vector<201x64xf32>
    %swap3A = arith.constant 0 : index
    %swap3A_20 = arith.constant 0 : index
    %swap3A_21 = vector.load %arg5[%swap3A, %swap3A_20] : memref<201x64xf32, #tpu.memory_space<vmem>>, vector<201x64xf32>
    tpu.vector_store %arg5[%swap3A, %swap3A_20], %add3A_19 {strides = array<i32>} : memref<201x64xf32, #tpu.memory_space<vmem>>, vector<201x64xf32>,
    %get3A_22 = arith.constant 0 : index
    %get3A_23 = arith.constant 0 : index
    %get3A_24 = vector.load %arg1[%get3A_22, %get3A_23] : memref<8x1xf32, #tpu.memory_space<vmem>>, vector<8x1xf32>
    %dot_general3A_25 = arith.constant dense<0.000000e+00> : vector<1x64xf32>
    %dot_general3A_26 = tpu.matmul %get3A_24, %get3A_7, %dot_general3A_25 {dimension_numbers = #tpu.dot_dimension_numbers<[0], [1], [1], [0], [0, 1, 1, 0], [], []>, precision = #tpu.contract_precision<fp32>, transpose_lhs_hint = false} : vector<8x1xf32>, vector<64x8xf32>, vector<1x64xf32> -> vector<1x64xf32>
    %swap3A_27 = arith.constant 0 : index
    %swap3A_28 = arith.constant 0 : index
    %swap3A_29 = vector.load %arg6[%swap3A_27, %swap3A_28] : memref<1x64xf32, #tpu.memory_space<vmem>>, vector<1x64xf32>
    tpu.vector_store %arg6[%swap3A_27, %swap3A_28], %dot_general3A_26 {strides = array<i32>} : memref<1x64xf32, #tpu.memory_space<vmem>>, vector<1x64xf32>,
    return
  }
}

</mosaic_0001>

<sc_bundles>
// kernel: kernel.4.cloned.1.call-start
scs
__scs_entry_jumppad:
0x0: {  	(pc) =	sbr.rel $0x88, $3  }
0x1: {  	(tag) =	ssettag $0x0;
	lr =	simm.s32 $0x1  }
0x2: {  	[smem:$0x3F9A] =	sst lr;
	_ =	strace $0xD0000000  }
0x3: {  	_ = 	snop  }
0x4: {  	_ = 	snop  }
0x5: {  	_ = 	snop  }
0x6: {  	_ = 	snop  }
0x7: {  	_ = 	snop  }
__scs_overlays_trampoline_lowered:
0x8: {  	[smem:$0x3FA9] =	sst s0  }
0x9: {  	[smem:$0x3FAA] =	sst s1  }
0xa: {  	[smem:$0x3FAB] =	sst s2  }
0xb: {  	[smem:$0x3FAC] =	sst s3  }
0xc: {  	[smem:$0x3FAD] =	sst s4  }
0xd: {  	[smem:$0x3FAE] =	sst s5  }
0xe: {  	[smem:$0x3FAF] =	sst s6  }
0xf: {  	[smem:$0x3FB0] =	sst s7  }
0x10: {  	[smem:$0x3FB1] =	sst s8  }
0x11: {  	[smem:$0x3FB2] =	sst s9;
	s0 =	simm.s32 @!p0 $0x0  }
0x12: {  	s1 =	sld [smem:$0x3F98];
	s0 =	simm.s32 @p0 $0x1  }
0x13: {  	[smem:$0x3FB3] =	sst s0;
	s0 =	simm.s32 @!p1 $0x0  }
0x14: {  	s2 =	sld [smem:$0x3F97];
	s0 =	simm.s32 @p1 $0x1  }
0x15: {  	[smem:$0x3FB4] =	sst s0;
	s0 =	simm.s32 @!p2 $0x0  }
0x16: {  	s3 =	sld [smem:$0x3FDB];
	s0 =	simm.s32 @p2 $0x1  }
0x17: {  	s4 =	simm.s32 $0x1BF5;
	[smem:$0x3FB6] =	sst s0  }
0x18: {  	s0 =	sld [smem:$0x3F99];
	_ =	swait.ge [sflag:s4], $0x0  }
0x19: {  	s7 =	sld [smem:$0x3F9A]  }
0x1a: {  	s8 =	sadd.s32 $0xFFFFE003, lr  }
0x1b: {  	s9 =	sadd.s32 $0xFFFFFEF7, lr;
	s5 =	simm.s32 $0xFFFFFFFF;
	p2 =	slt.u32 s8, $0xFFFFF086  }
0x1c: {  	p1 =	slt.u32 s9, $0xF7A;
	s5 =	simm.s32 @!p2 $0x0  }
0x1d: {  	s5 =	simm.s32 @p1 $0x1;
	p0 =	seq.s32 s7, s2  }
0x1e: {  	s7 =	smul.u32 @!p0 $0xF7A, s2;
	p2 =	seq.s32 @!p0 s5, $0x0  }
0x1f: {  	s9 =	smul.u32 $0xF7A, s1;
	s8 =	simm.s32 @!p0 $0x1BF5;
	p2 =	por !p2, p0  }
0x20: {  	[sflag:s8] =	ssyncset.s32 @!p0 $0xFFFFF086;
	s6 =	sadd.s32 @!p0 s3, s7;
	s7 =	simm.s32 @!p0 $0x108  }
0x21: {  	s3 =	sadd.s32 s3, s9;
	s6 =	sadd.s32 @!p0 $0x88, s6;
	s7 =	simm.s32 @p2 $0x1082  }
0x22: {  	[simem:s7], [sflag:s8] =	dma.local @!p0 [hbm:s6], $0xF7A  }
0x23: {  	s9 =	sor.u32 $0xD0000000, s2;
	s6 =	simm.s32 $0x108;
	_ =	swait.ge @!p0 [sflag:s8], $0x0  }
0x24: {  	s3 =	sadd.s32 $0x88, s3;
	s6 =	simm.s32 @!p1 $0x1082;
	[sflag:s4] =	ssyncset.s32 $0xFFFFF086  }
0x25: {  	[simem:s6], [sflag:s4] =	dma.local [hbm:s3], $0xF7A  }
0x26: {  	[smem:$0x3F9A] =	sst s1;
	(tag) =	ssettag s2;
	_ =	strace s9  }
0x27: {  	s1 =	sld [smem:$0x3FAA]  }
0x28: {  	s2 =	sld [smem:$0x3FAB]  }
0x29: {  	s4 =	sld [smem:$0x3FAD]  }
0x2a: {  	p0 =	seq.s32 s5, $0x0;
	s5 =	sld [smem:$0x3FAE]  }
0x2b: {  	s6 =	sld [smem:$0x3FAF]  }
0x2c: {  	s7 =	sld [smem:$0x3FB0]  }
0x2d: {  	s3 =	simm.s32 $0x108;
	s8 =	sld [smem:$0x3FB1]  }
0x2e: {  	s3 =	simm.s32 @!p0 $0x1082;
	s9 =	sld [smem:$0x3FB2]  }
0x2f: {  	lr =	sadd.s32 s0, s3;
	s0 =	sld [smem:$0x3FA9]  }
0x30: {  	s3 =	sld [smem:$0x3FAC]  }
0x31: {  	[smem:$0x3FB5] =	sst s10  }
0x32: {  	s10 =	sld [smem:$0x3FB3];
	_ =	sdelay $0x3  }
0x33: {  	p0 =	seq.s32 s10, $0x1;
	s10 =	sld [smem:$0x3FB5];
	_ =	sdelay $0x3  }
0x34: {  	[smem:$0x3FB5] =	sst s10  }
0x35: {  	s10 =	sld [smem:$0x3FB4];
	_ =	sdelay $0x3  }
0x36: {  	p1 =	seq.s32 s10, $0x1;
	s10 =	sld [smem:$0x3FB5];
	_ =	sdelay $0x3  }
0x37: {  	[smem:$0x3FB5] =	sst s10  }
0x38: {  	s10 =	sld [smem:$0x3FB6]  }
0x39: {  	_ = 	snop;
	(pc) =	sbr.ind lr, $3  }
0x3a: {  	_ = 	snop  }
0x3b: {  	_ = 	snop  }
0x3c: {  	p2 =	seq.s32 s10, $0x1;
	s10 =	sld [smem:$0x3FB5]  }
0x3d: {  	_ =	shalt  }
0x3e: {  	_ =	shalt  }
0x3f: {  	_ =	shalt  }
0x40: {  	_ =	shalt  }
0x41: {  	_ =	shalt  }
0x42: {  	_ =	shalt  }
0x43: {  	_ =	shalt  }
0x44: {  	_ =	shalt  }
0x45: {  	_ =	shalt  }
0x46: {  	_ =	shalt  }
0x47: {  	_ =	shalt  }
0x48: {  	_ =	shalt  }
0x49: {  	_ =	shalt  }
0x4a: {  	_ =	shalt  }
0x4b: {  	_ =	shalt  }
0x4c: {  	_ =	shalt  }
0x4d: {  	_ =	shalt  }
0x4e: {  	_ =	shalt  }
0x4f: {  	_ =	shalt  }
0x50: {  	_ =	shalt  }
0x51: {  	_ =	shalt  }
0x52: {  	_ =	shalt  }
0x53: {  	_ =	shalt  }
0x54: {  	_ =	shalt  }
0x55: {  	_ =	shalt  }
0x56: {  	_ =	shalt  }
0x57: {  	_ =	shalt  }
0x58: {  	_ =	shalt  }
0x59: {  	_ =	shalt  }
0x5a: {  	_ =	shalt  }
0x5b: {  	_ =	shalt  }
0x5c: {  	_ =	shalt  }
0x5d: {  	_ =	shalt  }
0x5e: {  	_ =	shalt  }
0x5f: {  	_ =	shalt  }
0x60: {  	_ =	shalt  }
0x61: {  	_ =	shalt  }
0x62: {  	_ =	shalt  }
0x63: {  	_ =	shalt  }
0x64: {  	_ =	shalt  }
0x65: {  	_ =	shalt  }
0x66: {  	_ =	shalt  }
0x67: {  	_ =	shalt  }
0x68: {  	_ =	shalt  }
0x69: {  	_ =	shalt  }
0x6a: {  	_ =	shalt  }
0x6b: {  	_ =	shalt  }
0x6c: {  	_ =	shalt  }
0x6d: {  	_ =	shalt  }
0x6e: {  	_ =	shalt  }
0x6f: {  	_ =	shalt  }
0x70: {  	_ =	shalt  }
0x71: {  	_ =	shalt  }
0x72: {  	_ =	shalt  }
0x73: {  	_ =	shalt  }
0x74: {  	_ =	shalt  }
0x75: {  	_ =	shalt  }
0x76: {  	_ =	shalt  }
0x77: {  	_ =	shalt  }
0x78: {  	_ =	shalt  }
0x79: {  	_ =	shalt  }
0x7a: {  	_ =	shalt  }
0x7b: {  	_ =	shalt  }
0x7c: {  	_ =	shalt  }
0x7d: {  	_ =	shalt  }
0x7e: {  	_ =	shalt  }
0x7f: {  	_ =	shalt  }
0x80: {  	_ =	shalt  }
0x81: {  	_ =	shalt  }
0x82: {  	_ =	shalt  }
0x83: {  	_ =	shalt  }
0x84: {  	_ =	shalt  }
0x85: {  	_ =	shalt  }
0x86: {  	_ =	shalt  }
0x87: {  	_ =	shalt  }
.Lfunc_end0:
.L_simem_size_0:
called_computation.1_lowered:
.L_overlay_start_0:
0x88: {  	s2 =	sld [smem:$0x3FD9]  }
0x89: {  	s3 =	sld [smem:$0x3FFE];
	_ =	sdelay $0x1  }
0x8a: {  	s1 =	srdreg.scid  }
0x8b: {  	s0 =	sand.u32 $0x1, s1  }
0x8c: {  	s17 =	sshll.u32 s0, $0xA;
	s2 =	sadd.s32 s3, s2  }
0x8d: {  	s2 =	sadd.s32 s2, s17  }
0x8e: {  	[smem:$0x3FC1] =	sst s2  }
0x8f: {  	_ = 	snop  }
0x90: {  	s2 =	sld [smem:$0x3FD0];
	(tm) =	ssettm $0x1  }
0x91: {  	s18 =	sld [smem:$0x3FFB];
	_ =	sdelay $0x3  }
0x92: {  	_ =	strace s18  }
0x93: {  	s3 =	sld [smem:$0x3FFC];
	_ =	sdelay $0x3  }
0x94: {  	_ =	strace s3  }
0x95: {  	s3 =	sld [smem:$0x3FFD];
	_ =	sdelay $0x3  }
0x96: {  	_ =	strace s3  }
0x97: {  	_ =	strace $0x8FFFFFFF  }
0x98: {  	s19 =	sld [smem:$0x3FDB];
	_ =	sdelay $0x1  }
0x99: {  	s4 =	simm.s32 $_scs_section_size  }
0x9a: {  	s5 =	simm.s32 $_size__tile_overlayer_lowered;
	s6 =	simm.s32 $_tile_overlayer_lowered  }
0x9b: {  	s22 =	simm.s32 $0x1BFF;
	s21 =	sshll.u32 s6, $0x1;
	s3 =	sadd.s32 s4, s19  }
0x9c: {  	s7 =	simm.s32 $0x0;
	s20 =	sshll.u32 s5, $0x1;
	s5 =	sadd.s32 s21, s3  }
0x9d: {  	[timem:s7], [sflag:s22] =	dma.local [hbm:s5], s20  }
0x9e: {  	_ =	swait.ge [sflag:s22], s20  }
0x9f: {  	s4 =	ssub.s32 $0x0, s20;
	[sflag:s22] =	ssyncset.done $0x0  }
0xa0: {  	[sflag:s22] =	ssyncadd.s32 s4;
	_ =	sdelay $0x1  }
0xa1: {  	s23 =	simm.s32 $0x1B8B  }
0xa2: {  	_ =	swait.ge [sflag:s23], $0x1  }
0xa3: {  	[sflag:s23] =	ssyncset.done $0x0  }
0xa4: {  	s25 =	simm.s32 $0x1B8E;
	s24 =	sld [smem:$0x3FFE];
	[sflag:s23] =	ssyncadd.s32 $0xFFFFFFFF  }
0xa5: {  	s26 =	simm.s32 $execute0_lowered;
	[smem:$0x3FD2] =	sst s25  }
0xa6: {  	s5 =	sshll.u32 s26, $0x1;
	_ =	strace $0x80000046;
	[dreg:$0x1] =	wrdreg $0xFFFFFFFF  }
0xa7: {  	s28 =	simm.s32 $_size_execute0_lowered;
	s3 =	sadd.s32 s3, s5;
	[dreg:$0x0] =	wrdreg $0x0  }
0xa8: {  	s5 =	sshll.u32 s28, $0x1;
	[dreg:$0x2] =	wrdreg s3  }
0xa9: {  	[dreg:$0x3] =	wrdreg s5  }
0xaa: {  	[dreg:$0x4] =	wrdreg $0xC0  }
0xab: {  	_ =	task [dreg:s7], $0x5FFFF  }
0xac: {  	[dreg:$0x1] =	wrdreg $0xFFFFFFFF  }
0xad: {  	[dreg:$0x0] =	wrdreg $0x60  }
0xae: {  	[dreg:$0x2] =	wrdreg s24  }
0xaf: {  	[dreg:$0x3] =	wrdreg s2  }
0xb0: {  	[dreg:$0x4] =	wrdreg $0x9  }
0xb1: {  	_ =	task.clear_ibuf [dreg:s7], $0x5FFFF;
	_ =	strace $0x90000046  }
0xb2: {  	s29 =	simm.s32 $0x9;
	_ =	strace $0x80000048  }
0xb3: {  	_ =	swait.ge [sflag:s29], $0x1  }
0xb4: {  	[sflag:s29] =	ssyncadd.s32 $0xFFFFFFFF  }
0xb5: {  	_ =	strace $0x90000048  }
0xb6: {  	_ =	sfence  }
0xb7: {  	s30 =	sld [smem:$0x0];
	_ =	sdelay $0x2  }
0xb8: {  	s31 =	sshll.u32 s1, $0xD;
	s1 =	sshrl.u32 s1, $0x2  }
0xb9: {  	s3 =	sand.u32 $0x4000, s31;
	s1 =	sadd.s32 s1, s30  }
0xba: {  	s0 =	sor.u32 s3, s0;
	s1 =	sshll.u32 s1, $0x11  }
0xbb: {  	s0 =	sor.u32 s1, s0  }
0xbc: {  	s0 =	sadd.s32 $0x8F2B, s0  }
0xbd: {  	[sflag:s0] =	ssyncadd.remote.s32 $0x1  }
0xbe: {  	_ =	sfence.sel $0xFFFF  }
0xbf: {  	[dreg:$0x0] =	wrdreg $0xFFFFFFFF;
	(pc) =	sbr.abs _section_cstart, $3  }
0xc0: {  	[dreg:$0x1] =	wrdreg $0xFFFFFFFF  }
0xc1: {  	_ =	task.clear_ibuf [dreg:s7], $0x2FFFF;
	_ =	strace $0x9FFFFFFF  }
0xc2: {  	(tm) =	ssettm $0x7FFFFFFF  }
0xc3: {  	_ =	shalt  }
tec
execute0_lowered:
.L_overlay_start_1:
0x0: {  	(tag) =	ssettag $0x1  }
0x1: {  	s0 =	rddreg [dreg:$0x0]  }
0x2: {  	s2 =	rddreg [dreg:$0x1];
	s1 =	srdreg.scid  }
0x3: {  	s4 =	stileid.u32;
	s3 =	simm.s32 $0x0;
	s17 =	simm.s32 $0x5  }
0x4: {  	s21 =	simm.s32 $0x3380;
	s22 =	simm.s32 $0x3580;
	s23 =	simm.s32 $0x1  }
0x5: {  	s28 =	simm.s32 $0x3;
	s29 =	simm.s32 $0x4;
	s30 =	simm.s32 $0x0  }
0x6: {  	s1 =	sand.u32 $0x1, s1;
	s4 =	sshll.u32 s4, $0x1;
	[smem:$0x7FF] =	sst s3  }
0x7: {  	s5 =	sadd.s32 $0x1600, s0;
	s7 =	sadd.s32 $0x1400, s0;
	s4 =	sor.u32 s1, s4  }
0x8: {  	_ =	strace $0x80000047;
	[dreg:$0x3] =	wrdreg s5;
	s5 =	sadd.s32 $0x1E00, s0  }
0x9: {  	[dreg:$0x4] =	wrdreg s7;
	s1 =	ssub.s32 $0x2, s1;
	s6 =	smul.u32 $0x6400, s4  }
0xa: {  	v0 =	vimm.s32 $0x6;
	v1 =	vlaneseq.u32;
	s7 =	sadd.s32 $0x1AE00, s0;
	s24 =	sshrl.u32 s1, $0x1;
	s12 =	smul.u32 $0x320000, s4  }
0xb: {  	v2 =	vimm.s32 $0x0;
	v6 =	vimm.s32 $0x1;
	v7 =	vimm.s32 $0x2;
	s0 =	ssub.s32 s1, s24;
	s24 =	simm.s32 $0x3680;
	s8 =	sshrl.u32 s6, $0x3  }
.Ltmp0:
0xc: {  	v8 =	vimm.s32 $0x3;
	v9 =	vimm.s32 $0x4;
	v10 =	vimm.s32 $0x5;
	s13 =	sor.u32 $0x200, s6;
	s14 =	sor.u32 $0x100, s6;
	(pc) =	sbr.rel .LBB2_1-.Ltmp0, $4  }
0xd: {  	v11 =	vimm.s32 $0x7;
	v12 =	vimm.s32 $0x8;
	v13 =	vimm.s32 $0x9;
	s15 =	sor.u32 $0x300, s6;
	s16 =	smax.u32 s0, $0x1;
	s25 =	sadd.s32 s2, s8  }
0xe: {  	v14 =	vimm.s32 $0xA;
	v15 =	vimm.s32 $0xB;
	v16 =	vimm.s32 $0xC;
	s26 =	sor.u32 $0x20, s8;
	s8 =	sadd.s32 s5, s8;
	[dreg:$0x5] =	wrdreg s25  }
0xf: {  	v17 =	vimm.s32 $0xD;
	v18 =	vimm.s32 $0xE;
	v19 =	vimm.s32 $0xF;
	[dreg:$0x6] =	wrdreg s8;
	s31 =	sadd.s32 s2, s26;
	s11 =	sadd.s32 s5, s26  }
0x10: {  	v3 =	vor.u32 $0x10, v1;
	v4 =	vor.u32 $0x20, v1;
	v5 =	vor.u32 $0x30, v1;
	s25 =	simm.s32 $0x2;
	s26 =	simm.s32 $0xB680;
	[dreg:$0x7] =	wrdreg s31  }
.LBB2_8:
0x11: {  	s30 =	sadd.s32 $0x1, s30  }
0x12: {  	_ =	swait.ge [sflag:s28], $0x8000;
	p0 =	sne.s32 s30, s16  }
.Ltmp1:
0x13: {  	[sflag:s28] =	ssyncset.done $0x0;
	(pc) =	sbr.rel @!p0 .LBB2_9-.Ltmp1, $4  }
0x14: {  	[sflag:s28] =	ssyncadd.s32 $0xFFFF8000  }
0x15: {  	_ =	swait.ge [sflag:s29], $0x8000  }
0x16: {  	[sflag:s29] =	ssyncset.done $0x0  }
0x17: {  	v0 =	vimm.s32 $0x6;
	v2 =	vimm.s32 $0x0;
	[sflag:s29] =	ssyncadd.s32 $0xFFFF8000  }
.LBB2_1:
0x18: {  	s0 =	rddreg [dreg:$0x3]  }
0x19: {  	[tilespmem:s3], [sflag:$0x5] =	stream.linear.gather [hbm4b:s0+s3], $0x3280, $0x38;
	[tilespmem:$0x13700] =	vst v63  }
0x1a: {  	_ =	swait.ge [sflag:s17], $0x3280  }
0x1b: {  	[sflag:s17] =	ssyncset.done $0x0  }
0x1c: {  	s1 =	simm.s32 $0x13680;
	s8 =	rddreg [dreg:$0x4];
	[sflag:s17] =	ssyncadd.s32 $0xFFFFCD80  }
0x1d: {  	[tilespmem:s1], [sflag:$0x5] =	stream.linear.gather [hbm4b:s8+s3], $0x80, $0x38;
	[tilespmem:$0x13700] =	vst v63  }
0x1e: {  	_ =	swait.ge [sflag:s17], $0x80  }
0x1f: {  	[sflag:s17] =	ssyncset.done $0x0  }
0x20: {  	[sflag:s17] =	ssyncadd.s32 $0xFFFFFF80  }
0x21: {  	v20 =	vld [tilespmem:$0x13680]  }
0x22: {  	v21 =	vld [tilespmem:$0x13690]  }
0x23: {  	s10 =	simm.s32 $0x3280;
	s9 =	rddreg [dreg:$0x5];
	v22 =	vld [tilespmem:$0x136A0]  }
0x24: {  	v23 =	vld [tilespmem:$0x136B0];
	[tilespmem:s10], [sflag:$0x1] =	stream.linear.gather [hbm4b:s9+s3], $0x100, $0x38  }
0x25: {  	s19 =	simm.s32 $0x3480;
	s18 =	rddreg [dreg:$0x6]  }
0x26: {  	[tilespmem:s19], [sflag:$0x1] =	stream.linear.gather [hbm4b:s18+s3], $0x100, $0x38;
	[tilespmem:$0x13700] =	vst v63  }
0x27: {  	s20 =	rddreg [dreg:$0x7]  }
0x28: {  	[tilespmem:s21], [sflag:$0x2] =	stream.linear.gather [hbm4b:s20+s3], $0x100, $0x38;
	[tilespmem:$0x13700] =	vst v63  }
0x29: {  	s31 =	simm.s32 $0x0  }
0x2a: {  	[tilespmem:s22], [sflag:$0x2] =	stream.linear.gather [hbm4b:s11+s3], $0x100, $0x38;
	[tilespmem:$0x13700] =	vst v63  }
.LBB2_2:
0x2b: {  	_ =	swait.ge [sflag:s23], $0x100  }
0x2c: {  	[sflag:s23] =	ssyncset.done $0x0  }
0x2d: {  	[sflag:s23] =	ssyncadd.s32 $0xFFFFFF00  }
0x2e: {  	_ =	swait.ge [sflag:s23], $0x100  }
0x2f: {  	p0 =	seq.s32 s31, $0x0;
	[sflag:s23] =	ssyncset.done $0x0  }
0x30: {  	s0 =	simm.s32 @!p0 $0x3;
	[sflag:s23] =	ssyncadd.s32 $0xFFFFFF00  }
0x31: {  	_ =	swait.ge @!p0 [sflag:s0], $0x8000  }
0x32: {  	[sflag:s0] =	ssyncset.done @!p0 $0x0  }
0x33: {  	s1 =	simm.s32 $0x0;
	[sflag:s0] =	ssyncadd.s32 @!p0 $0xFFFF8000  }
0x34: {  	v24 =	vld [tilespmem:s1+$0x3280];
	_ =	sdelay $0x4  }
0x35: {  	v34 =	vshll.u32 v24, $0x6  }
0x36: {  	v24 =	vperm.xlane v34, v2;
	_ =	sdelay $0x1  }
0x37: {  	v25 =	vadd.s32 v1, v24  }
0x38: {  	v35 =	vld [tilespmem:s1+$0x3480];
	_ =	sdelay $0x3  }
0x39: {  	v25 =	vld.idx.msk [tilespmem:v25+s3+$0x0], $0xffff  }
0x3a: {  	v26 =	vperm.xlane v35, v2;
	_ =	sdelay $0x1  }
0x3b: {  	v27 =	vmul.f32 v26, v20;
	v28 =	vadd.s32 v3, v24;
	_ =	sdelay $0x1  }
0x3c: {  	v25 =	vadd.f32 v27, v25  }
0x3d: {  	s1 =	simm.s32 $0x3A80  }
0x3e: {  	[tilespmem:s1+$0xFFFFFC00] =	vst v25  }
0x3f: {  	v25 =	vld.idx.msk [tilespmem:v28+s3+$0x0], $0xffff;
	_ =	sdelay $0x2  }
0x40: {  	v27 =	vmul.f32 v26, v21;
	v28 =	vadd.s32 v4, v24;
	_ =	sdelay $0x1  }
0x41: {  	v25 =	vadd.f32 v25, v27;
	_ =	sdelay $0x1  }
0x42: {  	[tilespmem:s1+$0xFFFFFC10] =	vst v25  }
0x43: {  	v25 =	vld.idx.msk [tilespmem:v28+s3+$0x0], $0xffff;
	_ =	sdelay $0x2  }
0x44: {  	v24 =	vadd.s32 v5, v24;
	v27 =	vmul.f32 v26, v22;
	_ =	sdelay $0x1  }
0x45: {  	v25 =	vadd.f32 v25, v27;
	_ =	sdelay $0x1  }
0x46: {  	[tilespmem:s1+$0xFFFFFC20] =	vst v25  }
0x47: {  	v24 =	vld.idx.msk [tilespmem:v24+s3+$0x0], $0xffff  }
0x48: {  	v25 =	vperm.xlane v34, v6;
	_ =	sdelay $0x1  }
0x49: {  	v26 =	vmul.f32 v26, v23;
	v27 =	vadd.s32 v1, v25;
	_ =	sdelay $0x1  }
0x4a: {  	v24 =	vadd.f32 v24, v26;
	_ =	sdelay $0x1  }
0x4b: {  	[tilespmem:s1+$0xFFFFFC30] =	vst v24  }
0x4c: {  	v24 =	vld.idx.msk [tilespmem:v27+s3+$0x0], $0xffff  }
0x4d: {  	v26 =	vperm.xlane v35, v6;
	_ =	sdelay $0x1  }
0x4e: {  	v28 =	vadd.s32 v3, v25;
	v27 =	vmul.f32 v26, v20;
	_ =	sdelay $0x1  }
0x4f: {  	v24 =	vadd.f32 v27, v24;
	_ =	sdelay $0x1  }
0x50: {  	[tilespmem:s1+$0xFFFFFC80] =	vst v24  }
0x51: {  	v24 =	vld.idx.msk [tilespmem:v28+s3+$0x0], $0xffff;
	_ =	sdelay $0x2  }
0x52: {  	v27 =	vmul.f32 v26, v21;
	v28 =	vadd.s32 v4, v25;
	_ =	sdelay $0x1  }
0x53: {  	v24 =	vadd.f32 v24, v27;
	_ =	sdelay $0x1  }
0x54: {  	[tilespmem:s1+$0xFFFFFC90] =	vst v24  }
0x55: {  	v24 =	vld.idx.msk [tilespmem:v28+s3+$0x0], $0xffff;
	_ =	sdelay $0x2  }
0x56: {  	v25 =	vadd.s32 v5, v25;
	v27 =	vmul.f32 v26, v22;
	_ =	sdelay $0x1  }
0x57: {  	v24 =	vadd.f32 v24, v27;
	_ =	sdelay $0x1  }
0x58: {  	[tilespmem:s1+$0xFFFFFCA0] =	vst v24  }
0x59: {  	v24 =	vld.idx.msk [tilespmem:v25+s3+$0x0], $0xffff  }
0x5a: {  	v27 =	vperm.xlane v34, v7;
	_ =	sdelay $0x1  }
0x5b: {  	v25 =	vmul.f32 v26, v23;
	v26 =	vadd.s32 v1, v27;
	_ =	sdelay $0x1  }
0x5c: {  	v24 =	vadd.f32 v24, v25;
	_ =	sdelay $0x1  }
0x5d: {  	[tilespmem:s1+$0xFFFFFCB0] =	vst v24  }
0x5e: {  	v24 =	vld.idx.msk [tilespmem:v26+s3+$0x0], $0xffff  }
0x5f: {  	v26 =	vperm.xlane v35, v7;
	_ =	sdelay $0x1  }
0x60: {  	v28 =	vadd.s32 v3, v27;
	v25 =	vmul.f32 v26, v20  }
0x61: {  	s4 =	simm.s32 $0x10  }
0x62: {  	v29 =	vld [tilespmem:s4+$0x3280];
	v24 =	vadd.f32 v25, v24;
	_ =	sdelay $0x1  }
0x63: {  	[tilespmem:s1+$0xFFFFFD00] =	vst v24  }
0x64: {  	v24 =	vld.idx.msk [tilespmem:v28+s3+$0x0], $0xffff;
	_ =	sdelay $0x1  }
0x65: {  	v25 =	vshll.u32 v29, $0x6  }
0x66: {  	v30 =	vadd.s32 v4, v27;
	v29 =	vmul.f32 v26, v21;
	v28 =	vperm.xlane v25, v2;
	_ =	sdelay $0x1  }
0x67: {  	v31 =	vadd.s32 v1, v28;
	v29 =	vadd.f32 v24, v29  }
0x68: {  	v24 =	vld [tilespmem:s4+$0x3480]  }
0x69: {  	[tilespmem:s1+$0xFFFFFD10] =	vst v29  }
0x6a: {  	v29 =	vld.idx.msk [tilespmem:v30+s3+$0x0], $0xffff;
	_ =	sdelay $0x1  }
0x6b: {  	v30 =	vld.idx.msk [tilespmem:v31+s3+$0x0], $0xffff  }
0x6c: {  	v27 =	vadd.s32 v5, v27;
	v32 =	vmul.f32 v26, v22;
	v31 =	vperm.xlane v24, v2;
	_ =	sdelay $0x1  }
0x6d: {  	v36 =	vadd.s32 v3, v28;
	v33 =	vmul.f32 v31, v20;
	v29 =	vadd.f32 v29, v32;
	_ =	sdelay $0x1  }
0x6e: {  	v30 =	vadd.f32 v33, v30;
	[tilespmem:s1+$0xFFFFFD20] =	vst v29  }
0x6f: {  	s18 =	simm.s32 $0x4280;
	v27 =	vld.idx.msk [tilespmem:v27+s3+$0x0], $0xffff  }
0x70: {  	v29 =	vperm.xlane v34, v8;
	[tilespmem:s18+$0xFFFFFC00] =	vst v30  }
0x71: {  	v30 =	vld.idx.msk [tilespmem:v36+s3+$0x0], $0xffff  }
0x72: {  	v26 =	vmul.f32 v26, v23;
	v59 =	vadd.s32 v1, v29;
	_ =	sdelay $0x1  }
0x73: {  	v61 =	vadd.s32 v4, v28;
	v60 =	vmul.f32 v31, v21;
	v26 =	vadd.f32 v27, v26;
	_ =	sdelay $0x1  }
0x74: {  	v27 =	vadd.f32 v30, v60;
	[tilespmem:s1+$0xFFFFFD30] =	vst v26  }
0x75: {  	v26 =	vld.idx.msk [tilespmem:v59+s3+$0x0], $0xffff  }
0x76: {  	v30 =	vperm.xlane v35, v8;
	[tilespmem:s18+$0xFFFFFC10] =	vst v27  }
0x77: {  	v27 =	vld.idx.msk [tilespmem:v61+s3+$0x0], $0xffff  }
0x78: {  	v63 =	vadd.s32 v3, v29;
	v62 =	vmul.f32 v30, v20;
	_ =	sdelay $0x1  }
0x79: {  	v28 =	vadd.s32 v5, v28;
	v40 =	vmul.f32 v31, v22;
	v26 =	vadd.f32 v62, v26;
	_ =	sdelay $0x1  }
0x7a: {  	v27 =	vadd.f32 v27, v40;
	[tilespmem:s1+$0xFFFFFD80] =	vst v26  }
0x7b: {  	v26 =	vld.idx.msk [tilespmem:v63+s3+$0x0], $0xffff  }
0x7c: {  	[tilespmem:s18+$0xFFFFFC20] =	vst v27  }
0x7d: {  	v27 =	vld.idx.msk [tilespmem:v28+s3+$0x0], $0xffff  }
0x7e: {  	v42 =	vadd.s32 v4, v29;
	v41 =	vmul.f32 v30, v21;
	v28 =	vperm.xlane v25, v6;
	_ =	sdelay $0x1  }
0x7f: {  	v31 =	vmul.f32 v31, v23;
	v43 =	vadd.s32 v1, v28;
	v26 =	vadd.f32 v26, v41;
	_ =	sdelay $0x1  }
0x80: {  	v27 =	vadd.f32 v27, v31;
	[tilespmem:s1+$0xFFFFFD90] =	vst v26  }
0x81: {  	v26 =	vld.idx.msk [tilespmem:v42+s3+$0x0], $0xffff  }
0x82: {  	[tilespmem:s18+$0xFFFFFC30] =	vst v27  }
0x83: {  	v27 =	vld.idx.msk [tilespmem:v43+s3+$0x0], $0xffff  }
0x84: {  	v29 =	vadd.s32 v5, v29;
	v44 =	vmul.f32 v30, v22;
	v31 =	vperm.xlane v24, v6;
	_ =	sdelay $0x1  }
0x85: {  	v46 =	vadd.s32 v3, v28;
	v45 =	vmul.f32 v31, v20;
	v26 =	vadd.f32 v26, v44;
	_ =	sdelay $0x1  }
0x86: {  	v27 =	vadd.f32 v45, v27;
	[tilespmem:s1+$0xFFFFFDA0] =	vst v26  }
0x87: {  	v26 =	vld.idx.msk [tilespmem:v29+s3+$0x0], $0xffff  }
0x88: {  	[tilespmem:s18+$0xFFFFFC80] =	vst v27;
	v27 =	vperm.xlane v34, v9  }
0x89: {  	v29 =	vld.idx.msk [tilespmem:v46+s3+$0x0], $0xffff  }
0x8a: {  	v30 =	vmul.f32 v30, v23;
	v47 =	vadd.s32 v1, v27;
	_ =	sdelay $0x1  }
0x8b: {  	v49 =	vadd.s32 v4, v28;
	v48 =	vmul.f32 v31, v21;
	v26 =	vadd.f32 v26, v30;
	_ =	sdelay $0x1  }
0x8c: {  	v29 =	vadd.f32 v29, v48;
	[tilespmem:s1+$0xFFFFFDB0] =	vst v26  }
0x8d: {  	v26 =	vld.idx.msk [tilespmem:v47+s3+$0x0], $0xffff  }
0x8e: {  	[tilespmem:s18+$0xFFFFFC90] =	vst v29;
	v29 =	vperm.xlane v35, v9  }
0x8f: {  	v30 =	vld.idx.msk [tilespmem:v49+s3+$0x0], $0xffff  }
0x90: {  	v51 =	vadd.s32 v3, v27;
	v50 =	vmul.f32 v29, v20;
	_ =	sdelay $0x1  }
0x91: {  	v28 =	vadd.s32 v5, v28;
	v52 =	vmul.f32 v31, v22;
	v26 =	vadd.f32 v50, v26;
	_ =	sdelay $0x1  }
0x92: {  	v30 =	vadd.f32 v30, v52;
	[tilespmem:s1+$0xFFFFFE00] =	vst v26  }
0x93: {  	v26 =	vld.idx.msk [tilespmem:v51+s3+$0x0], $0xffff  }
0x94: {  	[tilespmem:s18+$0xFFFFFCA0] =	vst v30  }
0x95: {  	v28 =	vld.idx.msk [tilespmem:v28+s3+$0x0], $0xffff  }
0x96: {  	v54 =	vadd.s32 v4, v27;
	v53 =	vmul.f32 v29, v21;
	v30 =	vperm.xlane v25, v7;
	_ =	sdelay $0x1  }
0x97: {  	v31 =	vmul.f32 v31, v23;
	v55 =	vadd.s32 v1, v30;
	v26 =	vadd.f32 v26, v53;
	_ =	sdelay $0x1  }
0x98: {  	v28 =	vadd.f32 v28, v31;
	[tilespmem:s1+$0xFFFFFE10] =	vst v26  }
0x99: {  	v26 =	vld.idx.msk [tilespmem:v54+s3+$0x0], $0xffff  }
0x9a: {  	[tilespmem:s18+$0xFFFFFCB0] =	vst v28  }
0x9b: {  	v28 =	vld.idx.msk [tilespmem:v55+s3+$0x0], $0xffff  }
0x9c: {  	v27 =	vadd.s32 v5, v27;
	v56 =	vmul.f32 v29, v22;
	v31 =	vperm.xlane v24, v7;
	_ =	sdelay $0x1  }
0x9d: {  	v58 =	vadd.s32 v3, v30;
	v57 =	vmul.f32 v31, v20;
	v26 =	vadd.f32 v26, v56  }
0x9e: {  	s6 =	simm.s32 $0x20  }
0x9f: {  	v59 =	vld [tilespmem:s6+$0x3280];
	v28 =	vadd.f32 v57, v28;
	[tilespmem:s1+$0xFFFFFE20] =	vst v26  }
0xa0: {  	v26 =	vld.idx.msk [tilespmem:v27+s3+$0x0], $0xffff  }
0xa1: {  	[tilespmem:s18+$0xFFFFFD00] =	vst v28;
	v28 =	vperm.xlane v34, v10  }
0xa2: {  	v60 =	vld.idx.msk [tilespmem:v58+s3+$0x0], $0xffff  }
0xa3: {  	v29 =	vmul.f32 v29, v23;
	v61 =	vadd.s32 v1, v28  }
0xa4: {  	v38 =	vadd.s32 v4, v30;
	v27 =	vshll.u32 v59, $0x6  }
0xa5: {  	v37 =	vmul.f32 v31, v21;
	v62 =	vperm.xlane v27, v2;
	v29 =	vadd.f32 v26, v29;
	_ =	sdelay $0x1  }
0xa6: {  	v39 =	vadd.s32 v1, v62;
	v26 =	vld [tilespmem:s6+$0x3480];
	v33 =	vadd.f32 v60, v37;
	[tilespmem:s1+$0xFFFFFE30] =	vst v29  }
0xa7: {  	v29 =	vld.idx.msk [tilespmem:v61+s3+$0x0], $0xffff  }
0xa8: {  	v63 =	vperm.xlane v35, v10;
	[tilespmem:s18+$0xFFFFFD10] =	vst v33  }
0xa9: {  	v33 =	vld.idx.msk [tilespmem:v38+s3+$0x0], $0xffff  }
0xaa: {  	v45 =	vmul.f32 v63, v20;
	v46 =	vadd.s32 v3, v28  }
0xab: {  	v30 =	vadd.s32 v5, v30;
	v39 =	vld.idx.msk [tilespmem:v39+s3+$0x0], $0xffff  }
0xac: {  	v41 =	vmul.f32 v31, v22;
	v40 =	vperm.xlane v26, v2;
	v29 =	vadd.f32 v45, v29;
	_ =	sdelay $0x1  }
0xad: {  	v42 =	vadd.s32 v3, v62;
	v47 =	vmul.f32 v40, v20;
	v33 =	vadd.f32 v33, v41;
	[tilespmem:s1+$0xFFFFFE80] =	vst v29  }
0xae: {  	v29 =	vld.idx.msk [tilespmem:v46+s3+$0x0], $0xffff  }
0xaf: {  	v37 =	vadd.f32 v47, v39;
	[tilespmem:s18+$0xFFFFFD20] =	vst v33  }
0xb0: {  	s19 =	simm.s32 $0x4A80;
	v30 =	vld.idx.msk [tilespmem:v30+s3+$0x0], $0xffff  }
0xb1: {  	v48 =	vmul.f32 v63, v21;
	v49 =	vadd.s32 v4, v28;
	[tilespmem:s19+$0xFFFFFC00] =	vst v37;
	v33 =	vperm.xlane v25, v8  }
0xb2: {  	v50 =	vld.idx.msk [tilespmem:v42+s3+$0x0], $0xffff  }
0xb3: {  	v31 =	vmul.f32 v31, v23;
	v51 =	vadd.s32 v1, v33;
	v29 =	vadd.f32 v29, v48;
	_ =	sdelay $0x1  }
0xb4: {  	v53 =	vadd.s32 v4, v62;
	v52 =	vmul.f32 v40, v21;
	v30 =	vadd.f32 v30, v31;
	[tilespmem:s1+$0xFFFFFE90] =	vst v29  }
0xb5: {  	v29 =	vld.idx.msk [tilespmem:v49+s3+$0x0], $0xffff  }
0xb6: {  	v31 =	vadd.f32 v50, v52;
	[tilespmem:s18+$0xFFFFFD30] =	vst v30  }
0xb7: {  	v30 =	vld.idx.msk [tilespmem:v51+s3+$0x0], $0xffff  }
0xb8: {  	v54 =	vperm.xlane v24, v8;
	v28 =	vadd.s32 v5, v28;
	[tilespmem:s19+$0xFFFFFC10] =	vst v31;
	v31 =	vmul.f32 v63, v22  }
0xb9: {  	v55 =	vld.idx.msk [tilespmem:v53+s3+$0x0], $0xffff  }
0xba: {  	v56 =	vmul.f32 v54, v20;
	v57 =	vadd.s32 v3, v33;
	v29 =	vadd.f32 v29, v31;
	_ =	sdelay $0x1  }
0xbb: {  	v36 =	vadd.s32 v5, v62;
	v31 =	vmul.f32 v40, v22;
	v30 =	vadd.f32 v56, v30;
	[tilespmem:s1+$0xFFFFFEA0] =	vst v29  }
0xbc: {  	v28 =	vld.idx.msk [tilespmem:v28+s3+$0x0], $0xffff  }
0xbd: {  	v29 =	vadd.f32 v55, v31;
	[tilespmem:s18+$0xFFFFFD80] =	vst v30;
	v30 =	vperm.xlane v34, v0  }
0xbe: {  	v31 =	vld.idx.msk [tilespmem:v57+s3+$0x0], $0xffff  }
0xbf: {  	[tilespmem:s19+$0xFFFFFC20] =	vst v29;
	v29 =	vmul.f32 v63, v23;
	v58 =	vadd.s32 v1, v30  }
0xc0: {  	v59 =	vmul.f32 v54, v21;
	v36 =	vld.idx.msk [tilespmem:v36+s3+$0x0], $0xffff  }
0xc1: {  	v38 =	vperm.xlane v27, v6;
	v60 =	vadd.s32 v4, v33;
	v28 =	vadd.f32 v28, v29;
	_ =	sdelay $0x1  }
0xc2: {  	v61 =	vadd.s32 v1, v38;
	v29 =	vmul.f32 v40, v23;
	v31 =	vadd.f32 v31, v59;
	[tilespmem:s1+$0xFFFFFEB0] =	vst v28  }
0xc3: {  	v28 =	vld.idx.msk [tilespmem:v58+s3+$0x0], $0xffff  }
0xc4: {  	v29 =	vadd.f32 v36, v29;
	[tilespmem:s18+$0xFFFFFD90] =	vst v31;
	v31 =	vperm.xlane v35, v0  }
0xc5: {  	v62 =	vld.idx.msk [tilespmem:v60+s3+$0x0], $0xffff  }
0xc6: {  	v63 =	vadd.s32 v3, v30;
	[tilespmem:s19+$0xFFFFFC30] =	vst v29;
	v29 =	vmul.f32 v31, v20  }
0xc7: {  	v47 =	vmul.f32 v54, v22;
	v45 =	vld.idx.msk [tilespmem:v61+s3+$0x0], $0xffff  }
0xc8: {  	v46 =	vperm.xlane v26, v6;
	v33 =	vadd.s32 v5, v33;
	v28 =	vadd.f32 v29, v28;
	_ =	sdelay $0x1  }
0xc9: {  	v48 =	vadd.s32 v3, v38;
	v29 =	vmul.f32 v46, v20;
	v32 =	vadd.f32 v62, v47;
	[tilespmem:s1+$0xFFFFFF00] =	vst v28  }
0xca: {  	v28 =	vld.idx.msk [tilespmem:v63+s3+$0x0], $0xffff  }
0xcb: {  	v29 =	vadd.f32 v29, v45;
	[tilespmem:s18+$0xFFFFFDA0] =	vst v32  }
0xcc: {  	v32 =	vld.idx.msk [tilespmem:v33+s3+$0x0], $0xffff  }
0xcd: {  	v50 =	vadd.s32 v4, v30;
	v49 =	vmul.f32 v31, v21;
	[tilespmem:s19+$0xFFFFFC80] =	vst v29;
	v29 =	vperm.xlane v25, v9  }
0xce: {  	v51 =	vld.idx.msk [tilespmem:v48+s3+$0x0], $0xffff  }
0xcf: {  	v37 =	vmul.f32 v54, v23;
	v52 =	vadd.s32 v1, v29;
	v28 =	vadd.f32 v28, v49;
	_ =	sdelay $0x1  }
0xd0: {  	v54 =	vadd.s32 v4, v38;
	v53 =	vmul.f32 v46, v21;
	v32 =	vadd.f32 v32, v37;
	[tilespmem:s1+$0xFFFFFF10] =	vst v28  }
0xd1: {  	v28 =	vld.idx.msk [tilespmem:v50+s3+$0x0], $0xffff  }
0xd2: {  	v33 =	vadd.f32 v51, v53;
	[tilespmem:s18+$0xFFFFFDB0] =	vst v32  }
0xd3: {  	v32 =	vld.idx.msk [tilespmem:v52+s3+$0x0], $0xffff  }
0xd4: {  	v30 =	vadd.s32 v5, v30;
	v55 =	vmul.f32 v31, v22;
	[tilespmem:s19+$0xFFFFFC90] =	vst v33;
	v33 =	vperm.xlane v24, v9  }
0xd5: {  	v56 =	vld.idx.msk [tilespmem:v54+s3+$0x0], $0xffff  }
0xd6: {  	v58 =	vadd.s32 v3, v29;
	v57 =	vmul.f32 v33, v20;
	v28 =	vadd.f32 v28, v55;
	_ =	sdelay $0x1  }
0xd7: {  	v38 =	vadd.s32 v5, v38;
	v59 =	vmul.f32 v46, v22;
	v32 =	vadd.f32 v57, v32;
	[tilespmem:s1+$0xFFFFFF20] =	vst v28  }
0xd8: {  	v28 =	vld.idx.msk [tilespmem:v30+s3+$0x0], $0xffff  }
0xd9: {  	v60 =	vperm.xlane v34, v11;
	v30 =	vadd.f32 v56, v59;
	[tilespmem:s18+$0xFFFFFE00] =	vst v32  }
0xda: {  	v61 =	vld.idx.msk [tilespmem:v58+s3+$0x0], $0xffff  }
0xdb: {  	[tilespmem:s19+$0xFFFFFCA0] =	vst v30;
	v30 =	vmul.f32 v31, v23;
	v31 =	vadd.s32 v1, v60  }
0xdc: {  	v63 =	vperm.xlane v27, v7;
	v62 =	vld.idx.msk [tilespmem:v38+s3+$0x0], $0xffff  }
0xdd: {  	v45 =	vadd.s32 v4, v29;
	v44 =	vmul.f32 v33, v21;
	v28 =	vadd.f32 v28, v30;
	_ =	sdelay $0x1  }
0xde: {  	v30 =	vmul.f32 v46, v23;
	v46 =	vadd.s32 v1, v63;
	v36 =	vadd.f32 v61, v44;
	[tilespmem:s1+$0xFFFFFF30] =	vst v28  }
0xdf: {  	v28 =	vld.idx.msk [tilespmem:v31+s3+$0x0], $0xffff  }
0xe0: {  	v30 =	vadd.f32 v62, v30;
	[tilespmem:s18+$0xFFFFFE10] =	vst v36;
	v31 =	vperm.xlane v35, v11  }
0xe1: {  	v36 =	vld.idx.msk [tilespmem:v45+s3+$0x0], $0xffff  }
0xe2: {  	v47 =	vadd.s32 v3, v60;
	[tilespmem:s19+$0xFFFFFCB0] =	vst v30;
	v30 =	vmul.f32 v31, v20  }
0xe3: {  	v40 =	vperm.xlane v26, v7;
	v48 =	vld.idx.msk [tilespmem:v46+s3+$0x0], $0xffff  }
0xe4: {  	v29 =	vadd.s32 v5, v29;
	v49 =	vmul.f32 v33, v22;
	v28 =	vadd.f32 v30, v28  }
0xe5: {  	s8 =	simm.s32 $0x30  }
0xe6: {  	v43 =	vadd.s32 v3, v63;
	v50 =	vmul.f32 v40, v20;
	v30 =	vld [tilespmem:s8+$0x3280];
	v36 =	vadd.f32 v36, v49;
	[tilespmem:s1+$0xFFFFFF80] =	vst v28  }
0xe7: {  	v28 =	vld.idx.msk [tilespmem:v47+s3+$0x0], $0xffff  }
0xe8: {  	v51 =	vadd.f32 v50, v48;
	[tilespmem:s18+$0xFFFFFE20] =	vst v36  }
0xe9: {  	v37 =	vperm.xlane v25, v10;
	v36 =	vld.idx.msk [tilespmem:v29+s3+$0x0], $0xffff  }
0xea: {  	v53 =	vadd.s32 v4, v60;
	v52 =	vmul.f32 v31, v21;
	[tilespmem:s19+$0xFFFFFD00] =	vst v51  }
0xeb: {  	v55 =	vadd.s32 v1, v37;
	v54 =	vld.idx.msk [tilespmem:v43+s3+$0x0], $0xffff  }
0xec: {  	v29 =	vshll.u32 v30, $0x6;
	v30 =	vmul.f32 v33, v23;
	v28 =	vadd.f32 v28, v52  }
0xed: {  	v56 =	vmul.f32 v40, v21  }
0xee: {  	v44 =	vadd.s32 v4, v63;
	v39 =	vperm.xlane v29, v2;
	v30 =	vadd.f32 v36, v30;
	[tilespmem:s1+$0xFFFFFF90] =	vst v28  }
0xef: {  	v57 =	vld.idx.msk [tilespmem:v53+s3+$0x0], $0xffff  }
0xf0: {  	v58 =	vadd.s32 v1, v39;
	v28 =	vld [tilespmem:s8+$0x3480];
	v42 =	vadd.f32 v54, v56;
	[tilespmem:s18+$0xFFFFFE30] =	vst v30  }
0xf1: {  	v30 =	vld.idx.msk [tilespmem:v55+s3+$0x0], $0xffff  }
0xf2: {  	v32 =	vadd.s32 v5, v60;
	v59 =	vmul.f32 v31, v22;
	v33 =	vperm.xlane v24, v10;
	[tilespmem:s19+$0xFFFFFD10] =	vst v42  }
0xf3: {  	v60 =	vld.idx.msk [tilespmem:v44+s3+$0x0], $0xffff  }
0xf4: {  	v45 =	vadd.s32 v3, v37;
	v61 =	vmul.f32 v33, v20;
	v36 =	vadd.f32 v57, v59  }
0xf5: {  	v38 =	vadd.s32 v5, v63;
	v41 =	vld.idx.msk [tilespmem:v58+s3+$0x0], $0xffff  }
0xf6: {  	v46 =	vmul.f32 v40, v22;
	v42 =	vperm.xlane v28, v2;
	v30 =	vadd.f32 v61, v30;
	[tilespmem:s1+$0xFFFFFFA0] =	vst v36  }
0xf7: {  	v47 =	vperm.xlane v34, v12;
	v32 =	vld.idx.msk [tilespmem:v32+s3+$0x0], $0xffff  }
0xf8: {  	v63 =	vadd.s32 v3, v39;
	v62 =	vmul.f32 v42, v20;
	v43 =	vadd.f32 v60, v46;
	[tilespmem:s18+$0xFFFFFE80] =	vst v30  }
0xf9: {  	v30 =	vld.idx.msk [tilespmem:v45+s3+$0x0], $0xffff  }
0xfa: {  	v31 =	vmul.f32 v31, v23;
	v48 =	vadd.s32 v1, v47;
	v36 =	vadd.f32 v62, v41;
	[tilespmem:s19+$0xFFFFFD20] =	vst v43  }
0xfb: {  	s20 =	simm.s32 $0x5280;
	v50 =	vadd.s32 v4, v37;
	v38 =	vld.idx.msk [tilespmem:v38+s3+$0x0], $0xffff  }
0xfc: {  	v49 =	vmul.f32 v33, v21;
	[tilespmem:s20+$0xFFFFFC00] =	vst v36;
	v36 =	vperm.xlane v27, v8;
	v31 =	vadd.f32 v32, v31  }
0xfd: {  	v44 =	vld.idx.msk [tilespmem:v63+s3+$0x0], $0xffff  }
0xfe: {  	v51 =	vmul.f32 v40, v23;
	v52 =	vadd.s32 v1, v36;
	v30 =	vadd.f32 v30, v49;
	[tilespmem:s1+$0xFFFFFFB0] =	vst v31  }
0xff: {  	v54 =	vadd.s32 v4, v39;
	v31 =	vld.idx.msk [tilespmem:v48+s3+$0x0], $0xffff  }
0x100: {  	v53 =	vmul.f32 v42, v21;
	v46 =	vperm.xlane v35, v12;
	v32 =	vadd.f32 v38, v51;
	[tilespmem:s18+$0xFFFFFE90] =	vst v30  }
0x101: {  	v30 =	vld.idx.msk [tilespmem:v50+s3+$0x0], $0xffff  }
0x102: {  	v57 =	vadd.s32 v3, v47;
	v56 =	vmul.f32 v46, v20;
	v55 =	vadd.f32 v44, v53;
	[tilespmem:s19+$0xFFFFFD30] =	vst v32  }
0x103: {  	v37 =	vadd.s32 v5, v37;
	v40 =	vld.idx.msk [tilespmem:v52+s3+$0x0], $0xffff  }
0x104: {  	v58 =	vmul.f32 v33, v22;
	v44 =	vperm.xlane v26, v8;
	[tilespmem:s20+$0xFFFFFC10] =	vst v55;
	v31 =	vadd.f32 v56, v31  }
0x105: {  	v43 =	vld.idx.msk [tilespmem:v54+s3+$0x0], $0xffff  }
0x106: {  	v60 =	vadd.s32 v3, v36;
	v59 =	vmul.f32 v44, v20;
	v30 =	vadd.f32 v30, v58;
	[tilespmem:s1+$0x0] =	vst v31  }
0x107: {  	v31 =	vld.idx.msk [tilespmem:v57+s3+$0x0], $0xffff  }
0x108: {  	v39 =	vadd.s32 v5, v39;
	v61 =	vmul.f32 v42, v22;
	v32 =	vadd.f32 v59, v40;
	[tilespmem:s18+$0xFFFFFEA0] =	vst v30  }
0x109: {  	v63 =	vmul.f32 v46, v21;
	v30 =	vld.idx.msk [tilespmem:v37+s3+$0x0], $0xffff  }
0x10a: {  	v48 =	vadd.s32 v4, v47;
	v62 =	vadd.f32 v43, v61;
	[tilespmem:s19+$0xFFFFFD80] =	vst v32;
	v32 =	vperm.xlane v25, v0  }
0x10b: {  	v49 =	vld.idx.msk [tilespmem:v60+s3+$0x0], $0xffff  }
0x10c: {  	v33 =	vmul.f32 v33, v23;
	[tilespmem:s20+$0xFFFFFC20] =	vst v62;
	v50 =	vadd.s32 v1, v32;
	v31 =	vadd.f32 v31, v63  }
0x10d: {  	v38 =	vperm.xlane v29, v6;
	v37 =	vld.idx.msk [tilespmem:v39+s3+$0x0], $0xffff  }
0x10e: {  	v51 =	vmul.f32 v44, v21;
	v52 =	vadd.s32 v4, v36;
	v30 =	vadd.f32 v30, v33;
	[tilespmem:s1+$0x10] =	vst v31  }
0x10f: {  	v31 =	vld.idx.msk [tilespmem:v48+s3+$0x0], $0xffff  }
0x110: {  	v53 =	vmul.f32 v42, v23;
	v54 =	vadd.s32 v1, v38;
	v41 =	vadd.f32 v49, v51;
	[tilespmem:s18+$0xFFFFFEB0] =	vst v30  }
0x111: {  	v55 =	vmul.f32 v46, v22;
	v30 =	vld.idx.msk [tilespmem:v50+s3+$0x0], $0xffff  }
0x112: {  	v56 =	vadd.s32 v5, v47;
	v33 =	vadd.f32 v37, v53;
	v37 =	vperm.xlane v24, v0;
	[tilespmem:s19+$0xFFFFFD90] =	vst v41  }
0x113: {  	v57 =	vld.idx.msk [tilespmem:v52+s3+$0x0], $0xffff  }
0x114: {  	v59 =	vadd.s32 v3, v32;
	[tilespmem:s20+$0xFFFFFC30] =	vst v33;
	v58 =	vmul.f32 v37, v20;
	v31 =	vadd.f32 v31, v55  }
0x115: {  	v36 =	vadd.s32 v5, v36;
	v40 =	vld.idx.msk [tilespmem:v54+s3+$0x0], $0xffff  }
0x116: {  	v39 =	vperm.xlane v28, v6;
	v60 =	vmul.f32 v44, v22;
	v30 =	vadd.f32 v58, v30;
	[tilespmem:s1+$0x20] =	vst v31  }
0x117: {  	v47 =	vperm.xlane v34, v13;
	v31 =	vld.idx.msk [tilespmem:v56+s3+$0x0], $0xffff  }
0x118: {  	v62 =	vadd.s32 v3, v38;
	v61 =	vmul.f32 v39, v20;
	v42 =	vadd.f32 v57, v60;
	[tilespmem:s18+$0xFFFFFF00] =	vst v30  }
0x119: {  	v30 =	vld.idx.msk [tilespmem:v59+s3+$0x0], $0xffff  }
0x11a: {  	v63 =	vmul.f32 v46, v23;
	v48 =	vadd.s32 v1, v47;
	v33 =	vadd.f32 v61, v40;
	[tilespmem:s19+$0xFFFFFDA0] =	vst v42  }
0x11b: {  	v50 =	vadd.s32 v4, v32;
	v36 =	vld.idx.msk [tilespmem:v36+s3+$0x0], $0xffff  }
0x11c: {  	v49 =	vmul.f32 v37, v21;
	[tilespmem:s20+$0xFFFFFC80] =	vst v33;
	v33 =	vperm.xlane v27, v9;
	v31 =	vadd.f32 v31, v63  }
0x11d: {  	v41 =	vld.idx.msk [tilespmem:v62+s3+$0x0], $0xffff  }
0x11e: {  	v51 =	vmul.f32 v44, v23;
	v52 =	vadd.s32 v1, v33;
	v30 =	vadd.f32 v30, v49;
	[tilespmem:s1+$0x30] =	vst v31  }
0x11f: {  	v46 =	vperm.xlane v35, v13;
	v31 =	vld.idx.msk [tilespmem:v48+s3+$0x0], $0xffff  }
0x120: {  	v53 =	vmul.f32 v39, v21;
	v54 =	vadd.s32 v4, v38;
	v36 =	vadd.f32 v36, v51;
	[tilespmem:s18+$0xFFFFFF10] =	vst v30  }
0x121: {  	v30 =	vld.idx.msk [tilespmem:v50+s3+$0x0], $0xffff  }
0x122: {  	v56 =	vmul.f32 v46, v20;
	v57 =	vadd.s32 v3, v47;
	v55 =	vadd.f32 v41, v53;
	[tilespmem:s19+$0xFFFFFDB0] =	vst v36  }
0x123: {  	v32 =	vadd.s32 v5, v32;
	v58 =	vld.idx.msk [tilespmem:v52+s3+$0x0], $0xffff  }
0x124: {  	v40 =	vperm.xlane v26, v9;
	v59 =	vmul.f32 v37, v22;
	[tilespmem:s20+$0xFFFFFC90] =	vst v55;
	v31 =	vadd.f32 v56, v31  }
0x125: {  	v43 =	vld.idx.msk [tilespmem:v54+s3+$0x0], $0xffff  }
0x126: {  	v60 =	vmul.f32 v40, v20;
	v61 =	vadd.s32 v3, v33;
	v30 =	vadd.f32 v30, v59;
	[tilespmem:s1+$0x80] =	vst v31  }
0x127: {  	v31 =	vld.idx.msk [tilespmem:v57+s3+$0x0], $0xffff  }
0x128: {  	v38 =	vadd.s32 v5, v38;
	v62 =	vmul.f32 v39, v22;
	v36 =	vadd.f32 v60, v58;
	[tilespmem:s18+$0xFFFFFF20] =	vst v30  }
0x129: {  	v49 =	vadd.s32 v4, v47;
	v30 =	vld.idx.msk [tilespmem:v32+s3+$0x0], $0xffff  }
0x12a: {  	v48 =	vmul.f32 v46, v21;
	v63 =	vadd.f32 v43, v62;
	[tilespmem:s19+$0xFFFFFE00] =	vst v36;
	v36 =	vperm.xlane v25, v11  }
0x12b: {  	v50 =	vld.idx.msk [tilespmem:v61+s3+$0x0], $0xffff  }
0x12c: {  	v51 =	vmul.f32 v37, v23;
	[tilespmem:s20+$0xFFFFFCA0] =	vst v63;
	v53 =	vadd.s32 v1, v36;
	v31 =	vadd.f32 v31, v48  }
0x12d: {  	v41 =	vperm.xlane v29, v7;
	v52 =	vld.idx.msk [tilespmem:v38+s3+$0x0], $0xffff  }
0x12e: {  	v55 =	vadd.s32 v4, v33;
	v54 =	vmul.f32 v40, v21;
	v30 =	vadd.f32 v30, v51;
	[tilespmem:s1+$0x90] =	vst v31  }
0x12f: {  	v31 =	vld.idx.msk [tilespmem:v49+s3+$0x0], $0xffff  }
0x130: {  	v56 =	vmul.f32 v39, v23;
	v57 =	vadd.s32 v1, v41;
	v58 =	vadd.f32 v50, v54;
	[tilespmem:s18+$0xFFFFFF30] =	vst v30  }
0x131: {  	v37 =	vperm.xlane v24, v11;
	v30 =	vld.idx.msk [tilespmem:v53+s3+$0x0], $0xffff  }
0x132: {  	v59 =	vmul.f32 v46, v22;
	v60 =	vadd.s32 v5, v47;
	v32 =	vadd.f32 v52, v56;
	[tilespmem:s19+$0xFFFFFE10] =	vst v58  }
0x133: {  	v61 =	vld.idx.msk [tilespmem:v55+s3+$0x0], $0xffff  }
0x134: {  	v62 =	vmul.f32 v37, v20;
	v63 =	vadd.s32 v3, v36;
	[tilespmem:s20+$0xFFFFFCB0] =	vst v32;
	v31 =	vadd.f32 v31, v59  }
0x135: {  	v33 =	vadd.s32 v5, v33;
	v52 =	vld.idx.msk [tilespmem:v57+s3+$0x0], $0xffff  }
0x136: {  	v39 =	vperm.xlane v28, v7;
	v53 =	vmul.f32 v40, v22;
	v30 =	vadd.f32 v62, v30;
	[tilespmem:s1+$0xA0] =	vst v31  }
0x137: {  	s9 =	simm.s32 $0x40;
	v48 =	vadd.s32 v3, v41;
	v31 =	vld.idx.msk [tilespmem:v60+s3+$0x0], $0xffff  }
0x138: {  	v54 =	vld [tilespmem:s9+$0x3280];
	v32 =	vperm.xlane v34, v14;
	v55 =	vmul.f32 v39, v20;
	v43 =	vadd.f32 v61, v53;
	[tilespmem:s18+$0xFFFFFF80] =	vst v30  }
0x139: {  	v30 =	vld.idx.msk [tilespmem:v63+s3+$0x0], $0xffff  }
0x13a: {  	v56 =	vmul.f32 v46, v23;
	v57 =	vadd.s32 v1, v32;
	v38 =	vadd.f32 v55, v52;
	[tilespmem:s19+$0xFFFFFE20] =	vst v43  }
0x13b: {  	v45 =	vperm.xlane v27, v10;
	v33 =	vld.idx.msk [tilespmem:v33+s3+$0x0], $0xffff  }
0x13c: {  	v58 =	vmul.f32 v37, v21;
	v59 =	vadd.s32 v4, v36;
	[tilespmem:s20+$0xFFFFFD00] =	vst v38;
	v43 =	vadd.f32 v31, v56  }
0x13d: {  	v40 =	vmul.f32 v40, v23;
	v60 =	vld.idx.msk [tilespmem:v48+s3+$0x0], $0xffff  }
0x13e: {  	v61 =	vadd.s32 v1, v45;
	v31 =	vshll.u32 v54, $0x6;
	v30 =	vadd.f32 v30, v58;
	[tilespmem:s1+$0xB0] =	vst v43  }
0x13f: {  	v49 =	vadd.s32 v4, v41;
	v43 =	vperm.xlane v31, v2;
	v44 =	vld.idx.msk [tilespmem:v57+s3+$0x0], $0xffff  }
0x140: {  	v62 =	vmul.f32 v39, v21;
	v38 =	vperm.xlane v35, v14;
	v33 =	vadd.f32 v33, v40;
	[tilespmem:s18+$0xFFFFFF90] =	vst v30  }
0x141: {  	v63 =	vld.idx.msk [tilespmem:v59+s3+$0x0], $0xffff;
	v54 =	vadd.s32 v1, v43  }
0x142: {  	v55 =	vmul.f32 v38, v20;
	v56 =	vadd.s32 v3, v32;
	v30 =	vld [tilespmem:s9+$0x3480];
	v47 =	vadd.f32 v60, v62;
	[tilespmem:s19+$0xFFFFFE30] =	vst v33  }
0x143: {  	v50 =	vperm.xlane v26, v10;
	v42 =	vld.idx.msk [tilespmem:v61+s3+$0x0], $0xffff  }
0x144: {  	v36 =	vadd.s32 v5, v36;
	v57 =	vmul.f32 v37, v22;
	[tilespmem:s20+$0xFFFFFD10] =	vst v47;
	v33 =	vadd.f32 v55, v44  }
0x145: {  	v51 =	vadd.s32 v3, v45;
	v58 =	vld.idx.msk [tilespmem:v49+s3+$0x0], $0xffff  }
0x146: {  	v59 =	vmul.f32 v50, v20;
	v46 =	vld.idx.msk [tilespmem:v54+s3+$0x0], $0xffff;
	v40 =	vadd.f32 v63, v57;
	[tilespmem:s1+$0x100] =	vst v33  }
0x147: {  	v33 =	vperm.xlane v30, v2;
	v60 =	vld.idx.msk [tilespmem:v56+s3+$0x0], $0xffff  }
0x148: {  	v41 =	vadd.s32 v5, v41;
	v61 =	vmul.f32 v39, v22;
	v42 =	vadd.f32 v59, v42;
	[tilespmem:s18+$0xFFFFFFA0] =	vst v40  }
0x149: {  	v53 =	vmul.f32 v38, v21;
	v52 =	vadd.s32 v3, v43;
	v36 =	vld.idx.msk [tilespmem:v36+s3+$0x0], $0xffff;
	v62 =	vmul.f32 v33, v20  }
0x14a: {  	v63 =	vadd.s32 v4, v32;
	v40 =	vperm.xlane v25, v12;
	v44 =	vadd.f32 v58, v61;
	[tilespmem:s19+$0xFFFFFE80] =	vst v42  }
0x14b: {  	v56 =	vld.idx.msk [tilespmem:v51+s3+$0x0], $0xffff;
	v46 =	vadd.f32 v62, v46  }
0x14c: {  	s4 =	simm.s32 $0x5A80;
	v37 =	vmul.f32 v37, v23;
	[tilespmem:s20+$0xFFFFFD20] =	vst v44;
	v57 =	vadd.s32 v1, v40;
	v47 =	vadd.f32 v60, v53  }
0x14d: {  	v58 =	vmul.f32 v50, v21;
	v41 =	vld.idx.msk [tilespmem:v41+s3+$0x0], $0xffff;
	[tilespmem:s4+$0xFFFFFC00] =	vst v46;
	v46 =	vperm.xlane v29, v8  }
0x14e: {  	v60 =	vadd.s32 v4, v45;
	v59 =	vld.idx.msk [tilespmem:v52+s3+$0x0], $0xffff;
	v36 =	vadd.f32 v36, v37;
	[tilespmem:s1+$0x110] =	vst v47  }
0x14f: {  	v37 =	vld.idx.msk [tilespmem:v63+s3+$0x0], $0xffff  }
0x150: {  	v39 =	vmul.f32 v39, v23;
	v42 =	vadd.s32 v1, v46;
	v61 =	vadd.f32 v56, v58;
	[tilespmem:s18+$0xFFFFFFB0] =	vst v36  }
0x151: {  	v32 =	vadd.s32 v5, v32;
	v62 =	vmul.f32 v33, v21;
	v63 =	vadd.s32 v4, v43;
	v44 =	vld.idx.msk [tilespmem:v57+s3+$0x0], $0xffff  }
0x152: {  	v36 =	vperm.xlane v24, v12;
	v56 =	vmul.f32 v38, v22;
	v39 =	vadd.f32 v41, v39;
	[tilespmem:s19+$0xFFFFFE90] =	vst v61  }
0x153: {  	v57 =	vld.idx.msk [tilespmem:v60+s3+$0x0], $0xffff;
	v58 =	vadd.f32 v59, v62  }
0x154: {  	[tilespmem:s20+$0xFFFFFD30] =	vst v39;
	v59 =	vmul.f32 v36, v20;
	v60 =	vadd.s32 v3, v40;
	v37 =	vadd.f32 v37, v56  }
0x155: {  	v51 =	vperm.xlane v28, v8;
	v45 =	vadd.s32 v5, v45;
	v42 =	vld.idx.msk [tilespmem:v42+s3+$0x0], $0xffff;
	[tilespmem:s4+$0xFFFFFC10] =	vst v58  }
0x156: {  	v61 =	vmul.f32 v50, v22;
	v49 =	vld.idx.msk [tilespmem:v63+s3+$0x0], $0xffff;
	v39 =	vadd.f32 v59, v44;
	[tilespmem:s1+$0x120] =	vst v37  }
0x157: {  	v62 =	vmul.f32 v51, v20;
	v32 =	vld.idx.msk [tilespmem:v32+s3+$0x0], $0xffff  }
0x158: {  	v63 =	vadd.s32 v3, v46;
	v37 =	vperm.xlane v34, v15;
	v41 =	vadd.f32 v57, v61;
	[tilespmem:s18+$0x0] =	vst v39  }
0x159: {  	v54 =	vmul.f32 v33, v22;
	v43 =	vadd.s32 v5, v43;
	v39 =	vld.idx.msk [tilespmem:v60+s3+$0x0], $0xffff  }
0x15a: {  	v38 =	vmul.f32 v38, v23;
	v42 =	vadd.f32 v62, v42;
	v55 =	vadd.s32 v1, v37;
	[tilespmem:s19+$0xFFFFFEA0] =	vst v41  }
0x15b: {  	v47 =	vperm.xlane v27, v0;
	v56 =	vld.idx.msk [tilespmem:v45+s3+$0x0], $0xffff;
	v57 =	vadd.f32 v49, v54  }
0x15c: {  	v58 =	vmul.f32 v36, v21;
	v59 =	vadd.s32 v4, v40;
	[tilespmem:s20+$0xFFFFFD80] =	vst v42;
	v32 =	vadd.f32 v32, v38  }
0x15d: {  	v61 =	vmul.f32 v50, v23;
	v60 =	vld.idx.msk [tilespmem:v63+s3+$0x0], $0xffff;
	[tilespmem:s4+$0xFFFFFC20] =	vst v57  }
0x15e: {  	v62 =	vadd.s32 v1, v47;
	v43 =	vld.idx.msk [tilespmem:v43+s3+$0x0], $0xffff;
	v39 =	vadd.f32 v39, v58;
	[tilespmem:s1+$0x130] =	vst v32  }
0x15f: {  	v52 =	vadd.s32 v4, v46;
	v32 =	vperm.xlane v31, v6;
	v41 =	vld.idx.msk [tilespmem:v55+s3+$0x0], $0xffff  }
0x160: {  	v63 =	vmul.f32 v51, v21;
	v44 =	vadd.f32 v56, v61;
	[tilespmem:s18+$0x10] =	vst v39;
	v39 =	vperm.xlane v35, v15  }
0x161: {  	v33 =	vmul.f32 v33, v23;
	v53 =	vld.idx.msk [tilespmem:v59+s3+$0x0], $0xffff;
	v54 =	vadd.s32 v1, v32  }
0x162: {  	v56 =	vadd.s32 v3, v37;
	v38 =	vadd.f32 v60, v63;
	[tilespmem:s19+$0xFFFFFEB0] =	vst v44;
	v55 =	vmul.f32 v39, v20  }
0x163: {  	v40 =	vadd.s32 v5, v40;
	v49 =	vld.idx.msk [tilespmem:v62+s3+$0x0], $0xffff;
	v33 =	vadd.f32 v43, v33  }
0x164: {  	v57 =	vmul.f32 v36, v22;
	v43 =	vperm.xlane v26, v0;
	[tilespmem:s20+$0xFFFFFD90] =	vst v38;
	v41 =	vadd.f32 v55, v41  }
0x165: {  	v60 =	vadd.s32 v3, v47;
	v58 =	vld.idx.msk [tilespmem:v52+s3+$0x0], $0xffff;
	[tilespmem:s4+$0xFFFFFC30] =	vst v33  }
0x166: {  	v59 =	vmul.f32 v43, v20;
	v48 =	vld.idx.msk [tilespmem:v54+s3+$0x0], $0xffff;
	v38 =	vadd.f32 v53, v57;
	[tilespmem:s1+$0x180] =	vst v41  }
0x167: {  	v41 =	vperm.xlane v30, v6;
	v44 =	vld.idx.msk [tilespmem:v56+s3+$0x0], $0xffff  }
0x168: {  	v46 =	vadd.s32 v5, v46;
	v61 =	vmul.f32 v51, v22;
	v33 =	vadd.f32 v59, v49;
	[tilespmem:s18+$0x20] =	vst v38  }
0x169: {  	v63 =	vadd.s32 v3, v32;
	v55 =	vmul.f32 v39, v21;
	v38 =	vld.idx.msk [tilespmem:v40+s3+$0x0], $0xffff;
	v62 =	vmul.f32 v41, v20  }
0x16a: {  	v56 =	vadd.s32 v4, v37;
	v40 =	vperm.xlane v25, v13;
	v42 =	vadd.f32 v58, v61;
	[tilespmem:s19+$0xFFFFFF00] =	vst v33  }
0x16b: {  	v50 =	vld.idx.msk [tilespmem:v60+s3+$0x0], $0xffff;
	v48 =	vadd.f32 v62, v48  }
0x16c: {  	v36 =	vmul.f32 v36, v23;
	[tilespmem:s20+$0xFFFFFDA0] =	vst v42;
	v57 =	vadd.s32 v1, v40;
	v33 =	vadd.f32 v44, v55  }
0x16d: {  	v59 =	vmul.f32 v43, v21;
	v61 =	vadd.s32 v4, v47;
	v58 =	vld.idx.msk [tilespmem:v46+s3+$0x0], $0xffff;
	[tilespmem:s4+$0xFFFFFC80] =	vst v48  }
0x16e: {  	v46 =	vperm.xlane v29, v9;
	v60 =	vld.idx.msk [tilespmem:v63+s3+$0x0], $0xffff;
	v36 =	vadd.f32 v38, v36;
	[tilespmem:s1+$0x190] =	vst v33  }
0x16f: {  	v33 =	vld.idx.msk [tilespmem:v56+s3+$0x0], $0xffff  }
0x170: {  	v62 =	vmul.f32 v51, v23;
	v63 =	vadd.s32 v1, v46;
	v48 =	vadd.f32 v50, v59;
	[tilespmem:s18+$0x30] =	vst v36  }
0x171: {  	v37 =	vadd.s32 v5, v37;
	v54 =	vmul.f32 v41, v21;
	v55 =	vadd.s32 v4, v32;
	v42 =	vld.idx.msk [tilespmem:v57+s3+$0x0], $0xffff  }
0x172: {  	v36 =	vperm.xlane v24, v13;
	v56 =	vmul.f32 v39, v22;
	v38 =	vadd.f32 v58, v62;
	[tilespmem:s19+$0xFFFFFF10] =	vst v48  }
0x173: {  	v48 =	vld.idx.msk [tilespmem:v61+s3+$0x0], $0xffff;
	v49 =	vadd.f32 v60, v54  }
0x174: {  	v58 =	vadd.s32 v3, v40;
	v57 =	vmul.f32 v36, v20;
	[tilespmem:s20+$0xFFFFFDB0] =	vst v38;
	v33 =	vadd.f32 v33, v56  }
0x175: {  	v45 =	vperm.xlane v28, v9;
	v47 =	vadd.s32 v5, v47;
	v59 =	vld.idx.msk [tilespmem:v63+s3+$0x0], $0xffff;
	[tilespmem:s4+$0xFFFFFC90] =	vst v49  }
0x176: {  	v60 =	vmul.f32 v43, v22;
	v51 =	vld.idx.msk [tilespmem:v55+s3+$0x0], $0xffff;
	v38 =	vadd.f32 v57, v42;
	[tilespmem:s1+$0x1A0] =	vst v33  }
0x177: {  	v62 =	vadd.s32 v3, v46;
	v33 =	vld.idx.msk [tilespmem:v37+s3+$0x0], $0xffff  }
0x178: {  	v61 =	vmul.f32 v45, v20;
	v48 =	vadd.f32 v48, v60;
	[tilespmem:s18+$0x80] =	vst v38;
	v38 =	vperm.xlane v34, v16  }
0x179: {  	v32 =	vadd.s32 v5, v32;
	v54 =	vmul.f32 v41, v22;
	v63 =	vld.idx.msk [tilespmem:v58+s3+$0x0], $0xffff  }
0x17a: {  	v39 =	vmul.f32 v39, v23;
	v37 =	vadd.f32 v61, v59;
	[tilespmem:s19+$0xFFFFFF20] =	vst v48;
	v55 =	vadd.s32 v1, v38  }
0x17b: {  	v50 =	vperm.xlane v27, v11;
	v47 =	vld.idx.msk [tilespmem:v47+s3+$0x0], $0xffff;
	v56 =	vadd.f32 v51, v54  }
0x17c: {  	v57 =	vmul.f32 v36, v21;
	v58 =	vadd.s32 v4, v40;
	[tilespmem:s20+$0xFFFFFE00] =	vst v37;
	v33 =	vadd.f32 v33, v39  }
0x17d: {  	v60 =	vmul.f32 v43, v23;
	v59 =	vld.idx.msk [tilespmem:v62+s3+$0x0], $0xffff;
	[tilespmem:s4+$0xFFFFFCA0] =	vst v56  }
0x17e: {  	v61 =	vadd.s32 v1, v50;
	v32 =	vld.idx.msk [tilespmem:v32+s3+$0x0], $0xffff;
	v37 =	vadd.f32 v63, v57;
	[tilespmem:s1+$0x1B0] =	vst v33  }
0x17f: {  	v49 =	vperm.xlane v35, v16;
	v48 =	vperm.xlane v31, v7;
	v33 =	vld.idx.msk [tilespmem:v55+s3+$0x0], $0xffff  }
0x180: {  	v62 =	vmul.f32 v45, v21;
	v63 =	vadd.s32 v4, v46;
	v42 =	vadd.f32 v47, v60;
	[tilespmem:s18+$0x90] =	vst v37  }
0x181: {  	v41 =	vmul.f32 v41, v23;
	v53 =	vadd.s32 v1, v48;
	v37 =	vld.idx.msk [tilespmem:v58+s3+$0x0], $0xffff  }
0x182: {  	v54 =	vmul.f32 v49, v20;
	v55 =	vadd.s32 v3, v38;
	v39 =	vadd.f32 v59, v62;
	[tilespmem:s19+$0xFFFFFF30] =	vst v42  }
0x183: {  	v40 =	vadd.s32 v5, v40;
	v43 =	vld.idx.msk [tilespmem:v61+s3+$0x0], $0xffff;
	v32 =	vadd.f32 v32, v41  }
0x184: {  	v56 =	vmul.f32 v36, v22;
	v41 =	vperm.xlane v26, v11;
	[tilespmem:s20+$0xFFFFFE10] =	vst v39;
	v33 =	vadd.f32 v54, v33  }
0x185: {  	v59 =	vadd.s32 v3, v50;
	v57 =	vld.idx.msk [tilespmem:v63+s3+$0x0], $0xffff;
	[tilespmem:s4+$0xFFFFFCB0] =	vst v32  }
0x186: {  	v58 =	vmul.f32 v41, v20;
	v47 =	vld.idx.msk [tilespmem:v53+s3+$0x0], $0xffff;
	v37 =	vadd.f32 v37, v56;
	[tilespmem:s1+$0x200] =	vst v33  }
0x187: {  	v39 =	vperm.xlane v30, v7;
	v33 =	vld.idx.msk [tilespmem:v55+s3+$0x0], $0xffff  }
0x188: {  	v46 =	vadd.s32 v5, v46;
	v60 =	vmul.f32 v45, v22;
	v32 =	vadd.f32 v58, v43;
	[tilespmem:s18+$0xA0] =	vst v37  }
0x189: {  	s10 =	simm.s32 $0x50;
	v62 =	vadd.s32 v3, v48;
	v61 =	vmul.f32 v39, v20;
	v58 =	vadd.s32 v4, v38;
	v37 =	vld.idx.msk [tilespmem:v40+s3+$0x0], $0xffff  }
0x18a: {  	v63 =	vld [tilespmem:s10+$0x3280];
	v40 =	vperm.xlane v25, v14;
	v42 =	vadd.f32 v57, v60;
	v57 =	vmul.f32 v49, v21;
	[tilespmem:s19+$0xFFFFFF80] =	vst v32  }
0x18b: {  	v51 =	vld.idx.msk [tilespmem:v59+s3+$0x0], $0xffff;
	v43 =	vadd.f32 v61, v47  }
0x18c: {  	v36 =	vmul.f32 v36, v23;
	[tilespmem:s20+$0xFFFFFE20] =	vst v42;
	v59 =	vadd.s32 v1, v40;
	v32 =	vadd.f32 v33, v57  }
0x18d: {  	v54 =	vadd.s32 v4, v50;
	v60 =	vmul.f32 v41, v21;
	v46 =	vld.idx.msk [tilespmem:v46+s3+$0x0], $0xffff;
	[tilespmem:s4+$0xFFFFFD00] =	vst v43  }
0x18e: {  	v43 =	vperm.xlane v29, v10;
	v52 =	vld.idx.msk [tilespmem:v62+s3+$0x0], $0xffff;
	v37 =	vadd.f32 v37, v36;
	[tilespmem:s1+$0x210] =	vst v32  }
0x18f: {  	v45 =	vmul.f32 v45, v23;
	v50 =	vadd.s32 v5, v50;
	v55 =	vperm.xlane v24, v14;
	v44 =	vld.idx.msk [tilespmem:v58+s3+$0x0], $0xffff  }
0x190: {  	v32 =	vshll.u32 v63, $0x6;
	v53 =	vadd.s32 v1, v43;
	v47 =	vadd.f32 v51, v60;
	[tilespmem:s18+$0xB0] =	vst v37  }
0x191: {  	v56 =	vadd.s32 v4, v48;
	v61 =	vmul.f32 v39, v21;
	v37 =	vperm.xlane v32, v2;
	v42 =	vld.idx.msk [tilespmem:v59+s3+$0x0], $0xffff  }
0x192: {  	v38 =	vadd.s32 v5, v38;
	v62 =	vmul.f32 v49, v22;
	v45 =	vadd.f32 v46, v45;
	[tilespmem:s19+$0xFFFFFF90] =	vst v47  }
0x193: {  	v48 =	vadd.s32 v5, v48;
	v57 =	vadd.s32 v1, v37;
	v54 =	vld.idx.msk [tilespmem:v54+s3+$0x0], $0xffff;
	v51 =	vadd.f32 v52, v61  }
0x194: {  	v33 =	vld [tilespmem:s10+$0x3480];
	v63 =	vmul.f32 v55, v20;
	v60 =	vadd.s32 v3, v40;
	[tilespmem:s20+$0xFFFFFE30] =	vst v45;
	v44 =	vadd.f32 v44, v62  }
0x195: {  	v36 =	vperm.xlane v35, v17;
	v47 =	vperm.xlane v28, v10;
	v53 =	vld.idx.msk [tilespmem:v53+s3+$0x0], $0xffff;
	[tilespmem:s4+$0xFFFFFD10] =	vst v51  }
0x196: {  	v61 =	vmul.f32 v41, v22;
	v56 =	vld.idx.msk [tilespmem:v56+s3+$0x0], $0xffff;
	v42 =	vadd.f32 v63, v42;
	[tilespmem:s1+$0x220] =	vst v44  }
0x197: {  	v49 =	vmul.f32 v49, v23;
	v58 =	vadd.s32 v3, v43;
	v62 =	vmul.f32 v47, v20;
	v38 =	vld.idx.msk [tilespmem:v38+s3+$0x0], $0xffff  }
0x198: {  	v44 =	vperm.xlane v34, v17;
	v57 =	vld.idx.msk [tilespmem:v57+s3+$0x0], $0xffff;
	v51 =	vadd.f32 v54, v61;
	[tilespmem:s18+$0x100] =	vst v42  }
0x199: {  	v46 =	vperm.xlane v33, v2;
	v59 =	vadd.s32 v3, v37;
	v63 =	vmul.f32 v39, v22;
	v52 =	vld.idx.msk [tilespmem:v60+s3+$0x0], $0xffff  }
0x19a: {  	v41 =	vmul.f32 v41, v23;
	v45 =	vadd.f32 v62, v53;
	[tilespmem:s19+$0xFFFFFFA0] =	vst v51;
	v51 =	vadd.s32 v1, v44  }
0x19b: {  	v42 =	vperm.xlane v27, v12;
	v60 =	vmul.f32 v46, v20;
	v50 =	vld.idx.msk [tilespmem:v50+s3+$0x0], $0xffff;
	v54 =	vadd.f32 v56, v63  }
0x19c: {  	v61 =	vmul.f32 v55, v21;
	v62 =	vadd.s32 v4, v40;
	[tilespmem:s20+$0xFFFFFE80] =	vst v45;
	v38 =	vadd.f32 v38, v49  }
0x19d: {  	v39 =	vmul.f32 v39, v23;
	v53 =	vadd.f32 v60, v57;
	v49 =	vld.idx.msk [tilespmem:v58+s3+$0x0], $0xffff;
	[tilespmem:s4+$0xFFFFFD20] =	vst v54  }
0x19e: {  	s8 =	simm.s32 $0x6280;
	v63 =	vadd.s32 v1, v42;
	v48 =	vld.idx.msk [tilespmem:v48+s3+$0x0], $0xffff;
	v52 =	vadd.f32 v52, v61;
	[tilespmem:s1+$0x230] =	vst v38  }
0x19f: {  	v60 =	vmul.f32 v47, v21;
	[tilespmem:s8+$0xFFFFFC00] =	vst v53;
	v38 =	vperm.xlane v31, v8;
	v51 =	vld.idx.msk [tilespmem:v51+s3+$0x0], $0xffff  }
0x1a0: {  	v61 =	vadd.s32 v4, v43;
	v56 =	vld.idx.msk [tilespmem:v59+s3+$0x0], $0xffff;
	v41 =	vadd.f32 v50, v41;
	[tilespmem:s18+$0x110] =	vst v52  }
0x1a1: {  	v40 =	vadd.s32 v5, v40;
	v57 =	vadd.s32 v4, v44;
	v45 =	vld.idx.msk [tilespmem:v62+s3+$0x0], $0xffff;
	v52 =	vadd.s32 v1, v38  }
0x1a2: {  	v62 =	vmul.f32 v36, v20;
	v49 =	vadd.f32 v49, v60;
	[tilespmem:s19+$0xFFFFFFB0] =	vst v41;
	v41 =	vadd.s32 v3, v44  }
0x1a3: {  	v59 =	vadd.s32 v4, v37;
	v53 =	vld.idx.msk [tilespmem:v63+s3+$0x0], $0xffff;
	v63 =	vmul.f32 v46, v21;
	v39 =	vadd.f32 v48, v39  }
0x1a4: {  	v58 =	vmul.f32 v47, v22;
	v50 =	vperm.xlane v26, v12;
	[tilespmem:s20+$0xFFFFFE90] =	vst v49;
	v60 =	vadd.f32 v62, v51  }
0x1a5: {  	v48 =	vmul.f32 v55, v22;
	v61 =	vld.idx.msk [tilespmem:v61+s3+$0x0], $0xffff;
	v54 =	vadd.f32 v56, v63;
	[tilespmem:s4+$0xFFFFFD30] =	vst v39  }
0x1a6: {  	v62 =	vmul.f32 v50, v20;
	v63 =	vadd.s32 v3, v42;
	v52 =	vld.idx.msk [tilespmem:v52+s3+$0x0], $0xffff;
	[tilespmem:s1+$0x280] =	vst v60  }
0x1a7: {  	v45 =	vadd.f32 v45, v48;
	v48 =	vperm.xlane v30, v8;
	[tilespmem:s8+$0xFFFFFC10] =	vst v54;
	v41 =	vld.idx.msk [tilespmem:v41+s3+$0x0], $0xffff  }
0x1a8: {  	v43 =	vadd.s32 v5, v43;
	v37 =	vadd.s32 v5, v37;
	v51 =	vperm.xlane v24, v15;
	v54 =	vld.idx.msk [tilespmem:v59+s3+$0x0], $0xffff  }
0x1a9: {  	v39 =	vadd.f32 v62, v53;
	[tilespmem:s18+$0x120] =	vst v45;
	v60 =	vmul.f32 v48, v20;
	v53 =	vadd.s32 v3, v38  }
0x1aa: {  	v62 =	vmul.f32 v46, v22;
	v46 =	vmul.f32 v46, v23;
	v40 =	vld.idx.msk [tilespmem:v40+s3+$0x0], $0xffff;
	v49 =	vadd.f32 v61, v58  }
0x1ab: {  	v44 =	vadd.s32 v5, v44;
	[tilespmem:s19+$0x0] =	vst v39;
	v39 =	vperm.xlane v25, v15;
	v61 =	vmul.f32 v36, v21  }
0x1ac: {  	v56 =	vld.idx.msk [tilespmem:v63+s3+$0x0], $0xffff;
	v45 =	vadd.f32 v60, v52;
	v63 =	vmul.f32 v55, v23;
	[tilespmem:s20+$0xFFFFFEA0] =	vst v49  }
0x1ad: {  	v59 =	vadd.s32 v1, v39;
	v43 =	vld.idx.msk [tilespmem:v43+s3+$0x0], $0xffff;
	v41 =	vadd.f32 v41, v61;
	v60 =	vadd.f32 v54, v62  }
0x1ae: {  	[tilespmem:s4+$0xFFFFFD80] =	vst v45;
	v45 =	vperm.xlane v29, v0;
	v61 =	vmul.f32 v50, v21;
	v62 =	vadd.s32 v4, v42  }
0x1af: {  	v42 =	vadd.s32 v5, v42;
	v53 =	vld.idx.msk [tilespmem:v53+s3+$0x0], $0xffff;
	v40 =	vadd.f32 v40, v63;
	[tilespmem:s1+$0x290] =	vst v41  }
0x1b0: {  	v63 =	vmul.f32 v47, v23;
	[tilespmem:s8+$0xFFFFFC20] =	vst v60;
	v49 =	vadd.s32 v1, v45;
	v47 =	vld.idx.msk [tilespmem:v57+s3+$0x0], $0xffff  }
0x1b1: {  	v37 =	vld.idx.msk [tilespmem:v37+s3+$0x0], $0xffff;
	v60 =	vadd.f32 v56, v61;
	[tilespmem:s18+$0x130] =	vst v40;
	v40 =	vperm.xlane v32, v6  }
0x1b2: {  	v61 =	vmul.f32 v48, v21;
	v56 =	vadd.s32 v4, v38;
	v38 =	vadd.s32 v5, v38;
	v52 =	vld.idx.msk [tilespmem:v59+s3+$0x0], $0xffff  }
0x1b3: {  	v59 =	vmul.f32 v51, v20;
	v41 =	vadd.f32 v43, v63;
	[tilespmem:s19+$0x10] =	vst v60;
	v63 =	vadd.s32 v1, v40  }
0x1b4: {  	v60 =	vadd.s32 v3, v39;
	v57 =	vadd.s32 v3, v40;
	v43 =	vld.idx.msk [tilespmem:v62+s3+$0x0], $0xffff;
	v62 =	vmul.f32 v36, v22  }
0x1b5: {  	v58 =	vadd.s32 v4, v40;
	v40 =	vadd.s32 v5, v40;
	v53 =	vadd.f32 v53, v61  }
0x1b6: {  	v61 =	vmul.f32 v50, v22;
	v36 =	vmul.f32 v36, v23;
	[tilespmem:s20+$0xFFFFFEB0] =	vst v41;
	v47 =	vadd.f32 v47, v62  }
0x1b7: {  	v41 =	vld.idx.msk [tilespmem:v49+s3+$0x0], $0xffff;
	v37 =	vadd.f32 v37, v46;
	[tilespmem:s4+$0xFFFFFD90] =	vst v53;
	v46 =	vperm.xlane v28, v0  }
0x1b8: {  	v55 =	vld.idx.msk [tilespmem:v56+s3+$0x0], $0xffff;
	v49 =	vadd.f32 v59, v52;
	v56 =	vperm.xlane v34, v18;
	[tilespmem:s1+$0x2A0] =	vst v47  }
0x1b9: {  	[tilespmem:s8+$0xFFFFFC30] =	vst v37;
	v62 =	vmul.f32 v46, v20;
	v44 =	vld.idx.msk [tilespmem:v44+s3+$0x0], $0xffff;
	v43 =	vadd.f32 v43, v61  }
0x1ba: {  	v47 =	vld.idx.msk [tilespmem:v63+s3+$0x0], $0xffff;
	v63 =	vadd.s32 v3, v45;
	[tilespmem:s18+$0x180] =	vst v49;
	v49 =	vperm.xlane v33, v6  }
0x1bb: {  	v59 =	vmul.f32 v51, v22;
	v53 =	vld.idx.msk [tilespmem:v60+s3+$0x0], $0xffff;
	v60 =	vmul.f32 v48, v22;
	[tilespmem:s19+$0x20] =	vst v43  }
0x1bc: {  	v37 =	vadd.f32 v62, v41;
	v61 =	vmul.f32 v49, v20;
	v41 =	vld.idx.msk [tilespmem:v42+s3+$0x0], $0xffff;
	v42 =	vadd.s32 v1, v56  }
0x1bd: {  	v62 =	vmul.f32 v51, v21;
	v54 =	vadd.f32 v55, v60;
	v60 =	vmul.f32 v50, v23  }
0x1be: {  	v50 =	vperm.xlane v31, v9;
	[tilespmem:s20+$0xFFFFFF00] =	vst v37;
	v37 =	vperm.xlane v27, v13;
	v36 =	vadd.f32 v44, v36  }
0x1bf: {  	v52 =	vld.idx.msk [tilespmem:v63+s3+$0x0], $0xffff;
	v63 =	vadd.s32 v4, v39;
	v43 =	vadd.f32 v61, v47;
	[tilespmem:s4+$0xFFFFFDA0] =	vst v54  }
0x1c0: {  	v55 =	vperm.xlane v32, v7;
	v61 =	vmul.f32 v46, v21;
	v38 =	vld.idx.msk [tilespmem:v38+s3+$0x0], $0xffff;
	[tilespmem:s1+$0x2B0] =	vst v36  }
0x1c1: {  	v44 =	vadd.f32 v53, v62;
	v36 =	vadd.s32 v1, v37;
	[tilespmem:s8+$0xFFFFFC80] =	vst v43;
	v42 =	vld.idx.msk [tilespmem:v42+s3+$0x0], $0xffff  }
0x1c2: {  	v54 =	vadd.s32 v4, v45;
	v47 =	vmul.f32 v48, v23;
	v53 =	vld.idx.msk [tilespmem:v57+s3+$0x0], $0xffff;
	v57 =	vperm.xlane v35, v18  }
0x1c3: {  	v48 =	vadd.s32 v1, v50;
	v39 =	vadd.s32 v5, v39;
	v41 =	vadd.f32 v41, v60;
	[tilespmem:s18+$0x190] =	vst v44  }
0x1c4: {  	v45 =	vadd.s32 v5, v45;
	v44 =	vld.idx.msk [tilespmem:v63+s3+$0x0], $0xffff;
	v43 =	vadd.f32 v52, v61;
	v62 =	vmul.f32 v57, v20  }
0x1c5: {  	[tilespmem:s19+$0x30] =	vst v41;
	v52 =	vadd.s32 v3, v56;
	v63 =	vmul.f32 v49, v21;
	v38 =	vadd.f32 v38, v47  }
0x1c6: {  	v35 =	vperm.xlane v35, v19;
	v61 =	vperm.xlane v26, v13;
	v36 =	vld.idx.msk [tilespmem:v36+s3+$0x0], $0xffff;
	[tilespmem:s20+$0xFFFFFF10] =	vst v43  }
0x1c7: {  	v41 =	vadd.f32 v62, v42;
	v42 =	vld.idx.msk [tilespmem:v54+s3+$0x0], $0xffff;
	v60 =	vadd.f32 v53, v63;
	[tilespmem:s4+$0xFFFFFDB0] =	vst v38  }
0x1c8: {  	v62 =	vmul.f32 v61, v20;
	v63 =	vadd.s32 v3, v37;
	v54 =	vperm.xlane v30, v9;
	v48 =	vld.idx.msk [tilespmem:v48+s3+$0x0], $0xffff  }
0x1c9: {  	v53 =	vadd.s32 v4, v56;
	v43 =	vadd.f32 v44, v59;
	[tilespmem:s1+$0x300] =	vst v41;
	v59 =	vmul.f32 v46, v22  }
0x1ca: {  	[tilespmem:s8+$0xFFFFFC90] =	vst v60;
	v60 =	vmul.f32 v54, v20;
	v46 =	vmul.f32 v46, v23;
	v44 =	vld.idx.msk [tilespmem:v52+s3+$0x0], $0xffff  }
0x1cb: {  	v8 =	vimm.s32 $0x0;
	v47 =	vld.idx.msk [tilespmem:v58+s3+$0x0], $0xffff;
	v36 =	vadd.f32 v62, v36;
	[tilespmem:s18+$0x1A0] =	vst v43;
	v43 =	vperm.xlane v25, v16  }
0x1cc: {  	v52 =	vadd.s32 v3, v50;
	v58 =	vmul.f32 v51, v23;
	v38 =	vld.idx.msk [tilespmem:v39+s3+$0x0], $0xffff;
	v41 =	vadd.f32 v42, v59  }
0x1cd: {  	v62 =	vmul.f32 v57, v21;
	[tilespmem:s19+$0x80] =	vst v36;
	v39 =	vadd.f32 v60, v48;
	v59 =	vadd.s32 v1, v43  }
0x1ce: {  	v15 =	vimm.s32 $0x8;
	v60 =	vmul.f32 v61, v21;
	v36 =	vld.idx.msk [tilespmem:v63+s3+$0x0], $0xffff;
	v63 =	vmul.f32 v49, v22;
	[tilespmem:s20+$0xFFFFFF20] =	vst v41  }
0x1cf: {  	v49 =	vmul.f32 v49, v23;
	v41 =	vld.idx.msk [tilespmem:v45+s3+$0x0], $0xffff;
	v42 =	vadd.f32 v44, v62;
	v44 =	vperm.xlane v29, v11  }
0x1d0: {  	[tilespmem:s4+$0xFFFFFE00] =	vst v39;
	v62 =	vadd.s32 v4, v37;
	v39 =	vperm.xlane v26, v14;
	v47 =	vadd.f32 v47, v63  }
0x1d1: {  	v18 =	vimm.s32 $0xB;
	v51 =	vld.idx.msk [tilespmem:v52+s3+$0x0], $0xffff;
	v63 =	vmul.f32 v54, v21;
	v45 =	vadd.f32 v38, v58;
	[tilespmem:s1+$0x310] =	vst v42  }
0x1d2: {  	v13 =	vimm.s32 $0x5;
	v38 =	vperm.xlane v24, v17;
	[tilespmem:s8+$0xFFFFFCA0] =	vst v47;
	v47 =	vld.idx.msk [tilespmem:v53+s3+$0x0], $0xffff;
	v53 =	vadd.s32 v1, v44  }
0x1d3: {  	v9 =	vimm.s32 $0x1;
	v42 =	vperm.xlane v24, v16;
	v40 =	vld.idx.msk [tilespmem:v40+s3+$0x0], $0xffff;
	v36 =	vadd.f32 v36, v60;
	[tilespmem:s18+$0x1B0] =	vst v45  }
0x1d4: {  	v58 =	vadd.s32 v4, v50;
	v60 =	vadd.s32 v5, v56;
	v48 =	vld.idx.msk [tilespmem:v59+s3+$0x0], $0xffff;
	v41 =	vadd.f32 v41, v46  }
0x1d5: {  	v56 =	vperm.xlane v33, v7;
	v46 =	vmul.f32 v57, v22;
	v59 =	vadd.s32 v5, v37;
	[tilespmem:s19+$0x90] =	vst v36  }
0x1d6: {  	v16 =	vimm.s32 $0x9;
	v45 =	vadd.f32 v51, v63;
	v36 =	vld.idx.msk [tilespmem:v62+s3+$0x0], $0xffff;
	v62 =	vadd.s32 v1, v55;
	[tilespmem:s20+$0xFFFFFF30] =	vst v41  }
0x1d7: {  	v63 =	vmul.f32 v42, v20;
	v51 =	vadd.s32 v3, v44;
	v41 =	vld.idx.msk [tilespmem:v53+s3+$0x0], $0xffff;
	v46 =	vadd.f32 v47, v46  }
0x1d8: {  	v53 =	vadd.s32 v3, v43;
	[tilespmem:s4+$0xFFFFFE10] =	vst v45;
	v45 =	vperm.xlane v28, v11;
	v40 =	vadd.f32 v40, v49  }
0x1d9: {  	v17 =	vimm.s32 $0xA;
	v47 =	vmul.f32 v61, v22;
	v58 =	vld.idx.msk [tilespmem:v58+s3+$0x0], $0xffff;
	v37 =	vadd.f32 v63, v48;
	[tilespmem:s1+$0x320] =	vst v46  }
0x1da: {  	v7 =	vimm.s32 $0x6;
	v46 =	vmul.f32 v45, v20;
	[tilespmem:s8+$0xFFFFFCB0] =	vst v40;
	v40 =	vperm.xlane v28, v12;
	v52 =	vld.idx.msk [tilespmem:v60+s3+$0x0], $0xffff  }
0x1db: {  	s6 =	simm.s32 $0x60;
	v11 =	vimm.s32 $0x3;
	v60 =	vld.idx.msk [tilespmem:v62+s3+$0x0], $0xffff;
	v47 =	vadd.f32 v36, v47;
	[tilespmem:s18+$0x200] =	vst v37;
	v37 =	vperm.xlane v34, v19  }
0x1dc: {  	v36 =	vadd.s32 v5, v50;
	v50 =	vmul.f32 v57, v23;
	v34 =	vld [tilespmem:s6+$0x3480];
	v62 =	vmul.f32 v56, v20  }
0x1dd: {  	v12 =	vimm.s32 $0x4;
	v49 =	vld.idx.msk [tilespmem:v53+s3+$0x0], $0xffff;
	v53 =	vmul.f32 v54, v22;
	v46 =	vadd.f32 v46, v41;
	[tilespmem:s19+$0xA0] =	vst v47  }
0x1de: {  	v41 =	vperm.xlane v27, v14;
	v14 =	vimm.s32 $0x7;
	v48 =	vadd.s32 v1, v37;
	v47 =	vld.idx.msk [tilespmem:v59+s3+$0x0], $0xffff  }
0x1df: {  	v59 =	vadd.s32 v3, v55;
	v53 =	vadd.f32 v58, v53;
	[tilespmem:s20+$0xFFFFFF80] =	vst v46;
	v46 =	vadd.s32 v4, v43;
	v58 =	vld [tilespmem:s6+$0x3280]  }
0x1e0: {  	v57 =	vld.idx.msk [tilespmem:v51+s3+$0x0], $0xffff;
	v51 =	vmul.f32 v42, v21;
	v52 =	vadd.f32 v52, v50;
	v50 =	vmul.f32 v61, v23  }
0x1e1: {  	s0 =	sshll.u32 s31, $0x9;
	s9 =	simm.s32 $0x1C0;
	s6 =	simm.s32 $0x6280;
	v60 =	vadd.f32 v62, v60;
	[tilespmem:s4+$0xFFFFFE20] =	vst v53;
	v53 =	vperm.xlane v30, v10;
	v10 =	vimm.s32 $0x2  }
.LBB2_3:
0x1e2: {  	p1 =	sne.s32 s9, $0x3C0;
	v61 =	vld.idx.msk [tilespmem:v36+s3+$0x0], $0xffff;
	v62 =	vadd.s32 v1, v41;
	v51 =	vadd.f32 v49, v51;
	[tilespmem:s1+$0x330] =	vst v52;
	v36 =	vmov v29  }
0x1e3: {  	v49 =	vperm.xlane v31, v13;
	v52 =	vmul.f32 v45, v21;
	v29 =	vmov v31;
	[tilespmem:s8+$0xFFFFFD00] =	vst v60;
	v60 =	vld.idx.msk [tilespmem:v48+s3+$0x0], $0xffff  }
0x1e4: {  	v63 =	vadd.s32 v4, v44;
	v31 =	vmov v32;
	v50 =	vadd.f32 v47, v50;
	v59 =	vld.idx.msk [tilespmem:v59+s3+$0x0], $0xffff;
	[tilespmem:s18+$0x210] =	vst v51  }
0x1e5: {  	v48 =	vperm.xlane v34, v8;
	v47 =	vperm.xlane v33, v11;
	v32 =	vshll.u32 v58, $0x6;
	v46 =	vld.idx.msk [tilespmem:v46+s3+$0x0], $0xffff  }
0x1e6: {  	v51 =	vmul.f32 v54, v23;
	v54 =	vadd.s32 v1, v49;
	v52 =	vadd.f32 v57, v52;
	[tilespmem:s19+$0xB0] =	vst v50  }
0x1e7: {  	v58 =	vmul.f32 v35, v20;
	v50 =	vperm.xlane v32, v8;
	v57 =	vld.idx.msk [tilespmem:v62+s3+$0x0], $0xffff;
	v62 =	vadd.s32 v3, v37  }
0x1e8: {  	v0 =	vmul.f32 v56, v21;
	v2 =	vadd.s32 v4, v55;
	v51 =	vadd.f32 v61, v51;
	[tilespmem:s20+$0xFFFFFF90] =	vst v52  }
0x1e9: {  	v61 =	vmul.f32 v42, v22;
	v52 =	vld.idx.msk [tilespmem:v63+s3+$0x0], $0xffff;
	v63 =	vadd.s32 v5, v43;
	v43 =	vadd.f32 v58, v60  }
0x1ea: {  	v58 =	vadd.s32 v1, v50;
	v0 =	vadd.f32 v59, v0;
	[tilespmem:s4+$0xFFFFFE30] =	vst v51;
	v51 =	vmul.f32 v39, v20  }
0x1eb: {  	v19 =	vimm.s32 $0xD;
	v59 =	vadd.s32 v3, v41;
	v60 =	vadd.f32 v46, v61;
	v54 =	vld.idx.msk [tilespmem:v54+s3+$0x0], $0xffff;
	[tilespmem:s1+$0x380] =	vst v43  }
0x1ec: {  	v46 =	vperm.xlane v25, v19;
	[tilespmem:s8+$0xFFFFFD10] =	vst v0;
	v0 =	vmul.f32 v45, v22;
	v61 =	vld.idx.msk [tilespmem:v62+s3+$0x0], $0xffff  }
0x1ed: {  	v44 =	vadd.s32 v5, v44;
	v51 =	vadd.f32 v51, v57;
	v2 =	vld.idx.msk [tilespmem:v2+s3+$0x0], $0xffff;
	[tilespmem:s18+$0x220] =	vst v60  }
0x1ee: {  	v43 =	vperm.xlane v36, v15;
	v57 =	vmul.f32 v53, v20;
	v60 =	vld.idx.msk [tilespmem:v63+s3+$0x0], $0xffff  }
0x1ef: {  	v62 =	vadd.s32 v3, v49;
	v0 =	vadd.f32 v52, v0;
	v58 =	vld.idx.msk [tilespmem:v58+s3+$0x0], $0xffff;
	[tilespmem:s19+$0x100] =	vst v51  }
0x1f0: {  	v42 =	vmul.f32 v42, v23;
	v52 =	vmul.f32 v35, v21;
	v51 =	vld.idx.msk [tilespmem:v59+s3+$0x0], $0xffff;
	v59 =	vadd.s32 v4, v37  }
0x1f1: {  	v55 =	vadd.s32 v5, v55;
	v63 =	vmul.f32 v56, v22;
	v54 =	vadd.f32 v57, v54;
	[tilespmem:s20+$0xFFFFFFA0] =	vst v0  }
0x1f2: {  	v57 =	vadd.s32 v1, v46;
	v52 =	vadd.f32 v61, v52;
	v0 =	vld.idx.msk [tilespmem:v44+s3+$0x0], $0xffff;
	v44 =	vmul.f32 v39, v21  }
0x1f3: {  	v6 =	vadd.s32 v3, v50;
	v61 =	vmul.f32 v48, v20;
	v2 =	vadd.f32 v2, v63;
	[tilespmem:s4+$0xFFFFFE80] =	vst v54  }
0x1f4: {  	v42 =	vadd.f32 v60, v42;
	v54 =	vld.idx.msk [tilespmem:v62+s3+$0x0], $0xffff;
	v62 =	vadd.s32 v4, v41;
	[tilespmem:s1+$0x390] =	vst v52  }
0x1f5: {  	v52 =	vadd.f32 v61, v58;
	[tilespmem:s8+$0xFFFFFD20] =	vst v2;
	v2 =	vmul.f32 v45, v23;
	v45 =	vld.idx.msk [tilespmem:v59+s3+$0x0], $0xffff  }
0x1f6: {  	v58 =	vadd.s32 v1, v43;
	s8 =	sadd.s32 $0x800, s8;
	v44 =	vadd.f32 v51, v44;
	v55 =	vld.idx.msk [tilespmem:v55+s3+$0x0], $0xffff;
	[tilespmem:s18+$0x230] =	vst v42  }
0x1f7: {  	v51 =	vmul.f32 v53, v21;
	v42 =	vperm.xlane v31, v11;
	[tilespmem:s8+$0xFFFFFC00] =	vst v52;
	v52 =	vld.idx.msk [tilespmem:v57+s3+$0x0], $0xffff  }
0x1f8: {  	v57 =	vadd.s32 v4, v49;
	v0 =	vadd.f32 v0, v2;
	v6 =	vld.idx.msk [tilespmem:v6+s3+$0x0], $0xffff;
	[tilespmem:s19+$0x110] =	vst v44  }
0x1f9: {  	v37 =	vadd.s32 v5, v37;
	v59 =	vmul.f32 v35, v22;
	v44 =	vmul.f32 v38, v20;
	v2 =	vld.idx.msk [tilespmem:v62+s3+$0x0], $0xffff  }
0x1fa: {  	v56 =	vmul.f32 v56, v23;
	v60 =	vadd.s32 v1, v42;
	v51 =	vadd.f32 v54, v51;
	[tilespmem:s20+$0xFFFFFFB0] =	vst v0  }
0x1fb: {  	v54 =	vmul.f32 v39, v22;
	v45 =	vadd.f32 v45, v59;
	v0 =	vld.idx.msk [tilespmem:v58+s3+$0x0], $0xffff;
	v58 =	vadd.s32 v3, v46  }
0x1fc: {  	v61 =	vadd.s32 v4, v50;
	v59 =	vmul.f32 v48, v21;
	v55 =	vadd.f32 v55, v56;
	[tilespmem:s4+$0xFFFFFE90] =	vst v51  }
0x1fd: {  	v41 =	vadd.s32 v5, v41;
	v44 =	vadd.f32 v44, v52;
	v51 =	vld.idx.msk [tilespmem:v57+s3+$0x0], $0xffff;
	[tilespmem:s1+$0x3A0] =	vst v45  }
0x1fe: {  	v6 =	vadd.f32 v6, v59;
	v45 =	vmul.f32 v40, v20;
	[tilespmem:s6+$0xFFFFFD30] =	vst v55;
	v52 =	vld.idx.msk [tilespmem:v37+s3+$0x0], $0xffff  }
0x1ff: {  	v56 =	vadd.s32 v3, v43;
	v2 =	vadd.f32 v2, v54;
	v55 =	vld.idx.msk [tilespmem:v60+s3+$0x0], $0xffff;
	[tilespmem:s18+$0x280] =	vst v44  }
0x200: {  	v37 =	vperm.xlane v27, v18;
	[tilespmem:s8+$0xFFFFFC10] =	vst v6;
	v6 =	vmul.f32 v53, v22;
	v44 =	vld.idx.msk [tilespmem:v58+s3+$0x0], $0xffff  }
0x201: {  	v49 =	vadd.s32 v5, v49;
	v0 =	vadd.f32 v45, v0;
	v54 =	vld.idx.msk [tilespmem:v61+s3+$0x0], $0xffff;
	[tilespmem:s19+$0x120] =	vst v2  }
0x202: {  	v35 =	vmul.f32 v35, v23;
	v2 =	vld.idx.msk [tilespmem:v41+s3+$0x0], $0xffff;
	v41 =	vmul.f32 v38, v21  }
0x203: {  	v57 =	vadd.s32 v3, v42;
	v45 =	vmul.f32 v47, v20;
	v6 =	vadd.f32 v51, v6;
	[tilespmem:s20+$0x0] =	vst v0  }
0x204: {  	v39 =	vmul.f32 v39, v23;
	v51 =	vadd.s32 v4, v46;
	v35 =	vadd.f32 v52, v35;
	v0 =	vld.idx.msk [tilespmem:v56+s3+$0x0], $0xffff  }
0x205: {  	v50 =	vadd.s32 v5, v50;
	v52 =	vmul.f32 v48, v22;
	v45 =	vadd.f32 v45, v55;
	[tilespmem:s4+$0xFFFFFEA0] =	vst v6  }
0x206: {  	v41 =	vadd.f32 v44, v41;
	v6 =	vld.idx.msk [tilespmem:v49+s3+$0x0], $0xffff;
	v49 =	vadd.s32 v1, v37;
	[tilespmem:s1+$0x3B0] =	vst v35;
	s1 =	smov.u32 s18;
	s18 =	smov.u32 s19;
	s19 =	smov.u32 s20  }
0x207: {  	v44 =	vadd.f32 v54, v52;
	v35 =	vperm.xlane v29, v7;
	s20 =	smov.u32 s4;
	s4 =	smov.u32 s6;
	[tilespmem:s6+$0xFFFFFD80] =	vst v45;
	v45 =	vmul.f32 v40, v21;
	s6 =	smov.u32 s8  }
0x208: {  	v54 =	vadd.s32 v4, v43;
	v2 =	vadd.f32 v2, v39;
	v52 =	vld.idx.msk [tilespmem:v57+s3+$0x0], $0xffff;
	[tilespmem:s1+$0x290] =	vst v41  }
0x209: {  	v41 =	vmul.f32 v53, v23;
	[tilespmem:s8+$0xFFFFFC20] =	vst v44;
	v51 =	vld.idx.msk [tilespmem:v51+s3+$0x0], $0xffff  }
0x20a: {  	v53 =	vadd.s32 v1, v35;
	v0 =	vadd.f32 v0, v45;
	v50 =	vld.idx.msk [tilespmem:v50+s3+$0x0], $0xffff;
	[tilespmem:s18+$0x130] =	vst v2  }
0x20b: {  	v39 =	vperm.xlane v32, v9;
	v2 =	vld.idx.msk [tilespmem:v49+s3+$0x0], $0xffff  }
0x20c: {  	v45 =	vmul.f32 v47, v21;
	v49 =	vadd.s32 v4, v42;
	v6 =	vadd.f32 v6, v41;
	[tilespmem:s19+$0x10] =	vst v0  }
0x20d: {  	v46 =	vadd.s32 v5, v46;
	v44 =	vperm.xlane v26, v18;
	v41 =	vmul.f32 v38, v22;
	v0 =	vld.idx.msk [tilespmem:v54+s3+$0x0], $0xffff  }
0x20e: {  	v48 =	vmul.f32 v48, v23;
	v54 =	vadd.s32 v1, v39;
	v45 =	vadd.f32 v52, v45;
	[tilespmem:s20+$0xFFFFFEB0] =	vst v6  }
0x20f: {  	v52 =	vmul.f32 v44, v20;
	v41 =	vadd.f32 v51, v41;
	v6 =	vld.idx.msk [tilespmem:v53+s3+$0x0], $0xffff;
	v53 =	vadd.s32 v3, v37  }
0x210: {  	v51 =	vperm.xlane v30, v7;
	v48 =	vadd.f32 v50, v48;
	[tilespmem:s4+$0xFFFFFD90] =	vst v45;
	v45 =	vmul.f32 v40, v22  }
0x211: {  	v43 =	vadd.s32 v5, v43;
	v2 =	vadd.f32 v52, v2;
	v50 =	vld.idx.msk [tilespmem:v49+s3+$0x0], $0xffff;
	[tilespmem:s1+$0x2A0] =	vst v41  }
0x212: {  	v41 =	vmul.f32 v51, v20;
	[tilespmem:s8+$0xFFFFFC30] =	vst v48;
	v46 =	vld.idx.msk [tilespmem:v46+s3+$0x0], $0xffff  }
0x213: {  	v56 =	vimm.s32 $0xE;
	v52 =	vadd.s32 v3, v35;
	v0 =	vadd.f32 v0, v45;
	v48 =	vld.idx.msk [tilespmem:v54+s3+$0x0], $0xffff;
	[tilespmem:s18+$0x180] =	vst v2  }
0x214: {  	v49 =	vperm.xlane v25, v56;
	v45 =	vperm.xlane v34, v9;
	v2 =	vld.idx.msk [tilespmem:v53+s3+$0x0], $0xffff  }
0x215: {  	v42 =	vadd.s32 v5, v42;
	v53 =	vmul.f32 v47, v22;
	v6 =	vadd.f32 v41, v6;
	[tilespmem:s19+$0x20] =	vst v0  }
0x216: {  	v38 =	vmul.f32 v38, v23;
	v41 =	vperm.xlane v36, v16;
	v0 =	vld.idx.msk [tilespmem:v43+s3+$0x0], $0xffff;
	v43 =	vadd.s32 v1, v49  }
0x217: {  	v55 =	vadd.s32 v3, v39;
	v54 =	vmul.f32 v45, v20;
	v50 =	vadd.f32 v50, v53;
	[tilespmem:s20+$0xFFFFFF00] =	vst v6  }
0x218: {  	v53 =	vadd.s32 v4, v37;
	v38 =	vadd.f32 v46, v38;
	v6 =	vld.idx.msk [tilespmem:v52+s3+$0x0], $0xffff;
	v52 =	vmul.f32 v44, v21  }
0x219: {  	v40 =	vmul.f32 v40, v23;
	v46 =	vadd.f32 v54, v48;
	[tilespmem:s4+$0xFFFFFDA0] =	vst v50  }
0x21a: {  	v54 =	vadd.s32 v1, v41;
	v42 =	vld.idx.msk [tilespmem:v42+s3+$0x0], $0xffff;
	v2 =	vadd.f32 v2, v52;
	[tilespmem:s1+$0x2B0] =	vst v38  }
0x21b: {  	v38 =	vmul.f32 v51, v21;
	[tilespmem:s8+$0xFFFFFC80] =	vst v46;
	v46 =	vperm.xlane v31, v12;
	v43 =	vld.idx.msk [tilespmem:v43+s3+$0x0], $0xffff  }
0x21c: {  	v0 =	vadd.f32 v0, v40;
	v52 =	vld.idx.msk [tilespmem:v55+s3+$0x0], $0xffff;
	v55 =	vadd.s32 v4, v35;
	[tilespmem:s18+$0x190] =	vst v2  }
0x21d: {  	v48 =	vperm.xlane v24, v56;
	v2 =	vld.idx.msk [tilespmem:v53+s3+$0x0], $0xffff  }
0x21e: {  	v40 =	vmul.f32 v47, v23;
	v47 =	vadd.s32 v1, v46;
	v6 =	vadd.f32 v6, v38;
	[tilespmem:s19+$0x30] =	vst v0  }
0x21f: {  	v50 =	vperm.xlane v28, v16;
	v38 =	vmul.f32 v48, v20;
	v53 =	vadd.s32 v3, v49;
	v0 =	vld.idx.msk [tilespmem:v54+s3+$0x0], $0xffff  }
0x220: {  	v56 =	vadd.s32 v4, v39;
	v54 =	vmul.f32 v45, v21;
	v40 =	vadd.f32 v42, v40;
	[tilespmem:s20+$0xFFFFFF10] =	vst v6  }
0x221: {  	v37 =	vadd.s32 v5, v37;
	v42 =	vmul.f32 v44, v22;
	v38 =	vadd.f32 v38, v43;
	v6 =	vld.idx.msk [tilespmem:v55+s3+$0x0], $0xffff  }
0x222: {  	v43 =	vadd.f32 v52, v54;
	[tilespmem:s4+$0xFFFFFDB0] =	vst v40;
	v40 =	vmul.f32 v50, v20  }
0x223: {  	v52 =	vadd.s32 v3, v41;
	v2 =	vadd.f32 v2, v42;
	v47 =	vld.idx.msk [tilespmem:v47+s3+$0x0], $0xffff;
	[tilespmem:s1+$0x300] =	vst v38  }
0x224: {  	v58 =	vimm.s32 $0xF;
	v54 =	vperm.xlane v33, v12;
	v38 =	vmul.f32 v51, v22;
	[tilespmem:s8+$0xFFFFFC90] =	vst v43;
	v42 =	vld.idx.msk [tilespmem:v53+s3+$0x0], $0xffff  }
0x225: {  	v57 =	vimm.s32 $0xC;
	v55 =	vadd.s32 v5, v35;
	v0 =	vadd.f32 v40, v0;
	v53 =	vld.idx.msk [tilespmem:v56+s3+$0x0], $0xffff;
	[tilespmem:s18+$0x1A0] =	vst v2  }
0x226: {  	v35 =	vperm.xlane v24, v58;
	v24 =	vmovc v26;
	v26 =	vmovc v28;
	v28 =	vmov v30;
	v30 =	vmov v33;
	v2 =	vld.idx.msk [tilespmem:v37+s3+$0x0], $0xffff  }
0x227: {  	v33 =	vmul.f32 v54, v20;
	v37 =	vadd.s32 v3, v46;
	v6 =	vadd.f32 v6, v38;
	[tilespmem:s19+$0x80] =	vst v0  }
0x228: {  	v43 =	vperm.xlane v27, v57;
	v40 =	vadd.s32 v4, v49;
	v38 =	vmul.f32 v48, v21;
	v0 =	vld.idx.msk [tilespmem:v52+s3+$0x0], $0xffff  }
0x229: {  	v39 =	vadd.s32 v5, v39;
	v52 =	vmul.f32 v45, v22;
	v59 =	vadd.f32 v33, v47;
	[tilespmem:s20+$0xFFFFFF20] =	vst v6  }
0x22a: {  	v56 =	vadd.s32 v1, v43;
	v47 =	vmul.f32 v44, v23;
	v38 =	vadd.f32 v42, v38;
	v6 =	vld.idx.msk [tilespmem:v55+s3+$0x0], $0xffff  }
0x22b: {  	v44 =	vperm.xlane v29, v14;
	v42 =	vadd.f32 v53, v52;
	v52 =	vmul.f32 v50, v21;
	[tilespmem:s4+$0xFFFFFE00] =	vst v59  }
0x22c: {  	v33 =	vmov v34;
	v53 =	vadd.s32 v4, v41;
	v2 =	vadd.f32 v2, v47;
	v37 =	vld.idx.msk [tilespmem:v37+s3+$0x0], $0xffff;
	[tilespmem:s1+$0x310] =	vst v38  }
0x22d: {  	v34 =	vmul.f32 v51, v23;
	v38 =	vperm.xlane v24, v19;
	[tilespmem:s8+$0xFFFFFCA0] =	vst v42;
	v40 =	vld.idx.msk [tilespmem:v40+s3+$0x0], $0xffff  }
0x22e: {  	v51 =	vadd.s32 v1, v44;
	v0 =	vadd.f32 v0, v52;
	v47 =	vld.idx.msk [tilespmem:v39+s3+$0x0], $0xffff;
	[tilespmem:s18+$0x1B0] =	vst v2  }
0x22f: {  	v55 =	vperm.xlane v32, v10;
	v42 =	vperm.xlane v24, v57;
	v2 =	vld.idx.msk [tilespmem:v56+s3+$0x0], $0xffff  }
0x230: {  	v52 =	vmul.f32 v54, v21;
	v56 =	vadd.s32 v4, v46;
	v6 =	vadd.f32 v6, v34;
	[tilespmem:s19+$0x90] =	vst v0  }
0x231: {  	v49 =	vadd.s32 v5, v49;
	v39 =	vperm.xlane v26, v17;
	v34 =	vmul.f32 v48, v22;
	v0 =	vld.idx.msk [tilespmem:v53+s3+$0x0], $0xffff  }
0x232: {  	v45 =	vmul.f32 v45, v23;
	v53 =	vadd.s32 v1, v55;
	v37 =	vadd.f32 v37, v52;
	[tilespmem:s20+$0xFFFFFF30] =	vst v6  }
0x233: {  	v52 =	vadd.s32 v3, v43;
	v34 =	vadd.f32 v40, v34;
	v6 =	vld.idx.msk [tilespmem:v51+s3+$0x0], $0xffff;
	v51 =	vmul.f32 v42, v20  }
0x234: {  	v40 =	vadd.f32 v47, v45;
	v45 =	vperm.xlane v28, v14;
	[tilespmem:s4+$0xFFFFFE10] =	vst v37;
	v37 =	vmul.f32 v50, v22  }
0x235: {  	v41 =	vadd.s32 v5, v41;
	v57 =	vld.idx.msk [tilespmem:v56+s3+$0x0], $0xffff;
	v2 =	vadd.f32 v51, v2;
	[tilespmem:s1+$0x320] =	vst v34  }
0x236: {  	v47 =	vmul.f32 v45, v20;
	[tilespmem:s8+$0xFFFFFCB0] =	vst v40;
	v40 =	vperm.xlane v28, v15;
	v60 =	vld.idx.msk [tilespmem:v49+s3+$0x0], $0xffff  }
0x237: {  	v51 =	vadd.s32 v3, v44;
	v0 =	vadd.f32 v0, v37;
	v53 =	vld.idx.msk [tilespmem:v53+s3+$0x0], $0xffff;
	[tilespmem:s18+$0x200] =	vst v2  }
0x238: {  	s10 =	sshra.s32 s9, $0x2;
	v56 =	vperm.xlane v33, v10;
	v37 =	vperm.xlane v25, v58;
	v25 =	vmovc v27;
	v27 =	vmov v36;
	v49 =	vld.idx.msk [tilespmem:v52+s3+$0x0], $0xffff  }
.Ltmp2:
0x239: {  	v36 =	vadd.s32 v5, v46;
	v2 =	vmul.f32 v54, v22;
	v6 =	vadd.f32 v47, v6;
	v34 =	vld [tilespmem:s10+$0x3480];
	[tilespmem:s19+$0xA0] =	vst v0;
	(pc) =	sbr.rel @p1 .LBB2_3-.Ltmp2, $4  }
0x23a: {  	v0 =	vmul.f32 v48, v23;
	v48 =	vadd.s32 v1, v37;
	v47 =	vld.idx.msk [tilespmem:v41+s3+$0x0], $0xffff;
	v41 =	vperm.xlane v27, v17  }
0x23b: {  	v59 =	vadd.s32 v3, v55;
	v61 =	vmul.f32 v56, v20;
	v2 =	vadd.f32 v57, v2;
	v58 =	vld [tilespmem:s10+$0x3280];
	[tilespmem:s20+$0xFFFFFF80] =	vst v6  }
0x23c: {  	v46 =	vadd.s32 v4, v43;
	v52 =	vadd.f32 v60, v0;
	v57 =	vld.idx.msk [tilespmem:v51+s3+$0x0], $0xffff;
	v51 =	vmul.f32 v42, v21  }
0x23d: {  	s9 =	sadd.s32 $0x40, s9;
	v50 =	vmul.f32 v50, v23;
	v60 =	vadd.f32 v61, v53;
	v53 =	vperm.xlane v30, v13;
	[tilespmem:s4+$0xFFFFFE20] =	vst v2  }
0x23e: {  	_ =	sdelay $0x3  }
0x23f: {  	v0 =	vld.idx.msk [tilespmem:v36+s3+$0x0], $0xffff;
	[tilespmem:s8+$0xFFFFFD00] =	vst v60  }
0x240: {  	v2 =	vperm.xlane v31, v13;
	v6 =	vld.idx.msk [tilespmem:v59+s3+$0x0], $0xffff;
	_ =	sdelay $0x1  }
0x241: {  	v54 =	vmul.f32 v54, v23;
	v36 =	vshll.u32 v58, $0x6;
	v58 =	vadd.s32 v1, v2  }
0x242: {  	v61 =	vadd.s32 v4, v55;
	v60 =	vmul.f32 v56, v21;
	v59 =	vperm.xlane v36, v8  }
0x243: {  	v0 =	vadd.f32 v0, v54  }
0x244: {  	v62 =	vadd.s32 v1, v59;
	v6 =	vadd.f32 v6, v60  }
0x245: {  	[tilespmem:s4+$0xFFFFFE30] =	vst v0  }
0x246: {  	v0 =	vld.idx.msk [tilespmem:v58+s3+$0x0], $0xffff;
	[tilespmem:s8+$0xFFFFFD10] =	vst v6  }
0x247: {  	v6 =	vld.idx.msk [tilespmem:v61+s3+$0x0], $0xffff;
	_ =	sdelay $0x1  }
0x248: {  	v60 =	vadd.s32 v3, v2;
	v58 =	vmul.f32 v53, v20;
	v54 =	vld.idx.msk [tilespmem:v62+s3+$0x0], $0xffff  }
0x249: {  	v55 =	vadd.s32 v5, v55;
	v61 =	vperm.xlane v34, v8;
	v62 =	vmul.f32 v56, v22  }
0x24a: {  	v0 =	vadd.f32 v58, v0  }
0x24b: {  	v63 =	vadd.s32 v3, v59;
	v58 =	vmul.f32 v61, v20;
	v6 =	vadd.f32 v6, v62  }
0x24c: {  	[tilespmem:s4+$0xFFFFFE80] =	vst v0  }
0x24d: {  	v54 =	vadd.f32 v58, v54;
	v0 =	vld.idx.msk [tilespmem:v60+s3+$0x0], $0xffff;
	[tilespmem:s8+$0xFFFFFD20] =	vst v6  }
0x24e: {  	s9 =	sadd.s32 $0x800, s8;
	v6 =	vld.idx.msk [tilespmem:v55+s3+$0x0], $0xffff  }
0x24f: {  	[tilespmem:s9+$0xFFFFFC00] =	vst v54;
	v54 =	vperm.xlane v32, v11  }
0x250: {  	v60 =	vadd.s32 v4, v2;
	v55 =	vmul.f32 v53, v21;
	v58 =	vld.idx.msk [tilespmem:v63+s3+$0x0], $0xffff  }
0x251: {  	v56 =	vmul.f32 v56, v23;
	v62 =	vadd.s32 v1, v54  }
0x252: {  	v0 =	vadd.f32 v0, v55  }
0x253: {  	v63 =	vadd.s32 v4, v59;
	v55 =	vmul.f32 v61, v21;
	v6 =	vadd.f32 v6, v56  }
0x254: {  	[tilespmem:s4+$0xFFFFFE90] =	vst v0  }
0x255: {  	v55 =	vadd.f32 v58, v55;
	v0 =	vld.idx.msk [tilespmem:v60+s3+$0x0], $0xffff;
	[tilespmem:s6+$0xFFFFFD30] =	vst v6  }
0x256: {  	v6 =	vld.idx.msk [tilespmem:v62+s3+$0x0], $0xffff  }
0x257: {  	v56 =	vperm.xlane v33, v11;
	[tilespmem:s9+$0xFFFFFC10] =	vst v55  }
0x258: {  	v2 =	vadd.s32 v5, v2;
	v55 =	vmul.f32 v53, v22;
	v58 =	vld.idx.msk [tilespmem:v63+s3+$0x0], $0xffff  }
0x259: {  	v60 =	vmul.f32 v56, v20;
	v62 =	vadd.s32 v3, v54  }
0x25a: {  	v0 =	vadd.f32 v0, v55  }
0x25b: {  	v59 =	vadd.s32 v5, v59;
	v63 =	vmul.f32 v61, v22;
	v6 =	vadd.f32 v60, v6  }
0x25c: {  	[tilespmem:s4+$0xFFFFFEA0] =	vst v0  }
0x25d: {  	v0 =	vld.idx.msk [tilespmem:v2+s3+$0x0], $0xffff;
	v2 =	vadd.f32 v58, v63;
	[tilespmem:s6+$0xFFFFFD80] =	vst v6  }
0x25e: {  	v6 =	vperm.xlane v31, v7;
	v55 =	vld.idx.msk [tilespmem:v62+s3+$0x0], $0xffff  }
0x25f: {  	[tilespmem:s9+$0xFFFFFC20] =	vst v2  }
0x260: {  	v2 =	vmul.f32 v53, v23;
	v53 =	vld.idx.msk [tilespmem:v59+s3+$0x0], $0xffff;
	v58 =	vadd.s32 v1, v6  }
0x261: {  	v60 =	vmul.f32 v56, v21;
	v62 =	vadd.s32 v4, v54;
	v59 =	vperm.xlane v36, v9  }
0x262: {  	v0 =	vadd.f32 v0, v2  }
0x263: {  	v2 =	vmul.f32 v61, v23;
	v61 =	vadd.s32 v1, v59;
	v55 =	vadd.f32 v55, v60  }
0x264: {  	[tilespmem:s4+$0xFFFFFEB0] =	vst v0  }
0x265: {  	v0 =	vld.idx.msk [tilespmem:v58+s3+$0x0], $0xffff;
	v2 =	vadd.f32 v53, v2;
	[tilespmem:s6+$0xFFFFFD90] =	vst v55  }
0x266: {  	v53 =	vperm.xlane v30, v7;
	v55 =	vld.idx.msk [tilespmem:v62+s3+$0x0], $0xffff  }
0x267: {  	[tilespmem:s9+$0xFFFFFC30] =	vst v2  }
0x268: {  	v60 =	vadd.s32 v3, v6;
	v2 =	vmul.f32 v53, v20;
	v58 =	vld.idx.msk [tilespmem:v61+s3+$0x0], $0xffff  }
0x269: {  	v54 =	vadd.s32 v5, v54;
	v62 =	vmul.f32 v56, v22;
	v61 =	vperm.xlane v34, v9  }
0x26a: {  	v0 =	vadd.f32 v2, v0  }
0x26b: {  	v63 =	vadd.s32 v3, v59;
	v2 =	vmul.f32 v61, v20;
	v55 =	vadd.f32 v55, v62  }
0x26c: {  	[tilespmem:s4+$0xFFFFFF00] =	vst v0  }
0x26d: {  	v0 =	vld.idx.msk [tilespmem:v60+s3+$0x0], $0xffff;
	v2 =	vadd.f32 v2, v58;
	[tilespmem:s6+$0xFFFFFDA0] =	vst v55  }
0x26e: {  	v54 =	vld.idx.msk [tilespmem:v54+s3+$0x0], $0xffff  }
0x26f: {  	[tilespmem:s9+$0xFFFFFC80] =	vst v2;
	v2 =	vperm.xlane v32, v12  }
0x270: {  	v60 =	vadd.s32 v4, v6;
	v55 =	vmul.f32 v53, v21;
	v58 =	vld.idx.msk [tilespmem:v63+s3+$0x0], $0xffff  }
0x271: {  	v56 =	vmul.f32 v56, v23;
	v62 =	vadd.s32 v1, v2  }
0x272: {  	v0 =	vadd.f32 v0, v55  }
0x273: {  	v63 =	vadd.s32 v4, v59;
	v55 =	vmul.f32 v61, v21;
	v54 =	vadd.f32 v54, v56  }
0x274: {  	[tilespmem:s4+$0xFFFFFF10] =	vst v0  }
0x275: {  	v0 =	vld.idx.msk [tilespmem:v60+s3+$0x0], $0xffff;
	v55 =	vadd.f32 v58, v55;
	[tilespmem:s6+$0xFFFFFDB0] =	vst v54  }
0x276: {  	v54 =	vld.idx.msk [tilespmem:v62+s3+$0x0], $0xffff  }
0x277: {  	[tilespmem:s9+$0xFFFFFC90] =	vst v55;
	v55 =	vperm.xlane v33, v12  }
0x278: {  	v6 =	vadd.s32 v5, v6;
	v56 =	vmul.f32 v53, v22;
	v58 =	vld.idx.msk [tilespmem:v63+s3+$0x0], $0xffff  }
0x279: {  	v62 =	vadd.s32 v3, v2;
	v60 =	vmul.f32 v55, v20  }
0x27a: {  	v0 =	vadd.f32 v0, v56  }
0x27b: {  	v59 =	vadd.s32 v5, v59;
	v63 =	vmul.f32 v61, v22;
	v54 =	vadd.f32 v60, v54  }
0x27c: {  	[tilespmem:s4+$0xFFFFFF20] =	vst v0  }
0x27d: {  	v0 =	vld.idx.msk [tilespmem:v6+s3+$0x0], $0xffff;
	v6 =	vadd.f32 v58, v63;
	[tilespmem:s6+$0xFFFFFE00] =	vst v54  }
0x27e: {  	v54 =	vperm.xlane v31, v14;
	v56 =	vld.idx.msk [tilespmem:v62+s3+$0x0], $0xffff  }
0x27f: {  	[tilespmem:s9+$0xFFFFFCA0] =	vst v6  }
0x280: {  	v6 =	vmul.f32 v53, v23;
	v53 =	vld.idx.msk [tilespmem:v59+s3+$0x0], $0xffff;
	v58 =	vadd.s32 v1, v54  }
0x281: {  	v60 =	vmul.f32 v55, v21;
	v62 =	vadd.s32 v4, v2;
	v59 =	vperm.xlane v36, v10  }
0x282: {  	v0 =	vadd.f32 v0, v6  }
0x283: {  	v6 =	vmul.f32 v61, v23;
	v61 =	vadd.s32 v1, v59;
	v56 =	vadd.f32 v56, v60  }
0x284: {  	[tilespmem:s4+$0xFFFFFF30] =	vst v0  }
0x285: {  	v0 =	vld.idx.msk [tilespmem:v58+s3+$0x0], $0xffff;
	v6 =	vadd.f32 v53, v6;
	[tilespmem:s6+$0xFFFFFE10] =	vst v56  }
0x286: {  	v53 =	vmul.f32 v45, v21;
	v58 =	vperm.xlane v30, v14;
	v56 =	vadd.s32 v4, v44;
	v60 =	vld.idx.msk [tilespmem:v62+s3+$0x0], $0xffff  }
0x287: {  	[tilespmem:s9+$0xFFFFFCB0] =	vst v6  }
0x288: {  	v6 =	vadd.f32 v57, v53;
	v53 =	vmul.f32 v58, v20;
	v57 =	vld.idx.msk [tilespmem:v61+s3+$0x0], $0xffff;
	v61 =	vadd.s32 v3, v54  }
0x289: {  	v63 =	vmul.f32 v55, v22;
	v2 =	vadd.s32 v5, v2;
	v62 =	vperm.xlane v34, v10  }
0x28a: {  	[tilespmem:s20+$0xFFFFFF90] =	vst v6;
	v0 =	vadd.f32 v53, v0  }
0x28b: {  	v53 =	vmul.f32 v62, v20;
	v6 =	vld.idx.msk [tilespmem:v56+s3+$0x0], $0xffff;
	v56 =	vadd.f32 v60, v63;
	v60 =	vadd.s32 v3, v59  }
0x28c: {  	[tilespmem:s4+$0xFFFFFF80] =	vst v0  }
0x28d: {  	v0 =	vld.idx.msk [tilespmem:v61+s3+$0x0], $0xffff;
	v53 =	vadd.f32 v53, v57;
	[tilespmem:s6+$0xFFFFFE20] =	vst v56  }
0x28e: {  	v44 =	vadd.s32 v5, v44;
	v61 =	vmul.f32 v45, v22;
	v2 =	vld.idx.msk [tilespmem:v2+s3+$0x0], $0xffff  }
0x28f: {  	[tilespmem:s9+$0xFFFFFD00] =	vst v53;
	v53 =	vperm.xlane v32, v13  }
0x290: {  	v56 =	vmul.f32 v58, v21;
	v6 =	vadd.f32 v6, v61;
	v57 =	vld.idx.msk [tilespmem:v60+s3+$0x0], $0xffff;
	v60 =	vadd.s32 v4, v54  }
0x291: {  	v55 =	vmul.f32 v55, v23;
	v61 =	vadd.s32 v1, v53  }
0x292: {  	[tilespmem:s20+$0xFFFFFFA0] =	vst v6;
	v0 =	vadd.f32 v0, v56  }
0x293: {  	v63 =	vmul.f32 v62, v21;
	v56 =	vadd.s32 v4, v59;
	v6 =	vld.idx.msk [tilespmem:v44+s3+$0x0], $0xffff;
	v2 =	vadd.f32 v2, v55  }
0x294: {  	v55 =	vperm.xlane v29, v15;
	[tilespmem:s4+$0xFFFFFF90] =	vst v0  }
0x295: {  	v0 =	vld.idx.msk [tilespmem:v60+s3+$0x0], $0xffff;
	v44 =	vadd.f32 v57, v63;
	[tilespmem:s6+$0xFFFFFE30] =	vst v2  }
0x296: {  	v2 =	vmul.f32 v45, v23;
	v45 =	vadd.s32 v1, v55;
	v57 =	vld.idx.msk [tilespmem:v61+s3+$0x0], $0xffff  }
0x297: {  	v60 =	vperm.xlane v33, v13;
	[tilespmem:s9+$0xFFFFFD10] =	vst v44  }
0x298: {  	v54 =	vadd.s32 v5, v54;
	v2 =	vadd.f32 v6, v2;
	v6 =	vmul.f32 v58, v22;
	v44 =	vld.idx.msk [tilespmem:v56+s3+$0x0], $0xffff  }
0x299: {  	v61 =	vadd.s32 v3, v53;
	v56 =	vmul.f32 v60, v20  }
0x29a: {  	[tilespmem:s20+$0xFFFFFFB0] =	vst v2;
	v0 =	vadd.f32 v0, v6  }
0x29b: {  	v2 =	vld.idx.msk [tilespmem:v45+s3+$0x0], $0xffff;
	v6 =	vmul.f32 v62, v22;
	v45 =	vadd.s32 v5, v59;
	v56 =	vadd.f32 v56, v57  }
0x29c: {  	[tilespmem:s4+$0xFFFFFFA0] =	vst v0  }
0x29d: {  	v0 =	vld.idx.msk [tilespmem:v54+s3+$0x0], $0xffff;
	v6 =	vadd.f32 v44, v6;
	[tilespmem:s6+$0xFFFFFE80] =	vst v56  }
0x29e: {  	v63 =	vmul.f32 v40, v20;
	v54 =	vadd.s32 v3, v55;
	v56 =	vperm.xlane v31, v15;
	v57 =	vld.idx.msk [tilespmem:v61+s3+$0x0], $0xffff  }
0x29f: {  	[tilespmem:s9+$0xFFFFFD20] =	vst v6  }
0x2a0: {  	v2 =	vadd.f32 v63, v2;
	v6 =	vmul.f32 v58, v23;
	v44 =	vld.idx.msk [tilespmem:v45+s3+$0x0], $0xffff;
	v45 =	vadd.s32 v1, v56  }
0x2a1: {  	v59 =	vmul.f32 v60, v21;
	v61 =	vadd.s32 v4, v53;
	v58 =	vperm.xlane v36, v11  }
0x2a2: {  	[tilespmem:s20+$0x0] =	vst v2;
	v0 =	vadd.f32 v0, v6  }
0x2a3: {  	v2 =	vld.idx.msk [tilespmem:v54+s3+$0x0], $0xffff;
	v6 =	vmul.f32 v62, v23;
	v62 =	vadd.s32 v1, v58;
	v57 =	vadd.f32 v57, v59  }
0x2a4: {  	[tilespmem:s4+$0xFFFFFFB0] =	vst v0  }
0x2a5: {  	v0 =	vld.idx.msk [tilespmem:v45+s3+$0x0], $0xffff;
	v6 =	vadd.f32 v44, v6;
	[tilespmem:s6+$0xFFFFFE90] =	vst v57  }
0x2a6: {  	v63 =	vmul.f32 v40, v21;
	v45 =	vadd.s32 v4, v55;
	v57 =	vperm.xlane v30, v15;
	v59 =	vld.idx.msk [tilespmem:v61+s3+$0x0], $0xffff  }
0x2a7: {  	[tilespmem:s9+$0xFFFFFD30] =	vst v6  }
0x2a8: {  	v54 =	vadd.s32 v3, v56;
	v2 =	vadd.f32 v2, v63;
	v6 =	vmul.f32 v57, v20;
	v44 =	vld.idx.msk [tilespmem:v62+s3+$0x0], $0xffff  }
0x2a9: {  	v53 =	vadd.s32 v5, v53;
	v61 =	vperm.xlane v34, v11;
	v62 =	vmul.f32 v60, v22  }
0x2aa: {  	[tilespmem:s20+$0x10] =	vst v2;
	v0 =	vadd.f32 v6, v0  }
0x2ab: {  	v2 =	vld.idx.msk [tilespmem:v45+s3+$0x0], $0xffff;
	v6 =	vmul.f32 v61, v20;
	v62 =	vadd.f32 v59, v62;
	v59 =	vadd.s32 v3, v58  }
0x2ac: {  	[tilespmem:s4+$0x0] =	vst v0  }
0x2ad: {  	v0 =	vld.idx.msk [tilespmem:v54+s3+$0x0], $0xffff;
	v6 =	vadd.f32 v6, v44;
	[tilespmem:s6+$0xFFFFFEA0] =	vst v62  }
0x2ae: {  	v63 =	vmul.f32 v40, v22;
	v62 =	vadd.s32 v5, v55;
	v53 =	vld.idx.msk [tilespmem:v53+s3+$0x0], $0xffff  }
0x2af: {  	[tilespmem:s9+$0xFFFFFD80] =	vst v6;
	v6 =	vperm.xlane v32, v7  }
0x2b0: {  	v55 =	vadd.s32 v4, v56;
	v2 =	vadd.f32 v2, v63;
	v63 =	vmul.f32 v57, v21;
	v54 =	vld.idx.msk [tilespmem:v59+s3+$0x0], $0xffff  }
0x2b1: {  	[tilespmem:s1+$0x330] =	vst v52;
	v60 =	vmul.f32 v60, v23;
	v59 =	vadd.s32 v1, v6  }
0x2b2: {  	[tilespmem:s20+$0x20] =	vst v2;
	v0 =	vadd.f32 v0, v63  }
0x2b3: {  	v2 =	vld.idx.msk [tilespmem:v62+s3+$0x0], $0xffff;
	v62 =	vmul.f32 v61, v21;
	v63 =	vadd.f32 v53, v60;
	v60 =	vadd.s32 v4, v58  }
0x2b4: {  	v49 =	vadd.f32 v49, v51;
	[tilespmem:s4+$0x10] =	vst v0;
	v0 =	vperm.xlane v29, v16  }
0x2b5: {  	v44 =	vadd.f32 v54, v62;
	v51 =	vld.idx.msk [tilespmem:v55+s3+$0x0], $0xffff;
	[tilespmem:s6+$0xFFFFFEB0] =	vst v63  }
0x2b6: {  	[tilespmem:s18+$0x210] =	vst v49;
	v62 =	vmul.f32 v40, v23;
	v45 =	vadd.s32 v1, v0;
	v49 =	vld.idx.msk [tilespmem:v59+s3+$0x0], $0xffff  }
0x2b7: {  	v47 =	vadd.f32 v47, v50;
	[tilespmem:s9+$0xFFFFFD90] =	vst v44;
	v44 =	vperm.xlane v33, v7  }
0x2b8: {  	v63 =	vmul.f32 v57, v22;
	v59 =	vadd.s32 v5, v56;
	v2 =	vadd.f32 v2, v62;
	v50 =	vld.idx.msk [tilespmem:v60+s3+$0x0], $0xffff  }
0x2b9: {  	[tilespmem:s19+$0xB0] =	vst v47;
	v62 =	vadd.s32 v3, v6;
	v60 =	vmul.f32 v44, v20  }
0x2ba: {  	v48 =	vld.idx.msk [tilespmem:v48+s3+$0x0], $0xffff;
	[tilespmem:s20+$0x30] =	vst v2;
	v2 =	vadd.f32 v51, v63  }
0x2bb: {  	v58 =	vadd.s32 v5, v58;
	v56 =	vmul.f32 v61, v22;
	v63 =	vld.idx.msk [tilespmem:v45+s3+$0x0], $0xffff;
	v47 =	vadd.f32 v60, v49  }
0x2bc: {  	v49 =	vperm.xlane v28, v16;
	[tilespmem:s4+$0x20] =	vst v2  }
0x2bd: {  	v2 =	vmul.f32 v35, v20;
	v52 =	vld.idx.msk [tilespmem:v59+s3+$0x0], $0xffff;
	v45 =	vadd.f32 v50, v56;
	[tilespmem:s6+$0xFFFFFF00] =	vst v47  }
0x2be: {  	v54 =	vperm.xlane v31, v16;
	v59 =	vmul.f32 v49, v20;
	v50 =	vadd.s32 v3, v0;
	v53 =	vld.idx.msk [tilespmem:v62+s3+$0x0], $0xffff  }
0x2bf: {  	v2 =	vadd.f32 v2, v48;
	[tilespmem:s9+$0xFFFFFDA0] =	vst v45  }
0x2c0: {  	v60 =	vmul.f32 v57, v23;
	v62 =	vadd.s32 v1, v54;
	v40 =	vadd.f32 v59, v63;
	v47 =	vld.idx.msk [tilespmem:v58+s3+$0x0], $0xffff  }
0x2c1: {  	v55 =	vadd.s32 v4, v6;
	[tilespmem:s1+$0x380] =	vst v2;
	v2 =	vperm.xlane v36, v12;
	v63 =	vmul.f32 v44, v21  }
0x2c2: {  	v46 =	vld.idx.msk [tilespmem:v46+s3+$0x0], $0xffff;
	v56 =	vadd.s32 v1, v41;
	[tilespmem:s20+$0x80] =	vst v40;
	v59 =	vadd.f32 v52, v60  }
0x2c3: {  	v60 =	vmul.f32 v61, v23;
	v52 =	vadd.s32 v1, v2;
	v45 =	vld.idx.msk [tilespmem:v50+s3+$0x0], $0xffff;
	v51 =	vadd.f32 v53, v63  }
0x2c4: {  	v61 =	vmul.f32 v42, v22;
	[tilespmem:s4+$0x30] =	vst v59  }
0x2c5: {  	v53 =	vadd.s32 v3, v37;
	v48 =	vld.idx.msk [tilespmem:v62+s3+$0x0], $0xffff;
	v47 =	vadd.f32 v47, v60;
	[tilespmem:s6+$0xFFFFFF10] =	vst v51  }
0x2c6: {  	v57 =	vperm.xlane v30, v16;
	v63 =	vadd.s32 v4, v0;
	v62 =	vmul.f32 v49, v21;
	v55 =	vld.idx.msk [tilespmem:v55+s3+$0x0], $0xffff  }
0x2c7: {  	v56 =	vld.idx.msk [tilespmem:v56+s3+$0x0], $0xffff;
	v40 =	vadd.f32 v46, v61;
	[tilespmem:s9+$0xFFFFFDB0] =	vst v47  }
0x2c8: {  	v43 =	vadd.s32 v5, v43;
	v60 =	vmul.f32 v57, v20;
	v45 =	vadd.f32 v45, v62;
	v47 =	vld.idx.msk [tilespmem:v52+s3+$0x0], $0xffff  }
0x2c9: {  	v50 =	vadd.s32 v3, v54;
	v61 =	vmul.f32 v44, v22;
	[tilespmem:s18+$0x220] =	vst v40;
	v52 =	vperm.xlane v34, v12  }
0x2ca: {  	v6 =	vadd.s32 v5, v6;
	v53 =	vld.idx.msk [tilespmem:v53+s3+$0x0], $0xffff;
	[tilespmem:s20+$0x90] =	vst v45;
	v46 =	vadd.f32 v60, v48  }
0x2cb: {  	v48 =	vld.idx.msk [tilespmem:v63+s3+$0x0], $0xffff;
	v63 =	vmul.f32 v52, v20;
	v40 =	vadd.f32 v55, v61;
	v55 =	vadd.s32 v3, v2  }
0x2cc: {  	v0 =	vadd.s32 v5, v0;
	v62 =	vmul.f32 v39, v20  }
0x2cd: {  	v43 =	vld.idx.msk [tilespmem:v43+s3+$0x0], $0xffff;
	v60 =	vmul.f32 v35, v21;
	[tilespmem:s4+$0x80] =	vst v46;
	v47 =	vadd.f32 v63, v47  }
0x2ce: {  	v45 =	vadd.f32 v62, v56;
	v61 =	vmul.f32 v49, v22;
	v50 =	vld.idx.msk [tilespmem:v50+s3+$0x0], $0xffff;
	[tilespmem:s6+$0xFFFFFF20] =	vst v40  }
0x2cf: {  	v56 =	vadd.s32 v3, v41;
	v62 =	vadd.f32 v53, v60;
	v6 =	vld.idx.msk [tilespmem:v6+s3+$0x0], $0xffff;
	[tilespmem:s9+$0xFFFFFE00] =	vst v47  }
0x2d0: {  	[tilespmem:s19+$0x100] =	vst v45;
	v46 =	vperm.xlane v32, v14;
	v40 =	vadd.f32 v48, v61;
	v48 =	vld.idx.msk [tilespmem:v55+s3+$0x0], $0xffff  }
0x2d1: {  	v58 =	vadd.s32 v4, v54;
	v63 =	vmul.f32 v57, v21;
	[tilespmem:s1+$0x390] =	vst v62  }
0x2d2: {  	v44 =	vmul.f32 v44, v23;
	v60 =	vmul.f32 v42, v23;
	v45 =	vadd.s32 v1, v46;
	[tilespmem:s20+$0xA0] =	vst v40  }
0x2d3: {  	v62 =	vmul.f32 v52, v21;
	v61 =	vadd.f32 v50, v63;
	v63 =	vadd.s32 v4, v2;
	v0 =	vld.idx.msk [tilespmem:v0+s3+$0x0], $0xffff  }
0x2d4: {  	v59 =	vld.idx.msk [tilespmem:v56+s3+$0x0], $0xffff;
	v42 =	vadd.f32 v43, v60;
	v43 =	vperm.xlane v29, v17;
	v6 =	vadd.f32 v6, v44  }
0x2d5: {  	v55 =	vadd.s32 v4, v37;
	[tilespmem:s4+$0x90] =	vst v61;
	v47 =	vadd.f32 v48, v62  }
0x2d6: {  	v51 =	vld.idx.msk [tilespmem:v58+s3+$0x0], $0xffff;
	[tilespmem:s6+$0xFFFFFF30] =	vst v6;
	v6 =	vmul.f32 v49, v23;
	v58 =	vadd.s32 v1, v43  }
0x2d7: {  	v56 =	vmul.f32 v39, v21;
	v45 =	vld.idx.msk [tilespmem:v45+s3+$0x0], $0xffff;
	[tilespmem:s9+$0xFFFFFE10] =	vst v47  }
0x2d8: {  	v53 =	vperm.xlane v28, v17;
	v47 =	vperm.xlane v33, v14;
	v0 =	vadd.f32 v0, v6;
	v48 =	vld.idx.msk [tilespmem:v63+s3+$0x0], $0xffff  }
0x2d9: {  	[tilespmem:s18+$0x230] =	vst v42;
	v40 =	vadd.f32 v59, v56;
	v59 =	vadd.s32 v5, v54;
	v6 =	vmul.f32 v57, v22  }
0x2da: {  	v60 =	vimm.s32 $0xD;
	v50 =	vadd.s32 v3, v46;
	v44 =	vld.idx.msk [tilespmem:v55+s3+$0x0], $0xffff;
	v56 =	vmul.f32 v47, v20;
	[tilespmem:s20+$0xB0] =	vst v0  }
0x2db: {  	v2 =	vadd.s32 v5, v2;
	v0 =	vadd.f32 v51, v6;
	v6 =	vld.idx.msk [tilespmem:v58+s3+$0x0], $0xffff;
	v58 =	vmul.f32 v52, v22  }
0x2dc: {  	v54 =	vperm.xlane v31, v17;
	[tilespmem:s19+$0x110] =	vst v40;
	v40 =	vperm.xlane v25, v60;
	v45 =	vadd.f32 v56, v45  }
0x2dd: {  	v51 =	vadd.s32 v4, v41;
	[tilespmem:s4+$0xA0] =	vst v0;
	v0 =	vmul.f32 v35, v22;
	v42 =	vadd.f32 v48, v58  }
0x2de: {  	v49 =	vld.idx.msk [tilespmem:v59+s3+$0x0], $0xffff;
	[tilespmem:s6+$0xFFFFFF80] =	vst v45;
	v59 =	vmul.f32 v53, v20;
	v48 =	vadd.s32 v3, v43  }
0x2df: {  	v55 =	vadd.s32 v1, v40;
	v50 =	vld.idx.msk [tilespmem:v50+s3+$0x0], $0xffff;
	v0 =	vadd.f32 v44, v0;
	[tilespmem:s9+$0xFFFFFE20] =	vst v42  }
0x2e0: {  	v6 =	vadd.f32 v59, v6;
	v2 =	vld.idx.msk [tilespmem:v2+s3+$0x0], $0xffff  }
0x2e1: {  	v61 =	vmul.f32 v57, v23;
	v62 =	vadd.s32 v1, v54;
	[tilespmem:s1+$0x3A0] =	vst v0;
	v0 =	vperm.xlane v36, v13  }
0x2e2: {  	v63 =	vmul.f32 v47, v21;
	v56 =	vadd.s32 v4, v46;
	v51 =	vld.idx.msk [tilespmem:v51+s3+$0x0], $0xffff;
	[tilespmem:s20+$0x100] =	vst v6  }
0x2e3: {  	v59 =	vmul.f32 v52, v23;
	v6 =	vadd.f32 v49, v61;
	v49 =	vadd.s32 v1, v0;
	v42 =	vld.idx.msk [tilespmem:v48+s3+$0x0], $0xffff  }
0x2e4: {  	v57 =	vadd.s32 v3, v40;
	v61 =	vmul.f32 v39, v22;
	v45 =	vadd.f32 v50, v63;
	v50 =	vld.idx.msk [tilespmem:v55+s3+$0x0], $0xffff  }
0x2e5: {  	v63 =	vadd.s32 v4, v43;
	[tilespmem:s4+$0xB0] =	vst v6;
	v6 =	vadd.s32 v5, v41;
	v2 =	vadd.f32 v2, v59  }
0x2e6: {  	v48 =	vperm.xlane v30, v17;
	v41 =	vld.idx.msk [tilespmem:v62+s3+$0x0], $0xffff;
	[tilespmem:s6+$0xFFFFFF90] =	vst v45;
	v62 =	vmul.f32 v53, v21  }
0x2e7: {  	v46 =	vadd.s32 v5, v46;
	v51 =	vadd.f32 v51, v61;
	v55 =	vld.idx.msk [tilespmem:v56+s3+$0x0], $0xffff;
	[tilespmem:s9+$0xFFFFFE30] =	vst v2  }
0x2e8: {  	v61 =	vmul.f32 v48, v20;
	v56 =	vmul.f32 v38, v20;
	v2 =	vadd.f32 v42, v62;
	v44 =	vld.idx.msk [tilespmem:v49+s3+$0x0], $0xffff  }
0x2e9: {  	[tilespmem:s19+$0x120] =	vst v51;
	v51 =	vperm.xlane v34, v13;
	v49 =	vadd.s32 v3, v54;
	v62 =	vmul.f32 v47, v22  }
0x2ea: {  	v50 =	vadd.f32 v56, v50;
	v6 =	vld.idx.msk [tilespmem:v6+s3+$0x0], $0xffff;
	[tilespmem:s20+$0x110] =	vst v2;
	v2 =	vperm.xlane v27, v18  }
0x2eb: {  	v41 =	vadd.f32 v61, v41;
	v61 =	vadd.s32 v3, v0;
	v42 =	vld.idx.msk [tilespmem:v63+s3+$0x0], $0xffff;
	v63 =	vmul.f32 v51, v20  }
0x2ec: {  	v58 =	vmul.f32 v39, v23;
	[tilespmem:s18+$0x280] =	vst v50;
	v52 =	vadd.f32 v55, v62  }
0x2ed: {  	v50 =	vld.idx.msk [tilespmem:v57+s3+$0x0], $0xffff;
	[tilespmem:s4+$0x100] =	vst v41;
	v59 =	vadd.s32 v1, v2;
	v44 =	vadd.f32 v63, v44  }
0x2ee: {  	v43 =	vadd.s32 v5, v43;
	v62 =	vmul.f32 v53, v22;
	v49 =	vld.idx.msk [tilespmem:v49+s3+$0x0], $0xffff;
	[tilespmem:s6+$0xFFFFFFA0] =	vst v52  }
0x2ef: {  	v46 =	vld.idx.msk [tilespmem:v46+s3+$0x0], $0xffff;
	v6 =	vadd.f32 v6, v58;
	[tilespmem:s9+$0xFFFFFE80] =	vst v44  }
0x2f0: {  	v39 =	vperm.xlane v32, v15;
	v56 =	vperm.xlane v26, v18;
	v42 =	vadd.f32 v42, v62;
	v45 =	vld.idx.msk [tilespmem:v61+s3+$0x0], $0xffff  }
0x2f1: {  	v57 =	vadd.s32 v4, v0;
	v63 =	vmul.f32 v48, v21;
	v52 =	vadd.s32 v4, v54;
	[tilespmem:s19+$0x130] =	vst v6  }
0x2f2: {  	v6 =	vmul.f32 v47, v23;
	v47 =	vadd.s32 v1, v39;
	v41 =	vld.idx.msk [tilespmem:v59+s3+$0x0], $0xffff;
	[tilespmem:s20+$0x120] =	vst v42  }
0x2f3: {  	v61 =	vmul.f32 v38, v21;
	v62 =	vadd.f32 v49, v63;
	v63 =	vmul.f32 v51, v21;
	v43 =	vld.idx.msk [tilespmem:v43+s3+$0x0], $0xffff  }
0x2f4: {  	v55 =	vperm.xlane v29, v18;
	v59 =	vmul.f32 v56, v20;
	v6 =	vadd.f32 v46, v6  }
0x2f5: {  	v58 =	vadd.f32 v50, v61;
	v61 =	vadd.s32 v3, v2;
	[tilespmem:s4+$0x110] =	vst v62;
	v44 =	vadd.f32 v45, v63  }
0x2f6: {  	v62 =	vadd.s32 v1, v55;
	v52 =	vld.idx.msk [tilespmem:v52+s3+$0x0], $0xffff;
	[tilespmem:s6+$0xFFFFFFB0] =	vst v6;
	v6 =	vmul.f32 v53, v23  }
0x2f7: {  	v63 =	vld.idx.msk [tilespmem:v47+s3+$0x0], $0xffff;
	v41 =	vadd.f32 v59, v41;
	[tilespmem:s9+$0xFFFFFE90] =	vst v44  }
0x2f8: {  	[tilespmem:s18+$0x290] =	vst v58;
	v47 =	vperm.xlane v33, v15;
	v6 =	vadd.f32 v43, v6;
	v44 =	vld.idx.msk [tilespmem:v57+s3+$0x0], $0xffff  }
0x2f9: {  	v53 =	vmul.f32 v48, v22;
	v57 =	vadd.s32 v5, v54;
	[tilespmem:s19+$0x180] =	vst v41  }
0x2fa: {  	v59 =	vadd.s32 v3, v39;
	v58 =	vmul.f32 v47, v20;
	v42 =	vld.idx.msk [tilespmem:v61+s3+$0x0], $0xffff;
	[tilespmem:s20+$0x130] =	vst v6  }
0x2fb: {  	v0 =	vadd.s32 v5, v0;
	v6 =	vadd.f32 v52, v53;
	v61 =	vld.idx.msk [tilespmem:v62+s3+$0x0], $0xffff;
	v62 =	vmul.f32 v51, v22  }
0x2fc: {  	v52 =	vperm.xlane v28, v18;
	v41 =	vadd.f32 v58, v63  }
0x2fd: {  	v63 =	vmul.f32 v56, v21;
	[tilespmem:s4+$0x120] =	vst v6;
	v6 =	vadd.s32 v4, v2;
	v44 =	vadd.f32 v44, v62  }
0x2fe: {  	v58 =	vadd.s32 v3, v55;
	v49 =	vld.idx.msk [tilespmem:v57+s3+$0x0], $0xffff;
	[tilespmem:s6+$0x0] =	vst v41;
	v57 =	vmul.f32 v52, v20  }
0x2ff: {  	v53 =	vperm.xlane v31, v18;
	v50 =	vld.idx.msk [tilespmem:v59+s3+$0x0], $0xffff;
	v42 =	vadd.f32 v42, v63;
	[tilespmem:s9+$0xFFFFFEA0] =	vst v44  }
0x300: {  	v54 =	vadd.s32 v4, v40;
	v40 =	vadd.s32 v5, v40;
	v41 =	vadd.f32 v57, v61;
	v0 =	vld.idx.msk [tilespmem:v0+s3+$0x0], $0xffff  }
0x301: {  	v59 =	vmul.f32 v48, v23;
	v44 =	vadd.s32 v1, v53;
	[tilespmem:s19+$0x190] =	vst v42;
	v42 =	vperm.xlane v36, v7  }
0x302: {  	v48 =	vadd.s32 v4, v39;
	v61 =	vmul.f32 v47, v21;
	v6 =	vld.idx.msk [tilespmem:v6+s3+$0x0], $0xffff;
	[tilespmem:s20+$0x180] =	vst v41  }
0x303: {  	v57 =	vmul.f32 v51, v23;
	v62 =	vadd.f32 v49, v59;
	v63 =	vld.idx.msk [tilespmem:v58+s3+$0x0], $0xffff;
	v58 =	vadd.s32 v1, v42  }
0x304: {  	v2 =	vadd.s32 v5, v2;
	v39 =	vadd.s32 v5, v39;
	v46 =	vadd.f32 v50, v61  }
0x305: {  	v59 =	vmul.f32 v56, v22;
	v50 =	vld.idx.msk [tilespmem:v54+s3+$0x0], $0xffff;
	[tilespmem:s4+$0x130] =	vst v62;
	v0 =	vadd.f32 v0, v57  }
0x306: {  	v61 =	vmul.f32 v52, v21;
	v62 =	vadd.s32 v4, v55;
	v41 =	vld.idx.msk [tilespmem:v44+s3+$0x0], $0xffff;
	[tilespmem:s6+$0x10] =	vst v46  }
0x307: {  	v19 =	vimm.s32 $0xC;
	v46 =	vld.idx.msk [tilespmem:v48+s3+$0x0], $0xffff;
	v48 =	vperm.xlane v30, v18;
	v6 =	vadd.f32 v6, v59;
	[tilespmem:s9+$0xFFFFFEB0] =	vst v0  }
0x308: {  	v54 =	vmul.f32 v38, v22;
	v57 =	vperm.xlane v27, v19;
	v0 =	vadd.f32 v63, v61;
	v43 =	vld.idx.msk [tilespmem:v58+s3+$0x0], $0xffff  }
0x309: {  	v49 =	vadd.s32 v3, v53;
	v63 =	vmul.f32 v48, v20;
	[tilespmem:s19+$0x1A0] =	vst v6;
	v6 =	vperm.xlane v34, v7  }
0x30a: {  	v61 =	vmul.f32 v47, v22;
	v50 =	vadd.f32 v50, v54;
	v2 =	vld.idx.msk [tilespmem:v2+s3+$0x0], $0xffff;
	[tilespmem:s20+$0x190] =	vst v0  }
0x30b: {  	v0 =	vadd.f32 v63, v41;
	v63 =	vadd.s32 v3, v42;
	v41 =	vld.idx.msk [tilespmem:v62+s3+$0x0], $0xffff;
	v62 =	vmul.f32 v6, v20  }
0x30c: {  	v58 =	vmul.f32 v56, v23;
	[tilespmem:s18+$0x2A0] =	vst v50;
	v46 =	vadd.f32 v46, v61  }
0x30d: {  	v40 =	vld.idx.msk [tilespmem:v40+s3+$0x0], $0xffff;
	[tilespmem:s4+$0x180] =	vst v0;
	v0 =	vadd.s32 v1, v57;
	v43 =	vadd.f32 v62, v43  }
0x30e: {  	v59 =	vmul.f32 v52, v22;
	v61 =	vadd.s32 v5, v55;
	v49 =	vld.idx.msk [tilespmem:v49+s3+$0x0], $0xffff;
	[tilespmem:s6+$0x20] =	vst v46  }
0x30f: {  	v39 =	vld.idx.msk [tilespmem:v39+s3+$0x0], $0xffff;
	v2 =	vadd.f32 v2, v58;
	[tilespmem:s9+$0xFFFFFF00] =	vst v43  }
0x310: {  	v51 =	vperm.xlane v26, v19;
	v50 =	vperm.xlane v32, v16;
	v41 =	vadd.f32 v41, v59;
	v43 =	vld.idx.msk [tilespmem:v63+s3+$0x0], $0xffff  }
0x311: {  	v54 =	vmul.f32 v38, v23;
	v62 =	vmul.f32 v48, v21;
	v63 =	vadd.s32 v4, v53;
	[tilespmem:s19+$0x1B0] =	vst v2  }
0x312: {  	v55 =	vadd.s32 v1, v50;
	v2 =	vmul.f32 v47, v23;
	v0 =	vld.idx.msk [tilespmem:v0+s3+$0x0], $0xffff;
	[tilespmem:s20+$0x1A0] =	vst v41  }
0x313: {  	v59 =	vmul.f32 v6, v21;
	v56 =	vadd.f32 v49, v62;
	v58 =	vld.idx.msk [tilespmem:v61+s3+$0x0], $0xffff;
	v61 =	vadd.s32 v4, v42  }
0x314: {  	v38 =	vadd.f32 v40, v54;
	v40 =	vperm.xlane v29, v19;
	v2 =	vadd.f32 v39, v2  }
0x315: {  	v62 =	vmul.f32 v51, v20;
	v41 =	vadd.s32 v3, v57;
	[tilespmem:s4+$0x190] =	vst v56;
	v43 =	vadd.f32 v43, v59  }
0x316: {  	v45 =	vld.idx.msk [tilespmem:v63+s3+$0x0], $0xffff;
	[tilespmem:s6+$0x30] =	vst v2;
	v2 =	vmul.f32 v52, v23;
	v63 =	vadd.s32 v1, v40  }
0x317: {  	v47 =	vld.idx.msk [tilespmem:v55+s3+$0x0], $0xffff;
	v0 =	vadd.f32 v62, v0;
	[tilespmem:s9+$0xFFFFFF10] =	vst v43  }
0x318: {  	[tilespmem:s18+$0x2B0] =	vst v38;
	v52 =	vperm.xlane v33, v16;
	v2 =	vadd.f32 v58, v2;
	v54 =	vld.idx.msk [tilespmem:v61+s3+$0x0], $0xffff  }
0x319: {  	v42 =	vadd.s32 v5, v42;
	v55 =	vmul.f32 v48, v22;
	v61 =	vadd.s32 v5, v53;
	[tilespmem:s19+$0x200] =	vst v0  }
0x31a: {  	v59 =	vimm.s32 $0xE;
	v62 =	vadd.s32 v3, v50;
	v0 =	vmul.f32 v52, v20;
	v41 =	vld.idx.msk [tilespmem:v41+s3+$0x0], $0xffff;
	[tilespmem:s20+$0x1B0] =	vst v2  }
0x31b: {  	v56 =	vmul.f32 v6, v22;
	v38 =	vperm.xlane v25, v59;
	v2 =	vadd.f32 v45, v55;
	v63 =	vld.idx.msk [tilespmem:v63+s3+$0x0], $0xffff  }
0x31c: {  	v58 =	vmul.f32 v51, v21;
	v0 =	vadd.f32 v0, v47;
	v47 =	vperm.xlane v28, v19  }
0x31d: {  	v53 =	vperm.xlane v31, v19;
	[tilespmem:s4+$0x1A0] =	vst v2;
	v2 =	vadd.s32 v4, v57;
	v39 =	vadd.f32 v54, v56  }
0x31e: {  	v45 =	vadd.s32 v3, v40;
	v44 =	vld.idx.msk [tilespmem:v61+s3+$0x0], $0xffff;
	[tilespmem:s6+$0x80] =	vst v0;
	v0 =	vmul.f32 v47, v20  }
0x31f: {  	v61 =	vadd.s32 v1, v38;
	v49 =	vld.idx.msk [tilespmem:v62+s3+$0x0], $0xffff;
	v41 =	vadd.f32 v41, v58;
	[tilespmem:s9+$0xFFFFFF20] =	vst v39  }
0x320: {  	v6 =	vmul.f32 v6, v23;
	v0 =	vadd.f32 v0, v63;
	v42 =	vld.idx.msk [tilespmem:v42+s3+$0x0], $0xffff  }
0x321: {  	v62 =	vmul.f32 v48, v23;
	v63 =	vadd.s32 v1, v53;
	[tilespmem:s19+$0x210] =	vst v41;
	v41 =	vperm.xlane v36, v14  }
0x322: {  	v56 =	vmul.f32 v52, v21;
	v58 =	vadd.s32 v4, v50;
	v2 =	vld.idx.msk [tilespmem:v2+s3+$0x0], $0xffff;
	[tilespmem:s20+$0x200] =	vst v0  }
0x323: {  	v55 =	vperm.xlane v30, v19;
	v0 =	vadd.f32 v44, v62;
	v44 =	vld.idx.msk [tilespmem:v45+s3+$0x0], $0xffff;
	v45 =	vadd.s32 v1, v41  }
0x324: {  	v50 =	vadd.s32 v5, v50;
	v39 =	vperm.xlane v24, v59;
	v46 =	vadd.f32 v49, v56;
	v49 =	vld.idx.msk [tilespmem:v61+s3+$0x0], $0xffff  }
0x325: {  	v61 =	vmul.f32 v51, v22;
	[tilespmem:s4+$0x1B0] =	vst v0;
	v0 =	vadd.s32 v5, v57;
	v6 =	vadd.f32 v42, v6  }
0x326: {  	v62 =	vmul.f32 v47, v21;
	v43 =	vld.idx.msk [tilespmem:v63+s3+$0x0], $0xffff;
	[tilespmem:s6+$0x90] =	vst v46;
	v63 =	vadd.s32 v4, v40  }
0x327: {  	v56 =	vmul.f32 v39, v20;
	v48 =	vld.idx.msk [tilespmem:v58+s3+$0x0], $0xffff;
	v2 =	vadd.f32 v2, v61;
	[tilespmem:s9+$0xFFFFFF30] =	vst v6  }
0x328: {  	v57 =	vadd.s32 v3, v38;
	v61 =	vmul.f32 v55, v20;
	v6 =	vadd.f32 v44, v62;
	v42 =	vld.idx.msk [tilespmem:v45+s3+$0x0], $0xffff  }
0x329: {  	v45 =	vadd.s32 v3, v53;
	[tilespmem:s19+$0x220] =	vst v2;
	v2 =	vperm.xlane v34, v14;
	v62 =	vmul.f32 v52, v22  }
0x32a: {  	v49 =	vadd.f32 v56, v49;
	v0 =	vld.idx.msk [tilespmem:v0+s3+$0x0], $0xffff;
	[tilespmem:s20+$0x210] =	vst v6;
	v6 =	vperm.xlane v27, v60  }
0x32b: {  	v43 =	vadd.f32 v61, v43;
	v58 =	vmul.f32 v2, v20;
	v61 =	vadd.s32 v3, v41;
	v63 =	vld.idx.msk [tilespmem:v63+s3+$0x0], $0xffff  }
0x32c: {  	v51 =	vmul.f32 v51, v23;
	[tilespmem:s18+$0x300] =	vst v49;
	v48 =	vadd.f32 v48, v62  }
0x32d: {  	v49 =	vld.idx.msk [tilespmem:v57+s3+$0x0], $0xffff;
	[tilespmem:s4+$0x200] =	vst v43;
	v43 =	vadd.s32 v1, v6;
	v42 =	vadd.f32 v58, v42  }
0x32e: {  	v40 =	vadd.s32 v5, v40;
	v62 =	vmul.f32 v47, v22;
	v45 =	vld.idx.msk [tilespmem:v45+s3+$0x0], $0xffff;
	[tilespmem:s6+$0xA0] =	vst v48  }
0x32f: {  	v48 =	vld.idx.msk [tilespmem:v50+s3+$0x0], $0xffff;
	v0 =	vadd.f32 v0, v51;
	[tilespmem:s9+$0xFFFFFF80] =	vst v42  }
0x330: {  	v56 =	vperm.xlane v26, v60;
	v50 =	vperm.xlane v32, v17;
	v63 =	vadd.f32 v63, v62;
	v44 =	vld.idx.msk [tilespmem:v61+s3+$0x0], $0xffff  }
0x331: {  	v51 =	vadd.s32 v4, v53;
	v61 =	vmul.f32 v55, v21;
	v62 =	vmul.f32 v39, v21;
	[tilespmem:s19+$0x230] =	vst v0  }
0x332: {  	v0 =	vmul.f32 v52, v23;
	v52 =	vadd.s32 v1, v50;
	v43 =	vld.idx.msk [tilespmem:v43+s3+$0x0], $0xffff;
	[tilespmem:s20+$0x220] =	vst v63  }
0x333: {  	v58 =	vadd.s32 v4, v41;
	v57 =	vadd.f32 v45, v61;
	v63 =	vmul.f32 v2, v21;
	v40 =	vld.idx.msk [tilespmem:v40+s3+$0x0], $0xffff  }
0x334: {  	v54 =	vperm.xlane v29, v60;
	v61 =	vadd.f32 v49, v62;
	v0 =	vadd.f32 v48, v0  }
0x335: {  	v62 =	vmul.f32 v56, v20;
	[tilespmem:s4+$0x210] =	vst v57;
	v57 =	vadd.s32 v3, v6;
	v44 =	vadd.f32 v44, v63  }
0x336: {  	v51 =	vld.idx.msk [tilespmem:v51+s3+$0x0], $0xffff;
	[tilespmem:s6+$0xB0] =	vst v0;
	v0 =	vmul.f32 v47, v23;
	v63 =	vadd.s32 v1, v54  }
0x337: {  	v52 =	vld.idx.msk [tilespmem:v52+s3+$0x0], $0xffff;
	v43 =	vadd.f32 v62, v43;
	[tilespmem:s9+$0xFFFFFF90] =	vst v44  }
0x338: {  	v48 =	vperm.xlane v33, v17;
	[tilespmem:s18+$0x310] =	vst v61;
	v0 =	vadd.f32 v40, v0;
	v40 =	vld.idx.msk [tilespmem:v58+s3+$0x0], $0xffff  }
0x339: {  	v61 =	vadd.s32 v5, v53;
	v58 =	vmul.f32 v55, v22;
	[tilespmem:s19+$0x280] =	vst v43  }
0x33a: {  	v49 =	vadd.s32 v3, v50;
	v62 =	vmul.f32 v48, v20;
	v42 =	vld.idx.msk [tilespmem:v57+s3+$0x0], $0xffff;
	[tilespmem:s20+$0x230] =	vst v0  }
0x33b: {  	v41 =	vadd.s32 v5, v41;
	v57 =	vmul.f32 v2, v22;
	v0 =	vadd.f32 v51, v58;
	v63 =	vld.idx.msk [tilespmem:v63+s3+$0x0], $0xffff  }
0x33c: {  	v53 =	vadd.s32 v4, v38;
	v51 =	vperm.xlane v28, v60;
	v43 =	vadd.f32 v62, v52  }
0x33d: {  	v58 =	vmul.f32 v56, v21;
	[tilespmem:s4+$0x220] =	vst v0;
	v0 =	vadd.s32 v4, v6;
	v40 =	vadd.f32 v40, v57  }
0x33e: {  	v62 =	vadd.s32 v3, v54;
	v46 =	vld.idx.msk [tilespmem:v61+s3+$0x0], $0xffff;
	[tilespmem:s6+$0x100] =	vst v43;
	v61 =	vmul.f32 v51, v20  }
0x33f: {  	v52 =	vperm.xlane v31, v60;
	v49 =	vld.idx.msk [tilespmem:v49+s3+$0x0], $0xffff;
	v42 =	vadd.f32 v42, v58;
	[tilespmem:s9+$0xFFFFFFA0] =	vst v40  }
0x340: {  	v63 =	vadd.f32 v61, v63;
	v41 =	vld.idx.msk [tilespmem:v41+s3+$0x0], $0xffff  }
0x341: {  	v57 =	vmul.f32 v55, v23;
	v44 =	vadd.s32 v1, v52;
	[tilespmem:s19+$0x290] =	vst v42;
	v42 =	vperm.xlane v36, v15  }
0x342: {  	v55 =	vadd.s32 v4, v50;
	v58 =	vmul.f32 v48, v21;
	v0 =	vld.idx.msk [tilespmem:v0+s3+$0x0], $0xffff;
	[tilespmem:s20+$0x280] =	vst v63  }
0x343: {  	v2 =	vmul.f32 v2, v23;
	v61 =	vadd.f32 v46, v57;
	v45 =	vadd.s32 v1, v42;
	v62 =	vld.idx.msk [tilespmem:v62+s3+$0x0], $0xffff  }
0x344: {  	v38 =	vadd.s32 v5, v38;
	v47 =	vld.idx.msk [tilespmem:v53+s3+$0x0], $0xffff;
	v6 =	vadd.s32 v5, v6;
	v63 =	vadd.f32 v49, v58  }
0x345: {  	v50 =	vadd.s32 v5, v50;
	v57 =	vmul.f32 v56, v22;
	[tilespmem:s4+$0x230] =	vst v61;
	v2 =	vadd.f32 v41, v2  }
0x346: {  	v58 =	vmul.f32 v51, v21;
	v61 =	vadd.s32 v4, v54;
	v40 =	vld.idx.msk [tilespmem:v44+s3+$0x0], $0xffff;
	[tilespmem:s6+$0x110] =	vst v63  }
0x347: {  	v46 =	vperm.xlane v30, v60;
	v53 =	vld.idx.msk [tilespmem:v55+s3+$0x0], $0xffff;
	v0 =	vadd.f32 v0, v57;
	[tilespmem:s9+$0xFFFFFFB0] =	vst v2  }
0x348: {  	v63 =	vmul.f32 v48, v22;
	v55 =	vmul.f32 v39, v22;
	v2 =	vadd.f32 v62, v58;
	v43 =	vld.idx.msk [tilespmem:v45+s3+$0x0], $0xffff  }
0x349: {  	v62 =	vmul.f32 v46, v20;
	v45 =	vadd.s32 v3, v52;
	[tilespmem:s19+$0x2A0] =	vst v0;
	v0 =	vperm.xlane v34, v15  }
0x34a: {  	v57 =	vperm.xlane v27, v59;
	v47 =	vadd.f32 v47, v55;
	v6 =	vld.idx.msk [tilespmem:v6+s3+$0x0], $0xffff;
	[tilespmem:s20+$0x290] =	vst v2  }
0x34b: {  	v2 =	vadd.f32 v62, v40;
	v62 =	vadd.s32 v3, v42;
	v58 =	vld.idx.msk [tilespmem:v61+s3+$0x0], $0xffff;
	v61 =	vmul.f32 v0, v20  }
0x34c: {  	[tilespmem:s18+$0x320] =	vst v47;
	v49 =	vadd.f32 v53, v63;
	v63 =	vmul.f32 v56, v23  }
0x34d: {  	v38 =	vld.idx.msk [tilespmem:v38+s3+$0x0], $0xffff;
	[tilespmem:s4+$0x280] =	vst v2;
	v2 =	vadd.s32 v1, v57;
	v41 =	vadd.f32 v61, v43  }
0x34e: {  	v55 =	vmul.f32 v51, v22;
	v56 =	vadd.s32 v5, v54;
	v45 =	vld.idx.msk [tilespmem:v45+s3+$0x0], $0xffff;
	[tilespmem:s6+$0x120] =	vst v49  }
0x34f: {  	v49 =	vld.idx.msk [tilespmem:v50+s3+$0x0], $0xffff;
	v6 =	vadd.f32 v6, v63;
	[tilespmem:s9+$0x0] =	vst v41  }
0x350: {  	v39 =	vmul.f32 v39, v23;
	v50 =	vperm.xlane v32, v18;
	v40 =	vadd.f32 v58, v55;
	v43 =	vld.idx.msk [tilespmem:v62+s3+$0x0], $0xffff  }
0x351: {  	v53 =	vperm.xlane v26, v59;
	v61 =	vadd.s32 v4, v52;
	v58 =	vmul.f32 v46, v21;
	[tilespmem:s19+$0x2B0] =	vst v6  }
0x352: {  	v6 =	vmul.f32 v48, v23;
	v62 =	vadd.s32 v1, v50;
	v2 =	vld.idx.msk [tilespmem:v2+s3+$0x0], $0xffff;
	[tilespmem:s20+$0x2A0] =	vst v40  }
0x353: {  	v55 =	vmul.f32 v0, v21;
	v63 =	vadd.f32 v45, v58;
	v54 =	vld.idx.msk [tilespmem:v56+s3+$0x0], $0xffff;
	v56 =	vadd.s32 v4, v42  }
0x354: {  	v38 =	vadd.f32 v38, v39;
	v6 =	vadd.f32 v49, v6;
	v49 =	vperm.xlane v29, v59  }
0x355: {  	v58 =	vmul.f32 v53, v20;
	v40 =	vadd.s32 v3, v57;
	[tilespmem:s4+$0x290] =	vst v63;
	v43 =	vadd.f32 v43, v55  }
0x356: {  	v44 =	vld.idx.msk [tilespmem:v61+s3+$0x0], $0xffff;
	[tilespmem:s6+$0x130] =	vst v6;
	v6 =	vmul.f32 v51, v23;
	v61 =	vadd.s32 v1, v49  }
0x357: {  	v39 =	vperm.xlane v33, v18;
	v48 =	vld.idx.msk [tilespmem:v62+s3+$0x0], $0xffff;
	v2 =	vadd.f32 v58, v2;
	[tilespmem:s9+$0x10] =	vst v43  }
0x358: {  	[tilespmem:s18+$0x330] =	vst v38;
	v63 =	vmul.f32 v46, v22;
	v6 =	vadd.f32 v54, v6;
	v62 =	vld.idx.msk [tilespmem:v56+s3+$0x0], $0xffff  }
0x359: {  	v55 =	vadd.s32 v3, v50;
	v58 =	vimm.s32 $0xF;
	v54 =	vadd.s32 v5, v52;
	[tilespmem:s19+$0x300] =	vst v2  }
0x35a: {  	v38 =	vperm.xlane v25, v58;
	v2 =	vmul.f32 v39, v20;
	v25 =	vld.idx.msk [tilespmem:v40+s3+$0x0], $0xffff;
	[tilespmem:s20+$0x2B0] =	vst v6  }
0x35b: {  	v42 =	vadd.s32 v5, v42;
	v56 =	vmul.f32 v0, v22;
	v6 =	vadd.f32 v44, v63;
	v40 =	vld.idx.msk [tilespmem:v61+s3+$0x0], $0xffff  }
0x35c: {  	v45 =	vperm.xlane v28, v59;
	v51 =	vperm.xlane v31, v59;
	v2 =	vadd.f32 v2, v48  }
0x35d: {  	v61 =	vmul.f32 v53, v21;
	[tilespmem:s4+$0x2A0] =	vst v6;
	v6 =	vadd.s32 v4, v57;
	v41 =	vadd.f32 v62, v56  }
0x35e: {  	v43 =	vadd.s32 v3, v49;
	v47 =	vld.idx.msk [tilespmem:v54+s3+$0x0], $0xffff;
	[tilespmem:s6+$0x180] =	vst v2;
	v2 =	vmul.f32 v45, v20  }
0x35f: {  	v63 =	vadd.s32 v1, v38;
	v62 =	vld.idx.msk [tilespmem:v55+s3+$0x0], $0xffff;
	v25 =	vadd.f32 v25, v61;
	[tilespmem:s9+$0x20] =	vst v41  }
0x360: {  	v2 =	vadd.f32 v2, v40;
	v61 =	vld.idx.msk [tilespmem:v42+s3+$0x0], $0xffff  }
0x361: {  	v44 =	vperm.xlane v36, v16;
	v54 =	vmul.f32 v46, v23;
	v55 =	vadd.s32 v1, v51;
	[tilespmem:s19+$0x310] =	vst v25  }
0x362: {  	v56 =	vadd.s32 v4, v50;
	v25 =	vmul.f32 v39, v21;
	v6 =	vld.idx.msk [tilespmem:v6+s3+$0x0], $0xffff;
	[tilespmem:s20+$0x300] =	vst v2  }
0x363: {  	v0 =	vmul.f32 v0, v23;
	v2 =	vadd.f32 v47, v54;
	v41 =	vld.idx.msk [tilespmem:v43+s3+$0x0], $0xffff;
	v43 =	vadd.s32 v1, v44  }
0x364: {  	v27 =	vperm.xlane v27, v58;
	v62 =	vadd.f32 v62, v25;
	v25 =	vperm.xlane v24, v58;
	v24 =	vld.idx.msk [tilespmem:v63+s3+$0x0], $0xffff  }
0x365: {  	v63 =	vmul.f32 v53, v22;
	[tilespmem:s4+$0x2B0] =	vst v2;
	v2 =	vadd.s32 v5, v57;
	v0 =	vadd.f32 v61, v0  }
0x366: {  	v42 =	vld.idx.msk [tilespmem:v55+s3+$0x0], $0xffff;
	[tilespmem:s6+$0x190] =	vst v62;
	v61 =	vmul.f32 v45, v21;
	v62 =	vadd.s32 v4, v49  }
0x367: {  	v52 =	vperm.xlane v30, v59;
	v46 =	vld.idx.msk [tilespmem:v56+s3+$0x0], $0xffff;
	v6 =	vadd.f32 v6, v63;
	[tilespmem:s9+$0x30] =	vst v0  }
0x368: {  	v50 =	vadd.s32 v5, v50;
	v54 =	vmul.f32 v25, v20;
	v0 =	vadd.f32 v41, v61;
	v40 =	vld.idx.msk [tilespmem:v43+s3+$0x0], $0xffff  }
0x369: {  	v63 =	vmul.f32 v52, v20;
	v56 =	vadd.s32 v3, v51;
	[tilespmem:s19+$0x320] =	vst v6;
	v6 =	vperm.xlane v34, v16  }
0x36a: {  	v57 =	vmul.f32 v39, v22;
	v24 =	vadd.f32 v54, v24;
	v2 =	vld.idx.msk [tilespmem:v2+s3+$0x0], $0xffff;
	[tilespmem:s20+$0x310] =	vst v0  }
0x36b: {  	v0 =	vadd.f32 v63, v42;
	v63 =	vadd.s32 v3, v44;
	v61 =	vld.idx.msk [tilespmem:v62+s3+$0x0], $0xffff;
	v62 =	vmul.f32 v6, v20  }
0x36c: {  	v55 =	vadd.s32 v3, v38;
	[tilespmem:s18+$0x380] =	vst v24;
	v46 =	vadd.f32 v46, v57  }
0x36d: {  	v53 =	vmul.f32 v53, v23;
	[tilespmem:s4+$0x300] =	vst v0;
	v0 =	vadd.s32 v1, v27;
	v40 =	vadd.f32 v62, v40  }
0x36e: {  	v54 =	vadd.s32 v5, v49;
	v24 =	vmul.f32 v45, v22;
	v43 =	vld.idx.msk [tilespmem:v56+s3+$0x0], $0xffff;
	[tilespmem:s6+$0x1A0] =	vst v46  }
0x36f: {  	v46 =	vld.idx.msk [tilespmem:v50+s3+$0x0], $0xffff;
	v2 =	vadd.f32 v2, v53;
	[tilespmem:s9+$0x80] =	vst v40  }
0x370: {  	v40 =	vperm.xlane v32, v19;
	v24 =	vadd.f32 v61, v24;
	v56 =	vld.idx.msk [tilespmem:v63+s3+$0x0], $0xffff  }
0x371: {  	v49 =	vld.idx.msk [tilespmem:v55+s3+$0x0], $0xffff;
	v57 =	vmul.f32 v52, v21;
	v61 =	vadd.s32 v4, v51;
	[tilespmem:s19+$0x330] =	vst v2  }
0x372: {  	v2 =	vmul.f32 v39, v23;
	v63 =	vadd.s32 v1, v40;
	v0 =	vld.idx.msk [tilespmem:v0+s3+$0x0], $0xffff;
	[tilespmem:s20+$0x320] =	vst v24  }
0x373: {  	v53 =	vmul.f32 v6, v21;
	v24 =	vadd.f32 v43, v57;
	v42 =	vld.idx.msk [tilespmem:v54+s3+$0x0], $0xffff;
	v54 =	vadd.s32 v4, v44  }
0x374: {  	v26 =	vperm.xlane v26, v58;
	v62 =	vmul.f32 v25, v21;
	v2 =	vadd.f32 v46, v2  }
0x375: {  	v29 =	vperm.xlane v29, v58;
	v55 =	vadd.s32 v4, v38;
	[tilespmem:s4+$0x310] =	vst v24;
	v41 =	vadd.f32 v56, v53  }
0x376: {  	v49 =	vadd.f32 v49, v62;
	v24 =	vmul.f32 v26, v20;
	v48 =	vld.idx.msk [tilespmem:v61+s3+$0x0], $0xffff;
	[tilespmem:s6+$0x1B0] =	vst v2  }
0x377: {  	v2 =	vmul.f32 v45, v23;
	v56 =	vadd.s32 v1, v29;
	v39 =	vld.idx.msk [tilespmem:v63+s3+$0x0], $0xffff;
	[tilespmem:s9+$0x90] =	vst v41  }
0x378: {  	v45 =	vperm.xlane v33, v19;
	v0 =	vadd.f32 v24, v0;
	v24 =	vld.idx.msk [tilespmem:v54+s3+$0x0], $0xffff  }
0x379: {  	[tilespmem:s18+$0x390] =	vst v49;
	v57 =	vmul.f32 v52, v22;
	v61 =	vadd.s32 v5, v51;
	v2 =	vadd.f32 v42, v2  }
0x37a: {  	v62 =	vadd.s32 v3, v40;
	v46 =	vld.idx.msk [tilespmem:v55+s3+$0x0], $0xffff;
	[tilespmem:s19+$0x380] =	vst v0;
	v0 =	vmul.f32 v45, v20  }
0x37b: {  	v44 =	vadd.s32 v5, v44;
	v51 =	vmul.f32 v6, v22;
	[tilespmem:s20+$0x330] =	vst v2;
	v2 =	vadd.f32 v48, v57  }
0x37c: {  	v63 =	vadd.s32 v3, v27;
	v50 =	vld.idx.msk [tilespmem:v56+s3+$0x0], $0xffff;
	v0 =	vadd.f32 v0, v39  }
0x37d: {  	v28 =	vperm.xlane v28, v58;
	[tilespmem:s4+$0x320] =	vst v2;
	v2 =	vmul.f32 v25, v22;
	v24 =	vadd.f32 v24, v51  }
0x37e: {  	v31 =	vperm.xlane v31, v58;
	v53 =	vadd.s32 v3, v29;
	v39 =	vld.idx.msk [tilespmem:v61+s3+$0x0], $0xffff;
	[tilespmem:s6+$0x200] =	vst v0  }
0x37f: {  	v0 =	vmul.f32 v28, v20;
	v54 =	vld.idx.msk [tilespmem:v62+s3+$0x0], $0xffff;
	v2 =	vadd.f32 v46, v2;
	[tilespmem:s9+$0xA0] =	vst v24  }
0x380: {  	v55 =	vmul.f32 v52, v23;
	v56 =	vadd.s32 v1, v31;
	v62 =	vadd.s32 v5, v37;
	v24 =	vld.idx.msk [tilespmem:v44+s3+$0x0], $0xffff  }
0x381: {  	v46 =	vld.idx.msk [tilespmem:v63+s3+$0x0], $0xffff;
	v0 =	vadd.f32 v0, v50;
	[tilespmem:s18+$0x3A0] =	vst v2;
	v2 =	vperm.xlane v36, v17  }
0x382: {  	v57 =	vmul.f32 v45, v21;
	v61 =	vadd.s32 v4, v40  }
0x383: {  	v6 =	vmul.f32 v6, v23;
	[tilespmem:s20+$0x380] =	vst v0;
	v0 =	vadd.f32 v39, v55;
	v52 =	vadd.s32 v1, v2  }
0x384: {  	v63 =	vmul.f32 v26, v21;
	v51 =	vld.idx.msk [tilespmem:v53+s3+$0x0], $0xffff;
	v53 =	vadd.f32 v54, v57  }
0x385: {  	v54 =	vadd.s32 v4, v27;
	v37 =	vld.idx.msk [tilespmem:v62+s3+$0x0], $0xffff;
	[tilespmem:s4+$0x330] =	vst v0;
	v6 =	vadd.f32 v24, v6  }
0x386: {  	v46 =	vadd.f32 v46, v63;
	v57 =	vadd.s32 v4, v29;
	v55 =	vld.idx.msk [tilespmem:v56+s3+$0x0], $0xffff;
	[tilespmem:s6+$0x210] =	vst v53  }
0x387: {  	v56 =	vmul.f32 v28, v21;
	v24 =	vperm.xlane v30, v58;
	v30 =	vld.idx.msk [tilespmem:v61+s3+$0x0], $0xffff;
	[tilespmem:s9+$0xB0] =	vst v6  }
0x388: {  	v48 =	vperm.xlane v34, v17;
	v61 =	vld.idx.msk [tilespmem:v52+s3+$0x0], $0xffff  }
0x389: {  	v63 =	vadd.s32 v3, v31;
	[tilespmem:s19+$0x390] =	vst v46;
	v62 =	vmul.f32 v24, v20;
	v6 =	vadd.f32 v51, v56  }
0x38a: {  	v49 =	vmul.f32 v45, v22;
	v40 =	vadd.s32 v5, v40;
	v50 =	vadd.s32 v3, v2;
	v43 =	vld.idx.msk [tilespmem:v54+s3+$0x0], $0xffff  }
0x38b: {  	v0 =	vadd.s32 v5, v38;
	v38 =	vadd.f32 v62, v55;
	[tilespmem:s20+$0x390] =	vst v6;
	v6 =	vmul.f32 v48, v20  }
0x38c: {  	v30 =	vadd.f32 v30, v49;
	v44 =	vld.idx.msk [tilespmem:v57+s3+$0x0], $0xffff  }
0x38d: {  	v51 =	vmul.f32 v26, v22;
	[tilespmem:s4+$0x380] =	vst v38;
	v6 =	vadd.f32 v6, v61  }
0x38e: {  	v27 =	vadd.s32 v5, v27;
	v29 =	vadd.s32 v5, v29;
	v38 =	vld.idx.msk [tilespmem:v63+s3+$0x0], $0xffff;
	[tilespmem:s6+$0x220] =	vst v30  }
0x38f: {  	v53 =	vmul.f32 v28, v22;
	v30 =	vadd.f32 v43, v51;
	v52 =	vld.idx.msk [tilespmem:v40+s3+$0x0], $0xffff;
	[tilespmem:s9+$0x100] =	vst v6  }
0x390: {  	v54 =	vperm.xlane v32, v60;
	v6 =	vld.idx.msk [tilespmem:v50+s3+$0x0], $0xffff  }
0x391: {  	v56 =	vadd.s32 v4, v31;
	v55 =	vmul.f32 v24, v21;
	[tilespmem:s19+$0x3A0] =	vst v30;
	v30 =	vadd.f32 v44, v53  }
0x392: {  	v0 =	vld.idx.msk [tilespmem:v0+s3+$0x0], $0xffff;
	v57 =	vmul.f32 v45, v23;
	v61 =	vadd.s32 v1, v54;
	v63 =	vadd.s32 v4, v2  }
0x393: {  	v27 =	vld.idx.msk [tilespmem:v27+s3+$0x0], $0xffff;
	v38 =	vadd.f32 v38, v55;
	[tilespmem:s20+$0x3A0] =	vst v30;
	v30 =	vmul.f32 v48, v21  }
0x394: {  	v39 =	vadd.f32 v52, v57;
	v29 =	vld.idx.msk [tilespmem:v29+s3+$0x0], $0xffff  }
0x395: {  	v25 =	vmul.f32 v25, v23;
	[tilespmem:s4+$0x390] =	vst v38;
	v6 =	vadd.f32 v6, v30  }
0x396: {  	v26 =	vmul.f32 v26, v23;
	v43 =	vld.idx.msk [tilespmem:v56+s3+$0x0], $0xffff;
	[tilespmem:s6+$0x230] =	vst v39  }
0x397: {  	v0 =	vadd.f32 v0, v25;
	v25 =	vmul.f32 v28, v23;
	v30 =	vld.idx.msk [tilespmem:v61+s3+$0x0], $0xffff;
	[tilespmem:s9+$0x110] =	vst v6  }
0x398: {  	v62 =	vmul.f32 v35, v23;
	v28 =	vperm.xlane v33, v60;
	v6 =	vadd.f32 v27, v26;
	v26 =	vld.idx.msk [tilespmem:v63+s3+$0x0], $0xffff  }
0x399: {  	v31 =	vadd.s32 v5, v31;
	[tilespmem:s18+$0x3B0] =	vst v0;
	v27 =	vmul.f32 v24, v22;
	v0 =	vadd.f32 v29, v25  }
0x39a: {  	v35 =	vadd.f32 v37, v62;
	v25 =	vmul.f32 v28, v20;
	v29 =	vadd.s32 v3, v54;
	[tilespmem:s19+$0x3B0] =	vst v6  }
0x39b: {  	v2 =	vadd.s32 v5, v2;
	v6 =	vadd.f32 v43, v27;
	[tilespmem:s20+$0x3B0] =	vst v0;
	v0 =	vmul.f32 v48, v22  }
0x39c: {  	[tilespmem:s1+$0x3B0] =	vst v35;
	v27 =	vadd.f32 v25, v30  }
0x39d: {  	[tilespmem:s4+$0x3A0] =	vst v6;
	v0 =	vadd.f32 v26, v0  }
0x39e: {  	v25 =	vld.idx.msk [tilespmem:v31+s3+$0x0], $0xffff;
	[tilespmem:s6+$0x280] =	vst v27  }
0x39f: {  	v6 =	vld.idx.msk [tilespmem:v29+s3+$0x0], $0xffff;
	[tilespmem:s9+$0x120] =	vst v0  }
0x3a0: {  	v0 =	vld.idx.msk [tilespmem:v2+s3+$0x0], $0xffff  }
0x3a1: {  	v2 =	vperm.xlane v36, v18;
	_ =	sdelay $0x1  }
0x3a2: {  	v26 =	vmul.f32 v48, v23;
	v27 =	vadd.s32 v1, v2;
	_ =	sdelay $0x1  }
0x3a3: {  	v0 =	vadd.f32 v0, v26;
	_ =	sdelay $0x1  }
0x3a4: {  	[tilespmem:s9+$0x130] =	vst v0  }
0x3a5: {  	v0 =	vld.idx.msk [tilespmem:v27+s3+$0x0], $0xffff  }
0x3a6: {  	v26 =	vperm.xlane v34, v18;
	_ =	sdelay $0x1  }
0x3a7: {  	v29 =	vadd.s32 v3, v2;
	v27 =	vmul.f32 v26, v20;
	_ =	sdelay $0x1  }
0x3a8: {  	v0 =	vadd.f32 v27, v0;
	_ =	sdelay $0x1  }
0x3a9: {  	[tilespmem:s9+$0x180] =	vst v0  }
0x3aa: {  	v0 =	vld.idx.msk [tilespmem:v29+s3+$0x0], $0xffff;
	_ =	sdelay $0x2  }
0x3ab: {  	v27 =	vmul.f32 v26, v21;
	v29 =	vadd.s32 v4, v2;
	_ =	sdelay $0x1  }
0x3ac: {  	v0 =	vadd.f32 v0, v27;
	_ =	sdelay $0x1  }
0x3ad: {  	[tilespmem:s9+$0x190] =	vst v0  }
0x3ae: {  	v0 =	vld.idx.msk [tilespmem:v29+s3+$0x0], $0xffff;
	_ =	sdelay $0x2  }
0x3af: {  	v2 =	vadd.s32 v5, v2;
	v27 =	vmul.f32 v26, v22;
	_ =	sdelay $0x1  }
0x3b0: {  	v0 =	vadd.f32 v0, v27;
	_ =	sdelay $0x1  }
0x3b1: {  	[tilespmem:s9+$0x1A0] =	vst v0  }
0x3b2: {  	v0 =	vld.idx.msk [tilespmem:v2+s3+$0x0], $0xffff  }
0x3b3: {  	v2 =	vperm.xlane v36, v19;
	_ =	sdelay $0x1  }
0x3b4: {  	v26 =	vmul.f32 v26, v23;
	v27 =	vadd.s32 v1, v2;
	_ =	sdelay $0x1  }
0x3b5: {  	v0 =	vadd.f32 v0, v26;
	_ =	sdelay $0x1  }
0x3b6: {  	[tilespmem:s9+$0x1B0] =	vst v0  }
0x3b7: {  	v0 =	vld.idx.msk [tilespmem:v27+s3+$0x0], $0xffff  }
0x3b8: {  	v26 =	vperm.xlane v34, v19;
	_ =	sdelay $0x1  }
0x3b9: {  	v29 =	vadd.s32 v3, v2;
	v27 =	vmul.f32 v26, v20;
	_ =	sdelay $0x1  }
0x3ba: {  	v0 =	vadd.f32 v27, v0;
	_ =	sdelay $0x1  }
0x3bb: {  	[tilespmem:s9+$0x200] =	vst v0  }
0x3bc: {  	v0 =	vld.idx.msk [tilespmem:v29+s3+$0x0], $0xffff;
	_ =	sdelay $0x2  }
0x3bd: {  	v27 =	vmul.f32 v26, v21;
	v29 =	vadd.s32 v4, v2;
	_ =	sdelay $0x1  }
0x3be: {  	v0 =	vadd.f32 v0, v27;
	_ =	sdelay $0x1  }
0x3bf: {  	[tilespmem:s9+$0x210] =	vst v0  }
0x3c0: {  	v0 =	vld.idx.msk [tilespmem:v29+s3+$0x0], $0xffff;
	_ =	sdelay $0x2  }
0x3c1: {  	v2 =	vadd.s32 v5, v2;
	v27 =	vmul.f32 v26, v22;
	_ =	sdelay $0x1  }
0x3c2: {  	v0 =	vadd.f32 v0, v27;
	_ =	sdelay $0x1  }
0x3c3: {  	[tilespmem:s9+$0x220] =	vst v0  }
0x3c4: {  	v0 =	vld.idx.msk [tilespmem:v2+s3+$0x0], $0xffff  }
0x3c5: {  	v2 =	vperm.xlane v36, v60;
	_ =	sdelay $0x1  }
0x3c6: {  	v26 =	vmul.f32 v26, v23;
	v27 =	vadd.s32 v1, v2;
	_ =	sdelay $0x1  }
0x3c7: {  	v0 =	vadd.f32 v0, v26;
	_ =	sdelay $0x1  }
0x3c8: {  	[tilespmem:s9+$0x230] =	vst v0  }
0x3c9: {  	v0 =	vld.idx.msk [tilespmem:v27+s3+$0x0], $0xffff  }
0x3ca: {  	v26 =	vperm.xlane v34, v60;
	_ =	sdelay $0x1  }
0x3cb: {  	v29 =	vadd.s32 v3, v2;
	v27 =	vmul.f32 v26, v20;
	_ =	sdelay $0x1  }
0x3cc: {  	v0 =	vadd.f32 v27, v0;
	_ =	sdelay $0x1  }
0x3cd: {  	[tilespmem:s9+$0x280] =	vst v0  }
0x3ce: {  	v0 =	vld.idx.msk [tilespmem:v29+s3+$0x0], $0xffff;
	_ =	sdelay $0x1  }
0x3cf: {  	v27 =	vmul.f32 v28, v21;
	v29 =	vadd.s32 v4, v54  }
0x3d0: {  	v31 =	vadd.s32 v4, v2;
	v30 =	vmul.f32 v26, v21  }
0x3d1: {  	v6 =	vadd.f32 v6, v27  }
0x3d2: {  	v0 =	vadd.f32 v0, v30  }
0x3d3: {  	[tilespmem:s6+$0x290] =	vst v6  }
0x3d4: {  	v6 =	vld.idx.msk [tilespmem:v29+s3+$0x0], $0xffff;
	[tilespmem:s9+$0x290] =	vst v0  }
0x3d5: {  	v0 =	vld.idx.msk [tilespmem:v31+s3+$0x0], $0xffff;
	_ =	sdelay $0x1  }
0x3d6: {  	v27 =	vmul.f32 v28, v22;
	v29 =	vadd.s32 v5, v54  }
0x3d7: {  	v2 =	vadd.s32 v5, v2;
	v30 =	vmul.f32 v26, v22  }
0x3d8: {  	v6 =	vadd.f32 v6, v27  }
0x3d9: {  	v0 =	vadd.f32 v0, v30  }
0x3da: {  	[tilespmem:s6+$0x2A0] =	vst v6  }
0x3db: {  	v6 =	vld.idx.msk [tilespmem:v29+s3+$0x0], $0xffff;
	[tilespmem:s9+$0x2A0] =	vst v0  }
0x3dc: {  	v0 =	vperm.xlane v32, v59;
	v2 =	vld.idx.msk [tilespmem:v2+s3+$0x0], $0xffff  }
0x3dd: {  	v27 =	vperm.xlane v36, v59  }
0x3de: {  	v28 =	vmul.f32 v28, v23;
	v29 =	vadd.s32 v1, v0  }
0x3df: {  	v26 =	vmul.f32 v26, v23;
	v30 =	vadd.s32 v1, v27  }
0x3e0: {  	v6 =	vadd.f32 v6, v28  }
0x3e1: {  	v2 =	vadd.f32 v2, v26  }
0x3e2: {  	[tilespmem:s6+$0x2B0] =	vst v6  }
0x3e3: {  	v6 =	vld.idx.msk [tilespmem:v29+s3+$0x0], $0xffff;
	[tilespmem:s9+$0x2B0] =	vst v2  }
0x3e4: {  	v2 =	vperm.xlane v33, v59;
	v26 =	vld.idx.msk [tilespmem:v30+s3+$0x0], $0xffff  }
0x3e5: {  	v28 =	vperm.xlane v34, v59  }
0x3e6: {  	v30 =	vadd.s32 v3, v0;
	v29 =	vmul.f32 v2, v20  }
0x3e7: {  	v44 =	vadd.s32 v3, v27;
	v31 =	vmul.f32 v28, v20  }
0x3e8: {  	v6 =	vadd.f32 v29, v6  }
0x3e9: {  	v26 =	vadd.f32 v31, v26  }
0x3ea: {  	[tilespmem:s6+$0x300] =	vst v6  }
0x3eb: {  	v6 =	vld.idx.msk [tilespmem:v30+s3+$0x0], $0xffff;
	[tilespmem:s9+$0x300] =	vst v26  }
0x3ec: {  	v26 =	vld.idx.msk [tilespmem:v44+s3+$0x0], $0xffff;
	_ =	sdelay $0x1  }
0x3ed: {  	v29 =	vmul.f32 v2, v21;
	v30 =	vadd.s32 v4, v0  }
0x3ee: {  	v45 =	vadd.s32 v4, v27;
	v31 =	vmul.f32 v28, v21  }
0x3ef: {  	v6 =	vadd.f32 v6, v29  }
0x3f0: {  	v26 =	vadd.f32 v26, v31  }
0x3f1: {  	[tilespmem:s6+$0x310] =	vst v6  }
0x3f2: {  	v6 =	vld.idx.msk [tilespmem:v30+s3+$0x0], $0xffff;
	[tilespmem:s9+$0x310] =	vst v26  }
0x3f3: {  	v26 =	vld.idx.msk [tilespmem:v45+s3+$0x0], $0xffff;
	_ =	sdelay $0x1  }
0x3f4: {  	v0 =	vadd.s32 v5, v0;
	v29 =	vmul.f32 v2, v22  }
0x3f5: {  	v27 =	vadd.s32 v5, v27;
	v30 =	vmul.f32 v28, v22  }
0x3f6: {  	v6 =	vadd.f32 v6, v29  }
0x3f7: {  	v26 =	vadd.f32 v26, v30  }
0x3f8: {  	[tilespmem:s6+$0x320] =	vst v6  }
0x3f9: {  	v0 =	vld.idx.msk [tilespmem:v0+s3+$0x0], $0xffff;
	[tilespmem:s9+$0x320] =	vst v26  }
0x3fa: {  	v6 =	vperm.xlane v32, v58;
	v26 =	vld.idx.msk [tilespmem:v27+s3+$0x0], $0xffff  }
0x3fb: {  	v27 =	vperm.xlane v36, v58  }
0x3fc: {  	v2 =	vmul.f32 v2, v23;
	v29 =	vadd.s32 v1, v6  }
0x3fd: {  	v28 =	vmul.f32 v28, v23;
	v30 =	vadd.s32 v1, v27  }
0x3fe: {  	v0 =	vadd.f32 v0, v2  }
0x3ff: {  	v2 =	vadd.f32 v26, v28  }
0x400: {  	[tilespmem:s6+$0x330] =	vst v0  }
0x401: {  	v0 =	vld.idx.msk [tilespmem:v29+s3+$0x0], $0xffff;
	[tilespmem:s9+$0x330] =	vst v2  }
0x402: {  	v2 =	vperm.xlane v33, v58;
	v26 =	vld.idx.msk [tilespmem:v30+s3+$0x0], $0xffff  }
0x403: {  	v28 =	vperm.xlane v34, v58  }
0x404: {  	v30 =	vadd.s32 v3, v6;
	v29 =	vmul.f32 v2, v20  }
0x405: {  	v46 =	vadd.s32 v3, v27;
	v31 =	vmul.f32 v28, v20  }
0x406: {  	v0 =	vadd.f32 v29, v0  }
0x407: {  	v26 =	vadd.f32 v31, v26  }
0x408: {  	[tilespmem:s6+$0x380] =	vst v0  }
0x409: {  	v0 =	vld.idx.msk [tilespmem:v30+s3+$0x0], $0xffff;
	[tilespmem:s9+$0x380] =	vst v26  }
0x40a: {  	v26 =	vld.idx.msk [tilespmem:v46+s3+$0x0], $0xffff;
	_ =	sdelay $0x1  }
0x40b: {  	v29 =	vmul.f32 v2, v21;
	v30 =	vadd.s32 v4, v6  }
0x40c: {  	v47 =	vadd.s32 v4, v27;
	v31 =	vmul.f32 v28, v21  }
0x40d: {  	v0 =	vadd.f32 v0, v29  }
0x40e: {  	v26 =	vadd.f32 v26, v31  }
0x40f: {  	[tilespmem:s6+$0x390] =	vst v0  }
0x410: {  	v0 =	vld.idx.msk [tilespmem:v30+s3+$0x0], $0xffff;
	[tilespmem:s9+$0x390] =	vst v26  }
0x411: {  	v26 =	vld.idx.msk [tilespmem:v47+s3+$0x0], $0xffff;
	_ =	sdelay $0x1  }
0x412: {  	v6 =	vadd.s32 v5, v6;
	v29 =	vmul.f32 v2, v22  }
0x413: {  	v27 =	vadd.s32 v5, v27;
	v30 =	vmul.f32 v28, v22  }
0x414: {  	v0 =	vadd.f32 v0, v29  }
0x415: {  	v26 =	vadd.f32 v26, v30  }
0x416: {  	[tilespmem:s6+$0x3A0] =	vst v0  }
0x417: {  	v0 =	vld.idx.msk [tilespmem:v6+s3+$0x0], $0xffff;
	[tilespmem:s9+$0x3A0] =	vst v26  }
0x418: {  	v6 =	vld.idx.msk [tilespmem:v27+s3+$0x0], $0xffff  }
0x419: {  	v24 =	vmul.f32 v24, v23  }
0x41a: {  	v2 =	vmul.f32 v2, v23  }
0x41b: {  	v24 =	vadd.f32 v25, v24;
	v25 =	vmul.f32 v28, v23  }
0x41c: {  	s10 =	sshll.u32 s31, $0x10;
	v0 =	vadd.f32 v0, v2  }
0x41d: {  	s1 =	sadd.s32 s12, s10;
	[tilespmem:s4+$0x3B0] =	vst v24;
	v2 =	vadd.f32 v6, v25  }
0x41e: {  	s1 =	sshrl.u32 s1, $0x3;
	[tilespmem:s6+$0x3B0] =	vst v0  }
0x41f: {  	p1 =	seq.s32 s31, $0x31;
	s1 =	sadd.s32 s7, s1;
	[tilespmem:s9+$0x3B0] =	vst v2  }
0x420: {  	[hbm4b:s1+s3] =	stream.linear.scatter [tilespmem:s24], [sflag:$0x3], $0x8000, $0x38;
	[tilespmem:$0x13700] =	vst v63  }
0x421: {  	s1 =	sadd.s32 @!p1 s0, s13  }
0x422: {  	s1 =	sshrl.u32 @!p1 s1, $0x3  }
0x423: {  	s8 =	simm.s32 @!p1 $0x3280;
	s6 =	simm.s32 @!p1 $0x0;
	s4 =	sadd.s32 @!p1 s2, s1  }
0x424: {  	[tilespmem:s8], [sflag:$0x1] =	stream.linear.gather @!p1 [hbm4b:s4+s6], $0x100, $0x38;
	[tilespmem:$0x13700] =	vst v63  }
0x425: {  	s1 =	sadd.s32 @!p1 s5, s1;
	s4 =	simm.s32 @!p1 $0x3480  }
0x426: {  	[tilespmem:s4], [sflag:$0x1] =	stream.linear.gather @!p1 [hbm4b:s1+s6], $0x100, $0x38;
	[tilespmem:$0x13700] =	vst v63  }
0x427: {  	_ =	swait.ge [sflag:s25], $0x100  }
0x428: {  	[sflag:s25] =	ssyncset.done $0x0  }
0x429: {  	[sflag:s25] =	ssyncadd.s32 $0xFFFFFF00  }
0x42a: {  	_ =	swait.ge [sflag:s25], $0x100  }
0x42b: {  	[sflag:s25] =	ssyncset.done $0x0  }
0x42c: {  	s1 =	simm.s32 @!p0 $0x4;
	[sflag:s25] =	ssyncadd.s32 $0xFFFFFF00  }
0x42d: {  	_ =	swait.ge @!p0 [sflag:s1], $0x8000  }
0x42e: {  	[sflag:s1] =	ssyncset.done @!p0 $0x0  }
0x42f: {  	s18 =	simm.s32 $0x0;
	[sflag:s1] =	ssyncadd.s32 @!p0 $0xFFFF8000  }
0x430: {  	v0 =	vld [tilespmem:s18+$0x3380];
	_ =	sdelay $0x4  }
0x431: {  	v35 =	vshll.u32 v0, $0x6  }
0x432: {  	v0 =	vperm.xlane v35, v8;
	_ =	sdelay $0x1  }
0x433: {  	v2 =	vadd.s32 v1, v0  }
0x434: {  	v34 =	vld [tilespmem:s18+$0x3580];
	_ =	sdelay $0x3  }
0x435: {  	v2 =	vld.idx.msk [tilespmem:v2+s3+$0x0], $0xffff  }
0x436: {  	v6 =	vperm.xlane v34, v8;
	_ =	sdelay $0x1  }
0x437: {  	v24 =	vmul.f32 v6, v20;
	v25 =	vadd.s32 v3, v0;
	_ =	sdelay $0x1  }
0x438: {  	v2 =	vadd.f32 v24, v2  }
0x439: {  	s1 =	simm.s32 $0xBA80  }
0x43a: {  	[tilespmem:s1+$0xFFFFFC00] =	vst v2  }
0x43b: {  	v2 =	vld.idx.msk [tilespmem:v25+s3+$0x0], $0xffff;
	_ =	sdelay $0x2  }
0x43c: {  	v24 =	vmul.f32 v6, v21;
	v25 =	vadd.s32 v4, v0;
	_ =	sdelay $0x1  }
0x43d: {  	v2 =	vadd.f32 v2, v24;
	_ =	sdelay $0x1  }
0x43e: {  	[tilespmem:s1+$0xFFFFFC10] =	vst v2  }
0x43f: {  	v2 =	vld.idx.msk [tilespmem:v25+s3+$0x0], $0xffff;
	_ =	sdelay $0x2  }
0x440: {  	v0 =	vadd.s32 v5, v0;
	v24 =	vmul.f32 v6, v22;
	_ =	sdelay $0x1  }
0x441: {  	v2 =	vadd.f32 v2, v24;
	_ =	sdelay $0x1  }
0x442: {  	[tilespmem:s1+$0xFFFFFC20] =	vst v2  }
0x443: {  	v0 =	vld.idx.msk [tilespmem:v0+s3+$0x0], $0xffff  }
0x444: {  	v2 =	vperm.xlane v35, v9;
	_ =	sdelay $0x1  }
0x445: {  	v6 =	vmul.f32 v6, v23;
	v24 =	vadd.s32 v1, v2;
	_ =	sdelay $0x1  }
0x446: {  	v0 =	vadd.f32 v0, v6;
	_ =	sdelay $0x1  }
0x447: {  	[tilespmem:s1+$0xFFFFFC30] =	vst v0  }
0x448: {  	v0 =	vld.idx.msk [tilespmem:v24+s3+$0x0], $0xffff  }
0x449: {  	v6 =	vperm.xlane v34, v9;
	_ =	sdelay $0x1  }
0x44a: {  	v25 =	vadd.s32 v3, v2;
	v24 =	vmul.f32 v6, v20;
	_ =	sdelay $0x1  }
0x44b: {  	v0 =	vadd.f32 v24, v0;
	_ =	sdelay $0x1  }
0x44c: {  	[tilespmem:s1+$0xFFFFFC80] =	vst v0  }
0x44d: {  	v0 =	vld.idx.msk [tilespmem:v25+s3+$0x0], $0xffff;
	_ =	sdelay $0x2  }
0x44e: {  	v24 =	vmul.f32 v6, v21;
	v25 =	vadd.s32 v4, v2;
	_ =	sdelay $0x1  }
0x44f: {  	v0 =	vadd.f32 v0, v24;
	_ =	sdelay $0x1  }
0x450: {  	[tilespmem:s1+$0xFFFFFC90] =	vst v0  }
0x451: {  	v0 =	vld.idx.msk [tilespmem:v25+s3+$0x0], $0xffff;
	_ =	sdelay $0x2  }
0x452: {  	v2 =	vadd.s32 v5, v2;
	v24 =	vmul.f32 v6, v22;
	_ =	sdelay $0x1  }
0x453: {  	v0 =	vadd.f32 v0, v24;
	_ =	sdelay $0x1  }
0x454: {  	[tilespmem:s1+$0xFFFFFCA0] =	vst v0  }
0x455: {  	v0 =	vld.idx.msk [tilespmem:v2+s3+$0x0], $0xffff  }
0x456: {  	v2 =	vperm.xlane v35, v10;
	_ =	sdelay $0x1  }
0x457: {  	v6 =	vmul.f32 v6, v23;
	v24 =	vadd.s32 v1, v2;
	_ =	sdelay $0x1  }
0x458: {  	v0 =	vadd.f32 v0, v6;
	_ =	sdelay $0x1  }
0x459: {  	[tilespmem:s1+$0xFFFFFCB0] =	vst v0  }
0x45a: {  	v0 =	vld.idx.msk [tilespmem:v24+s3+$0x0], $0xffff  }
0x45b: {  	v6 =	vperm.xlane v34, v10;
	_ =	sdelay $0x1  }
0x45c: {  	s19 =	simm.s32 $0x10;
	v25 =	vadd.s32 v3, v2;
	v24 =	vmul.f32 v6, v20  }
0x45d: {  	v26 =	vld [tilespmem:s19+$0x3380]  }
0x45e: {  	v0 =	vadd.f32 v24, v0;
	_ =	sdelay $0x1  }
0x45f: {  	[tilespmem:s1+$0xFFFFFD00] =	vst v0  }
0x460: {  	v0 =	vld.idx.msk [tilespmem:v25+s3+$0x0], $0xffff  }
0x461: {  	v25 =	vshll.u32 v26, $0x6  }
0x462: {  	v26 =	vperm.xlane v25, v8  }
0x463: {  	v27 =	vadd.s32 v4, v2;
	v24 =	vmul.f32 v6, v21  }
0x464: {  	v28 =	vadd.s32 v1, v26  }
0x465: {  	v0 =	vadd.f32 v0, v24;
	v24 =	vld [tilespmem:s19+$0x3580];
	_ =	sdelay $0x1  }
0x466: {  	[tilespmem:s1+$0xFFFFFD10] =	vst v0  }
0x467: {  	v0 =	vld.idx.msk [tilespmem:v27+s3+$0x0], $0xffff  }
0x468: {  	v27 =	vld.idx.msk [tilespmem:v28+s3+$0x0], $0xffff  }
0x469: {  	v28 =	vperm.xlane v24, v8  }
0x46a: {  	v2 =	vadd.s32 v5, v2;
	v29 =	vmul.f32 v6, v22  }
0x46b: {  	v31 =	vadd.s32 v3, v26;
	v30 =	vmul.f32 v28, v20  }
0x46c: {  	v0 =	vadd.f32 v0, v29  }
0x46d: {  	v27 =	vadd.f32 v30, v27  }
0x46e: {  	s18 =	simm.s32 $0xC280;
	[tilespmem:s1+$0xFFFFFD20] =	vst v0  }
0x46f: {  	v0 =	vld.idx.msk [tilespmem:v2+s3+$0x0], $0xffff;
	[tilespmem:s18+$0xFFFFFC00] =	vst v27  }
0x470: {  	v2 =	vperm.xlane v35, v11;
	v27 =	vld.idx.msk [tilespmem:v31+s3+$0x0], $0xffff;
	_ =	sdelay $0x1  }
0x471: {  	v6 =	vmul.f32 v6, v23;
	v29 =	vadd.s32 v1, v2  }
0x472: {  	v30 =	vmul.f32 v28, v21;
	v31 =	vadd.s32 v4, v26  }
0x473: {  	v0 =	vadd.f32 v0, v6  }
0x474: {  	v6 =	vadd.f32 v27, v30  }
0x475: {  	[tilespmem:s1+$0xFFFFFD30] =	vst v0  }
0x476: {  	v0 =	vld.idx.msk [tilespmem:v29+s3+$0x0], $0xffff;
	[tilespmem:s18+$0xFFFFFC10] =	vst v6  }
0x477: {  	v27 =	vperm.xlane v34, v11;
	v6 =	vld.idx.msk [tilespmem:v31+s3+$0x0], $0xffff;
	_ =	sdelay $0x1  }
0x478: {  	v30 =	vadd.s32 v3, v2;
	v29 =	vmul.f32 v27, v20  }
0x479: {  	v26 =	vadd.s32 v5, v26;
	v31 =	vmul.f32 v28, v22  }
0x47a: {  	v0 =	vadd.f32 v29, v0  }
0x47b: {  	v6 =	vadd.f32 v6, v31  }
0x47c: {  	[tilespmem:s1+$0xFFFFFD80] =	vst v0  }
0x47d: {  	v0 =	vld.idx.msk [tilespmem:v30+s3+$0x0], $0xffff;
	[tilespmem:s18+$0xFFFFFC20] =	vst v6  }
0x47e: {  	v6 =	vld.idx.msk [tilespmem:v26+s3+$0x0], $0xffff  }
0x47f: {  	v26 =	vperm.xlane v25, v9  }
0x480: {  	v29 =	vmul.f32 v27, v21;
	v30 =	vadd.s32 v4, v2  }
0x481: {  	v28 =	vmul.f32 v28, v23;
	v31 =	vadd.s32 v1, v26  }
0x482: {  	v0 =	vadd.f32 v0, v29  }
0x483: {  	v6 =	vadd.f32 v6, v28  }
0x484: {  	[tilespmem:s1+$0xFFFFFD90] =	vst v0  }
0x485: {  	v0 =	vld.idx.msk [tilespmem:v30+s3+$0x0], $0xffff;
	[tilespmem:s18+$0xFFFFFC30] =	vst v6  }
0x486: {  	v6 =	vld.idx.msk [tilespmem:v31+s3+$0x0], $0xffff  }
0x487: {  	v28 =	vperm.xlane v24, v9  }
0x488: {  	v2 =	vadd.s32 v5, v2;
	v29 =	vmul.f32 v27, v22  }
0x489: {  	v30 =	vmul.f32 v28, v20;
	v31 =	vadd.s32 v3, v26  }
0x48a: {  	v0 =	vadd.f32 v0, v29  }
0x48b: {  	v6 =	vadd.f32 v30, v6  }
0x48c: {  	[tilespmem:s1+$0xFFFFFDA0] =	vst v0  }
0x48d: {  	v0 =	vld.idx.msk [tilespmem:v2+s3+$0x0], $0xffff;
	[tilespmem:s18+$0xFFFFFC80] =	vst v6  }
0x48e: {  	v2 =	vperm.xlane v35, v12;
	v6 =	vld.idx.msk [tilespmem:v31+s3+$0x0], $0xffff;
	_ =	sdelay $0x1  }
0x48f: {  	v27 =	vmul.f32 v27, v23;
	v29 =	vadd.s32 v1, v2  }
0x490: {  	v30 =	vmul.f32 v28, v21;
	v31 =	vadd.s32 v4, v26  }
0x491: {  	v0 =	vadd.f32 v0, v27  }
0x492: {  	v6 =	vadd.f32 v6, v30  }
0x493: {  	[tilespmem:s1+$0xFFFFFDB0] =	vst v0  }
0x494: {  	v0 =	vld.idx.msk [tilespmem:v29+s3+$0x0], $0xffff;
	[tilespmem:s18+$0xFFFFFC90] =	vst v6  }
0x495: {  	v6 =	vperm.xlane v34, v12;
	v27 =	vld.idx.msk [tilespmem:v31+s3+$0x0], $0xffff;
	_ =	sdelay $0x1  }
0x496: {  	v30 =	vadd.s32 v3, v2;
	v29 =	vmul.f32 v6, v20  }
0x497: {  	v26 =	vadd.s32 v5, v26;
	v31 =	vmul.f32 v28, v22  }
0x498: {  	v0 =	vadd.f32 v29, v0  }
0x499: {  	v27 =	vadd.f32 v27, v31  }
0x49a: {  	[tilespmem:s1+$0xFFFFFE00] =	vst v0  }
0x49b: {  	v0 =	vld.idx.msk [tilespmem:v30+s3+$0x0], $0xffff;
	[tilespmem:s18+$0xFFFFFCA0] =	vst v27  }
0x49c: {  	v26 =	vld.idx.msk [tilespmem:v26+s3+$0x0], $0xffff  }
0x49d: {  	v29 =	vperm.xlane v25, v10  }
0x49e: {  	v27 =	vmul.f32 v6, v21;
	v30 =	vadd.s32 v4, v2  }
0x49f: {  	v28 =	vmul.f32 v28, v23;
	v31 =	vadd.s32 v1, v29  }
0x4a0: {  	v0 =	vadd.f32 v0, v27  }
0x4a1: {  	v26 =	vadd.f32 v26, v28  }
0x4a2: {  	[tilespmem:s1+$0xFFFFFE10] =	vst v0  }
0x4a3: {  	v0 =	vld.idx.msk [tilespmem:v30+s3+$0x0], $0xffff;
	[tilespmem:s18+$0xFFFFFCB0] =	vst v26  }
0x4a4: {  	v26 =	vld.idx.msk [tilespmem:v31+s3+$0x0], $0xffff  }
0x4a5: {  	v28 =	vperm.xlane v24, v10  }
0x4a6: {  	v2 =	vadd.s32 v5, v2;
	v27 =	vmul.f32 v6, v22  }
0x4a7: {  	v30 =	vmul.f32 v28, v20;
	v31 =	vadd.s32 v3, v29  }
0x4a8: {  	s20 =	simm.s32 $0x20;
	v0 =	vadd.f32 v0, v27  }
0x4a9: {  	v27 =	vld [tilespmem:s20+$0x3380];
	v26 =	vadd.f32 v30, v26  }
0x4aa: {  	[tilespmem:s1+$0xFFFFFE20] =	vst v0  }
0x4ab: {  	v0 =	vld.idx.msk [tilespmem:v2+s3+$0x0], $0xffff;
	[tilespmem:s18+$0xFFFFFD00] =	vst v26  }
0x4ac: {  	v2 =	vperm.xlane v35, v13;
	v30 =	vld.idx.msk [tilespmem:v31+s3+$0x0], $0xffff;
	_ =	sdelay $0x1  }
0x4ad: {  	v6 =	vmul.f32 v6, v23;
	v27 =	vshll.u32 v27, $0x6;
	v31 =	vadd.s32 v1, v2  }
0x4ae: {  	v50 =	vadd.s32 v4, v29;
	v49 =	vmul.f32 v28, v21;
	v48 =	vperm.xlane v27, v8  }
0x4af: {  	v0 =	vadd.f32 v0, v6  }
0x4b0: {  	v6 =	vadd.s32 v1, v48;
	v30 =	vadd.f32 v30, v49  }
0x4b1: {  	v26 =	vld [tilespmem:s20+$0x3580];
	[tilespmem:s1+$0xFFFFFE30] =	vst v0  }
0x4b2: {  	v0 =	vld.idx.msk [tilespmem:v31+s3+$0x0], $0xffff;
	[tilespmem:s18+$0xFFFFFD10] =	vst v30  }
0x4b3: {  	v31 =	vperm.xlane v34, v13;
	v30 =	vld.idx.msk [tilespmem:v50+s3+$0x0], $0xffff;
	_ =	sdelay $0x1  }
0x4b4: {  	v52 =	vadd.s32 v3, v2;
	v51 =	vmul.f32 v31, v20;
	v6 =	vld.idx.msk [tilespmem:v6+s3+$0x0], $0xffff  }
0x4b5: {  	v54 =	vmul.f32 v28, v22;
	v29 =	vadd.s32 v5, v29;
	v53 =	vperm.xlane v26, v8  }
0x4b6: {  	v0 =	vadd.f32 v51, v0  }
0x4b7: {  	v56 =	vadd.s32 v3, v48;
	v55 =	vmul.f32 v53, v20;
	v30 =	vadd.f32 v30, v54  }
0x4b8: {  	[tilespmem:s1+$0xFFFFFE80] =	vst v0  }
0x4b9: {  	v6 =	vadd.f32 v55, v6;
	v0 =	vld.idx.msk [tilespmem:v52+s3+$0x0], $0xffff;
	[tilespmem:s18+$0xFFFFFD20] =	vst v30  }
0x4ba: {  	s19 =	simm.s32 $0xCA80;
	v29 =	vld.idx.msk [tilespmem:v29+s3+$0x0], $0xffff  }
0x4bb: {  	[tilespmem:s19+$0xFFFFFC00] =	vst v6;
	v6 =	vperm.xlane v25, v11  }
0x4bc: {  	v57 =	vadd.s32 v4, v2;
	v30 =	vmul.f32 v31, v21;
	v61 =	vld.idx.msk [tilespmem:v56+s3+$0x0], $0xffff  }
0x4bd: {  	v28 =	vmul.f32 v28, v23;
	v62 =	vadd.s32 v1, v6  }
0x4be: {  	v0 =	vadd.f32 v0, v30  }
0x4bf: {  	v63 =	vadd.s32 v4, v48;
	v30 =	vmul.f32 v53, v21;
	v28 =	vadd.f32 v29, v28  }
0x4c0: {  	[tilespmem:s1+$0xFFFFFE90] =	vst v0  }
0x4c1: {  	v29 =	vadd.f32 v61, v30;
	v0 =	vld.idx.msk [tilespmem:v57+s3+$0x0], $0xffff;
	[tilespmem:s18+$0xFFFFFD30] =	vst v28  }
0x4c2: {  	v28 =	vld.idx.msk [tilespmem:v62+s3+$0x0], $0xffff  }
0x4c3: {  	v30 =	vperm.xlane v24, v11;
	[tilespmem:s19+$0xFFFFFC10] =	vst v29  }
0x4c4: {  	v2 =	vadd.s32 v5, v2;
	v29 =	vmul.f32 v31, v22;
	v42 =	vld.idx.msk [tilespmem:v63+s3+$0x0], $0xffff  }
0x4c5: {  	v44 =	vadd.s32 v3, v6;
	v43 =	vmul.f32 v30, v20  }
0x4c6: {  	v0 =	vadd.f32 v0, v29  }
0x4c7: {  	v32 =	vadd.s32 v5, v48;
	v29 =	vmul.f32 v53, v22;
	v28 =	vadd.f32 v43, v28  }
0x4c8: {  	[tilespmem:s1+$0xFFFFFEA0] =	vst v0  }
0x4c9: {  	v0 =	vld.idx.msk [tilespmem:v2+s3+$0x0], $0xffff;
	v2 =	vadd.f32 v42, v29;
	[tilespmem:s18+$0xFFFFFD80] =	vst v28  }
0x4ca: {  	v28 =	vperm.xlane v35, v7;
	v29 =	vld.idx.msk [tilespmem:v44+s3+$0x0], $0xffff  }
0x4cb: {  	[tilespmem:s19+$0xFFFFFC20] =	vst v2  }
0x4cc: {  	v2 =	vmul.f32 v31, v23;
	v31 =	vadd.s32 v1, v28;
	v32 =	vld.idx.msk [tilespmem:v32+s3+$0x0], $0xffff  }
0x4cd: {  	v45 =	vperm.xlane v27, v9;
	v47 =	vadd.s32 v4, v6;
	v46 =	vmul.f32 v30, v21  }
0x4ce: {  	v0 =	vadd.f32 v0, v2  }
0x4cf: {  	v48 =	vadd.s32 v1, v45;
	v2 =	vmul.f32 v53, v23;
	v29 =	vadd.f32 v29, v46  }
0x4d0: {  	[tilespmem:s1+$0xFFFFFEB0] =	vst v0  }
0x4d1: {  	v0 =	vld.idx.msk [tilespmem:v31+s3+$0x0], $0xffff;
	v2 =	vadd.f32 v32, v2;
	[tilespmem:s18+$0xFFFFFD90] =	vst v29  }
0x4d2: {  	v29 =	vperm.xlane v34, v7;
	v31 =	vld.idx.msk [tilespmem:v47+s3+$0x0], $0xffff  }
0x4d3: {  	[tilespmem:s19+$0xFFFFFC30] =	vst v2  }
0x4d4: {  	v49 =	vadd.s32 v3, v28;
	v2 =	vmul.f32 v29, v20;
	v50 =	vld.idx.msk [tilespmem:v48+s3+$0x0], $0xffff  }
0x4d5: {  	v51 =	vperm.xlane v26, v9;
	v6 =	vadd.s32 v5, v6;
	v52 =	vmul.f32 v30, v22  }
0x4d6: {  	v0 =	vadd.f32 v2, v0  }
0x4d7: {  	v53 =	vadd.s32 v3, v45;
	v2 =	vmul.f32 v51, v20;
	v31 =	vadd.f32 v31, v52  }
0x4d8: {  	[tilespmem:s1+$0xFFFFFF00] =	vst v0  }
0x4d9: {  	v0 =	vld.idx.msk [tilespmem:v49+s3+$0x0], $0xffff;
	v2 =	vadd.f32 v2, v50;
	[tilespmem:s18+$0xFFFFFDA0] =	vst v31  }
0x4da: {  	v6 =	vld.idx.msk [tilespmem:v6+s3+$0x0], $0xffff  }
0x4db: {  	[tilespmem:s19+$0xFFFFFC80] =	vst v2;
	v2 =	vperm.xlane v25, v12  }
0x4dc: {  	v54 =	vadd.s32 v4, v28;
	v31 =	vmul.f32 v29, v21;
	v55 =	vld.idx.msk [tilespmem:v53+s3+$0x0], $0xffff  }
0x4dd: {  	v30 =	vmul.f32 v30, v23;
	v56 =	vadd.s32 v1, v2  }
0x4de: {  	v0 =	vadd.f32 v0, v31  }
0x4df: {  	v57 =	vadd.s32 v4, v45;
	v31 =	vmul.f32 v51, v21;
	v6 =	vadd.f32 v6, v30  }
0x4e0: {  	[tilespmem:s1+$0xFFFFFF10] =	vst v0  }
0x4e1: {  	v0 =	vld.idx.msk [tilespmem:v54+s3+$0x0], $0xffff;
	v30 =	vadd.f32 v55, v31;
	[tilespmem:s18+$0xFFFFFDB0] =	vst v6  }
0x4e2: {  	v6 =	vld.idx.msk [tilespmem:v56+s3+$0x0], $0xffff  }
0x4e3: {  	[tilespmem:s19+$0xFFFFFC90] =	vst v30;
	v30 =	vperm.xlane v24, v12  }
0x4e4: {  	v28 =	vadd.s32 v5, v28;
	v31 =	vmul.f32 v29, v22;
	v61 =	vld.idx.msk [tilespmem:v57+s3+$0x0], $0xffff  }
0x4e5: {  	v63 =	vadd.s32 v3, v2;
	v62 =	vmul.f32 v30, v20  }
0x4e6: {  	v0 =	vadd.f32 v0, v31  }
0x4e7: {  	v33 =	vadd.s32 v5, v45;
	v31 =	vmul.f32 v51, v22;
	v6 =	vadd.f32 v62, v6  }
0x4e8: {  	[tilespmem:s1+$0xFFFFFF20] =	vst v0  }
0x4e9: {  	v0 =	vld.idx.msk [tilespmem:v28+s3+$0x0], $0xffff;
	v28 =	vadd.f32 v61, v31;
	[tilespmem:s18+$0xFFFFFE00] =	vst v6  }
0x4ea: {  	v6 =	vperm.xlane v35, v14;
	v31 =	vld.idx.msk [tilespmem:v63+s3+$0x0], $0xffff  }
0x4eb: {  	[tilespmem:s19+$0xFFFFFCA0] =	vst v28  }
0x4ec: {  	v28 =	vmul.f32 v29, v23;
	v29 =	vadd.s32 v1, v6;
	v40 =	vld.idx.msk [tilespmem:v33+s3+$0x0], $0xffff  }
0x4ed: {  	v42 =	vadd.s32 v4, v2;
	v41 =	vmul.f32 v30, v21;
	v33 =	vperm.xlane v27, v10  }
0x4ee: {  	v0 =	vadd.f32 v0, v28  }
0x4ef: {  	v28 =	vmul.f32 v51, v23;
	v43 =	vadd.s32 v1, v33;
	v31 =	vadd.f32 v31, v41  }
0x4f0: {  	[tilespmem:s1+$0xFFFFFF30] =	vst v0  }
0x4f1: {  	v0 =	vld.idx.msk [tilespmem:v29+s3+$0x0], $0xffff;
	v28 =	vadd.f32 v40, v28;
	[tilespmem:s18+$0xFFFFFE10] =	vst v31  }
0x4f2: {  	v31 =	vperm.xlane v34, v14;
	v29 =	vld.idx.msk [tilespmem:v42+s3+$0x0], $0xffff  }
0x4f3: {  	[tilespmem:s19+$0xFFFFFCB0] =	vst v28  }
0x4f4: {  	v44 =	vadd.s32 v3, v6;
	v28 =	vmul.f32 v31, v20;
	v45 =	vld.idx.msk [tilespmem:v43+s3+$0x0], $0xffff  }
0x4f5: {  	v37 =	vperm.xlane v26, v10;
	v2 =	vadd.s32 v5, v2;
	v46 =	vmul.f32 v30, v22  }
0x4f6: {  	v0 =	vadd.f32 v28, v0  }
0x4f7: {  	s6 =	simm.s32 $0x30;
	v47 =	vmul.f32 v37, v20;
	v48 =	vadd.s32 v3, v33;
	v29 =	vadd.f32 v29, v46  }
0x4f8: {  	v28 =	vld [tilespmem:s6+$0x3380];
	[tilespmem:s1+$0xFFFFFF80] =	vst v0  }
0x4f9: {  	v0 =	vld.idx.msk [tilespmem:v44+s3+$0x0], $0xffff;
	v49 =	vadd.f32 v47, v45;
	[tilespmem:s18+$0xFFFFFE20] =	vst v29  }
0x4fa: {  	v2 =	vld.idx.msk [tilespmem:v2+s3+$0x0], $0xffff  }
0x4fb: {  	v32 =	vperm.xlane v25, v13;
	[tilespmem:s19+$0xFFFFFD00] =	vst v49  }
0x4fc: {  	v51 =	vadd.s32 v4, v6;
	v50 =	vmul.f32 v31, v21;
	v52 =	vld.idx.msk [tilespmem:v48+s3+$0x0], $0xffff  }
0x4fd: {  	v29 =	vshll.u32 v28, $0x6;
	v28 =	vmul.f32 v30, v23;
	v30 =	vadd.s32 v1, v32  }
0x4fe: {  	v53 =	vmul.f32 v37, v21;
	v0 =	vadd.f32 v0, v50  }
0x4ff: {  	v54 =	vadd.s32 v4, v33;
	v36 =	vperm.xlane v29, v8;
	v2 =	vadd.f32 v2, v28  }
0x500: {  	v28 =	vld [tilespmem:s6+$0x3580];
	[tilespmem:s1+$0xFFFFFF90] =	vst v0  }
0x501: {  	v55 =	vadd.s32 v1, v36;
	v0 =	vld.idx.msk [tilespmem:v51+s3+$0x0], $0xffff;
	v39 =	vadd.f32 v52, v53;
	[tilespmem:s18+$0xFFFFFE30] =	vst v2  }
0x502: {  	v2 =	vld.idx.msk [tilespmem:v30+s3+$0x0], $0xffff  }
0x503: {  	v30 =	vperm.xlane v24, v13;
	[tilespmem:s19+$0xFFFFFD10] =	vst v39  }
0x504: {  	v6 =	vadd.s32 v5, v6;
	v56 =	vmul.f32 v31, v22;
	v57 =	vld.idx.msk [tilespmem:v54+s3+$0x0], $0xffff  }
0x505: {  	v62 =	vadd.s32 v3, v32;
	v61 =	vmul.f32 v30, v20  }
0x506: {  	v63 =	vmul.f32 v37, v22;
	v38 =	vld.idx.msk [tilespmem:v55+s3+$0x0], $0xffff;
	v0 =	vadd.f32 v0, v56  }
0x507: {  	v33 =	vadd.s32 v5, v33;
	v39 =	vperm.xlane v28, v8;
	v2 =	vadd.f32 v61, v2  }
0x508: {  	v48 =	vadd.s32 v3, v36;
	[tilespmem:s1+$0xFFFFFFA0] =	vst v0  }
0x509: {  	v0 =	vld.idx.msk [tilespmem:v6+s3+$0x0], $0xffff;
	v6 =	vmul.f32 v39, v20;
	v40 =	vadd.f32 v57, v63;
	[tilespmem:s18+$0xFFFFFE80] =	vst v2  }
0x50a: {  	v44 =	vperm.xlane v35, v15;
	v2 =	vld.idx.msk [tilespmem:v62+s3+$0x0], $0xffff  }
0x50b: {  	v6 =	vadd.f32 v6, v38;
	[tilespmem:s19+$0xFFFFFD20] =	vst v40  }
0x50c: {  	s20 =	simm.s32 $0xD280;
	v31 =	vmul.f32 v31, v23;
	v49 =	vadd.s32 v1, v44;
	v33 =	vld.idx.msk [tilespmem:v33+s3+$0x0], $0xffff  }
0x50d: {  	v51 =	vadd.s32 v4, v32;
	v50 =	vmul.f32 v30, v21;
	[tilespmem:s20+$0xFFFFFC00] =	vst v6;
	v6 =	vperm.xlane v27, v11  }
0x50e: {  	v41 =	vld.idx.msk [tilespmem:v48+s3+$0x0], $0xffff;
	v0 =	vadd.f32 v0, v31  }
0x50f: {  	v31 =	vmul.f32 v37, v23;
	v52 =	vadd.s32 v1, v6;
	v2 =	vadd.f32 v2, v50  }
0x510: {  	v54 =	vadd.s32 v4, v36;
	[tilespmem:s1+$0xFFFFFFB0] =	vst v0  }
0x511: {  	v53 =	vmul.f32 v39, v21;
	v0 =	vld.idx.msk [tilespmem:v49+s3+$0x0], $0xffff;
	v31 =	vadd.f32 v33, v31;
	[tilespmem:s18+$0xFFFFFE90] =	vst v2  }
0x512: {  	v43 =	vperm.xlane v34, v15;
	v2 =	vld.idx.msk [tilespmem:v51+s3+$0x0], $0xffff  }
0x513: {  	v55 =	vadd.f32 v41, v53;
	[tilespmem:s19+$0xFFFFFD30] =	vst v31  }
0x514: {  	v56 =	vadd.s32 v3, v44;
	v31 =	vmul.f32 v43, v20;
	v37 =	vld.idx.msk [tilespmem:v52+s3+$0x0], $0xffff  }
0x515: {  	v32 =	vadd.s32 v5, v32;
	v57 =	vmul.f32 v30, v22;
	v41 =	vperm.xlane v26, v11;
	[tilespmem:s20+$0xFFFFFC10] =	vst v55  }
0x516: {  	v40 =	vld.idx.msk [tilespmem:v54+s3+$0x0], $0xffff;
	v0 =	vadd.f32 v31, v0  }
0x517: {  	v61 =	vadd.s32 v3, v6;
	v31 =	vmul.f32 v41, v20;
	v2 =	vadd.f32 v2, v57  }
0x518: {  	v36 =	vadd.s32 v5, v36;
	[tilespmem:s1+$0x0] =	vst v0  }
0x519: {  	v62 =	vmul.f32 v39, v22;
	v0 =	vld.idx.msk [tilespmem:v56+s3+$0x0], $0xffff;
	v31 =	vadd.f32 v31, v37;
	[tilespmem:s18+$0xFFFFFEA0] =	vst v2  }
0x51a: {  	v2 =	vld.idx.msk [tilespmem:v32+s3+$0x0], $0xffff  }
0x51b: {  	v63 =	vadd.f32 v40, v62;
	[tilespmem:s19+$0xFFFFFD80] =	vst v31;
	v31 =	vperm.xlane v25, v7  }
0x51c: {  	v45 =	vadd.s32 v4, v44;
	v40 =	vmul.f32 v43, v21;
	v46 =	vld.idx.msk [tilespmem:v61+s3+$0x0], $0xffff  }
0x51d: {  	v30 =	vmul.f32 v30, v23;
	[tilespmem:s20+$0xFFFFFC20] =	vst v63;
	v47 =	vadd.s32 v1, v31  }
0x51e: {  	v33 =	vperm.xlane v29, v9;
	v32 =	vld.idx.msk [tilespmem:v36+s3+$0x0], $0xffff;
	v0 =	vadd.f32 v0, v40  }
0x51f: {  	v49 =	vadd.s32 v4, v6;
	v48 =	vmul.f32 v41, v21;
	v2 =	vadd.f32 v2, v30  }
0x520: {  	v50 =	vadd.s32 v1, v33;
	[tilespmem:s1+$0x10] =	vst v0  }
0x521: {  	v30 =	vmul.f32 v39, v23;
	v0 =	vld.idx.msk [tilespmem:v45+s3+$0x0], $0xffff;
	v38 =	vadd.f32 v46, v48;
	[tilespmem:s18+$0xFFFFFEB0] =	vst v2  }
0x522: {  	v2 =	vld.idx.msk [tilespmem:v47+s3+$0x0], $0xffff  }
0x523: {  	v30 =	vadd.f32 v32, v30;
	[tilespmem:s19+$0xFFFFFD90] =	vst v38;
	v32 =	vperm.xlane v24, v7  }
0x524: {  	v51 =	vmul.f32 v43, v22;
	v52 =	vadd.s32 v5, v44;
	v53 =	vld.idx.msk [tilespmem:v49+s3+$0x0], $0xffff  }
0x525: {  	v54 =	vadd.s32 v3, v31;
	[tilespmem:s20+$0xFFFFFC30] =	vst v30;
	v30 =	vmul.f32 v32, v20  }
0x526: {  	v6 =	vadd.s32 v5, v6;
	v37 =	vld.idx.msk [tilespmem:v50+s3+$0x0], $0xffff;
	v0 =	vadd.f32 v0, v51  }
0x527: {  	v55 =	vmul.f32 v41, v22;
	v36 =	vperm.xlane v28, v9;
	v2 =	vadd.f32 v30, v2  }
0x528: {  	v56 =	vadd.s32 v3, v33;
	[tilespmem:s1+$0x20] =	vst v0  }
0x529: {  	v30 =	vmul.f32 v36, v20;
	v0 =	vld.idx.msk [tilespmem:v52+s3+$0x0], $0xffff;
	v39 =	vadd.f32 v53, v55;
	[tilespmem:s18+$0xFFFFFF00] =	vst v2  }
0x52a: {  	v44 =	vperm.xlane v35, v16;
	v2 =	vld.idx.msk [tilespmem:v54+s3+$0x0], $0xffff  }
0x52b: {  	v30 =	vadd.f32 v30, v37;
	[tilespmem:s19+$0xFFFFFDA0] =	vst v39  }
0x52c: {  	v57 =	vmul.f32 v43, v23;
	v61 =	vadd.s32 v1, v44;
	v6 =	vld.idx.msk [tilespmem:v6+s3+$0x0], $0xffff  }
0x52d: {  	v63 =	vadd.s32 v4, v31;
	v62 =	vmul.f32 v32, v21;
	[tilespmem:s20+$0xFFFFFC80] =	vst v30;
	v30 =	vperm.xlane v27, v12  }
0x52e: {  	v38 =	vld.idx.msk [tilespmem:v56+s3+$0x0], $0xffff;
	v0 =	vadd.f32 v0, v57  }
0x52f: {  	v45 =	vmul.f32 v41, v23;
	v46 =	vadd.s32 v1, v30;
	v2 =	vadd.f32 v2, v62  }
0x530: {  	v48 =	vadd.s32 v4, v33;
	[tilespmem:s1+$0x30] =	vst v0  }
0x531: {  	v47 =	vmul.f32 v36, v21;
	v0 =	vld.idx.msk [tilespmem:v61+s3+$0x0], $0xffff;
	v6 =	vadd.f32 v6, v45;
	[tilespmem:s18+$0xFFFFFF10] =	vst v2  }
0x532: {  	v43 =	vperm.xlane v34, v16;
	v2 =	vld.idx.msk [tilespmem:v63+s3+$0x0], $0xffff  }
0x533: {  	v49 =	vadd.f32 v38, v47;
	[tilespmem:s19+$0xFFFFFDB0] =	vst v6  }
0x534: {  	v50 =	vadd.s32 v3, v44;
	v6 =	vmul.f32 v43, v20;
	v51 =	vld.idx.msk [tilespmem:v46+s3+$0x0], $0xffff  }
0x535: {  	v31 =	vadd.s32 v5, v31;
	v52 =	vmul.f32 v32, v22;
	v37 =	vperm.xlane v26, v12;
	[tilespmem:s20+$0xFFFFFC90] =	vst v49  }
0x536: {  	v40 =	vld.idx.msk [tilespmem:v48+s3+$0x0], $0xffff;
	v0 =	vadd.f32 v6, v0  }
0x537: {  	v6 =	vmul.f32 v37, v20;
	v2 =	vadd.f32 v2, v52  }
0x538: {  	v33 =	vadd.s32 v5, v33;
	v53 =	vadd.s32 v3, v30;
	[tilespmem:s1+$0x80] =	vst v0  }
0x539: {  	v54 =	vmul.f32 v36, v22;
	v0 =	vld.idx.msk [tilespmem:v50+s3+$0x0], $0xffff;
	v6 =	vadd.f32 v6, v51;
	[tilespmem:s18+$0xFFFFFF20] =	vst v2  }
0x53a: {  	v2 =	vld.idx.msk [tilespmem:v31+s3+$0x0], $0xffff  }
0x53b: {  	v31 =	vadd.f32 v40, v54;
	[tilespmem:s19+$0xFFFFFE00] =	vst v6;
	v6 =	vperm.xlane v25, v14  }
0x53c: {  	v55 =	vmul.f32 v43, v21;
	v56 =	vadd.s32 v4, v44  }
0x53d: {  	v57 =	vld.idx.msk [tilespmem:v53+s3+$0x0], $0xffff;
	[tilespmem:s20+$0xFFFFFCA0] =	vst v31;
	v31 =	vmul.f32 v32, v23;
	v62 =	vadd.s32 v1, v6  }
0x53e: {  	v61 =	vld.idx.msk [tilespmem:v33+s3+$0x0], $0xffff;
	v0 =	vadd.f32 v0, v55  }
0x53f: {  	v38 =	vperm.xlane v29, v10;
	v2 =	vadd.f32 v2, v31  }
0x540: {  	v45 =	vadd.s32 v4, v30;
	v63 =	vmul.f32 v37, v21;
	[tilespmem:s1+$0x90] =	vst v0  }
0x541: {  	v46 =	vadd.s32 v1, v38;
	v31 =	vmul.f32 v36, v23;
	v0 =	vld.idx.msk [tilespmem:v56+s3+$0x0], $0xffff;
	[tilespmem:s18+$0xFFFFFF30] =	vst v2  }
0x542: {  	v47 =	vadd.f32 v57, v63;
	v2 =	vld.idx.msk [tilespmem:v62+s3+$0x0], $0xffff  }
0x543: {  	v32 =	vperm.xlane v24, v14;
	v31 =	vadd.f32 v61, v31  }
0x544: {  	v49 =	vadd.s32 v5, v44;
	v48 =	vmul.f32 v43, v22;
	[tilespmem:s19+$0xFFFFFE10] =	vst v47  }
0x545: {  	v51 =	vadd.s32 v3, v6;
	v50 =	vld.idx.msk [tilespmem:v45+s3+$0x0], $0xffff;
	[tilespmem:s20+$0xFFFFFCB0] =	vst v31;
	v31 =	vmul.f32 v32, v20  }
0x546: {  	v0 =	vadd.f32 v0, v48;
	v52 =	vld.idx.msk [tilespmem:v46+s3+$0x0], $0xffff  }
0x547: {  	s8 =	simm.s32 $0x40;
	v36 =	vperm.xlane v28, v10;
	v2 =	vadd.f32 v31, v2  }
0x548: {  	v30 =	vadd.s32 v5, v30;
	v53 =	vmul.f32 v37, v22;
	v31 =	vld [tilespmem:s8+$0x3380];
	[tilespmem:s1+$0xA0] =	vst v0  }
0x549: {  	v55 =	vadd.s32 v3, v38;
	v54 =	vmul.f32 v36, v20;
	v0 =	vld.idx.msk [tilespmem:v49+s3+$0x0], $0xffff;
	[tilespmem:s18+$0xFFFFFF80] =	vst v2  }
0x54a: {  	v39 =	vperm.xlane v35, v17;
	v40 =	vadd.f32 v50, v53;
	v2 =	vld.idx.msk [tilespmem:v51+s3+$0x0], $0xffff  }
0x54b: {  	v33 =	vadd.f32 v54, v52  }
0x54c: {  	v56 =	vmul.f32 v43, v23;
	v57 =	vadd.s32 v1, v39;
	[tilespmem:s19+$0xFFFFFE20] =	vst v40  }
0x54d: {  	v62 =	vadd.s32 v4, v6;
	v61 =	vmul.f32 v32, v21;
	v30 =	vld.idx.msk [tilespmem:v30+s3+$0x0], $0xffff;
	[tilespmem:s20+$0xFFFFFD00] =	vst v33  }
0x54e: {  	v42 =	vperm.xlane v27, v13;
	v0 =	vadd.f32 v0, v56;
	v63 =	vld.idx.msk [tilespmem:v55+s3+$0x0], $0xffff  }
0x54f: {  	v31 =	vshll.u32 v31, $0x6;
	v2 =	vadd.f32 v2, v61  }
0x550: {  	v37 =	vmul.f32 v37, v23;
	v48 =	vadd.s32 v1, v42;
	v33 =	vperm.xlane v31, v8;
	[tilespmem:s1+$0xB0] =	vst v0  }
0x551: {  	v49 =	vmul.f32 v36, v21;
	v50 =	vadd.s32 v4, v38;
	v41 =	vld.idx.msk [tilespmem:v57+s3+$0x0], $0xffff;
	[tilespmem:s18+$0xFFFFFF90] =	vst v2  }
0x552: {  	v51 =	vadd.s32 v1, v33;
	v0 =	vperm.xlane v34, v17;
	v37 =	vadd.f32 v30, v37;
	v2 =	vld.idx.msk [tilespmem:v62+s3+$0x0], $0xffff  }
0x553: {  	v30 =	vld [tilespmem:s8+$0x3580];
	v40 =	vadd.f32 v63, v49  }
0x554: {  	v53 =	vadd.s32 v3, v39;
	v52 =	vmul.f32 v0, v20;
	[tilespmem:s19+$0xFFFFFE30] =	vst v37  }
0x555: {  	v6 =	vadd.s32 v5, v6;
	v54 =	vmul.f32 v32, v22;
	v44 =	vld.idx.msk [tilespmem:v48+s3+$0x0], $0xffff;
	[tilespmem:s20+$0xFFFFFD10] =	vst v40  }
0x556: {  	v47 =	vperm.xlane v26, v13;
	v37 =	vadd.f32 v52, v41;
	v55 =	vld.idx.msk [tilespmem:v50+s3+$0x0], $0xffff  }
0x557: {  	v43 =	vld.idx.msk [tilespmem:v51+s3+$0x0], $0xffff;
	v2 =	vadd.f32 v2, v54  }
0x558: {  	v56 =	vmul.f32 v47, v20;
	v57 =	vadd.s32 v3, v42;
	[tilespmem:s1+$0x100] =	vst v37;
	v37 =	vperm.xlane v30, v8  }
0x559: {  	v38 =	vadd.s32 v5, v38;
	v62 =	vmul.f32 v36, v22;
	v61 =	vld.idx.msk [tilespmem:v53+s3+$0x0], $0xffff;
	[tilespmem:s18+$0xFFFFFFA0] =	vst v2  }
0x55a: {  	v52 =	vadd.s32 v3, v33;
	v44 =	vadd.f32 v56, v44;
	v6 =	vld.idx.msk [tilespmem:v6+s3+$0x0], $0xffff;
	v63 =	vmul.f32 v37, v20  }
0x55b: {  	v2 =	vperm.xlane v25, v15;
	v41 =	vadd.f32 v55, v62  }
0x55c: {  	v54 =	vadd.s32 v4, v39;
	v53 =	vmul.f32 v0, v21;
	[tilespmem:s19+$0xFFFFFE80] =	vst v44;
	v43 =	vadd.f32 v63, v43  }
0x55d: {  	s4 =	simm.s32 $0xDA80;
	v32 =	vmul.f32 v32, v23;
	v56 =	vadd.s32 v1, v2;
	v55 =	vld.idx.msk [tilespmem:v57+s3+$0x0], $0xffff;
	[tilespmem:s20+$0xFFFFFD20] =	vst v41  }
0x55e: {  	v40 =	vadd.f32 v61, v53;
	v38 =	vld.idx.msk [tilespmem:v38+s3+$0x0], $0xffff;
	[tilespmem:s4+$0xFFFFFC00] =	vst v43  }
0x55f: {  	v43 =	vperm.xlane v29, v11;
	v61 =	vld.idx.msk [tilespmem:v52+s3+$0x0], $0xffff;
	v6 =	vadd.f32 v6, v32  }
0x560: {  	v62 =	vadd.s32 v4, v42;
	v57 =	vmul.f32 v47, v21;
	[tilespmem:s1+$0x110] =	vst v40  }
0x561: {  	v36 =	vmul.f32 v36, v23;
	v40 =	vadd.s32 v1, v43;
	v32 =	vld.idx.msk [tilespmem:v54+s3+$0x0], $0xffff;
	[tilespmem:s18+$0xFFFFFFB0] =	vst v6  }
0x562: {  	v53 =	vadd.s32 v4, v33;
	v52 =	vmul.f32 v37, v21;
	v63 =	vadd.f32 v55, v57;
	v41 =	vld.idx.msk [tilespmem:v56+s3+$0x0], $0xffff  }
0x563: {  	v6 =	vperm.xlane v24, v15;
	v36 =	vadd.f32 v38, v36  }
0x564: {  	v54 =	vmul.f32 v0, v22;
	v55 =	vadd.s32 v5, v39;
	[tilespmem:s19+$0xFFFFFE90] =	vst v63;
	v57 =	vadd.f32 v61, v52  }
0x565: {  	v56 =	vld.idx.msk [tilespmem:v62+s3+$0x0], $0xffff;
	v61 =	vmul.f32 v6, v20;
	v62 =	vadd.s32 v3, v2;
	[tilespmem:s20+$0xFFFFFD30] =	vst v36  }
0x566: {  	v32 =	vadd.f32 v32, v54;
	v40 =	vld.idx.msk [tilespmem:v40+s3+$0x0], $0xffff;
	[tilespmem:s4+$0xFFFFFC10] =	vst v57  }
0x567: {  	v48 =	vperm.xlane v28, v11;
	v46 =	vld.idx.msk [tilespmem:v53+s3+$0x0], $0xffff;
	v36 =	vadd.f32 v61, v41  }
0x568: {  	v42 =	vadd.s32 v5, v42;
	v33 =	vadd.s32 v5, v33;
	v63 =	vmul.f32 v47, v22;
	[tilespmem:s1+$0x120] =	vst v32  }
0x569: {  	v52 =	vmul.f32 v48, v20;
	v53 =	vadd.s32 v3, v43;
	v38 =	vld.idx.msk [tilespmem:v55+s3+$0x0], $0xffff;
	[tilespmem:s18+$0x0] =	vst v36  }
0x56a: {  	v54 =	vmul.f32 v37, v22;
	v32 =	vperm.xlane v35, v18;
	v39 =	vadd.f32 v56, v63;
	v36 =	vld.idx.msk [tilespmem:v62+s3+$0x0], $0xffff  }
0x56b: {  	v40 =	vadd.f32 v52, v40  }
0x56c: {  	v0 =	vmul.f32 v0, v23;
	v55 =	vadd.s32 v1, v32;
	[tilespmem:s19+$0xFFFFFEA0] =	vst v39;
	v57 =	vadd.f32 v46, v54  }
0x56d: {  	v61 =	vmul.f32 v6, v21;
	v62 =	vadd.s32 v4, v2;
	v56 =	vld.idx.msk [tilespmem:v42+s3+$0x0], $0xffff;
	[tilespmem:s20+$0xFFFFFD80] =	vst v40  }
0x56e: {  	v44 =	vperm.xlane v27, v7;
	v0 =	vadd.f32 v38, v0;
	v63 =	vld.idx.msk [tilespmem:v53+s3+$0x0], $0xffff;
	[tilespmem:s4+$0xFFFFFC20] =	vst v57  }
0x56f: {  	v49 =	vmul.f32 v47, v23;
	v33 =	vld.idx.msk [tilespmem:v33+s3+$0x0], $0xffff;
	v36 =	vadd.f32 v36, v61  }
0x570: {  	v51 =	vmul.f32 v48, v21;
	v50 =	vadd.s32 v1, v44;
	[tilespmem:s1+$0x130] =	vst v0;
	v0 =	vperm.xlane v31, v9  }
0x571: {  	v37 =	vmul.f32 v37, v23;
	v52 =	vadd.s32 v4, v43;
	v39 =	vld.idx.msk [tilespmem:v55+s3+$0x0], $0xffff;
	[tilespmem:s18+$0x10] =	vst v36  }
0x572: {  	v41 =	vadd.f32 v56, v49;
	v36 =	vperm.xlane v34, v18;
	v53 =	vld.idx.msk [tilespmem:v62+s3+$0x0], $0xffff;
	v54 =	vadd.s32 v1, v0  }
0x573: {  	v38 =	vadd.f32 v63, v51  }
0x574: {  	v56 =	vadd.s32 v3, v32;
	[tilespmem:s19+$0xFFFFFEB0] =	vst v41;
	v55 =	vmul.f32 v36, v20;
	v33 =	vadd.f32 v33, v37  }
0x575: {  	v2 =	vadd.s32 v5, v2;
	v57 =	vmul.f32 v6, v22;
	v46 =	vld.idx.msk [tilespmem:v50+s3+$0x0], $0xffff;
	[tilespmem:s20+$0xFFFFFD90] =	vst v38  }
0x576: {  	v37 =	vperm.xlane v26, v7;
	v39 =	vadd.f32 v55, v39;
	v61 =	vld.idx.msk [tilespmem:v52+s3+$0x0], $0xffff;
	[tilespmem:s4+$0xFFFFFC30] =	vst v33  }
0x577: {  	v45 =	vld.idx.msk [tilespmem:v54+s3+$0x0], $0xffff;
	v38 =	vadd.f32 v53, v57  }
0x578: {  	v63 =	vadd.s32 v3, v44;
	v62 =	vmul.f32 v37, v20;
	[tilespmem:s1+$0x180] =	vst v39;
	v39 =	vperm.xlane v30, v9  }
0x579: {  	v43 =	vadd.s32 v5, v43;
	v52 =	vmul.f32 v48, v22;
	v41 =	vld.idx.msk [tilespmem:v56+s3+$0x0], $0xffff;
	[tilespmem:s18+$0x20] =	vst v38  }
0x57a: {  	v54 =	vadd.s32 v3, v0;
	v33 =	vadd.f32 v62, v46;
	v2 =	vld.idx.msk [tilespmem:v2+s3+$0x0], $0xffff;
	v53 =	vmul.f32 v39, v20  }
0x57b: {  	v38 =	vperm.xlane v25, v16;
	v40 =	vadd.f32 v61, v52  }
0x57c: {  	v55 =	vmul.f32 v36, v21;
	v56 =	vadd.s32 v4, v32;
	[tilespmem:s19+$0xFFFFFF00] =	vst v33;
	v45 =	vadd.f32 v53, v45  }
0x57d: {  	v6 =	vmul.f32 v6, v23;
	v57 =	vadd.s32 v1, v38;
	v47 =	vld.idx.msk [tilespmem:v63+s3+$0x0], $0xffff;
	[tilespmem:s20+$0xFFFFFDA0] =	vst v40  }
0x57e: {  	v33 =	vadd.f32 v41, v55;
	v61 =	vld.idx.msk [tilespmem:v43+s3+$0x0], $0xffff;
	[tilespmem:s4+$0xFFFFFC80] =	vst v45  }
0x57f: {  	v43 =	vperm.xlane v29, v12;
	v63 =	vld.idx.msk [tilespmem:v54+s3+$0x0], $0xffff;
	v2 =	vadd.f32 v2, v6  }
0x580: {  	v62 =	vmul.f32 v37, v21;
	v52 =	vadd.s32 v4, v44;
	[tilespmem:s1+$0x190] =	vst v33  }
0x581: {  	v53 =	vmul.f32 v48, v23;
	v54 =	vadd.s32 v1, v43;
	v6 =	vld.idx.msk [tilespmem:v56+s3+$0x0], $0xffff;
	[tilespmem:s18+$0x30] =	vst v2  }
0x582: {  	v55 =	vmul.f32 v39, v21;
	v45 =	vadd.f32 v47, v62;
	v56 =	vadd.s32 v4, v0;
	v40 =	vld.idx.msk [tilespmem:v57+s3+$0x0], $0xffff  }
0x583: {  	v2 =	vperm.xlane v24, v16;
	v33 =	vadd.f32 v61, v53  }
0x584: {  	v32 =	vadd.s32 v5, v32;
	v57 =	vmul.f32 v36, v22;
	[tilespmem:s19+$0xFFFFFF10] =	vst v45;
	v46 =	vadd.f32 v63, v55  }
0x585: {  	v62 =	vadd.s32 v3, v38;
	v61 =	vmul.f32 v2, v20;
	v45 =	vld.idx.msk [tilespmem:v52+s3+$0x0], $0xffff;
	[tilespmem:s20+$0xFFFFFDB0] =	vst v33  }
0x586: {  	v6 =	vadd.f32 v6, v57;
	v63 =	vld.idx.msk [tilespmem:v54+s3+$0x0], $0xffff;
	[tilespmem:s4+$0xFFFFFC90] =	vst v46  }
0x587: {  	v42 =	vperm.xlane v28, v12;
	v48 =	vld.idx.msk [tilespmem:v56+s3+$0x0], $0xffff;
	v33 =	vadd.f32 v61, v40  }
0x588: {  	v44 =	vadd.s32 v5, v44;
	v0 =	vadd.s32 v5, v0;
	v52 =	vmul.f32 v37, v22;
	[tilespmem:s1+$0x1A0] =	vst v6  }
0x589: {  	v53 =	vmul.f32 v42, v20;
	v54 =	vadd.s32 v3, v43;
	v6 =	vld.idx.msk [tilespmem:v32+s3+$0x0], $0xffff;
	[tilespmem:s18+$0x80] =	vst v33  }
0x58a: {  	v55 =	vmul.f32 v39, v22;
	v46 =	vperm.xlane v35, v19;
	v45 =	vadd.f32 v45, v52;
	v33 =	vld.idx.msk [tilespmem:v62+s3+$0x0], $0xffff  }
0x58b: {  	v32 =	vadd.f32 v53, v63  }
0x58c: {  	v36 =	vmul.f32 v36, v23;
	v56 =	vadd.s32 v1, v46;
	[tilespmem:s19+$0xFFFFFF20] =	vst v45;
	v57 =	vadd.f32 v48, v55  }
0x58d: {  	v61 =	vmul.f32 v2, v21;
	v62 =	vadd.s32 v4, v38;
	v44 =	vld.idx.msk [tilespmem:v44+s3+$0x0], $0xffff;
	[tilespmem:s20+$0xFFFFFE00] =	vst v32  }
0x58e: {  	v47 =	vperm.xlane v27, v14;
	v6 =	vadd.f32 v6, v36;
	v63 =	vld.idx.msk [tilespmem:v54+s3+$0x0], $0xffff;
	[tilespmem:s4+$0xFFFFFCA0] =	vst v57  }
0x58f: {  	v37 =	vmul.f32 v37, v23;
	v0 =	vld.idx.msk [tilespmem:v0+s3+$0x0], $0xffff;
	v32 =	vadd.f32 v33, v61  }
0x590: {  	v39 =	vmul.f32 v39, v23;
	v52 =	vadd.s32 v1, v47;
	[tilespmem:s1+$0x1B0] =	vst v6;
	v6 =	vperm.xlane v31, v10  }
0x591: {  	v55 =	vadd.s32 v4, v43;
	v54 =	vmul.f32 v42, v21;
	v53 =	vld.idx.msk [tilespmem:v56+s3+$0x0], $0xffff;
	[tilespmem:s18+$0x90] =	vst v32  }
0x592: {  	v45 =	vperm.xlane v34, v19;
	v37 =	vadd.f32 v44, v37;
	v32 =	vld.idx.msk [tilespmem:v62+s3+$0x0], $0xffff;
	v56 =	vadd.s32 v1, v6  }
0x593: {  	v36 =	vadd.f32 v63, v54  }
0x594: {  	v57 =	vmul.f32 v45, v20;
	v61 =	vadd.s32 v3, v46;
	[tilespmem:s19+$0xFFFFFF30] =	vst v37;
	v0 =	vadd.f32 v0, v39  }
0x595: {  	v38 =	vadd.s32 v5, v38;
	v62 =	vmul.f32 v2, v22;
	v40 =	vld.idx.msk [tilespmem:v52+s3+$0x0], $0xffff;
	[tilespmem:s20+$0xFFFFFE10] =	vst v36  }
0x596: {  	v39 =	vperm.xlane v26, v14;
	v33 =	vadd.f32 v57, v53;
	v63 =	vld.idx.msk [tilespmem:v55+s3+$0x0], $0xffff;
	[tilespmem:s4+$0xFFFFFCB0] =	vst v0  }
0x597: {  	v49 =	vperm.xlane v30, v10;
	v44 =	vld.idx.msk [tilespmem:v56+s3+$0x0], $0xffff;
	v32 =	vadd.f32 v32, v62  }
0x598: {  	v2 =	vmul.f32 v2, v23;
	v52 =	vadd.s32 v3, v47;
	v0 =	vmul.f32 v39, v20;
	[tilespmem:s1+$0x200] =	vst v33  }
0x599: {  	v54 =	vadd.s32 v5, v43;
	v53 =	vmul.f32 v42, v22;
	v33 =	vld.idx.msk [tilespmem:v61+s3+$0x0], $0xffff;
	[tilespmem:s18+$0xA0] =	vst v32  }
0x59a: {  	s9 =	simm.s32 $0x50;
	v55 =	vmul.f32 v49, v20;
	v56 =	vadd.s32 v3, v6;
	v0 =	vadd.f32 v0, v40;
	v32 =	vld.idx.msk [tilespmem:v38+s3+$0x0], $0xffff  }
0x59b: {  	v57 =	vld [tilespmem:s9+$0x3380];
	v42 =	vmul.f32 v42, v23;
	v61 =	vadd.s32 v4, v46;
	v36 =	vadd.f32 v63, v53  }
0x59c: {  	v38 =	vperm.xlane v25, v17;
	[tilespmem:s19+$0xFFFFFF80] =	vst v0;
	v0 =	vmul.f32 v45, v21;
	v40 =	vadd.f32 v55, v44  }
0x59d: {  	v46 =	vadd.s32 v5, v46;
	v63 =	vmul.f32 v39, v21;
	v48 =	vld.idx.msk [tilespmem:v52+s3+$0x0], $0xffff;
	[tilespmem:s20+$0xFFFFFE20] =	vst v36  }
0x59e: {  	v62 =	vadd.s32 v1, v38;
	v0 =	vadd.f32 v33, v0;
	v41 =	vld.idx.msk [tilespmem:v54+s3+$0x0], $0xffff;
	[tilespmem:s4+$0xFFFFFD00] =	vst v40  }
0x59f: {  	v53 =	vadd.s32 v4, v6;
	v40 =	vperm.xlane v29, v13;
	v43 =	vld.idx.msk [tilespmem:v56+s3+$0x0], $0xffff;
	v2 =	vadd.f32 v32, v2  }
0x5a0: {  	v6 =	vadd.s32 v5, v6;
	v33 =	vshll.u32 v57, $0x6;
	v56 =	vadd.s32 v4, v47;
	[tilespmem:s1+$0x210] =	vst v0  }
0x5a1: {  	v50 =	vadd.s32 v1, v40;
	v37 =	vld.idx.msk [tilespmem:v61+s3+$0x0], $0xffff;
	[tilespmem:s18+$0xB0] =	vst v2;
	v2 =	vperm.xlane v33, v8  }
0x5a2: {  	v36 =	vperm.xlane v34, v60;
	v57 =	vmul.f32 v49, v21;
	v32 =	vld [tilespmem:s9+$0x3580];
	v48 =	vadd.f32 v48, v63  }
0x5a3: {  	v47 =	vadd.s32 v5, v47;
	v44 =	vld.idx.msk [tilespmem:v62+s3+$0x0], $0xffff;
	v41 =	vadd.f32 v41, v42;
	v54 =	vadd.s32 v1, v2  }
0x5a4: {  	v0 =	vperm.xlane v24, v17;
	v61 =	vmul.f32 v45, v22;
	[tilespmem:s19+$0xFFFFFF90] =	vst v48;
	v43 =	vadd.f32 v43, v57  }
0x5a5: {  	v63 =	vadd.s32 v3, v38;
	v45 =	vmul.f32 v45, v23;
	v52 =	vld.idx.msk [tilespmem:v56+s3+$0x0], $0xffff;
	[tilespmem:s20+$0xFFFFFE30] =	vst v41  }
0x5a6: {  	v62 =	vmul.f32 v0, v20;
	v37 =	vadd.f32 v37, v61;
	v50 =	vld.idx.msk [tilespmem:v50+s3+$0x0], $0xffff;
	[tilespmem:s4+$0xFFFFFD10] =	vst v43  }
0x5a7: {  	v55 =	vadd.s32 v3, v40;
	v48 =	vperm.xlane v28, v13;
	v42 =	vperm.xlane v32, v8;
	v53 =	vld.idx.msk [tilespmem:v53+s3+$0x0], $0xffff  }
0x5a8: {  	v57 =	vmul.f32 v39, v22;
	v41 =	vadd.f32 v62, v44;
	[tilespmem:s1+$0x220] =	vst v37;
	v54 =	vld.idx.msk [tilespmem:v54+s3+$0x0], $0xffff  }
0x5a9: {  	v56 =	vadd.s32 v3, v2;
	v39 =	vmul.f32 v39, v23;
	v61 =	vmul.f32 v48, v20;
	v46 =	vld.idx.msk [tilespmem:v46+s3+$0x0], $0xffff  }
0x5aa: {  	v62 =	vmul.f32 v49, v22;
	v37 =	vperm.xlane v35, v60;
	v43 =	vadd.f32 v52, v57;
	[tilespmem:s18+$0x100] =	vst v41  }
0x5ab: {  	v49 =	vmul.f32 v49, v23;
	v41 =	vperm.xlane v27, v15;
	v51 =	vld.idx.msk [tilespmem:v63+s3+$0x0], $0xffff;
	v44 =	vadd.f32 v61, v50  }
0x5ac: {  	v57 =	vmul.f32 v0, v21;
	v63 =	vmul.f32 v42, v20;
	[tilespmem:s19+$0xFFFFFFA0] =	vst v43;
	v43 =	vadd.s32 v1, v37  }
0x5ad: {  	v61 =	vadd.s32 v4, v38;
	v47 =	vld.idx.msk [tilespmem:v47+s3+$0x0], $0xffff;
	v52 =	vadd.f32 v53, v62;
	[tilespmem:s20+$0xFFFFFE80] =	vst v44  }
0x5ae: {  	v38 =	vadd.s32 v5, v38;
	v50 =	vadd.f32 v63, v54;
	v45 =	vadd.f32 v46, v45;
	v62 =	vld.idx.msk [tilespmem:v55+s3+$0x0], $0xffff  }
0x5af: {  	v63 =	vadd.s32 v1, v41;
	v54 =	vadd.s32 v4, v40;
	v40 =	vadd.s32 v5, v40;
	[tilespmem:s4+$0xFFFFFD20] =	vst v52  }
0x5b0: {  	s9 =	simm.s32 $0xE280;
	v55 =	vmul.f32 v36, v20;
	v6 =	vld.idx.msk [tilespmem:v6+s3+$0x0], $0xffff;
	v51 =	vadd.f32 v51, v57;
	[tilespmem:s1+$0x230] =	vst v45  }
0x5b1: {  	[tilespmem:s9+$0xFFFFFC00] =	vst v50;
	v57 =	vmul.f32 v48, v21;
	v45 =	vperm.xlane v31, v11;
	v43 =	vld.idx.msk [tilespmem:v43+s3+$0x0], $0xffff  }
0x5b2: {  	v53 =	vld.idx.msk [tilespmem:v56+s3+$0x0], $0xffff;
	v56 =	vmul.f32 v48, v23;
	v39 =	vadd.f32 v47, v39;
	[tilespmem:s18+$0x110] =	vst v51  }
0x5b3: {  	v47 =	vperm.xlane v26, v15;
	v44 =	vld.idx.msk [tilespmem:v61+s3+$0x0], $0xffff;
	v51 =	vadd.s32 v1, v45;
	v46 =	vadd.f32 v62, v57  }
0x5b4: {  	v61 =	vmul.f32 v42, v21;
	[tilespmem:s19+$0xFFFFFFB0] =	vst v39;
	v39 =	vadd.s32 v3, v37;
	v62 =	vadd.s32 v4, v2  }
0x5b5: {  	v57 =	vadd.s32 v3, v41;
	v50 =	vld.idx.msk [tilespmem:v63+s3+$0x0], $0xffff;
	v6 =	vadd.f32 v6, v49;
	[tilespmem:s20+$0xFFFFFE90] =	vst v46  }
0x5b6: {  	v2 =	vadd.s32 v5, v2;
	v63 =	vmul.f32 v0, v22;
	v43 =	vadd.f32 v55, v43;
	v46 =	vld.idx.msk [tilespmem:v54+s3+$0x0], $0xffff  }
0x5b7: {  	v0 =	vmul.f32 v0, v23;
	v49 =	vperm.xlane v24, v18;
	v52 =	vadd.f32 v53, v61;
	[tilespmem:s4+$0xFFFFFD30] =	vst v6  }
0x5b8: {  	v6 =	vmul.f32 v47, v20;
	v51 =	vld.idx.msk [tilespmem:v51+s3+$0x0], $0xffff;
	v44 =	vadd.f32 v44, v63;
	[tilespmem:s1+$0x280] =	vst v43  }
0x5b9: {  	v61 =	vmul.f32 v48, v22;
	[tilespmem:s9+$0xFFFFFC10] =	vst v52;
	v43 =	vperm.xlane v30, v11;
	v39 =	vld.idx.msk [tilespmem:v39+s3+$0x0], $0xffff  }
0x5ba: {  	v54 =	vadd.s32 v4, v37;
	v52 =	vld.idx.msk [tilespmem:v62+s3+$0x0], $0xffff;
	v6 =	vadd.f32 v6, v50;
	[tilespmem:s18+$0x120] =	vst v44  }
0x5bb: {  	v50 =	vadd.s32 v3, v45;
	v38 =	vld.idx.msk [tilespmem:v38+s3+$0x0], $0xffff;
	v62 =	vmul.f32 v43, v20;
	v46 =	vadd.f32 v46, v61  }
0x5bc: {  	v37 =	vadd.s32 v5, v37;
	v63 =	vmul.f32 v36, v21;
	[tilespmem:s19+$0x0] =	vst v6;
	v6 =	vperm.xlane v25, v18  }
0x5bd: {  	v53 =	vld.idx.msk [tilespmem:v57+s3+$0x0], $0xffff;
	v57 =	vmul.f32 v42, v22;
	v44 =	vadd.f32 v62, v51;
	[tilespmem:s20+$0xFFFFFEA0] =	vst v46  }
0x5be: {  	v55 =	vperm.xlane v34, v59;
	v46 =	vadd.s32 v1, v6;
	v40 =	vld.idx.msk [tilespmem:v40+s3+$0x0], $0xffff;
	v39 =	vadd.f32 v39, v63  }
0x5bf: {  	v62 =	vmul.f32 v47, v21;
	v61 =	vadd.f32 v52, v57;
	[tilespmem:s4+$0xFFFFFD80] =	vst v44;
	v44 =	vperm.xlane v29, v7  }
0x5c0: {  	v63 =	vadd.s32 v4, v41;
	v50 =	vld.idx.msk [tilespmem:v50+s3+$0x0], $0xffff;
	v0 =	vadd.f32 v38, v0;
	[tilespmem:s1+$0x290] =	vst v39  }
0x5c1: {  	v42 =	vmul.f32 v42, v23;
	[tilespmem:s9+$0xFFFFFC20] =	vst v61;
	v48 =	vadd.s32 v1, v44;
	v39 =	vld.idx.msk [tilespmem:v54+s3+$0x0], $0xffff  }
0x5c2: {  	v61 =	vmul.f32 v43, v21;
	v2 =	vld.idx.msk [tilespmem:v2+s3+$0x0], $0xffff;
	v57 =	vadd.f32 v53, v62;
	[tilespmem:s18+$0x130] =	vst v0  }
0x5c3: {  	v0 =	vperm.xlane v33, v9;
	v53 =	vadd.s32 v4, v45;
	v46 =	vld.idx.msk [tilespmem:v46+s3+$0x0], $0xffff;
	v38 =	vadd.f32 v40, v56  }
0x5c4: {  	v51 =	vperm.xlane v35, v59;
	v41 =	vadd.s32 v5, v41;
	v62 =	vmul.f32 v36, v22;
	[tilespmem:s19+$0x10] =	vst v57  }
0x5c5: {  	v40 =	vld.idx.msk [tilespmem:v63+s3+$0x0], $0xffff;
	v63 =	vadd.s32 v1, v0;
	v50 =	vadd.f32 v50, v61;
	[tilespmem:s20+$0xFFFFFEB0] =	vst v38  }
0x5c6: {  	v56 =	vmul.f32 v49, v20;
	v57 =	vadd.s32 v3, v6;
	v38 =	vld.idx.msk [tilespmem:v48+s3+$0x0], $0xffff;
	v39 =	vadd.f32 v39, v62  }
0x5c7: {  	v45 =	vadd.s32 v5, v45;
	v2 =	vadd.f32 v2, v42;
	[tilespmem:s4+$0xFFFFFD90] =	vst v50;
	v50 =	vperm.xlane v28, v7  }
0x5c8: {  	v61 =	vmul.f32 v47, v22;
	v52 =	vld.idx.msk [tilespmem:v53+s3+$0x0], $0xffff;
	v46 =	vadd.f32 v56, v46;
	[tilespmem:s1+$0x2A0] =	vst v39  }
0x5c9: {  	v62 =	vadd.s32 v3, v44;
	[tilespmem:s9+$0xFFFFFC30] =	vst v2;
	v2 =	vmul.f32 v50, v20;
	v37 =	vld.idx.msk [tilespmem:v37+s3+$0x0], $0xffff  }
0x5ca: {  	v39 =	vld.idx.msk [tilespmem:v63+s3+$0x0], $0xffff;
	v40 =	vadd.f32 v40, v61;
	[tilespmem:s18+$0x180] =	vst v46;
	v46 =	vperm.xlane v32, v9  }
0x5cb: {  	v36 =	vmul.f32 v36, v23;
	v63 =	vmul.f32 v43, v22;
	v42 =	vld.idx.msk [tilespmem:v57+s3+$0x0], $0xffff;
	v2 =	vadd.f32 v2, v38  }
0x5cc: {  	v61 =	vadd.s32 v3, v0;
	[tilespmem:s19+$0x20] =	vst v40;
	v40 =	vadd.s32 v1, v51;
	v57 =	vmul.f32 v46, v20  }
0x5cd: {  	v38 =	vld.idx.msk [tilespmem:v41+s3+$0x0], $0xffff;
	v52 =	vadd.f32 v52, v63;
	v63 =	vadd.s32 v4, v6;
	[tilespmem:s20+$0xFFFFFF00] =	vst v2  }
0x5ce: {  	v2 =	vperm.xlane v27, v16;
	v48 =	vld.idx.msk [tilespmem:v62+s3+$0x0], $0xffff;
	v36 =	vadd.f32 v37, v36;
	v62 =	vmul.f32 v49, v21  }
0x5cf: {  	v34 =	vperm.xlane v34, v58;
	v56 =	vmul.f32 v47, v23;
	v39 =	vadd.f32 v57, v39;
	[tilespmem:s4+$0xFFFFFDA0] =	vst v52  }
0x5d0: {  	v45 =	vld.idx.msk [tilespmem:v45+s3+$0x0], $0xffff;
	v57 =	vadd.s32 v1, v2;
	[tilespmem:s1+$0x2B0] =	vst v36;
	v37 =	vadd.f32 v42, v62  }
0x5d1: {  	v52 =	vadd.s32 v4, v44;
	[tilespmem:s9+$0xFFFFFC80] =	vst v39;
	v62 =	vmul.f32 v50, v21;
	v39 =	vld.idx.msk [tilespmem:v40+s3+$0x0], $0xffff  }
0x5d2: {  	v40 =	vperm.xlane v31, v12;
	v47 =	vld.idx.msk [tilespmem:v61+s3+$0x0], $0xffff;
	v38 =	vadd.f32 v38, v56;
	[tilespmem:s18+$0x190] =	vst v37  }
0x5d3: {  	v54 =	vperm.xlane v30, v12;
	v53 =	vadd.s32 v3, v51;
	v6 =	vadd.s32 v5, v6;
	v37 =	vld.idx.msk [tilespmem:v63+s3+$0x0], $0xffff  }
0x5d4: {  	v63 =	vmul.f32 v43, v23;
	v43 =	vadd.s32 v1, v40;
	v42 =	vadd.f32 v48, v62;
	[tilespmem:s19+$0x30] =	vst v38  }
0x5d5: {  	v44 =	vadd.s32 v5, v44;
	v61 =	vmul.f32 v55, v20;
	v56 =	vadd.s32 v4, v0;
	v36 =	vld.idx.msk [tilespmem:v57+s3+$0x0], $0xffff  }
0x5d6: {  	v38 =	vperm.xlane v26, v16;
	v62 =	vmul.f32 v46, v21;
	v41 =	vadd.f32 v45, v63;
	[tilespmem:s20+$0xFFFFFF10] =	vst v42  }
0x5d7: {  	v59 =	vadd.s32 v3, v2;
	v63 =	vmul.f32 v49, v22;
	v39 =	vadd.f32 v61, v39;
	v45 =	vld.idx.msk [tilespmem:v52+s3+$0x0], $0xffff  }
0x5d8: {  	v0 =	vadd.s32 v5, v0;
	v57 =	vmul.f32 v38, v20;
	v47 =	vadd.f32 v47, v62;
	[tilespmem:s4+$0xFFFFFDB0] =	vst v41  }
0x5d9: {  	v42 =	vperm.xlane v25, v19;
	v43 =	vld.idx.msk [tilespmem:v43+s3+$0x0], $0xffff;
	v37 =	vadd.f32 v37, v63;
	[tilespmem:s1+$0x300] =	vst v39  }
0x5da: {  	v61 =	vmul.f32 v50, v22;
	[tilespmem:s9+$0xFFFFFC90] =	vst v47;
	v62 =	vld.idx.msk [tilespmem:v53+s3+$0x0], $0xffff;
	v36 =	vadd.f32 v57, v36  }
0x5db: {  	v41 =	vperm.xlane v24, v19;
	v63 =	vld.idx.msk [tilespmem:v56+s3+$0x0], $0xffff;
	v56 =	vmul.f32 v54, v20;
	[tilespmem:s18+$0x1A0] =	vst v37  }
0x5dc: {  	v57 =	vadd.s32 v3, v40;
	v6 =	vld.idx.msk [tilespmem:v6+s3+$0x0], $0xffff;
	v39 =	vadd.f32 v45, v61;
	[tilespmem:s19+$0x80] =	vst v36  }
0x5dd: {  	v48 =	vadd.s32 v4, v51;
	v61 =	vmul.f32 v46, v22;
	v36 =	vld.idx.msk [tilespmem:v59+s3+$0x0], $0xffff;
	v59 =	vmul.f32 v55, v21  }
0x5de: {  	v46 =	vmul.f32 v46, v23;
	v37 =	vadd.f32 v56, v43;
	[tilespmem:s20+$0xFFFFFF20] =	vst v39;
	v43 =	vmul.f32 v49, v23  }
0x5df: {  	v49 =	vperm.xlane v29, v14;
	v39 =	vld.idx.msk [tilespmem:v44+s3+$0x0], $0xffff;
	v44 =	vadd.s32 v1, v42;
	v45 =	vadd.f32 v62, v59  }
0x5e0: {  	v62 =	vadd.f32 v63, v61;
	v63 =	vmul.f32 v38, v21;
	v61 =	vadd.s32 v4, v2;
	[tilespmem:s4+$0xFFFFFE00] =	vst v37  }
0x5e1: {  	v47 =	vadd.s32 v1, v49;
	v53 =	vld.idx.msk [tilespmem:v57+s3+$0x0], $0xffff;
	v6 =	vadd.f32 v6, v43;
	[tilespmem:s1+$0x310] =	vst v45  }
0x5e2: {  	[tilespmem:s9+$0xFFFFFCA0] =	vst v62;
	v62 =	vmul.f32 v50, v23;
	v45 =	vld.idx.msk [tilespmem:v48+s3+$0x0], $0xffff;
	v36 =	vadd.f32 v36, v63  }
0x5e3: {  	v56 =	vperm.xlane v33, v10;
	v0 =	vld.idx.msk [tilespmem:v0+s3+$0x0], $0xffff;
	v63 =	vmul.f32 v54, v21;
	[tilespmem:s18+$0x1B0] =	vst v6  }
0x5e4: {  	v48 =	vadd.s32 v4, v40;
	v6 =	vld.idx.msk [tilespmem:v44+s3+$0x0], $0xffff;
	v43 =	vadd.f32 v39, v62;
	[tilespmem:s19+$0x90] =	vst v36  }
0x5e5: {  	v37 =	vperm.xlane v24, v60;
	v60 =	vmul.f32 v55, v22;
	v36 =	vld.idx.msk [tilespmem:v61+s3+$0x0], $0xffff;
	v61 =	vadd.s32 v5, v51  }
0x5e6: {  	v59 =	vmul.f32 v38, v22;
	v62 =	vadd.s32 v1, v56;
	v44 =	vadd.f32 v53, v63;
	[tilespmem:s20+$0xFFFFFF30] =	vst v43  }
0x5e7: {  	v2 =	vadd.s32 v5, v2;
	v63 =	vmul.f32 v41, v20;
	v43 =	vld.idx.msk [tilespmem:v47+s3+$0x0], $0xffff;
	v45 =	vadd.f32 v45, v60  }
0x5e8: {  	v51 =	vperm.xlane v28, v14;
	v53 =	vadd.s32 v3, v42;
	v0 =	vadd.f32 v0, v46;
	[tilespmem:s4+$0xFFFFFE10] =	vst v44  }
0x5e9: {  	v57 =	vperm.xlane v32, v10;
	v48 =	vld.idx.msk [tilespmem:v48+s3+$0x0], $0xffff;
	v6 =	vadd.f32 v63, v6;
	[tilespmem:s1+$0x320] =	vst v45  }
0x5ea: {  	[tilespmem:s9+$0xFFFFFCB0] =	vst v0;
	v0 =	vmul.f32 v51, v20;
	v52 =	vld.idx.msk [tilespmem:v61+s3+$0x0], $0xffff;
	v61 =	vadd.s32 v3, v49  }
0x5eb: {  	s10 =	simm.s32 $0x60;
	v39 =	vperm.xlane v26, v17;
	v46 =	vadd.s32 v4, v42;
	v60 =	vld.idx.msk [tilespmem:v62+s3+$0x0], $0xffff;
	v62 =	vadd.f32 v36, v59  }
0x5ec: {  	v44 =	vperm.xlane v28, v15;
	v36 =	vperm.xlane v35, v58;
	v35 =	vld [tilespmem:s10+$0x3580];
	[tilespmem:s18+$0x200] =	vst v6;
	v0 =	vadd.f32 v0, v43  }
0x5ed: {  	v58 =	vadd.s32 v5, v40;
	v6 =	vmul.f32 v54, v22;
	v47 =	vld.idx.msk [tilespmem:v53+s3+$0x0], $0xffff;
	[tilespmem:s19+$0xA0] =	vst v62  }
0x5ee: {  	v40 =	vadd.s32 v1, v36;
	v50 =	vld.idx.msk [tilespmem:v2+s3+$0x0], $0xffff;
	v2 =	vmul.f32 v55, v23;
	[tilespmem:s20+$0xFFFFFF80] =	vst v0  }
0x5ef: {  	v63 =	vmul.f32 v57, v20;
	v59 =	vadd.s32 v3, v56;
	v6 =	vadd.f32 v48, v6;
	v55 =	vld.idx.msk [tilespmem:v61+s3+$0x0], $0xffff  }
0x5f0: {  	v45 =	vperm.xlane v27, v17;
	v48 =	vmul.f32 v41, v21;
	v43 =	vadd.f32 v52, v2;
	v61 =	vld [tilespmem:s10+$0x3380]  }
0x5f1: {  	s6 =	simm.s32 $0xE280;
	s8 =	simm.s32 $0x1C0;
	v53 =	vperm.xlane v30, v13;
	v60 =	vadd.f32 v63, v60;
	v52 =	vmul.f32 v38, v23;
	[tilespmem:s4+$0xFFFFFE20] =	vst v6  }
.LBB2_5:
0x5f2: {  	p0 =	sne.s32 s8, $0x3C0;
	v0 =	vld.idx.msk [tilespmem:v58+s3+$0x0], $0xffff;
	v2 =	vadd.s32 v1, v45;
	v6 =	vadd.f32 v47, v48;
	[tilespmem:s1+$0x330] =	vst v43;
	v38 =	vmov v29  }
0x5f3: {  	v47 =	vperm.xlane v31, v13;
	v48 =	vmul.f32 v51, v21;
	v29 =	vmov v31;
	[tilespmem:s9+$0xFFFFFD00] =	vst v60;
	v58 =	vld.idx.msk [tilespmem:v40+s3+$0x0], $0xffff  }
0x5f4: {  	v31 =	vmov v33;
	v60 =	vadd.s32 v4, v49;
	v50 =	vadd.f32 v50, v52;
	v59 =	vld.idx.msk [tilespmem:v59+s3+$0x0], $0xffff;
	[tilespmem:s18+$0x210] =	vst v6  }
0x5f5: {  	v43 =	vperm.xlane v35, v8;
	v40 =	vperm.xlane v32, v11;
	v33 =	vshll.u32 v61, $0x6;
	v6 =	vld.idx.msk [tilespmem:v46+s3+$0x0], $0xffff  }
0x5f6: {  	v52 =	vadd.s32 v1, v47;
	v46 =	vmul.f32 v54, v23;
	v54 =	vadd.f32 v55, v48;
	[tilespmem:s19+$0xB0] =	vst v50  }
0x5f7: {  	v48 =	vperm.xlane v33, v8;
	v55 =	vadd.s32 v3, v36;
	v50 =	vmul.f32 v34, v20;
	v2 =	vld.idx.msk [tilespmem:v2+s3+$0x0], $0xffff  }
0x5f8: {  	v62 =	vadd.s32 v4, v56;
	v61 =	vmul.f32 v57, v21;
	v0 =	vadd.f32 v0, v46;
	[tilespmem:s20+$0xFFFFFF90] =	vst v54  }
0x5f9: {  	v46 =	vmul.f32 v41, v22;
	v54 =	vld.idx.msk [tilespmem:v60+s3+$0x0], $0xffff;
	v60 =	vadd.s32 v5, v42;
	v42 =	vadd.f32 v50, v58  }
0x5fa: {  	v50 =	vadd.s32 v1, v48;
	v58 =	vadd.f32 v59, v61;
	[tilespmem:s4+$0xFFFFFE30] =	vst v0;
	v0 =	vmul.f32 v39, v20  }
0x5fb: {  	v19 =	vimm.s32 $0xD;
	v59 =	vadd.s32 v3, v45;
	v6 =	vadd.f32 v6, v46;
	v52 =	vld.idx.msk [tilespmem:v52+s3+$0x0], $0xffff;
	[tilespmem:s1+$0x380] =	vst v42  }
0x5fc: {  	v46 =	vperm.xlane v25, v19;
	[tilespmem:s9+$0xFFFFFD10] =	vst v58;
	v58 =	vmul.f32 v51, v22;
	v55 =	vld.idx.msk [tilespmem:v55+s3+$0x0], $0xffff  }
0x5fd: {  	v49 =	vadd.s32 v5, v49;
	v0 =	vadd.f32 v0, v2;
	v61 =	vld.idx.msk [tilespmem:v62+s3+$0x0], $0xffff;
	[tilespmem:s18+$0x220] =	vst v6  }
0x5fe: {  	v42 =	vperm.xlane v38, v15;
	v2 =	vmul.f32 v53, v20;
	v6 =	vld.idx.msk [tilespmem:v60+s3+$0x0], $0xffff  }
0x5ff: {  	v60 =	vadd.s32 v3, v47;
	v54 =	vadd.f32 v54, v58;
	v50 =	vld.idx.msk [tilespmem:v50+s3+$0x0], $0xffff;
	[tilespmem:s19+$0x100] =	vst v0  }
0x600: {  	v41 =	vmul.f32 v41, v23;
	v58 =	vmul.f32 v34, v21;
	v0 =	vld.idx.msk [tilespmem:v59+s3+$0x0], $0xffff;
	v59 =	vadd.s32 v4, v36  }
0x601: {  	v56 =	vadd.s32 v5, v56;
	v62 =	vmul.f32 v57, v22;
	v2 =	vadd.f32 v2, v52;
	[tilespmem:s20+$0xFFFFFFA0] =	vst v54  }
0x602: {  	v52 =	vmul.f32 v39, v21;
	v54 =	vadd.s32 v1, v46;
	v55 =	vadd.f32 v55, v58;
	v49 =	vld.idx.msk [tilespmem:v49+s3+$0x0], $0xffff  }
0x603: {  	v63 =	vadd.s32 v3, v48;
	v58 =	vmul.f32 v43, v20;
	v61 =	vadd.f32 v61, v62;
	[tilespmem:s4+$0xFFFFFE80] =	vst v2  }
0x604: {  	v6 =	vadd.f32 v6, v41;
	v2 =	vld.idx.msk [tilespmem:v60+s3+$0x0], $0xffff;
	v60 =	vadd.s32 v4, v45;
	[tilespmem:s1+$0x390] =	vst v55  }
0x605: {  	v41 =	vadd.f32 v58, v50;
	v50 =	vmul.f32 v51, v23;
	[tilespmem:s9+$0xFFFFFD20] =	vst v61;
	v51 =	vld.idx.msk [tilespmem:v59+s3+$0x0], $0xffff  }
0x606: {  	s9 =	sadd.s32 $0x800, s9;
	v0 =	vadd.f32 v0, v52;
	v55 =	vld.idx.msk [tilespmem:v56+s3+$0x0], $0xffff;
	v56 =	vadd.s32 v1, v42;
	[tilespmem:s18+$0x230] =	vst v6  }
0x607: {  	v6 =	vmul.f32 v53, v21;
	[tilespmem:s9+$0xFFFFFC00] =	vst v41;
	v41 =	vperm.xlane v31, v11;
	v52 =	vld.idx.msk [tilespmem:v54+s3+$0x0], $0xffff  }
0x608: {  	v58 =	vadd.s32 v4, v47;
	v49 =	vadd.f32 v49, v50;
	v54 =	vld.idx.msk [tilespmem:v63+s3+$0x0], $0xffff;
	[tilespmem:s19+$0x110] =	vst v0  }
0x609: {  	v36 =	vadd.s32 v5, v36;
	v59 =	vmul.f32 v34, v22;
	v50 =	vmul.f32 v37, v20;
	v0 =	vld.idx.msk [tilespmem:v60+s3+$0x0], $0xffff  }
0x60a: {  	v57 =	vmul.f32 v57, v23;
	v60 =	vadd.s32 v1, v41;
	v2 =	vadd.f32 v2, v6;
	[tilespmem:s20+$0xFFFFFFB0] =	vst v49  }
0x60b: {  	v49 =	vmul.f32 v39, v22;
	v51 =	vadd.f32 v51, v59;
	v6 =	vld.idx.msk [tilespmem:v56+s3+$0x0], $0xffff;
	v56 =	vadd.s32 v3, v46  }
0x60c: {  	v61 =	vadd.s32 v4, v48;
	v59 =	vmul.f32 v43, v21;
	v55 =	vadd.f32 v55, v57;
	[tilespmem:s4+$0xFFFFFE90] =	vst v2  }
0x60d: {  	v45 =	vadd.s32 v5, v45;
	v50 =	vadd.f32 v50, v52;
	v2 =	vld.idx.msk [tilespmem:v58+s3+$0x0], $0xffff;
	[tilespmem:s1+$0x3A0] =	vst v51  }
0x60e: {  	v52 =	vmul.f32 v44, v20;
	v51 =	vadd.f32 v54, v59;
	[tilespmem:s6+$0xFFFFFD30] =	vst v55;
	v54 =	vld.idx.msk [tilespmem:v36+s3+$0x0], $0xffff  }
0x60f: {  	v57 =	vadd.s32 v3, v42;
	v0 =	vadd.f32 v0, v49;
	v55 =	vld.idx.msk [tilespmem:v60+s3+$0x0], $0xffff;
	[tilespmem:s18+$0x280] =	vst v50  }
0x610: {  	v49 =	vmul.f32 v53, v22;
	v36 =	vperm.xlane v27, v18;
	[tilespmem:s9+$0xFFFFFC10] =	vst v51;
	v50 =	vld.idx.msk [tilespmem:v56+s3+$0x0], $0xffff  }
0x611: {  	v47 =	vadd.s32 v5, v47;
	v6 =	vadd.f32 v52, v6;
	v51 =	vld.idx.msk [tilespmem:v61+s3+$0x0], $0xffff;
	[tilespmem:s19+$0x120] =	vst v0  }
0x612: {  	v34 =	vmul.f32 v34, v23;
	v0 =	vld.idx.msk [tilespmem:v45+s3+$0x0], $0xffff;
	v45 =	vmul.f32 v37, v21  }
0x613: {  	v52 =	vmul.f32 v40, v20;
	v56 =	vadd.s32 v3, v41;
	v2 =	vadd.f32 v2, v49;
	[tilespmem:s20+$0x0] =	vst v6  }
0x614: {  	v39 =	vmul.f32 v39, v23;
	v49 =	vadd.s32 v4, v46;
	v34 =	vadd.f32 v54, v34;
	v6 =	vld.idx.msk [tilespmem:v57+s3+$0x0], $0xffff  }
0x615: {  	v48 =	vadd.s32 v5, v48;
	v54 =	vmul.f32 v43, v22;
	v52 =	vadd.f32 v52, v55;
	[tilespmem:s4+$0xFFFFFEA0] =	vst v2  }
0x616: {  	v45 =	vadd.f32 v50, v45;
	v2 =	vld.idx.msk [tilespmem:v47+s3+$0x0], $0xffff;
	v47 =	vadd.s32 v1, v36;
	[tilespmem:s1+$0x3B0] =	vst v34;
	s1 =	smov.u32 s18;
	s18 =	smov.u32 s19;
	s19 =	smov.u32 s20  }
0x617: {  	v50 =	vadd.f32 v51, v54;
	v34 =	vperm.xlane v29, v7;
	v51 =	vmul.f32 v44, v21;
	s20 =	smov.u32 s4;
	s4 =	smov.u32 s6;
	[tilespmem:s6+$0xFFFFFD80] =	vst v52;
	s6 =	smov.u32 s9  }
0x618: {  	v54 =	vadd.s32 v4, v42;
	v0 =	vadd.f32 v0, v39;
	v52 =	vld.idx.msk [tilespmem:v56+s3+$0x0], $0xffff;
	[tilespmem:s1+$0x290] =	vst v45  }
0x619: {  	v45 =	vmul.f32 v53, v23;
	[tilespmem:s9+$0xFFFFFC20] =	vst v50;
	v50 =	vld.idx.msk [tilespmem:v49+s3+$0x0], $0xffff  }
0x61a: {  	v53 =	vadd.s32 v1, v34;
	v6 =	vadd.f32 v6, v51;
	v48 =	vld.idx.msk [tilespmem:v48+s3+$0x0], $0xffff;
	[tilespmem:s18+$0x130] =	vst v0  }
0x61b: {  	v39 =	vperm.xlane v33, v9;
	v0 =	vld.idx.msk [tilespmem:v47+s3+$0x0], $0xffff  }
0x61c: {  	v51 =	vadd.s32 v4, v41;
	v47 =	vmul.f32 v40, v21;
	v2 =	vadd.f32 v2, v45;
	[tilespmem:s19+$0x10] =	vst v6  }
0x61d: {  	v46 =	vadd.s32 v5, v46;
	v49 =	vperm.xlane v26, v18;
	v45 =	vmul.f32 v37, v22;
	v6 =	vld.idx.msk [tilespmem:v54+s3+$0x0], $0xffff  }
0x61e: {  	v43 =	vmul.f32 v43, v23;
	v54 =	vadd.s32 v1, v39;
	v47 =	vadd.f32 v52, v47;
	[tilespmem:s20+$0xFFFFFEB0] =	vst v2  }
0x61f: {  	v52 =	vmul.f32 v49, v20;
	v45 =	vadd.f32 v50, v45;
	v2 =	vld.idx.msk [tilespmem:v53+s3+$0x0], $0xffff;
	v53 =	vadd.s32 v3, v36  }
0x620: {  	v50 =	vperm.xlane v30, v7;
	v43 =	vadd.f32 v48, v43;
	[tilespmem:s4+$0xFFFFFD90] =	vst v47;
	v47 =	vmul.f32 v44, v22  }
0x621: {  	v42 =	vadd.s32 v5, v42;
	v0 =	vadd.f32 v52, v0;
	v51 =	vld.idx.msk [tilespmem:v51+s3+$0x0], $0xffff;
	[tilespmem:s1+$0x2A0] =	vst v45  }
0x622: {  	[tilespmem:s9+$0xFFFFFC30] =	vst v43;
	v43 =	vmul.f32 v50, v20;
	v45 =	vld.idx.msk [tilespmem:v46+s3+$0x0], $0xffff  }
0x623: {  	v56 =	vimm.s32 $0xE;
	v52 =	vadd.s32 v3, v34;
	v6 =	vadd.f32 v6, v47;
	v46 =	vld.idx.msk [tilespmem:v54+s3+$0x0], $0xffff;
	[tilespmem:s18+$0x180] =	vst v0  }
0x624: {  	v48 =	vperm.xlane v25, v56;
	v47 =	vperm.xlane v35, v9;
	v0 =	vld.idx.msk [tilespmem:v53+s3+$0x0], $0xffff  }
0x625: {  	v41 =	vadd.s32 v5, v41;
	v53 =	vmul.f32 v40, v22;
	v2 =	vadd.f32 v43, v2;
	[tilespmem:s19+$0x20] =	vst v6  }
0x626: {  	v37 =	vmul.f32 v37, v23;
	v43 =	vperm.xlane v38, v16;
	v6 =	vld.idx.msk [tilespmem:v42+s3+$0x0], $0xffff;
	v42 =	vadd.s32 v1, v48  }
0x627: {  	v55 =	vadd.s32 v3, v39;
	v54 =	vmul.f32 v47, v20;
	v51 =	vadd.f32 v51, v53;
	[tilespmem:s20+$0xFFFFFF00] =	vst v2  }
0x628: {  	v53 =	vadd.s32 v4, v36;
	v37 =	vadd.f32 v45, v37;
	v2 =	vld.idx.msk [tilespmem:v52+s3+$0x0], $0xffff;
	v52 =	vmul.f32 v49, v21  }
0x629: {  	v44 =	vmul.f32 v44, v23;
	v45 =	vadd.f32 v54, v46;
	[tilespmem:s4+$0xFFFFFDA0] =	vst v51  }
0x62a: {  	v51 =	vadd.s32 v1, v43;
	v41 =	vld.idx.msk [tilespmem:v41+s3+$0x0], $0xffff;
	v0 =	vadd.f32 v0, v52;
	[tilespmem:s1+$0x2B0] =	vst v37  }
0x62b: {  	v37 =	vmul.f32 v50, v21;
	[tilespmem:s9+$0xFFFFFC80] =	vst v45;
	v45 =	vperm.xlane v31, v12;
	v42 =	vld.idx.msk [tilespmem:v42+s3+$0x0], $0xffff  }
0x62c: {  	v6 =	vadd.f32 v6, v44;
	v54 =	vld.idx.msk [tilespmem:v55+s3+$0x0], $0xffff;
	v55 =	vadd.s32 v4, v34;
	[tilespmem:s18+$0x190] =	vst v0  }
0x62d: {  	v46 =	vperm.xlane v24, v56;
	v0 =	vld.idx.msk [tilespmem:v53+s3+$0x0], $0xffff  }
0x62e: {  	v40 =	vmul.f32 v40, v23;
	v44 =	vadd.s32 v1, v45;
	v2 =	vadd.f32 v2, v37;
	[tilespmem:s19+$0x30] =	vst v6  }
0x62f: {  	v52 =	vperm.xlane v28, v16;
	v37 =	vmul.f32 v46, v20;
	v6 =	vld.idx.msk [tilespmem:v51+s3+$0x0], $0xffff;
	v51 =	vadd.s32 v3, v48  }
0x630: {  	v56 =	vadd.s32 v4, v39;
	v53 =	vmul.f32 v47, v21;
	v40 =	vadd.f32 v41, v40;
	[tilespmem:s20+$0xFFFFFF10] =	vst v2  }
0x631: {  	v36 =	vadd.s32 v5, v36;
	v41 =	vmul.f32 v49, v22;
	v37 =	vadd.f32 v37, v42;
	v2 =	vld.idx.msk [tilespmem:v55+s3+$0x0], $0xffff  }
0x632: {  	v42 =	vadd.f32 v54, v53;
	[tilespmem:s4+$0xFFFFFDB0] =	vst v40;
	v40 =	vmul.f32 v52, v20  }
0x633: {  	v53 =	vadd.s32 v3, v43;
	v0 =	vadd.f32 v0, v41;
	v44 =	vld.idx.msk [tilespmem:v44+s3+$0x0], $0xffff;
	[tilespmem:s1+$0x300] =	vst v37  }
0x634: {  	v59 =	vimm.s32 $0xF;
	v54 =	vperm.xlane v32, v12;
	v37 =	vmul.f32 v50, v22;
	[tilespmem:s9+$0xFFFFFC90] =	vst v42;
	v41 =	vld.idx.msk [tilespmem:v51+s3+$0x0], $0xffff  }
0x635: {  	v57 =	vimm.s32 $0xC;
	v55 =	vadd.s32 v5, v34;
	v6 =	vadd.f32 v40, v6;
	v51 =	vld.idx.msk [tilespmem:v56+s3+$0x0], $0xffff;
	[tilespmem:s18+$0x1A0] =	vst v0  }
0x636: {  	v34 =	vperm.xlane v24, v59;
	v24 =	vmovc v26;
	v26 =	vmovc v28;
	v28 =	vmov v30;
	v30 =	vmov v32;
	v0 =	vld.idx.msk [tilespmem:v36+s3+$0x0], $0xffff  }
0x637: {  	v32 =	vmul.f32 v54, v20;
	v36 =	vadd.s32 v3, v45;
	v2 =	vadd.f32 v2, v37;
	[tilespmem:s19+$0x80] =	vst v6  }
0x638: {  	v42 =	vperm.xlane v27, v57;
	v40 =	vadd.s32 v4, v48;
	v37 =	vmul.f32 v46, v21;
	v6 =	vld.idx.msk [tilespmem:v53+s3+$0x0], $0xffff  }
0x639: {  	v39 =	vadd.s32 v5, v39;
	v53 =	vmul.f32 v47, v22;
	v56 =	vadd.f32 v32, v44;
	[tilespmem:s20+$0xFFFFFF20] =	vst v2  }
0x63a: {  	v44 =	vmul.f32 v49, v23;
	v37 =	vadd.f32 v41, v37;
	v2 =	vld.idx.msk [tilespmem:v55+s3+$0x0], $0xffff;
	v55 =	vadd.s32 v1, v42  }
0x63b: {  	v49 =	vperm.xlane v29, v14;
	v41 =	vadd.f32 v51, v53;
	v51 =	vmul.f32 v52, v21;
	[tilespmem:s4+$0xFFFFFE00] =	vst v56  }
0x63c: {  	v32 =	vmov v35;
	v53 =	vadd.s32 v4, v43;
	v0 =	vadd.f32 v0, v44;
	v36 =	vld.idx.msk [tilespmem:v36+s3+$0x0], $0xffff;
	[tilespmem:s1+$0x310] =	vst v37  }
0x63d: {  	v35 =	vmul.f32 v50, v23;
	v37 =	vperm.xlane v24, v19;
	[tilespmem:s9+$0xFFFFFCA0] =	vst v41;
	v40 =	vld.idx.msk [tilespmem:v40+s3+$0x0], $0xffff  }
0x63e: {  	v50 =	vadd.s32 v1, v49;
	v6 =	vadd.f32 v6, v51;
	v44 =	vld.idx.msk [tilespmem:v39+s3+$0x0], $0xffff;
	[tilespmem:s18+$0x1B0] =	vst v0  }
0x63f: {  	v56 =	vperm.xlane v33, v10;
	v41 =	vperm.xlane v24, v57;
	v0 =	vld.idx.msk [tilespmem:v55+s3+$0x0], $0xffff  }
0x640: {  	v51 =	vmul.f32 v54, v21;
	v55 =	vadd.s32 v4, v45;
	v2 =	vadd.f32 v2, v35;
	[tilespmem:s19+$0x90] =	vst v6  }
0x641: {  	v48 =	vadd.s32 v5, v48;
	v39 =	vperm.xlane v26, v17;
	v35 =	vmul.f32 v46, v22;
	v6 =	vld.idx.msk [tilespmem:v53+s3+$0x0], $0xffff  }
0x642: {  	v47 =	vmul.f32 v47, v23;
	v53 =	vadd.s32 v1, v56;
	v36 =	vadd.f32 v36, v51;
	[tilespmem:s20+$0xFFFFFF30] =	vst v2  }
0x643: {  	v58 =	vadd.s32 v3, v42;
	v35 =	vadd.f32 v40, v35;
	v2 =	vld.idx.msk [tilespmem:v50+s3+$0x0], $0xffff;
	v50 =	vmul.f32 v41, v20  }
0x644: {  	v51 =	vperm.xlane v28, v14;
	v40 =	vadd.f32 v44, v47;
	[tilespmem:s4+$0xFFFFFE10] =	vst v36;
	v36 =	vmul.f32 v52, v22  }
0x645: {  	v43 =	vadd.s32 v5, v43;
	v55 =	vld.idx.msk [tilespmem:v55+s3+$0x0], $0xffff;
	v0 =	vadd.f32 v50, v0;
	[tilespmem:s1+$0x320] =	vst v35  }
0x646: {  	v44 =	vperm.xlane v28, v15;
	[tilespmem:s9+$0xFFFFFCB0] =	vst v40;
	v40 =	vmul.f32 v51, v20;
	v60 =	vld.idx.msk [tilespmem:v48+s3+$0x0], $0xffff  }
0x647: {  	v48 =	vadd.s32 v3, v49;
	v6 =	vadd.f32 v6, v36;
	v53 =	vld.idx.msk [tilespmem:v53+s3+$0x0], $0xffff;
	[tilespmem:s18+$0x200] =	vst v0  }
0x648: {  	s10 =	sshra.s32 s8, $0x2;
	v57 =	vperm.xlane v32, v10;
	v36 =	vperm.xlane v25, v59;
	v25 =	vmovc v27;
	v27 =	vmov v38;
	v47 =	vld.idx.msk [tilespmem:v58+s3+$0x0], $0xffff  }
.Ltmp3:
0x649: {  	v0 =	vmul.f32 v54, v22;
	v58 =	vadd.s32 v5, v45;
	v2 =	vadd.f32 v40, v2;
	v35 =	vld [tilespmem:s10+$0x3580];
	[tilespmem:s19+$0xA0] =	vst v6;
	(pc) =	sbr.rel @p0 .LBB2_5-.Ltmp3, $4  }
0x64a: {  	v45 =	vperm.xlane v27, v17;
	v40 =	vadd.s32 v1, v36;
	v6 =	vmul.f32 v46, v23;
	v50 =	vld.idx.msk [tilespmem:v43+s3+$0x0], $0xffff  }
0x64b: {  	v38 =	vmul.f32 v57, v20;
	v59 =	vadd.s32 v3, v56;
	v0 =	vadd.f32 v55, v0;
	v61 =	vld [tilespmem:s10+$0x3380];
	[tilespmem:s20+$0xFFFFFF80] =	vst v2  }
0x64c: {  	v46 =	vadd.s32 v4, v42;
	v43 =	vadd.f32 v60, v6;
	v55 =	vld.idx.msk [tilespmem:v48+s3+$0x0], $0xffff;
	v48 =	vmul.f32 v41, v21  }
0x64d: {  	s8 =	sadd.s32 $0x40, s8;
	v52 =	vmul.f32 v52, v23;
	v60 =	vadd.f32 v38, v53;
	v53 =	vperm.xlane v30, v13;
	[tilespmem:s4+$0xFFFFFE20] =	vst v0  }
0x64e: {  	_ =	sdelay $0x1  }
0x64f: {  	v38 =	vshll.u32 v61, $0x6  }
0x650: {  	v0 =	vperm.xlane v38, v8;
	_ =	sdelay $0x1  }
0x651: {  	v2 =	vadd.s32 v1, v0;
	_ =	sdelay $0x4  }
0x652: {  	v2 =	vld.idx.msk [tilespmem:v2+s3+$0x0], $0xffff  }
0x653: {  	v6 =	vperm.xlane v35, v8;
	_ =	sdelay $0x1  }
0x654: {  	v61 =	vmul.f32 v6, v20;
	v62 =	vadd.s32 v3, v0;
	_ =	sdelay $0x1  }
0x655: {  	v2 =	vadd.f32 v61, v2  }
0x656: {  	s8 =	sadd.s32 $0x800, s9  }
0x657: {  	[tilespmem:s8+$0xFFFFFC00] =	vst v2  }
0x658: {  	v2 =	vld.idx.msk [tilespmem:v62+s3+$0x0], $0xffff;
	_ =	sdelay $0x2  }
0x659: {  	v61 =	vmul.f32 v6, v21;
	v62 =	vadd.s32 v4, v0;
	_ =	sdelay $0x1  }
0x65a: {  	v2 =	vadd.f32 v2, v61;
	_ =	sdelay $0x1  }
0x65b: {  	[tilespmem:s8+$0xFFFFFC10] =	vst v2  }
0x65c: {  	v2 =	vld.idx.msk [tilespmem:v62+s3+$0x0], $0xffff;
	_ =	sdelay $0x2  }
0x65d: {  	v0 =	vadd.s32 v5, v0;
	v61 =	vmul.f32 v6, v22;
	_ =	sdelay $0x1  }
0x65e: {  	v2 =	vadd.f32 v2, v61;
	_ =	sdelay $0x1  }
0x65f: {  	[tilespmem:s8+$0xFFFFFC20] =	vst v2  }
0x660: {  	v0 =	vld.idx.msk [tilespmem:v0+s3+$0x0], $0xffff  }
0x661: {  	v2 =	vperm.xlane v38, v9;
	_ =	sdelay $0x1  }
0x662: {  	v6 =	vmul.f32 v6, v23;
	v61 =	vadd.s32 v1, v2;
	_ =	sdelay $0x1  }
0x663: {  	v0 =	vadd.f32 v0, v6;
	_ =	sdelay $0x1  }
0x664: {  	[tilespmem:s8+$0xFFFFFC30] =	vst v0  }
0x665: {  	v0 =	vld.idx.msk [tilespmem:v61+s3+$0x0], $0xffff  }
0x666: {  	v6 =	vperm.xlane v35, v9;
	_ =	sdelay $0x1  }
0x667: {  	v62 =	vadd.s32 v3, v2;
	v61 =	vmul.f32 v6, v20;
	_ =	sdelay $0x1  }
0x668: {  	v0 =	vadd.f32 v61, v0;
	_ =	sdelay $0x1  }
0x669: {  	[tilespmem:s8+$0xFFFFFC80] =	vst v0  }
0x66a: {  	v0 =	vld.idx.msk [tilespmem:v62+s3+$0x0], $0xffff;
	_ =	sdelay $0x2  }
0x66b: {  	v61 =	vmul.f32 v6, v21;
	v62 =	vadd.s32 v4, v2;
	_ =	sdelay $0x1  }
0x66c: {  	v0 =	vadd.f32 v0, v61;
	_ =	sdelay $0x1  }
0x66d: {  	[tilespmem:s8+$0xFFFFFC90] =	vst v0  }
0x66e: {  	v0 =	vld.idx.msk [tilespmem:v62+s3+$0x0], $0xffff;
	_ =	sdelay $0x2  }
0x66f: {  	v2 =	vadd.s32 v5, v2;
	v61 =	vmul.f32 v6, v22;
	_ =	sdelay $0x1  }
0x670: {  	v0 =	vadd.f32 v0, v61;
	_ =	sdelay $0x1  }
0x671: {  	[tilespmem:s8+$0xFFFFFCA0] =	vst v0  }
0x672: {  	v0 =	vld.idx.msk [tilespmem:v2+s3+$0x0], $0xffff  }
0x673: {  	v2 =	vperm.xlane v38, v10;
	_ =	sdelay $0x1  }
0x674: {  	v6 =	vmul.f32 v6, v23;
	v61 =	vadd.s32 v1, v2;
	_ =	sdelay $0x1  }
0x675: {  	v0 =	vadd.f32 v0, v6;
	_ =	sdelay $0x1  }
0x676: {  	[tilespmem:s8+$0xFFFFFCB0] =	vst v0  }
0x677: {  	v0 =	vld.idx.msk [tilespmem:v61+s3+$0x0], $0xffff  }
0x678: {  	v6 =	vperm.xlane v35, v10;
	_ =	sdelay $0x1  }
0x679: {  	v62 =	vadd.s32 v3, v2;
	v61 =	vmul.f32 v6, v20;
	_ =	sdelay $0x1  }
0x67a: {  	v0 =	vadd.f32 v61, v0  }
0x67b: {  	[tilespmem:s9+$0xFFFFFD00] =	vst v60  }
0x67c: {  	v59 =	vld.idx.msk [tilespmem:v59+s3+$0x0], $0xffff;
	[tilespmem:s8+$0xFFFFFD00] =	vst v0  }
0x67d: {  	v0 =	vld.idx.msk [tilespmem:v62+s3+$0x0], $0xffff;
	_ =	sdelay $0x1  }
0x67e: {  	v60 =	vmul.f32 v57, v21;
	v61 =	vadd.s32 v4, v56  }
0x67f: {  	v63 =	vadd.s32 v4, v2;
	v62 =	vmul.f32 v6, v21  }
0x680: {  	v59 =	vadd.f32 v59, v60  }
0x681: {  	v0 =	vadd.f32 v0, v62  }
0x682: {  	[tilespmem:s9+$0xFFFFFD10] =	vst v59  }
0x683: {  	v59 =	vld.idx.msk [tilespmem:v61+s3+$0x0], $0xffff;
	[tilespmem:s8+$0xFFFFFD10] =	vst v0  }
0x684: {  	v0 =	vld.idx.msk [tilespmem:v63+s3+$0x0], $0xffff;
	_ =	sdelay $0x1  }
0x685: {  	v60 =	vmul.f32 v57, v22;
	v56 =	vadd.s32 v5, v56  }
0x686: {  	v2 =	vadd.s32 v5, v2;
	v61 =	vmul.f32 v6, v22  }
0x687: {  	v59 =	vadd.f32 v59, v60  }
0x688: {  	v0 =	vadd.f32 v0, v61  }
0x689: {  	[tilespmem:s9+$0xFFFFFD20] =	vst v59  }
0x68a: {  	v56 =	vld.idx.msk [tilespmem:v56+s3+$0x0], $0xffff;
	[tilespmem:s8+$0xFFFFFD20] =	vst v0  }
0x68b: {  	v0 =	vperm.xlane v33, v11;
	v2 =	vld.idx.msk [tilespmem:v2+s3+$0x0], $0xffff  }
0x68c: {  	v59 =	vperm.xlane v38, v11  }
0x68d: {  	v57 =	vmul.f32 v57, v23;
	v60 =	vadd.s32 v1, v0  }
0x68e: {  	v6 =	vmul.f32 v6, v23;
	v61 =	vadd.s32 v1, v59  }
0x68f: {  	v56 =	vadd.f32 v56, v57  }
0x690: {  	v2 =	vadd.f32 v2, v6  }
0x691: {  	[tilespmem:s6+$0xFFFFFD30] =	vst v56  }
0x692: {  	v6 =	vld.idx.msk [tilespmem:v60+s3+$0x0], $0xffff;
	[tilespmem:s8+$0xFFFFFD30] =	vst v2  }
0x693: {  	v2 =	vperm.xlane v32, v11;
	v56 =	vld.idx.msk [tilespmem:v61+s3+$0x0], $0xffff  }
0x694: {  	v57 =	vperm.xlane v35, v11  }
0x695: {  	v61 =	vadd.s32 v3, v0;
	v60 =	vmul.f32 v2, v20  }
0x696: {  	v63 =	vadd.s32 v3, v59;
	v62 =	vmul.f32 v57, v20  }
0x697: {  	v6 =	vadd.f32 v60, v6  }
0x698: {  	v56 =	vadd.f32 v62, v56  }
0x699: {  	[tilespmem:s6+$0xFFFFFD80] =	vst v6  }
0x69a: {  	v6 =	vld.idx.msk [tilespmem:v61+s3+$0x0], $0xffff;
	[tilespmem:s8+$0xFFFFFD80] =	vst v56  }
0x69b: {  	v56 =	vld.idx.msk [tilespmem:v63+s3+$0x0], $0xffff;
	_ =	sdelay $0x1  }
0x69c: {  	v60 =	vmul.f32 v2, v21;
	v61 =	vadd.s32 v4, v0  }
0x69d: {  	v62 =	vmul.f32 v57, v21;
	v63 =	vadd.s32 v4, v59  }
0x69e: {  	v6 =	vadd.f32 v6, v60  }
0x69f: {  	v56 =	vadd.f32 v56, v62  }
0x6a0: {  	[tilespmem:s6+$0xFFFFFD90] =	vst v6  }
0x6a1: {  	v6 =	vld.idx.msk [tilespmem:v61+s3+$0x0], $0xffff;
	[tilespmem:s8+$0xFFFFFD90] =	vst v56  }
0x6a2: {  	v56 =	vld.idx.msk [tilespmem:v63+s3+$0x0], $0xffff;
	_ =	sdelay $0x1  }
0x6a3: {  	v0 =	vadd.s32 v5, v0;
	v60 =	vmul.f32 v2, v22  }
0x6a4: {  	v59 =	vadd.s32 v5, v59;
	v61 =	vmul.f32 v57, v22  }
0x6a5: {  	v6 =	vadd.f32 v6, v60  }
0x6a6: {  	v56 =	vadd.f32 v56, v61  }
0x6a7: {  	[tilespmem:s6+$0xFFFFFDA0] =	vst v6  }
0x6a8: {  	v0 =	vld.idx.msk [tilespmem:v0+s3+$0x0], $0xffff;
	[tilespmem:s8+$0xFFFFFDA0] =	vst v56  }
0x6a9: {  	v6 =	vperm.xlane v33, v12;
	v56 =	vld.idx.msk [tilespmem:v59+s3+$0x0], $0xffff  }
0x6aa: {  	v59 =	vperm.xlane v38, v12  }
0x6ab: {  	v2 =	vmul.f32 v2, v23;
	v60 =	vadd.s32 v1, v6  }
0x6ac: {  	v57 =	vmul.f32 v57, v23;
	v61 =	vadd.s32 v1, v59  }
0x6ad: {  	v0 =	vadd.f32 v0, v2  }
0x6ae: {  	v2 =	vadd.f32 v56, v57  }
0x6af: {  	[tilespmem:s6+$0xFFFFFDB0] =	vst v0  }
0x6b0: {  	v0 =	vld.idx.msk [tilespmem:v60+s3+$0x0], $0xffff;
	[tilespmem:s8+$0xFFFFFDB0] =	vst v2  }
0x6b1: {  	v2 =	vperm.xlane v32, v12;
	v56 =	vld.idx.msk [tilespmem:v61+s3+$0x0], $0xffff  }
0x6b2: {  	v57 =	vperm.xlane v35, v12  }
0x6b3: {  	v61 =	vadd.s32 v3, v6;
	v60 =	vmul.f32 v2, v20  }
0x6b4: {  	v63 =	vadd.s32 v3, v59;
	v62 =	vmul.f32 v57, v20  }
0x6b5: {  	v0 =	vadd.f32 v60, v0  }
0x6b6: {  	v56 =	vadd.f32 v62, v56  }
0x6b7: {  	[tilespmem:s6+$0xFFFFFE00] =	vst v0  }
0x6b8: {  	v0 =	vld.idx.msk [tilespmem:v61+s3+$0x0], $0xffff;
	[tilespmem:s8+$0xFFFFFE00] =	vst v56  }
0x6b9: {  	v56 =	vld.idx.msk [tilespmem:v63+s3+$0x0], $0xffff;
	_ =	sdelay $0x1  }
0x6ba: {  	v60 =	vmul.f32 v2, v21;
	v61 =	vadd.s32 v4, v6  }
0x6bb: {  	v62 =	vmul.f32 v57, v21;
	v63 =	vadd.s32 v4, v59  }
0x6bc: {  	v0 =	vadd.f32 v0, v60  }
0x6bd: {  	v56 =	vadd.f32 v56, v62  }
0x6be: {  	[tilespmem:s6+$0xFFFFFE10] =	vst v0  }
0x6bf: {  	v0 =	vld.idx.msk [tilespmem:v61+s3+$0x0], $0xffff;
	[tilespmem:s8+$0xFFFFFE10] =	vst v56  }
0x6c0: {  	v56 =	vld.idx.msk [tilespmem:v63+s3+$0x0], $0xffff;
	_ =	sdelay $0x1  }
0x6c1: {  	v6 =	vadd.s32 v5, v6;
	v60 =	vmul.f32 v2, v22  }
0x6c2: {  	v59 =	vadd.s32 v5, v59;
	v61 =	vmul.f32 v57, v22  }
0x6c3: {  	v58 =	vld.idx.msk [tilespmem:v58+s3+$0x0], $0xffff;
	v0 =	vadd.f32 v0, v60  }
0x6c4: {  	v60 =	vperm.xlane v31, v13;
	v56 =	vadd.f32 v56, v61  }
0x6c5: {  	[tilespmem:s6+$0xFFFFFE20] =	vst v0  }
0x6c6: {  	v0 =	vmul.f32 v54, v23;
	v54 =	vadd.s32 v1, v60;
	v6 =	vld.idx.msk [tilespmem:v6+s3+$0x0], $0xffff;
	[tilespmem:s8+$0xFFFFFE20] =	vst v56  }
0x6c7: {  	v56 =	vperm.xlane v33, v13;
	v59 =	vld.idx.msk [tilespmem:v59+s3+$0x0], $0xffff  }
0x6c8: {  	v0 =	vadd.f32 v58, v0;
	v58 =	vperm.xlane v38, v13  }
0x6c9: {  	v2 =	vmul.f32 v2, v23;
	v61 =	vadd.s32 v1, v56  }
0x6ca: {  	[tilespmem:s4+$0xFFFFFE30] =	vst v0;
	v0 =	vmul.f32 v57, v23;
	v63 =	vadd.s32 v1, v58  }
0x6cb: {  	v54 =	vld.idx.msk [tilespmem:v54+s3+$0x0], $0xffff;
	v2 =	vadd.f32 v6, v2  }
0x6cc: {  	v0 =	vadd.f32 v59, v0  }
0x6cd: {  	[tilespmem:s6+$0xFFFFFE30] =	vst v2  }
0x6ce: {  	v6 =	vadd.s32 v3, v60;
	v2 =	vmul.f32 v53, v20;
	v59 =	vld.idx.msk [tilespmem:v61+s3+$0x0], $0xffff;
	[tilespmem:s8+$0xFFFFFE30] =	vst v0  }
0x6cf: {  	v0 =	vperm.xlane v32, v13;
	v57 =	vld.idx.msk [tilespmem:v63+s3+$0x0], $0xffff  }
0x6d0: {  	v2 =	vadd.f32 v2, v54;
	v54 =	vperm.xlane v35, v13  }
0x6d1: {  	v62 =	vadd.s32 v3, v56;
	v61 =	vmul.f32 v0, v20  }
0x6d2: {  	v63 =	vadd.s32 v3, v58;
	[tilespmem:s4+$0xFFFFFE80] =	vst v2;
	v2 =	vmul.f32 v54, v20  }
0x6d3: {  	v6 =	vld.idx.msk [tilespmem:v6+s3+$0x0], $0xffff;
	v59 =	vadd.f32 v61, v59  }
0x6d4: {  	v2 =	vadd.f32 v2, v57  }
0x6d5: {  	[tilespmem:s6+$0xFFFFFE80] =	vst v59  }
0x6d6: {  	v57 =	vmul.f32 v53, v21;
	v59 =	vadd.s32 v4, v60;
	v61 =	vld.idx.msk [tilespmem:v62+s3+$0x0], $0xffff;
	[tilespmem:s8+$0xFFFFFE80] =	vst v2  }
0x6d7: {  	v2 =	vld.idx.msk [tilespmem:v63+s3+$0x0], $0xffff  }
0x6d8: {  	v6 =	vadd.f32 v6, v57  }
0x6d9: {  	v62 =	vadd.s32 v4, v56;
	v57 =	vmul.f32 v0, v21  }
0x6da: {  	v63 =	vadd.s32 v4, v58;
	[tilespmem:s4+$0xFFFFFE90] =	vst v6;
	v6 =	vmul.f32 v54, v21  }
0x6db: {  	v59 =	vld.idx.msk [tilespmem:v59+s3+$0x0], $0xffff;
	v57 =	vadd.f32 v61, v57  }
0x6dc: {  	v2 =	vadd.f32 v2, v6  }
0x6dd: {  	[tilespmem:s6+$0xFFFFFE90] =	vst v57  }
0x6de: {  	v6 =	vmul.f32 v53, v22;
	v57 =	vadd.s32 v5, v60;
	v60 =	vld.idx.msk [tilespmem:v62+s3+$0x0], $0xffff;
	[tilespmem:s8+$0xFFFFFE90] =	vst v2  }
0x6df: {  	v2 =	vld.idx.msk [tilespmem:v63+s3+$0x0], $0xffff  }
0x6e0: {  	v6 =	vadd.f32 v59, v6  }
0x6e1: {  	v56 =	vadd.s32 v5, v56;
	v61 =	vmul.f32 v0, v22  }
0x6e2: {  	v58 =	vadd.s32 v5, v58;
	[tilespmem:s4+$0xFFFFFEA0] =	vst v6;
	v6 =	vmul.f32 v54, v22  }
0x6e3: {  	v57 =	vld.idx.msk [tilespmem:v57+s3+$0x0], $0xffff;
	v59 =	vadd.f32 v60, v61  }
0x6e4: {  	v60 =	vperm.xlane v31, v7;
	v2 =	vadd.f32 v2, v6  }
0x6e5: {  	[tilespmem:s6+$0xFFFFFEA0] =	vst v59  }
0x6e6: {  	v6 =	vmul.f32 v53, v23;
	v62 =	vadd.s32 v1, v60;
	v56 =	vld.idx.msk [tilespmem:v56+s3+$0x0], $0xffff;
	[tilespmem:s8+$0xFFFFFEA0] =	vst v2  }
0x6e7: {  	v2 =	vperm.xlane v33, v7;
	v58 =	vld.idx.msk [tilespmem:v58+s3+$0x0], $0xffff  }
0x6e8: {  	v6 =	vadd.f32 v57, v6;
	v57 =	vperm.xlane v38, v7  }
0x6e9: {  	v0 =	vmul.f32 v0, v23;
	v63 =	vadd.s32 v1, v2  }
0x6ea: {  	[tilespmem:s4+$0xFFFFFEB0] =	vst v6;
	v6 =	vmul.f32 v54, v23;
	v61 =	vadd.s32 v1, v57  }
0x6eb: {  	v53 =	vld.idx.msk [tilespmem:v62+s3+$0x0], $0xffff;
	v0 =	vadd.f32 v56, v0  }
0x6ec: {  	v56 =	vperm.xlane v30, v7;
	v6 =	vadd.f32 v58, v6  }
0x6ed: {  	[tilespmem:s6+$0xFFFFFEB0] =	vst v0  }
0x6ee: {  	v0 =	vmul.f32 v56, v20;
	v58 =	vadd.s32 v3, v60;
	v59 =	vld.idx.msk [tilespmem:v63+s3+$0x0], $0xffff;
	[tilespmem:s8+$0xFFFFFEB0] =	vst v6  }
0x6ef: {  	v6 =	vperm.xlane v32, v7;
	v54 =	vld.idx.msk [tilespmem:v61+s3+$0x0], $0xffff  }
0x6f0: {  	v0 =	vadd.f32 v0, v53;
	v53 =	vperm.xlane v35, v7  }
0x6f1: {  	v62 =	vadd.s32 v3, v2;
	v61 =	vmul.f32 v6, v20  }
0x6f2: {  	v63 =	vadd.s32 v3, v57;
	[tilespmem:s4+$0xFFFFFF00] =	vst v0;
	v0 =	vmul.f32 v53, v20  }
0x6f3: {  	v58 =	vld.idx.msk [tilespmem:v58+s3+$0x0], $0xffff;
	v59 =	vadd.f32 v61, v59  }
0x6f4: {  	v0 =	vadd.f32 v0, v54  }
0x6f5: {  	[tilespmem:s6+$0xFFFFFF00] =	vst v59  }
0x6f6: {  	v54 =	vmul.f32 v56, v21;
	v59 =	vadd.s32 v4, v60;
	v61 =	vld.idx.msk [tilespmem:v62+s3+$0x0], $0xffff;
	[tilespmem:s8+$0xFFFFFF00] =	vst v0  }
0x6f7: {  	v0 =	vld.idx.msk [tilespmem:v63+s3+$0x0], $0xffff  }
0x6f8: {  	v54 =	vadd.f32 v58, v54  }
0x6f9: {  	v62 =	vadd.s32 v4, v2;
	v58 =	vmul.f32 v6, v21  }
0x6fa: {  	v63 =	vadd.s32 v4, v57;
	[tilespmem:s4+$0xFFFFFF10] =	vst v54;
	v54 =	vmul.f32 v53, v21  }
0x6fb: {  	v59 =	vld.idx.msk [tilespmem:v59+s3+$0x0], $0xffff;
	v58 =	vadd.f32 v61, v58  }
0x6fc: {  	v0 =	vadd.f32 v0, v54  }
0x6fd: {  	[tilespmem:s6+$0xFFFFFF10] =	vst v58  }
0x6fe: {  	v54 =	vmul.f32 v56, v22;
	v58 =	vadd.s32 v5, v60;
	v60 =	vld.idx.msk [tilespmem:v62+s3+$0x0], $0xffff;
	[tilespmem:s8+$0xFFFFFF10] =	vst v0  }
0x6ff: {  	v0 =	vld.idx.msk [tilespmem:v63+s3+$0x0], $0xffff  }
0x700: {  	v54 =	vadd.f32 v59, v54  }
0x701: {  	v2 =	vadd.s32 v5, v2;
	v62 =	vmul.f32 v6, v22  }
0x702: {  	v57 =	vadd.s32 v5, v57;
	[tilespmem:s4+$0xFFFFFF20] =	vst v54;
	v54 =	vmul.f32 v53, v22  }
0x703: {  	v58 =	vld.idx.msk [tilespmem:v58+s3+$0x0], $0xffff;
	v59 =	vadd.f32 v60, v62  }
0x704: {  	v60 =	vperm.xlane v31, v14;
	v0 =	vadd.f32 v0, v54  }
0x705: {  	[tilespmem:s6+$0xFFFFFF20] =	vst v59  }
0x706: {  	v63 =	vmul.f32 v56, v23;
	v61 =	vadd.s32 v1, v60;
	v2 =	vld.idx.msk [tilespmem:v2+s3+$0x0], $0xffff;
	[tilespmem:s8+$0xFFFFFF20] =	vst v0  }
0x707: {  	v0 =	vperm.xlane v33, v14;
	v57 =	vld.idx.msk [tilespmem:v57+s3+$0x0], $0xffff  }
0x708: {  	v54 =	vadd.f32 v58, v63;
	v58 =	vperm.xlane v38, v14  }
0x709: {  	v6 =	vmul.f32 v6, v23;
	v62 =	vadd.s32 v1, v0  }
0x70a: {  	v53 =	vmul.f32 v53, v23;
	[tilespmem:s4+$0xFFFFFF30] =	vst v54;
	v63 =	vadd.s32 v1, v58  }
0x70b: {  	v56 =	vld.idx.msk [tilespmem:v61+s3+$0x0], $0xffff;
	v2 =	vadd.f32 v2, v6  }
0x70c: {  	v6 =	vperm.xlane v30, v14;
	v53 =	vadd.f32 v57, v53  }
0x70d: {  	[tilespmem:s6+$0xFFFFFF30] =	vst v2  }
0x70e: {  	v2 =	vmul.f32 v6, v20;
	v57 =	vadd.s32 v3, v60;
	v59 =	vld.idx.msk [tilespmem:v62+s3+$0x0], $0xffff;
	[tilespmem:s8+$0xFFFFFF30] =	vst v53  }
0x70f: {  	v53 =	vperm.xlane v32, v14;
	v54 =	vld.idx.msk [tilespmem:v63+s3+$0x0], $0xffff  }
0x710: {  	v2 =	vadd.f32 v2, v56;
	v56 =	vperm.xlane v35, v14  }
0x711: {  	v62 =	vadd.s32 v3, v0;
	v61 =	vmul.f32 v53, v20  }
0x712: {  	v63 =	vadd.s32 v3, v58;
	[tilespmem:s4+$0xFFFFFF80] =	vst v2;
	v2 =	vmul.f32 v56, v20  }
0x713: {  	v57 =	vld.idx.msk [tilespmem:v57+s3+$0x0], $0xffff;
	v59 =	vadd.f32 v61, v59  }
0x714: {  	v2 =	vadd.f32 v2, v54  }
0x715: {  	v61 =	vadd.s32 v4, v49;
	v54 =	vmul.f32 v51, v21;
	[tilespmem:s6+$0xFFFFFF80] =	vst v59  }
0x716: {  	v59 =	vmul.f32 v6, v21;
	v62 =	vld.idx.msk [tilespmem:v62+s3+$0x0], $0xffff;
	[tilespmem:s8+$0xFFFFFF80] =	vst v2;
	v2 =	vadd.s32 v4, v60  }
0x717: {  	v54 =	vadd.f32 v55, v54;
	v55 =	vld.idx.msk [tilespmem:v63+s3+$0x0], $0xffff  }
0x718: {  	v57 =	vadd.f32 v57, v59  }
0x719: {  	v59 =	vadd.s32 v4, v0;
	[tilespmem:s20+$0xFFFFFF90] =	vst v54;
	v54 =	vmul.f32 v53, v21  }
0x71a: {  	v63 =	vadd.s32 v4, v58;
	[tilespmem:s4+$0xFFFFFF90] =	vst v57;
	v57 =	vmul.f32 v56, v21;
	v61 =	vld.idx.msk [tilespmem:v61+s3+$0x0], $0xffff  }
0x71b: {  	v54 =	vadd.f32 v62, v54;
	v2 =	vld.idx.msk [tilespmem:v2+s3+$0x0], $0xffff  }
0x71c: {  	v55 =	vadd.f32 v55, v57  }
0x71d: {  	v49 =	vadd.s32 v5, v49;
	v57 =	vmul.f32 v51, v22;
	[tilespmem:s6+$0xFFFFFF90] =	vst v54  }
0x71e: {  	v60 =	vadd.s32 v5, v60;
	v54 =	vmul.f32 v6, v22;
	v59 =	vld.idx.msk [tilespmem:v59+s3+$0x0], $0xffff;
	[tilespmem:s8+$0xFFFFFF90] =	vst v55  }
0x71f: {  	v61 =	vadd.f32 v61, v57;
	v57 =	vld.idx.msk [tilespmem:v63+s3+$0x0], $0xffff  }
0x720: {  	v2 =	vadd.f32 v2, v54  }
0x721: {  	v0 =	vadd.s32 v5, v0;
	[tilespmem:s20+$0xFFFFFFA0] =	vst v61;
	v54 =	vmul.f32 v53, v22  }
0x722: {  	v55 =	vadd.s32 v5, v58;
	v49 =	vld.idx.msk [tilespmem:v49+s3+$0x0], $0xffff;
	[tilespmem:s4+$0xFFFFFFA0] =	vst v2;
	v2 =	vmul.f32 v56, v22  }
0x723: {  	v58 =	vperm.xlane v29, v15;
	v54 =	vadd.f32 v59, v54;
	v60 =	vld.idx.msk [tilespmem:v60+s3+$0x0], $0xffff  }
0x724: {  	v59 =	vperm.xlane v31, v15;
	v2 =	vadd.f32 v57, v2  }
0x725: {  	v62 =	vmul.f32 v51, v23;
	v63 =	vadd.s32 v1, v58;
	[tilespmem:s6+$0xFFFFFFA0] =	vst v54  }
0x726: {  	v6 =	vmul.f32 v6, v23;
	v61 =	vadd.s32 v1, v59;
	v0 =	vld.idx.msk [tilespmem:v0+s3+$0x0], $0xffff;
	[tilespmem:s8+$0xFFFFFFA0] =	vst v2  }
0x727: {  	v2 =	vadd.f32 v49, v62;
	v49 =	vperm.xlane v33, v15;
	v62 =	vld.idx.msk [tilespmem:v55+s3+$0x0], $0xffff  }
0x728: {  	v55 =	vperm.xlane v38, v15;
	v6 =	vadd.f32 v60, v6  }
0x729: {  	[tilespmem:s20+$0xFFFFFFB0] =	vst v2;
	v2 =	vmul.f32 v53, v23;
	v53 =	vadd.s32 v1, v49  }
0x72a: {  	v57 =	vld.idx.msk [tilespmem:v63+s3+$0x0], $0xffff;
	[tilespmem:s4+$0xFFFFFFB0] =	vst v6;
	v6 =	vmul.f32 v56, v23;
	v56 =	vadd.s32 v1, v55  }
0x72b: {  	v0 =	vadd.f32 v0, v2;
	v54 =	vld.idx.msk [tilespmem:v61+s3+$0x0], $0xffff  }
0x72c: {  	v2 =	vperm.xlane v30, v15;
	v6 =	vadd.f32 v62, v6  }
0x72d: {  	v51 =	vmul.f32 v44, v20;
	v60 =	vadd.s32 v3, v58;
	[tilespmem:s6+$0xFFFFFFB0] =	vst v0  }
0x72e: {  	v61 =	vadd.s32 v3, v59;
	v0 =	vmul.f32 v2, v20;
	v53 =	vld.idx.msk [tilespmem:v53+s3+$0x0], $0xffff;
	[tilespmem:s8+$0xFFFFFFB0] =	vst v6  }
0x72f: {  	v6 =	vadd.f32 v51, v57;
	v51 =	vperm.xlane v32, v15;
	v56 =	vld.idx.msk [tilespmem:v56+s3+$0x0], $0xffff  }
0x730: {  	v0 =	vadd.f32 v0, v54;
	v54 =	vperm.xlane v35, v15  }
0x731: {  	v57 =	vadd.s32 v3, v49;
	[tilespmem:s20+$0x0] =	vst v6;
	v6 =	vmul.f32 v51, v20  }
0x732: {  	v62 =	vadd.s32 v3, v55;
	v60 =	vld.idx.msk [tilespmem:v60+s3+$0x0], $0xffff;
	[tilespmem:s4+$0x0] =	vst v0;
	v0 =	vmul.f32 v54, v20  }
0x733: {  	v6 =	vadd.f32 v6, v53;
	v61 =	vld.idx.msk [tilespmem:v61+s3+$0x0], $0xffff  }
0x734: {  	v0 =	vadd.f32 v0, v56  }
0x735: {  	v63 =	vmul.f32 v44, v21;
	v56 =	vadd.s32 v4, v58;
	[tilespmem:s6+$0x0] =	vst v6  }
0x736: {  	v6 =	vmul.f32 v2, v21;
	v57 =	vld.idx.msk [tilespmem:v57+s3+$0x0], $0xffff;
	[tilespmem:s8+$0x0] =	vst v0;
	v0 =	vadd.s32 v4, v59  }
0x737: {  	v53 =	vadd.f32 v60, v63;
	v60 =	vld.idx.msk [tilespmem:v62+s3+$0x0], $0xffff  }
0x738: {  	v6 =	vadd.f32 v61, v6  }
0x739: {  	[tilespmem:s20+$0x10] =	vst v53;
	v53 =	vmul.f32 v51, v21;
	v61 =	vadd.s32 v4, v49  }
0x73a: {  	v62 =	vadd.s32 v4, v55;
	v56 =	vld.idx.msk [tilespmem:v56+s3+$0x0], $0xffff;
	[tilespmem:s4+$0x10] =	vst v6;
	v6 =	vmul.f32 v54, v21  }
0x73b: {  	v53 =	vadd.f32 v57, v53;
	v0 =	vld.idx.msk [tilespmem:v0+s3+$0x0], $0xffff  }
0x73c: {  	v6 =	vadd.f32 v60, v6  }
0x73d: {  	v58 =	vadd.s32 v5, v58;
	v57 =	vmul.f32 v44, v22;
	[tilespmem:s6+$0x10] =	vst v53  }
0x73e: {  	v59 =	vadd.s32 v5, v59;
	v53 =	vmul.f32 v2, v22;
	v60 =	vld.idx.msk [tilespmem:v61+s3+$0x0], $0xffff;
	[tilespmem:s8+$0x10] =	vst v6  }
0x73f: {  	v6 =	vadd.f32 v56, v57;
	v61 =	vld.idx.msk [tilespmem:v62+s3+$0x0], $0xffff  }
0x740: {  	v0 =	vadd.f32 v0, v53  }
0x741: {  	v49 =	vadd.s32 v5, v49;
	[tilespmem:s20+$0x20] =	vst v6;
	v6 =	vmul.f32 v51, v22  }
0x742: {  	v55 =	vadd.s32 v5, v55;
	v62 =	vld.idx.msk [tilespmem:v58+s3+$0x0], $0xffff;
	[tilespmem:s4+$0x20] =	vst v0;
	v0 =	vmul.f32 v54, v22  }
0x743: {  	v57 =	vperm.xlane v29, v16;
	v6 =	vadd.f32 v60, v6;
	v63 =	vld.idx.msk [tilespmem:v59+s3+$0x0], $0xffff  }
0x744: {  	v59 =	vperm.xlane v31, v16;
	v0 =	vadd.f32 v61, v0  }
0x745: {  	v60 =	vmul.f32 v44, v23;
	v61 =	vadd.s32 v1, v57;
	[tilespmem:s6+$0x20] =	vst v6  }
0x746: {  	v2 =	vmul.f32 v2, v23;
	v6 =	vadd.s32 v1, v59;
	v49 =	vld.idx.msk [tilespmem:v49+s3+$0x0], $0xffff;
	[tilespmem:s8+$0x20] =	vst v0  }
0x747: {  	v44 =	vperm.xlane v33, v16;
	v0 =	vadd.f32 v62, v60;
	v62 =	vld.idx.msk [tilespmem:v55+s3+$0x0], $0xffff  }
0x748: {  	v55 =	vperm.xlane v38, v16;
	v2 =	vadd.f32 v63, v2  }
0x749: {  	[tilespmem:s20+$0x30] =	vst v0;
	v0 =	vmul.f32 v51, v23;
	v51 =	vadd.s32 v1, v44  }
0x74a: {  	v56 =	vld.idx.msk [tilespmem:v61+s3+$0x0], $0xffff;
	[tilespmem:s4+$0x30] =	vst v2;
	v2 =	vmul.f32 v54, v23;
	v54 =	vadd.s32 v1, v55  }
0x74b: {  	v58 =	vperm.xlane v28, v16;
	v0 =	vadd.f32 v49, v0;
	v6 =	vld.idx.msk [tilespmem:v6+s3+$0x0], $0xffff  }
0x74c: {  	v49 =	vperm.xlane v30, v16;
	v2 =	vadd.f32 v62, v2  }
0x74d: {  	v53 =	vmul.f32 v58, v20;
	v60 =	vadd.s32 v3, v57;
	[tilespmem:s6+$0x30] =	vst v0  }
0x74e: {  	v61 =	vadd.s32 v3, v59;
	v0 =	vmul.f32 v49, v20;
	v51 =	vld.idx.msk [tilespmem:v51+s3+$0x0], $0xffff;
	[tilespmem:s8+$0x30] =	vst v2  }
0x74f: {  	v2 =	vadd.f32 v53, v56;
	v53 =	vperm.xlane v32, v16;
	v54 =	vld.idx.msk [tilespmem:v54+s3+$0x0], $0xffff  }
0x750: {  	v0 =	vadd.f32 v0, v6;
	v6 =	vperm.xlane v35, v16  }
0x751: {  	v56 =	vadd.s32 v3, v44;
	[tilespmem:s20+$0x80] =	vst v2;
	v2 =	vmul.f32 v53, v20  }
0x752: {  	v62 =	vadd.s32 v3, v55;
	v60 =	vld.idx.msk [tilespmem:v60+s3+$0x0], $0xffff;
	[tilespmem:s4+$0x80] =	vst v0;
	v0 =	vmul.f32 v6, v20  }
0x753: {  	v2 =	vadd.f32 v2, v51;
	v61 =	vld.idx.msk [tilespmem:v61+s3+$0x0], $0xffff  }
0x754: {  	v0 =	vadd.f32 v0, v54  }
0x755: {  	v63 =	vmul.f32 v58, v21;
	v54 =	vadd.s32 v4, v57;
	[tilespmem:s6+$0x80] =	vst v2  }
0x756: {  	v2 =	vmul.f32 v49, v21;
	v56 =	vld.idx.msk [tilespmem:v56+s3+$0x0], $0xffff;
	[tilespmem:s8+$0x80] =	vst v0;
	v0 =	vadd.s32 v4, v59  }
0x757: {  	v51 =	vadd.f32 v60, v63;
	v60 =	vld.idx.msk [tilespmem:v62+s3+$0x0], $0xffff  }
0x758: {  	v2 =	vadd.f32 v61, v2  }
0x759: {  	[tilespmem:s20+$0x90] =	vst v51;
	v51 =	vmul.f32 v53, v21;
	v61 =	vadd.s32 v4, v44  }
0x75a: {  	v62 =	vadd.s32 v4, v55;
	v54 =	vld.idx.msk [tilespmem:v54+s3+$0x0], $0xffff;
	[tilespmem:s4+$0x90] =	vst v2;
	v2 =	vmul.f32 v6, v21  }
0x75b: {  	v51 =	vadd.f32 v56, v51;
	v56 =	vadd.s32 v1, v45;
	v0 =	vld.idx.msk [tilespmem:v0+s3+$0x0], $0xffff  }
0x75c: {  	v2 =	vadd.f32 v60, v2  }
0x75d: {  	v50 =	vadd.f32 v50, v52;
	v63 =	vmul.f32 v58, v22;
	[tilespmem:s6+$0x90] =	vst v51;
	v60 =	vadd.s32 v5, v57  }
0x75e: {  	v57 =	vadd.s32 v5, v59;
	v59 =	vld.idx.msk [tilespmem:v61+s3+$0x0], $0xffff;
	[tilespmem:s8+$0x90] =	vst v2;
	v2 =	vmul.f32 v49, v22  }
0x75f: {  	[tilespmem:s19+$0xB0] =	vst v50;
	v63 =	vadd.f32 v54, v63;
	v51 =	vld.idx.msk [tilespmem:v62+s3+$0x0], $0xffff  }
0x760: {  	v54 =	vld.idx.msk [tilespmem:v56+s3+$0x0], $0xffff;
	v0 =	vadd.f32 v0, v2  }
0x761: {  	v50 =	vmul.f32 v53, v22;
	v55 =	vadd.s32 v5, v55;
	v44 =	vadd.s32 v5, v44;
	[tilespmem:s20+$0xA0] =	vst v63  }
0x762: {  	v56 =	vadd.s32 v3, v45;
	v52 =	vld.idx.msk [tilespmem:v60+s3+$0x0], $0xffff;
	[tilespmem:s4+$0xA0] =	vst v0;
	v0 =	vmul.f32 v6, v22  }
0x763: {  	v2 =	vmul.f32 v39, v20;
	v60 =	vperm.xlane v29, v17;
	v50 =	vadd.f32 v59, v50;
	v57 =	vld.idx.msk [tilespmem:v57+s3+$0x0], $0xffff  }
0x764: {  	v59 =	vperm.xlane v31, v17;
	v0 =	vadd.f32 v51, v0  }
0x765: {  	v58 =	vmul.f32 v58, v23;
	v2 =	vadd.f32 v2, v54;
	v54 =	vadd.s32 v1, v60;
	[tilespmem:s6+$0xA0] =	vst v50  }
0x766: {  	v49 =	vmul.f32 v49, v23;
	v50 =	vadd.s32 v1, v59;
	v44 =	vld.idx.msk [tilespmem:v44+s3+$0x0], $0xffff;
	[tilespmem:s8+$0xA0] =	vst v0  }
0x767: {  	[tilespmem:s19+$0x100] =	vst v2;
	v0 =	vadd.f32 v52, v58;
	v2 =	vperm.xlane v33, v17;
	v61 =	vld.idx.msk [tilespmem:v55+s3+$0x0], $0xffff  }
0x768: {  	v62 =	vld.idx.msk [tilespmem:v56+s3+$0x0], $0xffff;
	v55 =	vperm.xlane v38, v17;
	v49 =	vadd.f32 v57, v49  }
0x769: {  	v63 =	vmul.f32 v39, v21;
	[tilespmem:s20+$0xB0] =	vst v0;
	v0 =	vmul.f32 v53, v23;
	v53 =	vadd.s32 v1, v2  }
0x76a: {  	v6 =	vmul.f32 v6, v23;
	v54 =	vld.idx.msk [tilespmem:v54+s3+$0x0], $0xffff;
	[tilespmem:s4+$0xB0] =	vst v49;
	v49 =	vadd.s32 v1, v55  }
0x76b: {  	v58 =	vperm.xlane v28, v17;
	v57 =	vadd.s32 v4, v45;
	v0 =	vadd.f32 v44, v0;
	v50 =	vld.idx.msk [tilespmem:v50+s3+$0x0], $0xffff  }
0x76c: {  	v44 =	vadd.f32 v47, v48;
	v47 =	vperm.xlane v30, v17;
	v6 =	vadd.f32 v61, v6  }
0x76d: {  	v48 =	vadd.f32 v62, v63;
	v61 =	vmul.f32 v58, v20;
	v62 =	vadd.s32 v3, v60;
	[tilespmem:s6+$0xB0] =	vst v0  }
0x76e: {  	v0 =	vmul.f32 v47, v20;
	v63 =	vadd.s32 v3, v59;
	v53 =	vld.idx.msk [tilespmem:v53+s3+$0x0], $0xffff;
	[tilespmem:s8+$0xB0] =	vst v6  }
0x76f: {  	[tilespmem:s19+$0x110] =	vst v48;
	v6 =	vadd.f32 v61, v54;
	v48 =	vperm.xlane v32, v17;
	v49 =	vld.idx.msk [tilespmem:v49+s3+$0x0], $0xffff  }
0x770: {  	v61 =	vld.idx.msk [tilespmem:v57+s3+$0x0], $0xffff;
	v0 =	vadd.f32 v0, v50;
	v50 =	vperm.xlane v35, v17  }
0x771: {  	v51 =	vadd.s32 v3, v2;
	v45 =	vadd.s32 v5, v45;
	[tilespmem:s20+$0x100] =	vst v6;
	v6 =	vmul.f32 v48, v20  }
0x772: {  	v54 =	vadd.s32 v3, v55;
	v52 =	vld.idx.msk [tilespmem:v62+s3+$0x0], $0xffff;
	[tilespmem:s4+$0x100] =	vst v0;
	v0 =	vmul.f32 v50, v20  }
0x773: {  	[tilespmem:s18+$0x210] =	vst v44;
	v62 =	vmul.f32 v39, v22;
	v6 =	vadd.f32 v6, v53;
	v56 =	vld.idx.msk [tilespmem:v63+s3+$0x0], $0xffff  }
0x774: {  	v46 =	vld.idx.msk [tilespmem:v46+s3+$0x0], $0xffff;
	v0 =	vadd.f32 v0, v49  }
0x775: {  	v63 =	vmul.f32 v58, v21;
	v44 =	vadd.f32 v61, v62;
	v61 =	vadd.s32 v4, v60;
	[tilespmem:s6+$0x100] =	vst v6  }
0x776: {  	v57 =	vadd.s32 v4, v59;
	v6 =	vmul.f32 v47, v21;
	v51 =	vld.idx.msk [tilespmem:v51+s3+$0x0], $0xffff;
	[tilespmem:s8+$0x100] =	vst v0  }
0x777: {  	[tilespmem:s19+$0x120] =	vst v44;
	v0 =	vadd.f32 v52, v63;
	v44 =	vld.idx.msk [tilespmem:v54+s3+$0x0], $0xffff  }
0x778: {  	v62 =	vmul.f32 v41, v22;
	v45 =	vld.idx.msk [tilespmem:v45+s3+$0x0], $0xffff;
	v6 =	vadd.f32 v56, v6  }
0x779: {  	v52 =	vperm.xlane v27, v18;
	v54 =	vadd.s32 v4, v2;
	[tilespmem:s20+$0x110] =	vst v0;
	v0 =	vmul.f32 v48, v21  }
0x77a: {  	v56 =	vadd.s32 v4, v55;
	v53 =	vld.idx.msk [tilespmem:v61+s3+$0x0], $0xffff;
	[tilespmem:s4+$0x110] =	vst v6;
	v6 =	vmul.f32 v50, v21  }
0x77b: {  	v63 =	vmul.f32 v39, v23;
	v61 =	vadd.s32 v1, v52;
	v0 =	vadd.f32 v51, v0;
	v57 =	vld.idx.msk [tilespmem:v57+s3+$0x0], $0xffff  }
0x77c: {  	v42 =	vadd.s32 v5, v42;
	v46 =	vadd.f32 v46, v62;
	v6 =	vadd.f32 v44, v6  }
0x77d: {  	v62 =	vmul.f32 v58, v22;
	v39 =	vadd.f32 v45, v63;
	v63 =	vadd.s32 v5, v60;
	[tilespmem:s6+$0x110] =	vst v0  }
0x77e: {  	v49 =	vadd.s32 v5, v59;
	v0 =	vmul.f32 v47, v22;
	v54 =	vld.idx.msk [tilespmem:v54+s3+$0x0], $0xffff;
	[tilespmem:s8+$0x110] =	vst v6  }
0x77f: {  	v41 =	vmul.f32 v41, v23;
	[tilespmem:s19+$0x130] =	vst v39;
	v44 =	vadd.f32 v53, v62;
	v53 =	vld.idx.msk [tilespmem:v56+s3+$0x0], $0xffff  }
0x780: {  	[tilespmem:s18+$0x220] =	vst v46;
	v6 =	vperm.xlane v26, v18;
	v60 =	vld.idx.msk [tilespmem:v61+s3+$0x0], $0xffff;
	v0 =	vadd.f32 v57, v0  }
0x781: {  	v2 =	vadd.s32 v5, v2;
	v55 =	vadd.s32 v5, v55;
	v62 =	vmul.f32 v48, v22;
	[tilespmem:s20+$0x120] =	vst v44  }
0x782: {  	v8 =	vimm.s32 $0xD;
	v61 =	vmul.f32 v6, v20;
	v45 =	vld.idx.msk [tilespmem:v63+s3+$0x0], $0xffff;
	[tilespmem:s4+$0x120] =	vst v0;
	v0 =	vmul.f32 v50, v22  }
0x783: {  	v57 =	vperm.xlane v29, v18;
	v63 =	vadd.s32 v3, v52;
	v44 =	vadd.f32 v54, v62;
	v49 =	vld.idx.msk [tilespmem:v49+s3+$0x0], $0xffff  }
0x784: {  	v42 =	vld.idx.msk [tilespmem:v42+s3+$0x0], $0xffff;
	v39 =	vperm.xlane v25, v8;
	v54 =	vperm.xlane v31, v18;
	v0 =	vadd.f32 v53, v0  }
0x785: {  	v46 =	vadd.f32 v61, v60;
	v60 =	vmul.f32 v58, v23;
	v53 =	vadd.s32 v1, v57;
	[tilespmem:s6+$0x120] =	vst v44  }
0x786: {  	v61 =	vmul.f32 v47, v23;
	v47 =	vadd.s32 v1, v54;
	v2 =	vld.idx.msk [tilespmem:v2+s3+$0x0], $0xffff;
	[tilespmem:s8+$0x120] =	vst v0  }
0x787: {  	[tilespmem:s19+$0x180] =	vst v46;
	v0 =	vadd.f32 v45, v60;
	v45 =	vperm.xlane v33, v18;
	v62 =	vld.idx.msk [tilespmem:v55+s3+$0x0], $0xffff  }
0x788: {  	v59 =	vperm.xlane v28, v18;
	v63 =	vld.idx.msk [tilespmem:v63+s3+$0x0], $0xffff;
	v44 =	vadd.f32 v49, v61;
	v49 =	vperm.xlane v38, v18  }
0x789: {  	v51 =	vadd.s32 v1, v39;
	[tilespmem:s20+$0x130] =	vst v0;
	v0 =	vmul.f32 v48, v23;
	v48 =	vadd.s32 v1, v45  }
0x78a: {  	v61 =	vmul.f32 v50, v23;
	v53 =	vld.idx.msk [tilespmem:v53+s3+$0x0], $0xffff;
	[tilespmem:s4+$0x130] =	vst v44;
	v50 =	vadd.s32 v1, v49  }
0x78b: {  	v58 =	vadd.s32 v4, v52;
	v60 =	vmul.f32 v6, v21;
	v0 =	vadd.f32 v2, v0;
	v47 =	vld.idx.msk [tilespmem:v47+s3+$0x0], $0xffff  }
0x78c: {  	v2 =	vadd.f32 v42, v41;
	v41 =	vperm.xlane v30, v18;
	v62 =	vadd.f32 v62, v61  }
0x78d: {  	v63 =	vadd.f32 v63, v60;
	v60 =	vmul.f32 v59, v20;
	v61 =	vadd.s32 v3, v57;
	[tilespmem:s6+$0x130] =	vst v0  }
0x78e: {  	v56 =	vadd.s32 v3, v54;
	v0 =	vmul.f32 v41, v20;
	v48 =	vld.idx.msk [tilespmem:v48+s3+$0x0], $0xffff;
	[tilespmem:s8+$0x130] =	vst v62  }
0x78f: {  	v44 =	vperm.xlane v32, v18;
	[tilespmem:s19+$0x190] =	vst v63;
	v62 =	vadd.f32 v60, v53;
	v63 =	vld.idx.msk [tilespmem:v50+s3+$0x0], $0xffff  }
0x790: {  	[tilespmem:s18+$0x230] =	vst v2;
	v2 =	vld.idx.msk [tilespmem:v58+s3+$0x0], $0xffff;
	v0 =	vadd.f32 v0, v47;
	v47 =	vperm.xlane v35, v18  }
0x791: {  	v60 =	vmul.f32 v44, v20;
	v50 =	vadd.s32 v3, v45;
	[tilespmem:s20+$0x180] =	vst v62  }
0x792: {  	v55 =	vadd.s32 v3, v49;
	v53 =	vld.idx.msk [tilespmem:v61+s3+$0x0], $0xffff;
	[tilespmem:s4+$0x180] =	vst v0;
	v0 =	vmul.f32 v47, v20  }
0x793: {  	v52 =	vadd.s32 v5, v52;
	v61 =	vmul.f32 v6, v22;
	v42 =	vadd.f32 v60, v48;
	v56 =	vld.idx.msk [tilespmem:v56+s3+$0x0], $0xffff  }
0x794: {  	v62 =	vmul.f32 v59, v21;
	v0 =	vadd.f32 v0, v63  }
0x795: {  	v48 =	vld.idx.msk [tilespmem:v51+s3+$0x0], $0xffff;
	v2 =	vadd.f32 v2, v61;
	v63 =	vadd.s32 v4, v57;
	[tilespmem:s6+$0x180] =	vst v42  }
0x796: {  	v58 =	vadd.s32 v4, v54;
	v60 =	vmul.f32 v41, v21;
	v50 =	vld.idx.msk [tilespmem:v50+s3+$0x0], $0xffff;
	[tilespmem:s8+$0x180] =	vst v0  }
0x797: {  	[tilespmem:s19+$0x1A0] =	vst v2;
	v0 =	vadd.f32 v53, v62;
	v2 =	vld.idx.msk [tilespmem:v55+s3+$0x0], $0xffff  }
0x798: {  	v7 =	vimm.s32 $0xC;
	v61 =	vmul.f32 v37, v20;
	v52 =	vld.idx.msk [tilespmem:v52+s3+$0x0], $0xffff;
	v42 =	vadd.f32 v56, v60  }
0x799: {  	v53 =	vperm.xlane v27, v7;
	v55 =	vadd.s32 v4, v45;
	[tilespmem:s20+$0x190] =	vst v0;
	v0 =	vmul.f32 v44, v21  }
0x79a: {  	v62 =	vmul.f32 v47, v21;
	v51 =	vld.idx.msk [tilespmem:v63+s3+$0x0], $0xffff;
	v63 =	vadd.s32 v4, v49;
	[tilespmem:s4+$0x190] =	vst v42  }
0x79b: {  	v6 =	vmul.f32 v6, v23;
	v60 =	vadd.s32 v1, v53;
	v0 =	vadd.f32 v50, v0;
	v58 =	vld.idx.msk [tilespmem:v58+s3+$0x0], $0xffff  }
0x79c: {  	[tilespmem:s1+$0x330] =	vst v43;
	v46 =	vadd.f32 v61, v48;
	v2 =	vadd.f32 v2, v62  }
0x79d: {  	v61 =	vmul.f32 v59, v22;
	v6 =	vadd.f32 v52, v6;
	v62 =	vadd.s32 v5, v57;
	[tilespmem:s6+$0x190] =	vst v0  }
0x79e: {  	v54 =	vadd.s32 v5, v54;
	v0 =	vmul.f32 v41, v22;
	v55 =	vld.idx.msk [tilespmem:v55+s3+$0x0], $0xffff;
	[tilespmem:s8+$0x190] =	vst v2  }
0x79f: {  	v48 =	vadd.s32 v3, v39;
	[tilespmem:s19+$0x1B0] =	vst v6;
	v6 =	vadd.f32 v51, v61;
	v42 =	vld.idx.msk [tilespmem:v63+s3+$0x0], $0xffff  }
0x7a0: {  	v56 =	vperm.xlane v29, v7;
	[tilespmem:s18+$0x280] =	vst v46;
	v63 =	vld.idx.msk [tilespmem:v60+s3+$0x0], $0xffff;
	v0 =	vadd.f32 v58, v0  }
0x7a1: {  	v45 =	vadd.s32 v5, v45;
	v2 =	vperm.xlane v26, v7;
	[tilespmem:s20+$0x1A0] =	vst v6;
	v6 =	vmul.f32 v44, v22  }
0x7a2: {  	v49 =	vadd.s32 v5, v49;
	v61 =	vld.idx.msk [tilespmem:v62+s3+$0x0], $0xffff;
	[tilespmem:s4+$0x1A0] =	vst v0;
	v0 =	vmul.f32 v47, v22  }
0x7a3: {  	v60 =	vmul.f32 v2, v20;
	v62 =	vadd.s32 v3, v53;
	v6 =	vadd.f32 v55, v6;
	v54 =	vld.idx.msk [tilespmem:v54+s3+$0x0], $0xffff  }
0x7a4: {  	v46 =	vperm.xlane v32, v7;
	v48 =	vld.idx.msk [tilespmem:v48+s3+$0x0], $0xffff;
	v57 =	vperm.xlane v31, v7;
	v0 =	vadd.f32 v42, v0  }
0x7a5: {  	v58 =	vmul.f32 v59, v23;
	v59 =	vadd.s32 v1, v56;
	v63 =	vadd.f32 v60, v63;
	[tilespmem:s6+$0x1A0] =	vst v6  }
0x7a6: {  	v6 =	vmul.f32 v41, v23;
	v60 =	vadd.s32 v1, v57;
	v45 =	vld.idx.msk [tilespmem:v45+s3+$0x0], $0xffff;
	[tilespmem:s8+$0x1A0] =	vst v0  }
0x7a7: {  	v42 =	vperm.xlane v33, v7;
	[tilespmem:s19+$0x200] =	vst v63;
	v0 =	vadd.f32 v61, v58;
	v61 =	vld.idx.msk [tilespmem:v49+s3+$0x0], $0xffff  }
0x7a8: {  	v52 =	vperm.xlane v38, v7;
	v55 =	vmul.f32 v37, v21;
	v62 =	vld.idx.msk [tilespmem:v62+s3+$0x0], $0xffff;
	v6 =	vadd.f32 v54, v6  }
0x7a9: {  	v63 =	vmul.f32 v2, v21;
	[tilespmem:s20+$0x1B0] =	vst v0;
	v0 =	vmul.f32 v44, v23;
	v44 =	vadd.s32 v1, v42  }
0x7aa: {  	v50 =	vld.idx.msk [tilespmem:v59+s3+$0x0], $0xffff;
	[tilespmem:s4+$0x1B0] =	vst v6;
	v6 =	vmul.f32 v47, v23;
	v47 =	vadd.s32 v1, v52  }
0x7ab: {  	v58 =	vadd.s32 v4, v53;
	v59 =	vperm.xlane v28, v7;
	v0 =	vadd.f32 v45, v0;
	v41 =	vld.idx.msk [tilespmem:v60+s3+$0x0], $0xffff  }
0x7ac: {  	v40 =	vld.idx.msk [tilespmem:v40+s3+$0x0], $0xffff;
	v43 =	vadd.f32 v48, v55;
	v45 =	vperm.xlane v30, v7;
	v6 =	vadd.f32 v61, v6  }
0x7ad: {  	v60 =	vadd.f32 v62, v63;
	v61 =	vmul.f32 v59, v20;
	v62 =	vadd.s32 v3, v56;
	[tilespmem:s6+$0x1B0] =	vst v0  }
0x7ae: {  	v0 =	vmul.f32 v45, v20;
	v63 =	vadd.s32 v3, v57;
	v44 =	vld.idx.msk [tilespmem:v44+s3+$0x0], $0xffff;
	[tilespmem:s8+$0x1B0] =	vst v6  }
0x7af: {  	v49 =	vadd.s32 v4, v39;
	[tilespmem:s19+$0x210] =	vst v60;
	v6 =	vadd.f32 v61, v50;
	v47 =	vld.idx.msk [tilespmem:v47+s3+$0x0], $0xffff  }
0x7b0: {  	[tilespmem:s18+$0x290] =	vst v43;
	v60 =	vld.idx.msk [tilespmem:v58+s3+$0x0], $0xffff;
	v0 =	vadd.f32 v0, v41;
	v41 =	vperm.xlane v35, v7  }
0x7b1: {  	v51 =	vadd.s32 v3, v52;
	v48 =	vadd.s32 v3, v42;
	[tilespmem:s20+$0x200] =	vst v6;
	v6 =	vmul.f32 v46, v20  }
0x7b2: {  	v55 =	vadd.s32 v4, v56;
	v61 =	vld.idx.msk [tilespmem:v62+s3+$0x0], $0xffff;
	[tilespmem:s4+$0x200] =	vst v0;
	v0 =	vmul.f32 v41, v20  }
0x7b3: {  	v53 =	vadd.s32 v5, v53;
	v62 =	vmul.f32 v2, v22;
	v6 =	vadd.f32 v6, v44;
	v54 =	vld.idx.msk [tilespmem:v63+s3+$0x0], $0xffff  }
0x7b4: {  	v49 =	vld.idx.msk [tilespmem:v49+s3+$0x0], $0xffff;
	v50 =	vperm.xlane v31, v8;
	v58 =	vadd.s32 v4, v57;
	v0 =	vadd.f32 v0, v47  }
0x7b5: {  	v2 =	vmul.f32 v2, v23;
	v43 =	vadd.f32 v60, v62;
	v60 =	vmul.f32 v59, v21;
	[tilespmem:s6+$0x200] =	vst v6  }
0x7b6: {  	v63 =	vmul.f32 v34, v20;
	v6 =	vmul.f32 v45, v21;
	v48 =	vld.idx.msk [tilespmem:v48+s3+$0x0], $0xffff;
	[tilespmem:s8+$0x200] =	vst v0  }
0x7b7: {  	v44 =	vmul.f32 v37, v22;
	[tilespmem:s19+$0x220] =	vst v43;
	v61 =	vadd.f32 v61, v60;
	v47 =	vld.idx.msk [tilespmem:v51+s3+$0x0], $0xffff  }
0x7b8: {  	v37 =	vmul.f32 v37, v23;
	v40 =	vadd.f32 v63, v40;
	v62 =	vld.idx.msk [tilespmem:v53+s3+$0x0], $0xffff;
	v6 =	vadd.f32 v54, v6  }
0x7b9: {  	v63 =	vmul.f32 v46, v21;
	v60 =	vadd.s32 v4, v42;
	v51 =	vperm.xlane v27, v8;
	[tilespmem:s20+$0x210] =	vst v61  }
0x7ba: {  	v61 =	vadd.s32 v4, v52;
	v54 =	vld.idx.msk [tilespmem:v55+s3+$0x0], $0xffff;
	[tilespmem:s4+$0x210] =	vst v6;
	v6 =	vmul.f32 v41, v21  }
0x7bb: {  	v0 =	vadd.s32 v3, v36;
	v43 =	vadd.f32 v48, v63;
	v48 =	vadd.s32 v1, v51;
	v58 =	vld.idx.msk [tilespmem:v58+s3+$0x0], $0xffff  }
0x7bc: {  	[tilespmem:s1+$0x380] =	vst v40;
	v40 =	vadd.s32 v5, v39;
	v39 =	vadd.f32 v49, v44;
	v6 =	vadd.f32 v47, v6  }
0x7bd: {  	v63 =	vadd.s32 v5, v56;
	v2 =	vadd.f32 v62, v2;
	v62 =	vmul.f32 v59, v22;
	[tilespmem:s6+$0x210] =	vst v43  }
0x7be: {  	v49 =	vadd.s32 v5, v57;
	v56 =	vmul.f32 v45, v22;
	v60 =	vld.idx.msk [tilespmem:v60+s3+$0x0], $0xffff;
	[tilespmem:s8+$0x210] =	vst v6  }
0x7bf: {  	v42 =	vadd.s32 v5, v42;
	[tilespmem:s19+$0x230] =	vst v2;
	v2 =	vadd.f32 v54, v62;
	v61 =	vld.idx.msk [tilespmem:v61+s3+$0x0], $0xffff  }
0x7c0: {  	v52 =	vadd.s32 v5, v52;
	[tilespmem:s18+$0x2A0] =	vst v39;
	v48 =	vld.idx.msk [tilespmem:v48+s3+$0x0], $0xffff;
	v43 =	vadd.f32 v58, v56  }
0x7c1: {  	v40 =	vld.idx.msk [tilespmem:v40+s3+$0x0], $0xffff;
	v6 =	vperm.xlane v26, v8;
	[tilespmem:s20+$0x220] =	vst v2;
	v2 =	vmul.f32 v46, v22  }
0x7c2: {  	v7 =	vimm.s32 $0xE;
	v57 =	vadd.s32 v3, v51;
	v47 =	vld.idx.msk [tilespmem:v63+s3+$0x0], $0xffff;
	v63 =	vmul.f32 v41, v22;
	[tilespmem:s4+$0x220] =	vst v43  }
0x7c3: {  	v55 =	vperm.xlane v29, v8;
	v62 =	vmul.f32 v6, v20;
	v2 =	vadd.f32 v60, v2;
	v49 =	vld.idx.msk [tilespmem:v49+s3+$0x0], $0xffff  }
0x7c4: {  	v44 =	vperm.xlane v33, v8;
	v39 =	vperm.xlane v25, v7;
	v43 =	vadd.f32 v61, v63  }
0x7c5: {  	v60 =	vmul.f32 v59, v23;
	v58 =	vadd.f32 v62, v48;
	v61 =	vadd.s32 v1, v55;
	[tilespmem:s6+$0x220] =	vst v2  }
0x7c6: {  	v2 =	vmul.f32 v45, v23;
	v45 =	vadd.s32 v1, v50;
	v42 =	vld.idx.msk [tilespmem:v42+s3+$0x0], $0xffff;
	[tilespmem:s8+$0x220] =	vst v43  }
0x7c7: {  	v54 =	vadd.s32 v3, v50;
	[tilespmem:s19+$0x280] =	vst v58;
	v62 =	vadd.f32 v47, v60;
	v47 =	vld.idx.msk [tilespmem:v52+s3+$0x0], $0xffff  }
0x7c8: {  	v37 =	vadd.f32 v40, v37;
	v52 =	vld.idx.msk [tilespmem:v57+s3+$0x0], $0xffff;
	v2 =	vadd.f32 v49, v2;
	v49 =	vperm.xlane v38, v8  }
0x7c9: {  	v63 =	vmul.f32 v6, v21;
	v60 =	vmul.f32 v46, v23;
	v46 =	vadd.s32 v1, v44;
	[tilespmem:s20+$0x230] =	vst v62  }
0x7ca: {  	v53 =	vld.idx.msk [tilespmem:v61+s3+$0x0], $0xffff;
	[tilespmem:s4+$0x230] =	vst v2;
	v2 =	vmul.f32 v41, v23;
	v61 =	vadd.s32 v1, v49  }
0x7cb: {  	v57 =	vperm.xlane v28, v8;
	v62 =	vadd.s32 v4, v51;
	v42 =	vadd.f32 v42, v60;
	v45 =	vld.idx.msk [tilespmem:v45+s3+$0x0], $0xffff  }
0x7cc: {  	v0 =	vld.idx.msk [tilespmem:v0+s3+$0x0], $0xffff;
	v59 =	vadd.s32 v3, v55;
	v43 =	vperm.xlane v30, v8;
	v2 =	vadd.f32 v47, v2  }
0x7cd: {  	v48 =	vadd.s32 v1, v39;
	v58 =	vmul.f32 v57, v20;
	v63 =	vadd.f32 v52, v63;
	[tilespmem:s6+$0x230] =	vst v42  }
0x7ce: {  	v60 =	vmul.f32 v43, v20;
	v47 =	vperm.xlane v32, v8;
	v46 =	vld.idx.msk [tilespmem:v46+s3+$0x0], $0xffff;
	[tilespmem:s8+$0x230] =	vst v2  }
0x7cf: {  	v42 =	vperm.xlane v35, v8;
	[tilespmem:s19+$0x290] =	vst v63;
	v2 =	vadd.f32 v58, v53;
	v40 =	vld.idx.msk [tilespmem:v61+s3+$0x0], $0xffff  }
0x7d0: {  	[tilespmem:s18+$0x2B0] =	vst v37;
	v41 =	vld.idx.msk [tilespmem:v62+s3+$0x0], $0xffff;
	v61 =	vadd.f32 v60, v45  }
0x7d1: {  	v53 =	vadd.s32 v3, v44;
	v63 =	vmul.f32 v42, v20;
	[tilespmem:s20+$0x280] =	vst v2;
	v2 =	vmul.f32 v47, v20  }
0x7d2: {  	v62 =	vmul.f32 v34, v21;
	v60 =	vadd.s32 v3, v49;
	v52 =	vld.idx.msk [tilespmem:v59+s3+$0x0], $0xffff;
	[tilespmem:s4+$0x280] =	vst v61  }
0x7d3: {  	v51 =	vadd.s32 v5, v51;
	v61 =	vmul.f32 v6, v22;
	v2 =	vadd.f32 v2, v46;
	v54 =	vld.idx.msk [tilespmem:v54+s3+$0x0], $0xffff  }
0x7d4: {  	v56 =	vadd.s32 v4, v50;
	v45 =	vld.idx.msk [tilespmem:v48+s3+$0x0], $0xffff;
	v0 =	vadd.f32 v0, v62;
	v40 =	vadd.f32 v63, v40  }
0x7d5: {  	v62 =	vmul.f32 v57, v21;
	v41 =	vadd.f32 v41, v61;
	v63 =	vadd.s32 v4, v55;
	[tilespmem:s6+$0x280] =	vst v2  }
0x7d6: {  	v37 =	vperm.xlane v24, v7;
	v2 =	vmul.f32 v43, v21;
	v53 =	vld.idx.msk [tilespmem:v53+s3+$0x0], $0xffff;
	[tilespmem:s8+$0x280] =	vst v40  }
0x7d7: {  	v50 =	vadd.s32 v5, v50;
	[tilespmem:s19+$0x2A0] =	vst v41;
	v59 =	vadd.f32 v52, v62;
	v60 =	vld.idx.msk [tilespmem:v60+s3+$0x0], $0xffff  }
0x7d8: {  	v6 =	vmul.f32 v6, v23;
	[tilespmem:s1+$0x390] =	vst v0;
	v51 =	vld.idx.msk [tilespmem:v51+s3+$0x0], $0xffff;
	v2 =	vadd.f32 v54, v2  }
0x7d9: {  	v61 =	vmul.f32 v47, v21;
	v52 =	vperm.xlane v27, v7;
	[tilespmem:s20+$0x290] =	vst v59;
	v54 =	vadd.s32 v4, v44  }
0x7da: {  	v62 =	vadd.s32 v4, v49;
	v48 =	vld.idx.msk [tilespmem:v63+s3+$0x0], $0xffff;
	[tilespmem:s4+$0x290] =	vst v2;
	v2 =	vmul.f32 v42, v21  }
0x7db: {  	v0 =	vmul.f32 v37, v20;
	v63 =	vadd.s32 v1, v52;
	v41 =	vadd.f32 v53, v61;
	v56 =	vld.idx.msk [tilespmem:v56+s3+$0x0], $0xffff  }
0x7dc: {  	v55 =	vadd.s32 v5, v55;
	v40 =	vadd.s32 v4, v36;
	v2 =	vadd.f32 v60, v2  }
0x7dd: {  	v0 =	vadd.f32 v0, v45;
	v6 =	vadd.f32 v51, v6;
	v60 =	vmul.f32 v57, v22;
	[tilespmem:s6+$0x290] =	vst v41  }
0x7de: {  	v49 =	vadd.s32 v5, v49;
	v61 =	vmul.f32 v43, v22;
	v54 =	vld.idx.msk [tilespmem:v54+s3+$0x0], $0xffff;
	[tilespmem:s8+$0x290] =	vst v2  }
0x7df: {  	v59 =	vadd.s32 v3, v39;
	[tilespmem:s19+$0x2B0] =	vst v6;
	v2 =	vadd.f32 v48, v60;
	v6 =	vld.idx.msk [tilespmem:v62+s3+$0x0], $0xffff  }
0x7e0: {  	[tilespmem:s18+$0x300] =	vst v0;
	v44 =	vadd.s32 v5, v44;
	v0 =	vld.idx.msk [tilespmem:v63+s3+$0x0], $0xffff;
	v41 =	vadd.f32 v56, v61  }
0x7e1: {  	v45 =	vld.idx.msk [tilespmem:v40+s3+$0x0], $0xffff;
	v40 =	vperm.xlane v26, v7;
	[tilespmem:s20+$0x2A0] =	vst v2;
	v2 =	vmul.f32 v47, v22  }
0x7e2: {  	v53 =	vadd.s32 v3, v52;
	v63 =	vmul.f32 v42, v22;
	v51 =	vld.idx.msk [tilespmem:v55+s3+$0x0], $0xffff;
	[tilespmem:s4+$0x2A0] =	vst v41  }
0x7e3: {  	v62 =	vmul.f32 v40, v20;
	v55 =	vperm.xlane v29, v7;
	v2 =	vadd.f32 v54, v2;
	v50 =	vld.idx.msk [tilespmem:v50+s3+$0x0], $0xffff  }
0x7e4: {  	v46 =	vld.idx.msk [tilespmem:v59+s3+$0x0], $0xffff;
	v60 =	vmul.f32 v37, v21;
	v56 =	vperm.xlane v31, v7;
	v6 =	vadd.f32 v6, v63  }
0x7e5: {  	v61 =	vmul.f32 v57, v23;
	v0 =	vadd.f32 v62, v0;
	v62 =	vadd.s32 v1, v55;
	[tilespmem:s6+$0x2A0] =	vst v2  }
0x7e6: {  	v2 =	vmul.f32 v43, v23;
	v63 =	vadd.s32 v1, v56;
	v44 =	vld.idx.msk [tilespmem:v44+s3+$0x0], $0xffff;
	[tilespmem:s8+$0x2A0] =	vst v6  }
0x7e7: {  	[tilespmem:s19+$0x300] =	vst v0;
	v0 =	vadd.f32 v51, v61;
	v6 =	vperm.xlane v33, v7;
	v57 =	vld.idx.msk [tilespmem:v49+s3+$0x0], $0xffff  }
0x7e8: {  	v59 =	vmul.f32 v40, v21;
	v58 =	vld.idx.msk [tilespmem:v53+s3+$0x0], $0xffff;
	v2 =	vadd.f32 v50, v2;
	v50 =	vperm.xlane v38, v7  }
0x7e9: {  	v46 =	vadd.f32 v46, v60;
	[tilespmem:s20+$0x2B0] =	vst v0;
	v0 =	vmul.f32 v47, v23;
	v47 =	vadd.s32 v1, v6  }
0x7ea: {  	v48 =	vld.idx.msk [tilespmem:v62+s3+$0x0], $0xffff;
	[tilespmem:s4+$0x2B0] =	vst v2;
	v2 =	vmul.f32 v42, v23;
	v42 =	vadd.s32 v1, v50  }
0x7eb: {  	v54 =	vperm.xlane v28, v7;
	v49 =	vadd.s32 v4, v39;
	v0 =	vadd.f32 v44, v0;
	v43 =	vld.idx.msk [tilespmem:v63+s3+$0x0], $0xffff  }
0x7ec: {  	v60 =	vmul.f32 v34, v22;
	[tilespmem:s18+$0x310] =	vst v46;
	v46 =	vperm.xlane v30, v7;
	v2 =	vadd.f32 v57, v2  }
0x7ed: {  	v62 =	vmul.f32 v54, v20;
	v63 =	vadd.s32 v3, v55;
	v61 =	vadd.f32 v58, v59;
	[tilespmem:s6+$0x2B0] =	vst v0  }
0x7ee: {  	v0 =	vmul.f32 v46, v20;
	v57 =	vadd.s32 v3, v56;
	v47 =	vld.idx.msk [tilespmem:v47+s3+$0x0], $0xffff;
	[tilespmem:s8+$0x2B0] =	vst v2  }
0x7ef: {  	v51 =	vperm.xlane v32, v7;
	v2 =	vadd.s32 v4, v52;
	v48 =	vadd.f32 v62, v48;
	v42 =	vld.idx.msk [tilespmem:v42+s3+$0x0], $0xffff  }
0x7f0: {  	v41 =	vperm.xlane v35, v7;
	v49 =	vld.idx.msk [tilespmem:v49+s3+$0x0], $0xffff;
	[tilespmem:s19+$0x310] =	vst v61;
	v0 =	vadd.f32 v0, v43  }
0x7f1: {  	v60 =	vadd.f32 v45, v60;
	v61 =	vmul.f32 v51, v20;
	v62 =	vadd.s32 v3, v6;
	[tilespmem:s20+$0x300] =	vst v48  }
0x7f2: {  	v53 =	vadd.s32 v3, v50;
	v48 =	vld.idx.msk [tilespmem:v63+s3+$0x0], $0xffff;
	[tilespmem:s4+$0x300] =	vst v0;
	v0 =	vmul.f32 v41, v20  }
0x7f3: {  	v39 =	vadd.s32 v5, v39;
	v63 =	vmul.f32 v37, v22;
	v44 =	vadd.f32 v61, v47;
	v57 =	vld.idx.msk [tilespmem:v57+s3+$0x0], $0xffff  }
0x7f4: {  	[tilespmem:s1+$0x3A0] =	vst v60;
	v2 =	vld.idx.msk [tilespmem:v2+s3+$0x0], $0xffff;
	v0 =	vadd.f32 v0, v42  }
0x7f5: {  	v60 =	vmul.f32 v54, v21;
	v47 =	vadd.s32 v4, v55;
	v59 =	vadd.f32 v49, v63;
	[tilespmem:s6+$0x300] =	vst v44  }
0x7f6: {  	v61 =	vmul.f32 v46, v21;
	v45 =	vld.idx.msk [tilespmem:v62+s3+$0x0], $0xffff;
	[tilespmem:s8+$0x300] =	vst v0;
	v0 =	vadd.s32 v4, v56  }
0x7f7: {  	v7 =	vimm.s32 $0xF;
	v63 =	vmul.f32 v40, v22;
	[tilespmem:s18+$0x320] =	vst v59;
	v62 =	vadd.f32 v48, v60;
	v48 =	vld.idx.msk [tilespmem:v53+s3+$0x0], $0xffff  }
0x7f8: {  	v25 =	vperm.xlane v25, v7;
	v58 =	vadd.s32 v5, v52;
	v39 =	vld.idx.msk [tilespmem:v39+s3+$0x0], $0xffff;
	v44 =	vadd.f32 v57, v61  }
0x7f9: {  	v59 =	vmul.f32 v51, v21;
	v60 =	vadd.s32 v4, v6;
	v2 =	vadd.f32 v2, v63;
	[tilespmem:s20+$0x310] =	vst v62  }
0x7fa: {  	v61 =	vmul.f32 v41, v21;
	v62 =	vadd.s32 v4, v50;
	v47 =	vld.idx.msk [tilespmem:v47+s3+$0x0], $0xffff;
	[tilespmem:s4+$0x310] =	vst v44  }
0x7fb: {  	v37 =	vmul.f32 v37, v23;
	v42 =	vadd.f32 v45, v59;
	v0 =	vld.idx.msk [tilespmem:v0+s3+$0x0], $0xffff  }
0x7fc: {  	v63 =	vadd.s32 v1, v25;
	[tilespmem:s19+$0x320] =	vst v2;
	v2 =	vadd.f32 v48, v61  }
0x7fd: {  	v57 =	vmul.f32 v54, v22;
	v37 =	vadd.f32 v39, v37;
	v53 =	vld.idx.msk [tilespmem:v58+s3+$0x0], $0xffff;
	[tilespmem:s6+$0x310] =	vst v42  }
0x7fe: {  	v58 =	vadd.s32 v5, v55;
	v43 =	vld.idx.msk [tilespmem:v60+s3+$0x0], $0xffff;
	[tilespmem:s8+$0x310] =	vst v2;
	v2 =	vmul.f32 v46, v22  }
0x7ff: {  	v24 =	vperm.xlane v24, v7;
	v60 =	vadd.s32 v5, v56;
	v59 =	vadd.f32 v47, v57;
	v61 =	vld.idx.msk [tilespmem:v62+s3+$0x0], $0xffff  }
0x800: {  	v27 =	vperm.xlane v27, v7;
	v29 =	vperm.xlane v29, v7;
	[tilespmem:s18+$0x330] =	vst v37;
	v0 =	vadd.f32 v0, v2  }
0x801: {  	v31 =	vperm.xlane v31, v7;
	v6 =	vadd.s32 v5, v6;
	v62 =	vmul.f32 v51, v22;
	[tilespmem:s20+$0x320] =	vst v59  }
0x802: {  	v2 =	vld.idx.msk [tilespmem:v63+s3+$0x0], $0xffff;
	v63 =	vadd.s32 v5, v50;
	[tilespmem:s4+$0x320] =	vst v0;
	v0 =	vmul.f32 v41, v22  }
0x803: {  	v33 =	vperm.xlane v33, v7;
	v26 =	vperm.xlane v26, v7;
	v44 =	vld.idx.msk [tilespmem:v58+s3+$0x0], $0xffff;
	v37 =	vadd.f32 v43, v62  }
0x804: {  	v40 =	vmul.f32 v40, v23;
	v49 =	vadd.s32 v1, v27;
	v50 =	vld.idx.msk [tilespmem:v60+s3+$0x0], $0xffff;
	v0 =	vadd.f32 v61, v0  }
0x805: {  	v52 =	vmul.f32 v54, v23;
	v48 =	vmul.f32 v24, v20;
	[tilespmem:s6+$0x320] =	vst v37  }
0x806: {  	v39 =	vadd.f32 v53, v40;
	v53 =	vadd.s32 v1, v29;
	v6 =	vld.idx.msk [tilespmem:v6+s3+$0x0], $0xffff;
	[tilespmem:s8+$0x320] =	vst v0  }
0x807: {  	v38 =	vperm.xlane v38, v7;
	v2 =	vadd.f32 v48, v2;
	v0 =	vmul.f32 v46, v23;
	v40 =	vld.idx.msk [tilespmem:v63+s3+$0x0], $0xffff  }
0x808: {  	v54 =	vadd.s32 v1, v31;
	v55 =	vadd.s32 v1, v33;
	[tilespmem:s19+$0x330] =	vst v39;
	v37 =	vadd.f32 v44, v52  }
0x809: {  	v43 =	vld.idx.msk [tilespmem:v49+s3+$0x0], $0xffff;
	[tilespmem:s18+$0x380] =	vst v2;
	v2 =	vmul.f32 v51, v23;
	v0 =	vadd.f32 v50, v0  }
0x80a: {  	v30 =	vperm.xlane v30, v7;
	v57 =	vmul.f32 v41, v23;
	v58 =	vadd.s32 v1, v38;
	[tilespmem:s20+$0x330] =	vst v37  }
0x80b: {  	v59 =	vmul.f32 v26, v20;
	v42 =	vld.idx.msk [tilespmem:v53+s3+$0x0], $0xffff;
	[tilespmem:s4+$0x330] =	vst v0;
	v0 =	vadd.f32 v6, v2  }
0x80c: {  	v2 =	vadd.s32 v3, v27;
	v6 =	vperm.xlane v28, v7;
	v37 =	vadd.f32 v40, v57  }
0x80d: {  	v56 =	vadd.s32 v3, v25;
	v62 =	vadd.s32 v3, v29;
	v60 =	vld.idx.msk [tilespmem:v54+s3+$0x0], $0xffff;
	[tilespmem:s6+$0x330] =	vst v0  }
0x80e: {  	v61 =	vadd.f32 v59, v43;
	v0 =	vmul.f32 v6, v20;
	v39 =	vld.idx.msk [tilespmem:v55+s3+$0x0], $0xffff;
	[tilespmem:s8+$0x330] =	vst v37  }
0x80f: {  	v32 =	vperm.xlane v32, v7;
	v35 =	vperm.xlane v35, v7;
	v41 =	vld.idx.msk [tilespmem:v58+s3+$0x0], $0xffff  }
0x810: {  	v48 =	vadd.s32 v3, v31;
	v63 =	vmul.f32 v30, v20;
	[tilespmem:s19+$0x380] =	vst v61;
	v0 =	vadd.f32 v0, v42  }
0x811: {  	v49 =	vmul.f32 v32, v20;
	v52 =	vadd.s32 v3, v38;
	v50 =	vadd.s32 v3, v33;
	v2 =	vld.idx.msk [tilespmem:v2+s3+$0x0], $0xffff  }
0x812: {  	v44 =	vld.idx.msk [tilespmem:v56+s3+$0x0], $0xffff;
	v28 =	vadd.f32 v63, v60;
	[tilespmem:s20+$0x380] =	vst v0;
	v0 =	vmul.f32 v35, v20  }
0x813: {  	v43 =	vld.idx.msk [tilespmem:v62+s3+$0x0], $0xffff;
	v37 =	vadd.f32 v49, v39  }
0x814: {  	v51 =	vmul.f32 v24, v21;
	v54 =	vmul.f32 v26, v21;
	[tilespmem:s4+$0x380] =	vst v28;
	v0 =	vadd.f32 v0, v41  }
0x815: {  	v53 =	vadd.s32 v4, v25;
	v56 =	vmul.f32 v6, v21;
	v45 =	vld.idx.msk [tilespmem:v48+s3+$0x0], $0xffff;
	[tilespmem:s6+$0x380] =	vst v37  }
0x816: {  	v55 =	vadd.s32 v4, v27;
	v2 =	vadd.f32 v2, v54;
	v57 =	vld.idx.msk [tilespmem:v50+s3+$0x0], $0xffff;
	[tilespmem:s8+$0x380] =	vst v0  }
0x817: {  	v42 =	vadd.f32 v44, v51;
	v0 =	vadd.s32 v4, v29;
	v59 =	vld.idx.msk [tilespmem:v52+s3+$0x0], $0xffff  }
0x818: {  	v58 =	vmul.f32 v30, v21;
	v60 =	vadd.s32 v4, v31;
	[tilespmem:s19+$0x390] =	vst v2;
	v2 =	vadd.f32 v43, v56  }
0x819: {  	v61 =	vmul.f32 v32, v21;
	[tilespmem:s18+$0x390] =	vst v42;
	v63 =	vadd.s32 v4, v38;
	v62 =	vadd.s32 v4, v33  }
0x81a: {  	v28 =	vld.idx.msk [tilespmem:v53+s3+$0x0], $0xffff;
	v40 =	vadd.f32 v45, v58;
	[tilespmem:s20+$0x390] =	vst v2;
	v2 =	vmul.f32 v35, v21  }
0x81b: {  	v47 =	vmul.f32 v24, v22;
	v25 =	vadd.s32 v5, v25;
	v41 =	vld.idx.msk [tilespmem:v55+s3+$0x0], $0xffff;
	v39 =	vadd.f32 v57, v61  }
0x81c: {  	v48 =	vadd.s32 v5, v36;
	[tilespmem:s4+$0x390] =	vst v40;
	v0 =	vld.idx.msk [tilespmem:v0+s3+$0x0], $0xffff;
	v2 =	vadd.f32 v59, v2  }
0x81d: {  	v31 =	vadd.s32 v5, v31;
	v38 =	vadd.s32 v5, v38;
	v37 =	vld.idx.msk [tilespmem:v60+s3+$0x0], $0xffff;
	[tilespmem:s6+$0x390] =	vst v39  }
0x81e: {  	v49 =	vmul.f32 v26, v22;
	v51 =	vld.idx.msk [tilespmem:v62+s3+$0x0], $0xffff;
	[tilespmem:s8+$0x390] =	vst v2;
	v2 =	vadd.s32 v5, v27  }
0x81f: {  	v29 =	vadd.s32 v5, v29;
	v28 =	vadd.f32 v28, v47;
	v52 =	vmul.f32 v6, v22;
	v53 =	vld.idx.msk [tilespmem:v63+s3+$0x0], $0xffff  }
0x820: {  	v33 =	vadd.s32 v5, v33;
	v54 =	vmul.f32 v30, v22;
	v50 =	vadd.f32 v41, v49  }
0x821: {  	v55 =	vmul.f32 v32, v22;
	v36 =	vld.idx.msk [tilespmem:v48+s3+$0x0], $0xffff;
	[tilespmem:s18+$0x3A0] =	vst v28;
	v0 =	vadd.f32 v0, v52  }
0x822: {  	v56 =	vmul.f32 v35, v22;
	v25 =	vld.idx.msk [tilespmem:v25+s3+$0x0], $0xffff;
	[tilespmem:s19+$0x3A0] =	vst v50;
	v37 =	vadd.f32 v37, v54  }
0x823: {  	[tilespmem:s20+$0x3A0] =	vst v0;
	v0 =	vadd.f32 v51, v55;
	v2 =	vld.idx.msk [tilespmem:v2+s3+$0x0], $0xffff  }
0x824: {  	v58 =	vmul.f32 v34, v23;
	[tilespmem:s4+$0x3A0] =	vst v37;
	v29 =	vld.idx.msk [tilespmem:v29+s3+$0x0], $0xffff;
	v57 =	vadd.f32 v53, v56  }
0x825: {  	v59 =	vld.idx.msk [tilespmem:v31+s3+$0x0], $0xffff;
	[tilespmem:s6+$0x3A0] =	vst v0;
	v0 =	vmul.f32 v24, v23  }
0x826: {  	v26 =	vmul.f32 v26, v23;
	v28 =	vadd.f32 v36, v58;
	v60 =	vld.idx.msk [tilespmem:v33+s3+$0x0], $0xffff;
	[tilespmem:s8+$0x3A0] =	vst v57  }
0x827: {  	v6 =	vmul.f32 v6, v23;
	v0 =	vadd.f32 v25, v0;
	v61 =	vld.idx.msk [tilespmem:v38+s3+$0x0], $0xffff  }
0x828: {  	v62 =	vmul.f32 v30, v23;
	[tilespmem:s1+$0x3B0] =	vst v28;
	v2 =	vadd.f32 v2, v26  }
0x829: {  	[tilespmem:s18+$0x3B0] =	vst v0;
	v0 =	vadd.f32 v29, v6;
	v6 =	vmul.f32 v32, v23  }
0x82a: {  	v19 =	vimm.s32 $0xF;
	v63 =	vmul.f32 v35, v23;
	[tilespmem:s19+$0x3B0] =	vst v2;
	v2 =	vadd.f32 v59, v62  }
.Ltmp4:
0x82b: {  	v9 =	vimm.s32 $0x4;
	v10 =	vimm.s32 $0x5;
	[tilespmem:s20+$0x3B0] =	vst v0;
	v0 =	vadd.f32 v60, v6;
	(pc) =	sbr.rel @p1 .LBB2_8-.Ltmp4, $4  }
0x82c: {  	v11 =	vimm.s32 $0x7;
	v12 =	vimm.s32 $0x8;
	s20 =	sadd.s32 s0, s14;
	[tilespmem:s4+$0x3B0] =	vst v2;
	v2 =	vadd.f32 v61, v63  }
0x82d: {  	v13 =	vimm.s32 $0x9;
	v14 =	vimm.s32 $0xA;
	v15 =	vimm.s32 $0xB;
	s1 =	sshll.u32 s20, $0x4;
	[tilespmem:s6+$0x3B0] =	vst v0  }
0x82e: {  	v16 =	vimm.s32 $0xC;
	v17 =	vimm.s32 $0xD;
	v18 =	vimm.s32 $0xE;
	s1 =	sadd.s32 s7, s1;
	[tilespmem:s8+$0x3B0] =	vst v2  }
0x82f: {  	v8 =	vimm.s32 $0x3;
	v7 =	vimm.s32 $0x2;
	v6 =	vimm.s32 $0x1;
	[hbm4b:s1+s3] =	stream.linear.scatter [tilespmem:s26], [sflag:$0x4], $0x8000, $0x38;
	[tilespmem:$0x13700] =	vst v63  }
0x830: {  	s0 =	sadd.s32 s0, s15  }
.Ltmp5:
0x831: {  	s0 =	sshrl.u32 s0, $0x3;
	(pc) =	sbr.rel .LBB2_2-.Ltmp5, $4  }
0x832: {  	s1 =	sadd.s32 s2, s0  }
0x833: {  	[tilespmem:s21], [sflag:$0x2] =	stream.linear.gather [hbm4b:s1+s3], $0x100, $0x38;
	[tilespmem:$0x13700] =	vst v63  }
0x834: {  	s31 =	sadd.s32 $0x1, s31;
	s0 =	sadd.s32 s5, s0  }
0x835: {  	v0 =	vimm.s32 $0x6;
	v2 =	vimm.s32 $0x0;
	[tilespmem:s22], [sflag:$0x2] =	stream.linear.gather [hbm4b:s0+s3], $0x100, $0x38;
	[tilespmem:$0x13700] =	vst v63  }
.LBB2_9:
0x836: {  	_ =	sfence.sel $0x180000  }
0x837: {  	[bflag:$0x0] =	sbarrier.arrive $0xFFFF  }
0x838: {  	_ =	strace $0x90000047  }
0x839: {  	s0 =	stileid.u32;
	[bflag:$0x2] =	sbarrier.arrive $0xFFFF  }
0x83a: {  	p0 =	sne.s32 s0, $0x0;
	s0 =	rddreg [dreg:$0x2]  }
0x83b: {  	s0 =	sadd.s32 @!p0 $0x100000, s0  }
0x83c: {  	[sflag:s0] =	ssyncadd.tile.s32 @!p0 $0x1;
	_ =	shalt  }
.Lfunc_end2:
_tile_overlayer_lowered:
.L_overlay_start_2:
0x83d: {  	(tag) =	ssettag $0x2  }
0x83e: {  	s0 =	rddreg [dreg:$0x0];
	s2 =	stileid.u32  }
0x83f: {  	s1 =	rddreg [dreg:$0x1];
	p0 =	sne.s32 s2, $0x0  }
0x840: {  	s3 =	rddreg [dreg:$0x2];
	[bflag:$0x3] =	sbarrier.arrive $0xFFFF;
	s2 =	simm.s32 @!p0 $0x1C05  }
0x841: {  	[timem:s3], [sflag:s2] =	dma.local @!p0 [hbm:s0], s1  }
0x842: {  	s0 =	simm.s32 @!p0 $0x5  }
0x843: {  	_ =	swait.ge @!p0 [sflag:s0], s1  }
0x844: {  	s1 =	ssub.s32 @!p0 $0x0, s1;
	[sflag:s0] =	ssyncset.done @!p0 $0x0  }
0x845: {  	[sflag:s0] =	ssyncadd.s32 @!p0 s1  }
0x846: {  	[bflag:$0x3] =	sbarrier.arrive $0xFFFF  }
0x847: {  	_ =	shalt  }

// kernel: sparse-core-data-format-call.cloned.1.call-start
scs
called_computation_lowered:
.L_overlay_start_0:
0x0: {  	s2 =	sld [smem:$0x3FD9]  }
0x1: {  	s3 =	sld [smem:$0x3FFE];
	_ =	sdelay $0x1  }
0x2: {  	s1 =	srdreg.scid  }
0x3: {  	s0 =	sand.u32 $0x1, s1  }
0x4: {  	s18 =	sshll.u32 s0, $0xA;
	s2 =	sadd.s32 s3, s2  }
0x5: {  	s2 =	sadd.s32 s2, s18  }
0x6: {  	[smem:$0x3FC1] =	sst s2  }
0x7: {  	_ = 	snop  }
0x8: {  	s2 =	sld [smem:$0x3FD0];
	(tm) =	ssettm $0x1  }
0x9: {  	s19 =	sld [smem:$0x3FFB];
	_ =	sdelay $0x3  }
0xa: {  	_ =	strace s19  }
0xb: {  	s3 =	sld [smem:$0x3FFC];
	_ =	sdelay $0x3  }
0xc: {  	_ =	strace s3  }
0xd: {  	s3 =	sld [smem:$0x3FFD];
	_ =	sdelay $0x3  }
0xe: {  	_ =	strace s3  }
0xf: {  	_ =	strace $0x8FFFFFFF  }
0x10: {  	s20 =	sld [smem:$0x3FDB];
	_ =	sdelay $0x1  }
0x11: {  	s4 =	simm.s32 $_scs_section_size  }
0x12: {  	s5 =	simm.s32 $_size__tile_overlayer_lowered;
	s6 =	simm.s32 $_tile_overlayer_lowered  }
0x13: {  	s23 =	simm.s32 $0x1BFF;
	s22 =	sshll.u32 s6, $0x1;
	s3 =	sadd.s32 s4, s20  }
0x14: {  	s7 =	simm.s32 $0x0;
	s21 =	sshll.u32 s5, $0x1;
	s5 =	sadd.s32 s22, s3  }
0x15: {  	[timem:s7], [sflag:s23] =	dma.local [hbm:s5], s21  }
0x16: {  	_ =	swait.ge [sflag:s23], s21  }
0x17: {  	s4 =	ssub.s32 $0x0, s21;
	[sflag:s23] =	ssyncset.done $0x0  }
0x18: {  	[sflag:s23] =	ssyncadd.s32 s4;
	_ =	sdelay $0x1  }
0x19: {  	s24 =	simm.s32 $0x1B8B  }
0x1a: {  	_ =	swait.ge [sflag:s24], $0x1  }
0x1b: {  	[sflag:s24] =	ssyncset.done $0x0  }
0x1c: {  	s26 =	simm.s32 $0x1B8E;
	s25 =	sld [smem:$0x3FFE];
	[sflag:s24] =	ssyncadd.s32 $0xFFFFFFFF  }
0x1d: {  	s27 =	simm.s32 $execute0_lowered;
	[smem:$0x3FD2] =	sst s26  }
0x1e: {  	s5 =	sshll.u32 s27, $0x1;
	_ =	strace $0x80000049;
	[dreg:$0x1] =	wrdreg $0xFFFFFFFF  }
0x1f: {  	s28 =	simm.s32 $_size_execute0_lowered;
	s3 =	sadd.s32 s3, s5;
	[dreg:$0x0] =	wrdreg $0x0  }
0x20: {  	s5 =	sshll.u32 s28, $0x1;
	[dreg:$0x2] =	wrdreg s3  }
0x21: {  	[dreg:$0x3] =	wrdreg s5  }
0x22: {  	[dreg:$0x4] =	wrdreg $0xC0  }
0x23: {  	_ =	task [dreg:s7], $0x5FFFF  }
0x24: {  	[dreg:$0x1] =	wrdreg $0xFFFFFFFF  }
0x25: {  	[dreg:$0x0] =	wrdreg $0x60  }
0x26: {  	[dreg:$0x2] =	wrdreg s25  }
0x27: {  	[dreg:$0x3] =	wrdreg s2  }
0x28: {  	[dreg:$0x4] =	wrdreg $0x9  }
0x29: {  	_ =	task.clear_ibuf [dreg:s7], $0x5FFFF;
	_ =	strace $0x90000049  }
0x2a: {  	s29 =	simm.s32 $0x9;
	_ =	strace $0x8000004B  }
0x2b: {  	_ =	swait.ge [sflag:s29], $0x1  }
0x2c: {  	[sflag:s29] =	ssyncadd.s32 $0xFFFFFFFF  }
0x2d: {  	_ =	strace $0x9000004B  }
0x2e: {  	_ =	sfence  }
0x2f: {  	s30 =	sld [smem:$0x0];
	_ =	sdelay $0x2  }
0x30: {  	s31 =	sshll.u32 s1, $0xD;
	s1 =	sshrl.u32 s1, $0x2  }
0x31: {  	s3 =	sand.u32 $0x4000, s31;
	s1 =	sadd.s32 s1, s30  }
0x32: {  	s0 =	sor.u32 s3, s0;
	s1 =	sshll.u32 s1, $0x11  }
0x33: {  	s0 =	sor.u32 s1, s0  }
0x34: {  	s0 =	sadd.s32 $0x8F2B, s0  }
0x35: {  	[sflag:s0] =	ssyncadd.remote.s32 $0x1  }
0x36: {  	_ =	sfence.sel $0xFFFF  }
0x37: {  	[dreg:$0x0] =	wrdreg $0xFFFFFFFF;
	(pc) =	sbr.abs _section_cstart, $3  }
0x38: {  	[dreg:$0x1] =	wrdreg $0xFFFFFFFF  }
0x39: {  	_ =	task.clear_ibuf [dreg:s7], $0x2FFFF;
	_ =	strace $0x9FFFFFFF  }
0x3a: {  	(tm) =	ssettm $0x7FFFFFFF  }
0x3b: {  	_ =	shalt  }
tec
execute0_lowered:
.L_overlay_start_1:
0x0: {  	(tag) =	ssettag $0x1  }
0x1: {  	s0 =	srdreg.scid  }
0x2: {  	s1 =	sshll.u32 s0, $0x4  }
0x3: {  	s0 =	stileid.u32;
	s1 =	sand.u32 $0x10, s1  }
0x4: {  	s1 =	sor.u32 s0, s1  }
0x5: {  	s6 =	rddreg [dreg:$0x0];
	s4 =	simm.s32 $0x1;
	s2 =	sshll.u32 s1, $0x7  }
0x6: {  	s7 =	simm.s32 $0x2;
	s12 =	simm.s32 $0x0;
	s1 =	ssub.s32 $0x1000, s2  }
0x7: {  	s8 =	simm.s32 $0x8000;
	s13 =	simm.s32 $0x0;
	s3 =	sand.u32 $0xF80, s1  }
0x8: {  	s9 =	simm.s32 $0x0;
	s5 =	sshrl.u32 s1, $0xC;
	p0 =	sne.s32 s3, $0x0  }
.Ltmp0:
0x9: {  	s1 =	rddreg [dreg:$0x2];
	s4 =	simm.s32 @!p0 $0x0;
	(pc) =	sbr.rel .LBB1_1-.Ltmp0, $4  }
0xa: {  	s11 =	simm.s32 $0x0;
	s3 =	rddreg [dreg:$0x1];
	s5 =	sadd.s32 s4, s5  }
0xb: {  	_ =	strace $0x8000004A;
	s4 =	simm.s32 $0x1;
	s5 =	smul.u32 $0xC8, s5  }
0xc: {  	s6 =	sadd.s32 $0x1AE00, s6;
	s10 =	smov.u32 s2;
	[sflag:s4] =	ssyncpa.u1 $0x0  }
0xd: {  	p0 =	por $0x0, $0x0;
	[sflag:s7] =	ssyncpa.u1 $0x0;
	s7 =	sor.u32 $0x1, s5  }
.LBB1_4:
0xe: {  	s16 =	sshll.u32 s13, $0x3;
	s17 =	sand.u32 $0x78, s13  }
0xf: {  	s30 =	sand.u32 $0x7E00, s13;
	s12 =	sshll.u32 s12, $0xF;
	s16 =	sand.u32 $0xC00, s16  }
0x10: {  	[tilespmem:s15+$0x810 ss:$0x81] =	vst.msk $0xffff, v2;
	s31 =	sand.u32 $0x7, s13;
	s16 =	sor.u32 s17, s16;
	s17 =	sadd.s32 s3, s30  }
0x11: {  	[tilespmem:s15+$0x1020 ss:$0x81] =	vst.msk $0xffff, v0;
	s13 =	sshll.u32 s31, $0x12;
	s12 =	sadd.s32 s12, s17;
	s16 =	sshrl.u32 s16, $0x3  }
0x12: {  	[tilespmem:s15+$0x0 ss:$0x81] =	vst.msk $0xffff, v1;
	s13 =	sor.u32 $0x400, s13;
	s12 =	sadd.s32 s16, s12  }
0x13: {  	[hbm4b:s12+s13] =	stream.strided.scatter [tilespmem:s14], [sflag:$0x2], $0x2000, s8, s13, $0x20;
	[tilespmem:$0x8080] =	vst v63  }
.LBB1_5:
0x14: {  	s14 =	sadd.s32 $0x1, s9  }
0x15: {  	s12 =	sadd.s32 $0x1000, s10;
	s16 =	smov.u32 s10;
	p2 =	sgt.s32 s14, $0xC7  }
0x16: {  	s16 =	smov.u32 @p2 s12  }
0x17: {  	s14 =	simm.s32 @p2 $0x0;
	p2 =	sgt.s32 s16, $0xFFF  }
0x18: {  	s16 =	smov.u32 @p2 s2;
	p2 =	sne.s32 s11, s7  }
.Ltmp1:
0x19: {  	p1 =	slt.u32 s11, $0x2;
	(pc) =	sbr.rel @!p2 .LBB1_6-.Ltmp1, $4  }
0x1a: {  	s15 =	simm.s32 @!p1 $0x2  }
0x1b: {  	s13 =	smov.u32 s10;
	p0 =	por !p0, !p0;
	_ =	swait.ge @!p1 [sflag:s15], $0x2000  }
0x1c: {  	s12 =	smov.u32 s9;
	[sflag:s15] =	ssyncset.done @!p1 $0x0;
	s9 =	smov.u32 s14  }
0x1d: {  	s11 =	sadd.s32 $0x1, s11;
	[sflag:s15] =	ssyncadd.s32 @!p1 $0xFFFFE000;
	s10 =	smov.u32 s16  }
.LBB1_1:
0x1e: {  	p1 =	sge.u32 s11, s5  }
0x1f: {  	s14 =	sand.u32 @!p1 $0x1FFFFFF, s9  }
0x20: {  	s15 =	smulhi.u32 @!p1 $0x147AE15, s14;
	_ =	sdelay $0x1  }
0x21: {  	s15 =	smul.u32 @!p1 $0xC8, s15  }
0x22: {  	s16 =	sxor.u32 @!p1 $0xFFFFFFFF, s11;
	s17 =	smul.u32 @!p1 $0xC80, s10  }
0x23: {  	s31 =	sadd.s32 $0xFFFFFFFF, s11;
	s16 =	sshll.u32 @!p1 s16, $0xD;
	s14 =	ssub.s32 @!p1 s14, s15  }
0x24: {  	s15 =	sand.u32 @!p1 $0x2000, s16;
	s16 =	sadd.s32 @!p1 s6, s17;
	s14 =	sshll.u32 @!p1 s14, $0x4  }
0x25: {  	s17 =	simm.s32 @!p1 $0x6400;
	s14 =	sadd.s32 @!p1 s14, s16;
	s16 =	simm.s32 @!p1 $0x40  }
0x26: {  	[tilespmem:s15], [sflag:$0x1] =	stream.strided.gather @!p1 [hbm4b:s14+s16], $0x2000, s17, s16, $0x38;
	[tilespmem:$0x8080] =	vst v63  }
0x27: {  	p1 =	sge.u32 s31, s5  }
.Ltmp2:
0x28: {  	_ = 	snop;
	(pc) =	sbr.rel @p1 .LBB1_5-.Ltmp2, $1  }
0x29: {  	_ =	sdelay $0x3  }
0x2a: {  	s14 =	simm.s32 $0x1  }
0x2b: {  	_ =	swait.ge [sflag:s4], $0x2000;
	s14 =	simm.s32 @!p0 $0x0  }
0x2c: {  	[sflag:s4] =	ssyncset.done $0x0;
	s15 =	sshll.u32 s14, $0xD  }
0x2d: {  	[sflag:s4] =	ssyncadd.s32 $0xFFFFE000;
	s18 =	sor.u32 $0x20, s15  }
0x2e: {  	s14 =	smul.u32 $0x8100, s14;
	v3 =	vld [tilespmem:s18+$0x10]  }
0x2f: {  	s30 =	sand.u32 $0x1, s11;
	v2 =	vld [tilespmem:s18+$0xFFFFFFF0]  }
0x30: {  	s15 =	smul.u32 $0x8100, s30;
	s14 =	sshrl.u32 s14, $0x2;
	v0 =	vld [tilespmem:s18+$0x0]  }
0x31: {  	v1 =	vld [tilespmem:s18+$0xFFFFFFE0];
	s16 =	sor.u32 $0x4000, s14  }
0x32: {  	s31 =	sshrl.u32 s15, $0x2;
	s15 =	sadd.s32 $0x0, s16  }
0x33: {  	s17 =	simm.s32 $0x4;
	s18 =	sadd.s32 $0x40, s18;
	s14 =	sor.u32 $0x4000, s31;
	[tilespmem:s15+$0x1830 ss:$0x81] =	vst.msk $0xffff, v3  }
.LBB1_3:
0x34: {  	v3 =	vld [tilespmem:s18+$0x10];
	p1 =	sne.s32 s17, $0x1FC;
	[tilespmem:s15+$0x810 ss:$0x81] =	vst.msk $0xffff, v2;
	s19 =	smov.u32 s17;
	s17 =	sadd.s32 $0x4, s17  }
.Ltmp3:
0x35: {  	v2 =	vld [tilespmem:s18+$0xFFFFFFF0];
	[tilespmem:s15+$0x1020 ss:$0x81] =	vst.msk $0xffff, v0;
	(pc) =	sbr.rel @p1 .LBB1_3-.Ltmp3, $4  }
0x36: {  	v0 =	vld [tilespmem:s18+$0x0];
	[tilespmem:s15+$0x0 ss:$0x81] =	vst.msk $0xffff, v1  }
0x37: {  	s15 =	sshra.s32 s19, $0x2;
	v1 =	vld [tilespmem:s18+$0xFFFFFFE0]  }
0x38: {  	s15 =	sadd.s32 s15, s16  }
0x39: {  	s18 =	sadd.s32 $0x40, s18;
	[tilespmem:s15+$0x1830 ss:$0x81] =	vst.msk $0xffff, v3  }
.Ltmp4:
0x3a: {  	_ = 	snop;
	(pc) =	sbr.rel .LBB1_4-.Ltmp4, $1  }
0x3b: {  	_ =	sdelay $0x3  }
.LBB1_6:
0x3c: {  	_ =	sfence.sel $0x180000  }
0x3d: {  	s2 =	simm.s32 $0x1;
	[bflag:$0x0] =	sbarrier.arrive $0xFFFF  }
0x3e: {  	s31 =	simm.s32 $0x2;
	[sflag:s2] =	ssyncpa.u1 $0x1  }
0x3f: {  	[sflag:s31] =	ssyncpa.u1 $0x1  }
0x40: {  	p0 =	sne.s32 s0, $0x0;
	_ =	strace $0x9000004A  }
0x41: {  	s0 =	sadd.s32 @!p0 $0x100000, s1;
	[bflag:$0x2] =	sbarrier.arrive $0xFFFF  }
0x42: {  	[sflag:s0] =	ssyncadd.tile.s32 @!p0 $0x1;
	_ =	shalt  }
.Lfunc_end1:
_tile_overlayer_lowered:
.L_overlay_start_2:
0x43: {  	(tag) =	ssettag $0x2  }
0x44: {  	s0 =	rddreg [dreg:$0x0];
	s2 =	stileid.u32  }
0x45: {  	s1 =	rddreg [dreg:$0x1];
	p0 =	sne.s32 s2, $0x0  }
0x46: {  	s3 =	rddreg [dreg:$0x2];
	[bflag:$0x3] =	sbarrier.arrive $0xFFFF;
	s2 =	simm.s32 @!p0 $0x1C01  }
0x47: {  	[timem:s3], [sflag:s2] =	dma.local @!p0 [hbm:s0], s1  }
0x48: {  	s0 =	simm.s32 @!p0 $0x1  }
0x49: {  	_ =	swait.ge @!p0 [sflag:s0], s1  }
0x4a: {  	s1 =	ssub.s32 @!p0 $0x0, s1;
	[sflag:s0] =	ssyncset.done @!p0 $0x0  }
0x4b: {  	[sflag:s0] =	ssyncadd.s32 @!p0 s1  }
0x4c: {  	[bflag:$0x3] =	sbarrier.arrive $0xFFFF  }
0x4d: {  	_ =	shalt  }

</sc_bundles>
